<compile_context>
chip_gen: v7x
topology: tpu7x:2x2x1
jax: 0.10.2.dev20260603
libtpu: 0.0.44.dev20260713+nightly
codegen_flags: <defaults>
</compile_context>

<pallas_src>
import jax
import jax.numpy as jnp
from jax import lax
from jax.experimental import pallas as pl
from jax.experimental.pallas import tpu as pltpu
from jax.experimental.pallas import tpu_sc as plsc

H, C, O = 2, 128, 10
NF, NS = 50000, 5000
E = 600000
NCORES, NSUB, L = 2, 16, 16
NW = NCORES * NSUB
CHUNK = 19200
WIN = 800
SUB = 160
NDP = NF + 48
NSP = NS + 56
ROWW = 24
RPT = NDP // NSUB
SPT = NSP // NSUB


def _proj_kernel(xf_ref, xs_ref, wd_ref, ws_ref, ald_ref, g_ref):
    i = pl.program_id(0)
    ald_ref[:, :] = jnp.dot(xf_ref[:, :], wd_ref[:, :],
                            preferred_element_type=jnp.float32)

    @pl.when(i == 0)
    def _():
        g_ref[:, :] = jnp.dot(xs_ref[:, :], ws_ref[:, :],
                              preferred_element_type=jnp.float32)


def _project(x_fact, x_statute, wd8, ws24):
    br = 5000
    return pl.pallas_call(
        _proj_kernel,
        grid=(NF // br,),
        in_specs=[
            pl.BlockSpec((br, C), lambda i: (i, 0)),
            pl.BlockSpec((NS, C), lambda i: (0, 0)),
            pl.BlockSpec((C, 8), lambda i: (0, 0)),
            pl.BlockSpec((C, ROWW), lambda i: (0, 0)),
        ],
        out_specs=[
            pl.BlockSpec((br, 8), lambda i: (i, 0)),
            pl.BlockSpec((NS, ROWW), lambda i: (0, 0)),
        ],
        out_shape=[jax.ShapeDtypeStruct((NF, 8), jnp.float32),
                   jax.ShapeDtypeStruct((NS, ROWW), jnp.float32)],
    )(x_fact, x_statute, wd8, ws24)


def _fin_kernel(p_ref, b_ref, o_ref):
    y = p_ref[0] + p_ref[1]
    z0 = jnp.maximum(y[:, 20:21], 1e-30)
    z1 = jnp.maximum(y[:, 21:22], 1e-30)
    o_ref[:, :] = y[:, 0:10] / z0 + y[:, 10:20] / z1 + b_ref[:, :]


def _finalize(parts, bias_row):
    fb = 2000
    return pl.pallas_call(
        _fin_kernel,
        grid=(NF // fb,),
        in_specs=[
            pl.BlockSpec((2, fb, ROWW), lambda i: (0, i, 0)),
            pl.BlockSpec((1, O), lambda i: (0, 0)),
        ],
        out_specs=pl.BlockSpec((fb, O), lambda i: (i, 0)),
        out_shape=jax.ShapeDtypeStruct((NF, O), jnp.float32),
    )(parts, bias_row.reshape(1, O))


def _edge_kernel(src_hbm, dst_hbm, ald_hbm, g_hbm, zeros_hbm,
                 parts_hbm, srcw, dstw, dsti0, dsti1, aldr0, aldr1,
                 gr0, gr1, wv, rows0, rows1, sa0, sa1, sg0, sg1, ss0, ss1,
                 ald_s, g_s, acc):
    c = lax.axis_index("c")
    s = lax.axis_index("s")
    wid = c * NSUB + s

    pltpu.sync_copy(g_hbm.at[pl.ds(s * SPT, SPT)],
                    g_s.at[pl.ds(s * SPT, SPT)])
    pltpu.sync_copy(ald_hbm.at[pl.ds(s * RPT, RPT)],
                    ald_s.at[pl.ds(s * RPT, RPT)])
    pltpu.sync_copy(zeros_hbm, acc.at[pl.ds(s * RPT, RPT)])
    plsc.subcore_barrier()

    iota = lax.broadcasted_iota(jnp.int32, (L,), 0)
    zero16 = iota * 0
    one16 = zero16 + 1
    ev = []
    cv = []
    wb = []
    for v in range(3):
        fl = iota + v * L
        e_ = fl // 24
        c_ = fl % 24
        ev.append(e_)
        cv.append(c_)
        wb.append(e_ * 2 + (c_ >= 10).astype(jnp.int32))

    bufs = [(aldr0, gr0, rows0, sa0, sg0, ss0, dsti0),
            (aldr1, gr1, rows1, sa1, sg1, ss1, dsti1)]

    def _start_gather(k, b):
        aldr, gr, _, sa, sg, _, _ = b
        ha = pltpu.async_copy(ald_s.at[dstw.at[pl.ds(k * SUB, SUB)]],
                              aldr, sa)
        hg = pltpu.async_copy(g_s.at[srcw.at[pl.ds(k * SUB, SUB)]], gr, sg)
        return ha, hg

    def _compute(k, b):
        aldr, gr, rows, _, _, _, dsti = b

        @pl.loop(0, SUB // L)
        def _cp(j):
            dsti[pl.ds(j * L, L)] = dstw[pl.ds(k * SUB + j * L, L)]

        @pl.loop(0, SUB // L)
        def _w(j):
            e = j * L + iota
            a0 = plsc.load_gather(gr, [e, zero16 + 20])
            d0 = plsc.load_gather(aldr, [e, zero16])
            a1 = plsc.load_gather(gr, [e, zero16 + 21])
            d1 = plsc.load_gather(aldr, [e, one16])
            x0 = a0 + d0
            x1 = a1 + d1
            w0 = jnp.exp(jnp.maximum(x0, 0.2 * x0))
            w1 = jnp.exp(jnp.maximum(x1, 0.2 * x1))
            plsc.store_scatter(wv, [e * 2], w0)
            plsc.store_scatter(wv, [e * 2 + 1], w1)

        @pl.loop(0, SUB // 2, unroll=4)
        def _q(q):
            for v in range(3):
                r_ = q * 2 + ev[v]
                gv = plsc.load_gather(gr, [r_, cv[v]])
                wl = plsc.load_gather(wv, [wb[v] + q * 4])
                plsc.store_scatter(rows, [r_, cv[v]], gv * wl)

        @pl.loop(0, SUB // L)
        def _z(j):
            e = j * L + iota
            w0 = plsc.load_gather(wv, [e * 2])
            w1 = plsc.load_gather(wv, [e * 2 + 1])
            plsc.store_scatter(rows, [e, zero16 + 20], w0)
            plsc.store_scatter(rows, [e, zero16 + 21], w1)

    NK = WIN // SUB
    nwin = jnp.where(wid == NW - 1, (E - (NW - 1) * CHUNK) // WIN,
                     CHUNK // WIN)

    @pl.loop(0, nwin)
    def _win(win):
        off = wid * CHUNK + win * WIN
        pltpu.sync_copy(src_hbm.at[pl.ds(off, WIN)], srcw)
        pltpu.sync_copy(dst_hbm.at[pl.ds(off, WIN)], dstw)

        gh = {0: _start_gather(0, bufs[0])}
        sh = {}
        for k in range(NK):
            b = bufs[k % 2]
            if k + 1 < NK:
                gh[k + 1] = _start_gather(k + 1, bufs[(k + 1) % 2])
            ha, hg = gh[k]
            ha.wait()
            hg.wait()
            if k >= 2:
                sh[k - 2].wait()
            _compute(k, b)
            sh[k] = pltpu.async_copy(b[2], acc.at[b[6]], b[5], add=True)
        sh[NK - 2].wait()
        sh[NK - 1].wait()

    plsc.subcore_barrier()

    pltpu.sync_copy(acc.at[pl.ds(s * RPT, RPT)],
                    parts_hbm.at[c, pl.ds(s * RPT, RPT)])


def _edge_phase(src_r, dst_r, ald2, g2):
    zeros = jnp.zeros((RPT, ROWW), jnp.float32)
    mesh = plsc.VectorSubcoreMesh(core_axis_name="c", subcore_axis_name="s")
    f = pl.kernel(
        _edge_kernel,
        out_type=jax.ShapeDtypeStruct((2, NDP, ROWW), jnp.float32),
        mesh=mesh,
        compiler_params=pltpu.CompilerParams(needs_layout_passes=False,
                                             use_tc_tiling_on_sc=False),
        scratch_types=[
            pltpu.VMEM((WIN,), jnp.int32),
            pltpu.VMEM((WIN,), jnp.int32),
            pltpu.VMEM((SUB,), jnp.int32),
            pltpu.VMEM((SUB,), jnp.int32),
            pltpu.VMEM((SUB, 8), jnp.float32),
            pltpu.VMEM((SUB, 8), jnp.float32),
            pltpu.VMEM((SUB, ROWW), jnp.float32),
            pltpu.VMEM((SUB, ROWW), jnp.float32),
            pltpu.VMEM((2 * SUB,), jnp.float32),
            pltpu.VMEM((SUB, ROWW), jnp.float32),
            pltpu.VMEM((SUB, ROWW), jnp.float32),
            pltpu.SemaphoreType.DMA,
            pltpu.SemaphoreType.DMA,
            pltpu.SemaphoreType.DMA,
            pltpu.SemaphoreType.DMA,
            pltpu.SemaphoreType.DMA,
            pltpu.SemaphoreType.DMA,
            pltpu.VMEM_SHARED((NDP, 8), jnp.float32),
            pltpu.VMEM_SHARED((NSP, ROWW), jnp.float32),
            pltpu.VMEM_SHARED((NDP, ROWW), jnp.float32),
        ],
    )
    return f(src_r, dst_r, ald2, g2, zeros)


def kernel(x_fact, x_statute, x_charge, ei_mentions, ei_rev_mentions,
           ei_implies, ei_rev_implies, m_Ws, m_Wd, m_as, m_ad, m_b,
           rm_Ws, rm_Wd, rm_as, rm_ad, rm_b, im_Ws, im_Wd, im_as, im_ad,
           im_b, ri_Ws, ri_Wd, ri_as, ri_ad, ri_b, cls_W, cls_b):
    Ws3 = rm_Ws.reshape(C, H, C)
    Wd3 = rm_Wd.reshape(C, H, C)
    us = jnp.einsum('dhc,hc->dh', Ws3, rm_as)
    ud = jnp.einsum('dhc,hc->dh', Wd3, rm_ad)
    cls3 = cls_W.reshape(H, C, O)
    Gw = jnp.einsum('dhc,hco->dho', Ws3, cls3).reshape(C, H * O)
    bias_row = rm_b @ cls_W + cls_b

    z6 = jnp.zeros((C, 6), jnp.float32)
    z2 = jnp.zeros((C, 2), jnp.float32)
    wd8 = jnp.concatenate([ud, z6], axis=1)
    ws24 = jnp.concatenate([Gw, us, z2], axis=1)
    ald0, g0 = _project(x_fact, x_statute, wd8, ws24)
    g2 = jnp.pad(g0, ((0, NSP - NS), (0, 0)))
    ald2 = jnp.pad(ald0, ((0, NDP - NF), (0, 0)))

    src_p = ei_rev_mentions[0].astype(jnp.int32)
    dst_p = ei_rev_mentions[1].astype(jnp.int32)

    parts = _edge_phase(src_p, dst_p, ald2, g2)
    return _finalize(parts, bias_row)

# --- scband reference (transcript-rebuilt; emitter-appended) ---
"""Pipeline reference for scband-gatpredictor-32744830665084 (READ-ONLY COPY).

The authoritative reference and input builder live on the scoring server;
editing this copy changes nothing except your own understanding.
"""

import jax, jax.numpy as jnp
import numpy as np

H, C = 2, 128

def _gat(h_src_in, h_dst_in, ei, Ws, Wd, a_s, a_d, b):
    # PyG GATConv (bipartite, heads=2, concat=True, add_self_loops=False)
    n_dst = h_dst_in.shape[0]
    hs = (h_src_in @ Ws).reshape(-1, H, C)
    hd = (h_dst_in @ Wd).reshape(-1, H, C)
    als = (hs * a_s[None]).sum(-1)   # [n_src, H]
    ald = (hd * a_d[None]).sum(-1)   # [n_dst, H]
    src, dst = ei[0], ei[1]
    e = jax.nn.leaky_relu(als[src] + ald[dst], 0.2)  # [E, H]
    m = jax.ops.segment_max(e, dst, num_segments=n_dst)
    e = jnp.exp(e - m[dst])
    z = jax.ops.segment_sum(e, dst, num_segments=n_dst)
    alpha = e / (z[dst] + 1e-16)
    msg = hs[src] * alpha[:, :, None]
    out = jax.ops.segment_sum(msg, dst, num_segments=n_dst)
    return out.reshape(n_dst, H * C) + b

def setup_inputs(seed: int = 0):
    key = jax.random.key(seed)
    k = jax.random.split(key, 32)
    nF, nS, nC = 50000, 5000, 200
    d = 128
    Em, Ei = 600000, 50000
    HC = H * C
    inp = {}
    inp['x_fact'] = jax.random.normal(k[0], (nF, d), dtype=jnp.float32)
    inp['x_statute'] = jax.random.normal(k[1], (nS, d), dtype=jnp.float32)
    inp['x_charge'] = jax.random.normal(k[2], (nC, d), dtype=jnp.float32)
    inp['ei_mentions'] = jnp.stack([jax.random.randint(k[3], (Em,), 0, nF), jax.random.randint(k[4], (Em,), 0, nS)])
    inp['ei_rev_mentions'] = jnp.stack([jax.random.randint(k[5], (Em,), 0, nS), jax.random.randint(k[6], (Em,), 0, nF)])
    inp['ei_implies'] = jnp.stack([jax.random.randint(k[7], (Ei,), 0, nS), jax.random.randint(k[8], (Ei,), 0, nC)])
    inp['ei_rev_implies'] = jnp.stack([jax.random.randint(k[9], (Ei,), 0, nC), jax.random.randint(k[10], (Ei,), 0, nS)])
    i = 11
    for nme in ['m', 'rm', 'im', 'ri']:
        inp[nme + '_Ws'] = jax.random.normal(k[i], (d, HC), dtype=jnp.float32) * 0.05; i += 1
        inp[nme + '_Wd'] = jax.random.normal(k[i], (d, HC), dtype=jnp.float32) * 0.05; i += 1
        inp[nme + '_as'] = jax.random.normal(k[i], (H, C), dtype=jnp.float32) * 0.05; i += 1
        inp[nme + '_ad'] = jax.random.normal(k[i], (H, C), dtype=jnp.float32) * 0.05; i += 1
        inp[nme + '_b'] = jnp.zeros((HC,), dtype=jnp.float32)
    inp['cls_W'] = jax.random.normal(k[i], (HC, 10), dtype=jnp.float32) * 0.05
    inp['cls_b'] = jnp.zeros((10,), dtype=jnp.float32)
    return inp

def reference(x_fact, x_statute, x_charge, ei_mentions, ei_rev_mentions, ei_implies, ei_rev_implies, m_Ws, m_Wd, m_as, m_ad, m_b, rm_Ws, rm_Wd, rm_as, rm_ad, rm_b, im_Ws, im_Wd, im_as, im_ad, im_b, ri_Ws, ri_Wd, ri_as, ri_ad, ri_b, cls_W, cls_b):
    out_m = _gat(x_fact, x_statute, ei_mentions, m_Ws, m_Wd, m_as, m_ad, m_b)
    out_rm = _gat(x_statute, x_fact, ei_rev_mentions, rm_Ws, rm_Wd, rm_as, rm_ad, rm_b)
    out_im = _gat(x_statute, x_charge, ei_implies, im_Ws, im_Wd, im_as, im_ad, im_b)
    out_ri = _gat(x_charge, x_statute, ei_rev_implies, ri_Ws, ri_Wd, ri_as, ri_ad, ri_b)
    # HeteroConv aggr='mean': statute receives from two relations; fact/charge from one
    fact_emb = out_rm
    statute_emb = (out_m + out_ri) / 2.0
    charge_emb = out_im
    _ = (statute_emb, charge_emb)
    return fact_emb @ cls_W + cls_b

if __name__ == "__main__":
    import jax
    _d = setup_inputs()
    print(jax.jit(kernel)(*tuple(_d.values())))

</pallas_src>

<mosaic_0001>
#map = affine_map<(d0, d1) -> (0)>
#map1 = affine_map<(d0, d1) -> (0, 0)>
#map2 = affine_map<(d0, d1) -> (0, 0, 0)>
module attributes {stable_mosaic.version = 14 : i64} {
  func.func @_edge_kernel(%arg0: i32, %arg1: i32, %arg2: memref<600000xi32, #tpu.memory_space<hbm>>, %arg3: memref<600000xi32, #tpu.memory_space<hbm>>, %arg4: memref<50048x8xf32, #tpu.memory_space<hbm>>, %arg5: memref<5056x24xf32, #tpu.memory_space<hbm>>, %arg6: memref<3128x24xf32, #tpu.memory_space<hbm>>, %arg7: memref<2x50048x24xf32, #tpu.memory_space<hbm>>, %arg8: memref<800xi32, #tpu.memory_space<vmem>>, %arg9: memref<800xi32, #tpu.memory_space<vmem>>, %arg10: memref<160xi32, #tpu.memory_space<vmem>>, %arg11: memref<160xi32, #tpu.memory_space<vmem>>, %arg12: memref<160x8xf32, #tpu.memory_space<vmem>>, %arg13: memref<160x8xf32, #tpu.memory_space<vmem>>, %arg14: memref<160x24xf32, #tpu.memory_space<vmem>>, %arg15: memref<160x24xf32, #tpu.memory_space<vmem>>, %arg16: memref<320xf32, #tpu.memory_space<vmem>>, %arg17: memref<160x24xf32, #tpu.memory_space<vmem>>, %arg18: memref<160x24xf32, #tpu.memory_space<vmem>>, %arg19: memref<!tpu.dma_semaphore, #tpu.memory_space<semaphore_mem>>, %arg20: memref<!tpu.dma_semaphore, #tpu.memory_space<semaphore_mem>>, %arg21: memref<!tpu.dma_semaphore, #tpu.memory_space<semaphore_mem>>, %arg22: memref<!tpu.dma_semaphore, #tpu.memory_space<semaphore_mem>>, %arg23: memref<!tpu.dma_semaphore, #tpu.memory_space<semaphore_mem>>, %arg24: memref<!tpu.dma_semaphore, #tpu.memory_space<semaphore_mem>>, %arg25: memref<50048x8xf32, #tpu.memory_space<vmem_shared>>, %arg26: memref<5056x24xf32, #tpu.memory_space<vmem_shared>>, %arg27: memref<50048x24xf32, #tpu.memory_space<vmem_shared>>) attributes {dimension_semantics = [#tpu.dimension_semantics<core_parallel>, #tpu.dimension_semantics<subcore_parallel>], iteration_bounds = array<i64: 2, 16>, scalar_prefetch = 0 : i64, scratch_operands = 20 : i64, tpu.core_type = #tpu.core_type<sc_vector_subcore>, window_params = [{transform_indices = #map}, {transform_indices = #map}, {transform_indices = #map1}, {transform_indices = #map1}, {transform_indices = #map1}, {transform_indices = #map2}]} {
    %mul3A = arith.constant 16 : i32
    %mul3A_0 = arith.muli %arg0, %mul3A : i32
    %add3A = arith.addi %mul3A_0, %arg1 : i32
    %mul3A_1 = arith.constant 316 : i32
    %mul3A_2 = arith.muli %arg1, %mul3A_1 : i32
    %mul3A_3 = arith.constant 316 : i32
    %mul3A_4 = arith.muli %arg1, %mul3A_3 : i32
    "tpu.region"() ({
      %run_scoped3A = tpu.sem_alloc : memref<!tpu.dma_semaphore, #tpu.memory_space<semaphore_mem>>
      %dma_start3A = arith.constant 0 : i32
      %dma_start3A_225 = tpu.memref_slice %arg26[%mul3A_4, %dma_start3A] : memref<5056x24xf32, #tpu.memory_space<vmem_shared>> -> memref<316x24xf32, #tpu.memory_space<vmem_shared>>
      %dma_start3A_226 = arith.constant 0 : i32
      %dma_start3A_227 = tpu.memref_slice %arg5[%mul3A_2, %dma_start3A_226] : memref<5056x24xf32, #tpu.memory_space<hbm>> -> memref<316x24xf32, #tpu.memory_space<hbm>>
      tpu.enqueue_dma source(%dma_start3A_227 : memref<316x24xf32, #tpu.memory_space<hbm>>) target(%dma_start3A_225 : memref<316x24xf32, #tpu.memory_space<vmem_shared>>) target_semaphore(%run_scoped3A : memref<!tpu.dma_semaphore, #tpu.memory_space<semaphore_mem>>)
      %dma_wait3A = arith.constant 0 : i32
      %dma_wait3A_228 = tpu.memref_slice %arg26[%mul3A_4, %dma_wait3A] : memref<5056x24xf32, #tpu.memory_space<vmem_shared>> -> memref<316x24xf32, #tpu.memory_space<vmem_shared>>
      %dma_wait3A_229 = arith.constant 0 : i32
      %dma_wait3A_230 = tpu.memref_slice %arg5[%mul3A_2, %dma_wait3A_229] : memref<5056x24xf32, #tpu.memory_space<hbm>> -> memref<316x24xf32, #tpu.memory_space<hbm>>
      tpu.wait_dma2 semaphore(%run_scoped3A : memref<!tpu.dma_semaphore, #tpu.memory_space<semaphore_mem>>) src(%dma_wait3A_230 : memref<316x24xf32, #tpu.memory_space<hbm>>) dst(%dma_wait3A_228 : memref<316x24xf32, #tpu.memory_space<vmem_shared>>)
      tpu.yield
    }) : () -> ()
    %mul3A_5 = arith.constant 3128 : i32
    %mul3A_6 = arith.muli %arg1, %mul3A_5 : i32
    %mul3A_7 = arith.constant 3128 : i32
    %mul3A_8 = arith.muli %arg1, %mul3A_7 : i32
    "tpu.region"() ({
      %run_scoped3A = tpu.sem_alloc : memref<!tpu.dma_semaphore, #tpu.memory_space<semaphore_mem>>
      %dma_start3A = arith.constant 0 : i32
      %dma_start3A_225 = tpu.memref_slice %arg25[%mul3A_8, %dma_start3A] : memref<50048x8xf32, #tpu.memory_space<vmem_shared>> -> memref<3128x8xf32, #tpu.memory_space<vmem_shared>>
      %dma_start3A_226 = arith.constant 0 : i32
      %dma_start3A_227 = tpu.memref_slice %arg4[%mul3A_6, %dma_start3A_226] : memref<50048x8xf32, #tpu.memory_space<hbm>> -> memref<3128x8xf32, #tpu.memory_space<hbm>>
      tpu.enqueue_dma source(%dma_start3A_227 : memref<3128x8xf32, #tpu.memory_space<hbm>>) target(%dma_start3A_225 : memref<3128x8xf32, #tpu.memory_space<vmem_shared>>) target_semaphore(%run_scoped3A : memref<!tpu.dma_semaphore, #tpu.memory_space<semaphore_mem>>)
      %dma_wait3A = arith.constant 0 : i32
      %dma_wait3A_228 = tpu.memref_slice %arg25[%mul3A_8, %dma_wait3A] : memref<50048x8xf32, #tpu.memory_space<vmem_shared>> -> memref<3128x8xf32, #tpu.memory_space<vmem_shared>>
      %dma_wait3A_229 = arith.constant 0 : i32
      %dma_wait3A_230 = tpu.memref_slice %arg4[%mul3A_6, %dma_wait3A_229] : memref<50048x8xf32, #tpu.memory_space<hbm>> -> memref<3128x8xf32, #tpu.memory_space<hbm>>
      tpu.wait_dma2 semaphore(%run_scoped3A : memref<!tpu.dma_semaphore, #tpu.memory_space<semaphore_mem>>) src(%dma_wait3A_230 : memref<3128x8xf32, #tpu.memory_space<hbm>>) dst(%dma_wait3A_228 : memref<3128x8xf32, #tpu.memory_space<vmem_shared>>)
      tpu.yield
    }) : () -> ()
    %mul3A_9 = arith.constant 3128 : i32
    %mul3A_10 = arith.muli %arg1, %mul3A_9 : i32
    "tpu.region"() ({
      %run_scoped3A = tpu.sem_alloc : memref<!tpu.dma_semaphore, #tpu.memory_space<semaphore_mem>>
      %dma_start3A = arith.constant 0 : i32
      %dma_start3A_225 = tpu.memref_slice %arg27[%mul3A_10, %dma_start3A] : memref<50048x24xf32, #tpu.memory_space<vmem_shared>> -> memref<3128x24xf32, #tpu.memory_space<vmem_shared>>
      tpu.enqueue_dma source(%arg6 : memref<3128x24xf32, #tpu.memory_space<hbm>>) target(%dma_start3A_225 : memref<3128x24xf32, #tpu.memory_space<vmem_shared>>) target_semaphore(%run_scoped3A : memref<!tpu.dma_semaphore, #tpu.memory_space<semaphore_mem>>)
      %dma_wait3A = arith.constant 0 : i32
      %dma_wait3A_226 = tpu.memref_slice %arg27[%mul3A_10, %dma_wait3A] : memref<50048x24xf32, #tpu.memory_space<vmem_shared>> -> memref<3128x24xf32, #tpu.memory_space<vmem_shared>>
      tpu.wait_dma2 semaphore(%run_scoped3A : memref<!tpu.dma_semaphore, #tpu.memory_space<semaphore_mem>>) src(%arg6 : memref<3128x24xf32, #tpu.memory_space<hbm>>) dst(%dma_wait3A_226 : memref<3128x24xf32, #tpu.memory_space<vmem_shared>>)
      tpu.yield
    }) : () -> ()
    %barrier3A = arith.constant 0 : index
    tpu.barrier barrier_id(%barrier3A)
    %iota3A = tpu.iota {dimensions = array<i32: 0>} : vector<16xi32>
    %mul3A_11 = arith.constant 0 : i32
    %mul3A_12 = vector.broadcast %mul3A_11 : i32 to vector<16xi32>
    %mul3A_13 = arith.muli %iota3A, %mul3A_12 : vector<16xi32>
    %add3A_14 = arith.constant 1 : i32
    %add3A_15 = vector.broadcast %add3A_14 : i32 to vector<16xi32>
    %add3A_16 = arith.addi %mul3A_13, %add3A_15 : vector<16xi32>
    %add3A_17 = arith.constant 0 : i32
    %add3A_18 = vector.broadcast %add3A_17 : i32 to vector<16xi32>
    %add3A_19 = arith.addi %iota3A, %add3A_18 : vector<16xi32>
    %jit3A = arith.constant 24 : i32
    %div3A = vector.broadcast %jit3A : i32 to vector<16xi32>
    %div3A_20 = arith.divsi %add3A_19, %div3A : vector<16xi32>
    %sign3A = arith.constant 0 : i32
    %sign3A_21 = vector.broadcast %sign3A : i32 to vector<16xi32>
    %sign3A_22 = arith.cmpi sgt, %add3A_19, %sign3A_21 : vector<16xi32>
    %sign3A_23 = arith.extui %sign3A_22 : vector<16xi1> to vector<16xi32>
    %sign3A_24 = arith.constant 0 : i32
    %sign3A_25 = vector.broadcast %sign3A_24 : i32 to vector<16xi32>
    %sign3A_26 = arith.cmpi slt, %add3A_19, %sign3A_25 : vector<16xi32>
    %sign3A_27 = arith.extui %sign3A_26 : vector<16xi1> to vector<16xi32>
    %sign3A_28 = arith.subi %sign3A_23, %sign3A_27 : vector<16xi32>
    %sign3A_29 = arith.constant 0 : i32
    %sign3A_30 = arith.cmpi sgt, %jit3A, %sign3A_29 : i32
    %sign3A_31 = arith.extui %sign3A_30 : i1 to i32
    %sign3A_32 = arith.constant 0 : i32
    %sign3A_33 = arith.cmpi slt, %jit3A, %sign3A_32 : i32
    %sign3A_34 = arith.extui %sign3A_33 : i1 to i32
    %sign3A_35 = arith.subi %sign3A_31, %sign3A_34 : i32
    %ne3A = vector.broadcast %sign3A_35 : i32 to vector<16xi32>
    %ne3A_36 = arith.cmpi ne, %sign3A_28, %ne3A : vector<16xi32>
    %rem3A = vector.broadcast %jit3A : i32 to vector<16xi32>
    %rem3A_37 = arith.remsi %add3A_19, %rem3A : vector<16xi32>
    %ne3A_38 = arith.constant 0 : i32
    %ne3A_39 = vector.broadcast %ne3A_38 : i32 to vector<16xi32>
    %ne3A_40 = arith.cmpi ne, %rem3A_37, %ne3A_39 : vector<16xi32>
    %and3A = arith.andi %ne3A_36, %ne3A_40 : vector<16xi1>
    %sub3A = arith.constant 1 : i32
    %sub3A_41 = vector.broadcast %sub3A : i32 to vector<16xi32>
    %sub3A_42 = arith.subi %div3A_20, %sub3A_41 : vector<16xi32>
    %select_n3A = arith.select %and3A, %sub3A_42, %div3A_20 : vector<16xi1>, vector<16xi32>
    %jit3A_43 = arith.constant 24 : i32
    %eq3A = arith.constant 0 : i32
    %eq3A_44 = arith.cmpi eq, %jit3A_43, %eq3A : i32
    %jit3A_45 = arith.constant 1 : i32
    %select_n3A_46 = arith.select %eq3A_44, %jit3A_45, %jit3A_43 : i32
    %rem3A_47 = vector.broadcast %select_n3A_46 : i32 to vector<16xi32>
    %rem3A_48 = arith.remsi %add3A_19, %rem3A_47 : vector<16xi32>
    %ne3A_49 = arith.constant 0 : i32
    %ne3A_50 = vector.broadcast %ne3A_49 : i32 to vector<16xi32>
    %ne3A_51 = arith.cmpi ne, %rem3A_48, %ne3A_50 : vector<16xi32>
    %lt3A = arith.constant 0 : i32
    %lt3A_52 = vector.broadcast %lt3A : i32 to vector<16xi32>
    %lt3A_53 = arith.cmpi slt, %rem3A_48, %lt3A_52 : vector<16xi32>
    %lt3A_54 = arith.constant 0 : i32
    %lt3A_55 = arith.cmpi slt, %select_n3A_46, %lt3A_54 : i32
    %ne3A_56 = vector.broadcast %lt3A_55 : i1 to vector<16xi1>
    %ne3A_57 = vector.broadcast %ne3A_56 : vector<16xi1> to vector<16xi1>
    %ne3A_58 = arith.xori %lt3A_53, %ne3A_57 : vector<16xi1>
    %and3A_59 = arith.andi %ne3A_58, %ne3A_51 : vector<16xi1>
    %add3A_60 = vector.broadcast %select_n3A_46 : i32 to vector<16xi32>
    %add3A_61 = arith.addi %rem3A_48, %add3A_60 : vector<16xi32>
    %select_n3A_62 = arith.select %and3A_59, %add3A_61, %rem3A_48 : vector<16xi1>, vector<16xi32>
    %mul3A_63 = arith.constant 2 : i32
    %mul3A_64 = vector.broadcast %mul3A_63 : i32 to vector<16xi32>
    %mul3A_65 = arith.muli %select_n3A, %mul3A_64 : vector<16xi32>
    %ge3A = arith.constant 10 : i32
    %ge3A_66 = vector.broadcast %ge3A : i32 to vector<16xi32>
    %ge3A_67 = arith.cmpi sge, %select_n3A_62, %ge3A_66 : vector<16xi32>
    %convert_element_type3A = arith.extui %ge3A_67 : vector<16xi1> to vector<16xi32>
    %add3A_68 = arith.addi %mul3A_65, %convert_element_type3A : vector<16xi32>
    %add3A_69 = arith.constant 16 : i32
    %add3A_70 = vector.broadcast %add3A_69 : i32 to vector<16xi32>
    %add3A_71 = arith.addi %iota3A, %add3A_70 : vector<16xi32>
    %jit3A_72 = arith.constant 24 : i32
    %div3A_73 = vector.broadcast %jit3A_72 : i32 to vector<16xi32>
    %div3A_74 = arith.divsi %add3A_71, %div3A_73 : vector<16xi32>
    %sign3A_75 = arith.constant 0 : i32
    %sign3A_76 = vector.broadcast %sign3A_75 : i32 to vector<16xi32>
    %sign3A_77 = arith.cmpi sgt, %add3A_71, %sign3A_76 : vector<16xi32>
    %sign3A_78 = arith.extui %sign3A_77 : vector<16xi1> to vector<16xi32>
    %sign3A_79 = arith.constant 0 : i32
    %sign3A_80 = vector.broadcast %sign3A_79 : i32 to vector<16xi32>
    %sign3A_81 = arith.cmpi slt, %add3A_71, %sign3A_80 : vector<16xi32>
    %sign3A_82 = arith.extui %sign3A_81 : vector<16xi1> to vector<16xi32>
    %sign3A_83 = arith.subi %sign3A_78, %sign3A_82 : vector<16xi32>
    %sign3A_84 = arith.constant 0 : i32
    %sign3A_85 = arith.cmpi sgt, %jit3A_72, %sign3A_84 : i32
    %sign3A_86 = arith.extui %sign3A_85 : i1 to i32
    %sign3A_87 = arith.constant 0 : i32
    %sign3A_88 = arith.cmpi slt, %jit3A_72, %sign3A_87 : i32
    %sign3A_89 = arith.extui %sign3A_88 : i1 to i32
    %sign3A_90 = arith.subi %sign3A_86, %sign3A_89 : i32
    %ne3A_91 = vector.broadcast %sign3A_90 : i32 to vector<16xi32>
    %ne3A_92 = arith.cmpi ne, %sign3A_83, %ne3A_91 : vector<16xi32>
    %rem3A_93 = vector.broadcast %jit3A_72 : i32 to vector<16xi32>
    %rem3A_94 = arith.remsi %add3A_71, %rem3A_93 : vector<16xi32>
    %ne3A_95 = arith.constant 0 : i32
    %ne3A_96 = vector.broadcast %ne3A_95 : i32 to vector<16xi32>
    %ne3A_97 = arith.cmpi ne, %rem3A_94, %ne3A_96 : vector<16xi32>
    %and3A_98 = arith.andi %ne3A_92, %ne3A_97 : vector<16xi1>
    %sub3A_99 = arith.constant 1 : i32
    %sub3A_100 = vector.broadcast %sub3A_99 : i32 to vector<16xi32>
    %sub3A_101 = arith.subi %div3A_74, %sub3A_100 : vector<16xi32>
    %select_n3A_102 = arith.select %and3A_98, %sub3A_101, %div3A_74 : vector<16xi1>, vector<16xi32>
    %jit3A_103 = arith.constant 24 : i32
    %eq3A_104 = arith.constant 0 : i32
    %eq3A_105 = arith.cmpi eq, %jit3A_103, %eq3A_104 : i32
    %jit3A_106 = arith.constant 1 : i32
    %select_n3A_107 = arith.select %eq3A_105, %jit3A_106, %jit3A_103 : i32
    %rem3A_108 = vector.broadcast %select_n3A_107 : i32 to vector<16xi32>
    %rem3A_109 = arith.remsi %add3A_71, %rem3A_108 : vector<16xi32>
    %ne3A_110 = arith.constant 0 : i32
    %ne3A_111 = vector.broadcast %ne3A_110 : i32 to vector<16xi32>
    %ne3A_112 = arith.cmpi ne, %rem3A_109, %ne3A_111 : vector<16xi32>
    %lt3A_113 = arith.constant 0 : i32
    %lt3A_114 = vector.broadcast %lt3A_113 : i32 to vector<16xi32>
    %lt3A_115 = arith.cmpi slt, %rem3A_109, %lt3A_114 : vector<16xi32>
    %lt3A_116 = arith.constant 0 : i32
    %lt3A_117 = arith.cmpi slt, %select_n3A_107, %lt3A_116 : i32
    %ne3A_118 = vector.broadcast %lt3A_117 : i1 to vector<16xi1>
    %ne3A_119 = vector.broadcast %ne3A_118 : vector<16xi1> to vector<16xi1>
    %ne3A_120 = arith.xori %lt3A_115, %ne3A_119 : vector<16xi1>
    %and3A_121 = arith.andi %ne3A_120, %ne3A_112 : vector<16xi1>
    %add3A_122 = vector.broadcast %select_n3A_107 : i32 to vector<16xi32>
    %add3A_123 = arith.addi %rem3A_109, %add3A_122 : vector<16xi32>
    %select_n3A_124 = arith.select %and3A_121, %add3A_123, %rem3A_109 : vector<16xi1>, vector<16xi32>
    %mul3A_125 = arith.constant 2 : i32
    %mul3A_126 = vector.broadcast %mul3A_125 : i32 to vector<16xi32>
    %mul3A_127 = arith.muli %select_n3A_102, %mul3A_126 : vector<16xi32>
    %ge3A_128 = arith.constant 10 : i32
    %ge3A_129 = vector.broadcast %ge3A_128 : i32 to vector<16xi32>
    %ge3A_130 = arith.cmpi sge, %select_n3A_124, %ge3A_129 : vector<16xi32>
    %convert_element_type3A_131 = arith.extui %ge3A_130 : vector<16xi1> to vector<16xi32>
    %add3A_132 = arith.addi %mul3A_127, %convert_element_type3A_131 : vector<16xi32>
    %add3A_133 = arith.constant 32 : i32
    %add3A_134 = vector.broadcast %add3A_133 : i32 to vector<16xi32>
    %add3A_135 = arith.addi %iota3A, %add3A_134 : vector<16xi32>
    %jit3A_136 = arith.constant 24 : i32
    %div3A_137 = vector.broadcast %jit3A_136 : i32 to vector<16xi32>
    %div3A_138 = arith.divsi %add3A_135, %div3A_137 : vector<16xi32>
    %sign3A_139 = arith.constant 0 : i32
    %sign3A_140 = vector.broadcast %sign3A_139 : i32 to vector<16xi32>
    %sign3A_141 = arith.cmpi sgt, %add3A_135, %sign3A_140 : vector<16xi32>
    %sign3A_142 = arith.extui %sign3A_141 : vector<16xi1> to vector<16xi32>
    %sign3A_143 = arith.constant 0 : i32
    %sign3A_144 = vector.broadcast %sign3A_143 : i32 to vector<16xi32>
    %sign3A_145 = arith.cmpi slt, %add3A_135, %sign3A_144 : vector<16xi32>
    %sign3A_146 = arith.extui %sign3A_145 : vector<16xi1> to vector<16xi32>
    %sign3A_147 = arith.subi %sign3A_142, %sign3A_146 : vector<16xi32>
    %sign3A_148 = arith.constant 0 : i32
    %sign3A_149 = arith.cmpi sgt, %jit3A_136, %sign3A_148 : i32
    %sign3A_150 = arith.extui %sign3A_149 : i1 to i32
    %sign3A_151 = arith.constant 0 : i32
    %sign3A_152 = arith.cmpi slt, %jit3A_136, %sign3A_151 : i32
    %sign3A_153 = arith.extui %sign3A_152 : i1 to i32
    %sign3A_154 = arith.subi %sign3A_150, %sign3A_153 : i32
    %ne3A_155 = vector.broadcast %sign3A_154 : i32 to vector<16xi32>
    %ne3A_156 = arith.cmpi ne, %sign3A_147, %ne3A_155 : vector<16xi32>
    %rem3A_157 = vector.broadcast %jit3A_136 : i32 to vector<16xi32>
    %rem3A_158 = arith.remsi %add3A_135, %rem3A_157 : vector<16xi32>
    %ne3A_159 = arith.constant 0 : i32
    %ne3A_160 = vector.broadcast %ne3A_159 : i32 to vector<16xi32>
    %ne3A_161 = arith.cmpi ne, %rem3A_158, %ne3A_160 : vector<16xi32>
    %and3A_162 = arith.andi %ne3A_156, %ne3A_161 : vector<16xi1>
    %sub3A_163 = arith.constant 1 : i32
    %sub3A_164 = vector.broadcast %sub3A_163 : i32 to vector<16xi32>
    %sub3A_165 = arith.subi %div3A_138, %sub3A_164 : vector<16xi32>
    %select_n3A_166 = arith.select %and3A_162, %sub3A_165, %div3A_138 : vector<16xi1>, vector<16xi32>
    %jit3A_167 = arith.constant 24 : i32
    %eq3A_168 = arith.constant 0 : i32
    %eq3A_169 = arith.cmpi eq, %jit3A_167, %eq3A_168 : i32
    %jit3A_170 = arith.constant 1 : i32
    %select_n3A_171 = arith.select %eq3A_169, %jit3A_170, %jit3A_167 : i32
    %rem3A_172 = vector.broadcast %select_n3A_171 : i32 to vector<16xi32>
    %rem3A_173 = arith.remsi %add3A_135, %rem3A_172 : vector<16xi32>
    %ne3A_174 = arith.constant 0 : i32
    %ne3A_175 = vector.broadcast %ne3A_174 : i32 to vector<16xi32>
    %ne3A_176 = arith.cmpi ne, %rem3A_173, %ne3A_175 : vector<16xi32>
    %lt3A_177 = arith.constant 0 : i32
    %lt3A_178 = vector.broadcast %lt3A_177 : i32 to vector<16xi32>
    %lt3A_179 = arith.cmpi slt, %rem3A_173, %lt3A_178 : vector<16xi32>
    %lt3A_180 = arith.constant 0 : i32
    %lt3A_181 = arith.cmpi slt, %select_n3A_171, %lt3A_180 : i32
    %ne3A_182 = vector.broadcast %lt3A_181 : i1 to vector<16xi1>
    %ne3A_183 = vector.broadcast %ne3A_182 : vector<16xi1> to vector<16xi1>
    %ne3A_184 = arith.xori %lt3A_179, %ne3A_183 : vector<16xi1>
    %and3A_185 = arith.andi %ne3A_184, %ne3A_176 : vector<16xi1>
    %add3A_186 = vector.broadcast %select_n3A_171 : i32 to vector<16xi32>
    %add3A_187 = arith.addi %rem3A_173, %add3A_186 : vector<16xi32>
    %select_n3A_188 = arith.select %and3A_185, %add3A_187, %rem3A_173 : vector<16xi1>, vector<16xi32>
    %mul3A_189 = arith.constant 2 : i32
    %mul3A_190 = vector.broadcast %mul3A_189 : i32 to vector<16xi32>
    %mul3A_191 = arith.muli %select_n3A_166, %mul3A_190 : vector<16xi32>
    %ge3A_192 = arith.constant 10 : i32
    %ge3A_193 = vector.broadcast %ge3A_192 : i32 to vector<16xi32>
    %ge3A_194 = arith.cmpi sge, %select_n3A_188, %ge3A_193 : vector<16xi32>
    %convert_element_type3A_195 = arith.extui %ge3A_194 : vector<16xi1> to vector<16xi32>
    %add3A_196 = arith.addi %mul3A_191, %convert_element_type3A_195 : vector<16xi32>
    %eq3A_197 = arith.constant 31 : i32
    %eq3A_198 = arith.cmpi eq, %add3A, %eq3A_197 : i32
    %jit3A_199 = arith.constant 6 : i32
    %jit3A_200 = arith.constant 24 : i32
    %select_n3A_201 = arith.select %eq3A_198, %jit3A_199, %jit3A_200 : i32
    %sub3A_202 = arith.constant 0 : i32
    %sub3A_203 = arith.subi %select_n3A_201, %sub3A_202 : i32
    %sub3A_204 = arith.constant 1 : i32
    %sub3A_205 = arith.constant 1 : i32
    %sub3A_206 = arith.subi %sub3A_204, %sub3A_205 : i32
    %add3A_207 = arith.addi %sub3A_203, %sub3A_206 : i32
    %div3A_208 = arith.constant 1 : i32
    %div3A_209 = arith.divsi %add3A_207, %div3A_208 : i32
    %while3A = arith.constant 1 : i32
    %while3A_210 = arith.constant 0 : i32
    %while3A_211 = arith.constant 0 : i32
    %while3A_212 = arith.subi %div3A_209, %while3A_211 : i32
    %while3A_213 = arith.addi %while3A_211, %while3A_212 : i32
    %while3A_214 = arith.constant 1 : i32
    %while3A_215 = arith.divsi %while3A_212, %while3A_214 : i32
    %while3A_216 = arith.muli %while3A_215, %while3A_214 : i32
    %while3A_217 = arith.addi %while3A_211, %while3A_216 : i32
    %while3A_218 = arith.constant 1 : i32
    scf.for %while3A_225 = %while3A_211 to %while3A_217 step %while3A_218  : i32 {
      %mul3A_226 = arith.muli %while3A_225, %while3A : i32
      %add3A_227 = arith.addi %while3A_210, %mul3A_226 : i32
      %mul3A_228 = arith.constant 19200 : i32
      %mul3A_229 = arith.muli %add3A, %mul3A_228 : i32
      %mul3A_230 = arith.constant 800 : i32
      %mul3A_231 = arith.muli %add3A_227, %mul3A_230 : i32
      %add3A_232 = arith.addi %mul3A_229, %mul3A_231 : i32
      "tpu.region"() ({
        %run_scoped3A = tpu.sem_alloc : memref<!tpu.dma_semaphore, #tpu.memory_space<semaphore_mem>>
        %dma_start3A_460 = tpu.memref_slice %arg2[%add3A_232] : memref<600000xi32, #tpu.memory_space<hbm>> -> memref<800xi32, #tpu.memory_space<hbm>>
        %dma_start3A_461 = tpu.memref_slice %arg2[%add3A_232] : memref<600000xi32, #tpu.memory_space<hbm>> -> memref<800xi32, #tpu.memory_space<hbm>>
        tpu.enqueue_dma source(%dma_start3A_461 : memref<800xi32, #tpu.memory_space<hbm>>) target(%arg8 : memref<800xi32, #tpu.memory_space<vmem>>) target_semaphore(%run_scoped3A : memref<!tpu.dma_semaphore, #tpu.memory_space<semaphore_mem>>)
        %dma_wait3A_462 = tpu.memref_slice %arg2[%add3A_232] : memref<600000xi32, #tpu.memory_space<hbm>> -> memref<800xi32, #tpu.memory_space<hbm>>
        %dma_wait3A_463 = tpu.memref_slice %arg2[%add3A_232] : memref<600000xi32, #tpu.memory_space<hbm>> -> memref<800xi32, #tpu.memory_space<hbm>>
        tpu.wait_dma2 semaphore(%run_scoped3A : memref<!tpu.dma_semaphore, #tpu.memory_space<semaphore_mem>>) src(%dma_wait3A_463 : memref<800xi32, #tpu.memory_space<hbm>>) dst(%arg8 : memref<800xi32, #tpu.memory_space<vmem>>)
        tpu.yield
      }) : () -> ()
      "tpu.region"() ({
        %run_scoped3A = tpu.sem_alloc : memref<!tpu.dma_semaphore, #tpu.memory_space<semaphore_mem>>
        %dma_start3A_460 = tpu.memref_slice %arg3[%add3A_232] : memref<600000xi32, #tpu.memory_space<hbm>> -> memref<800xi32, #tpu.memory_space<hbm>>
        %dma_start3A_461 = tpu.memref_slice %arg3[%add3A_232] : memref<600000xi32, #tpu.memory_space<hbm>> -> memref<800xi32, #tpu.memory_space<hbm>>
        tpu.enqueue_dma source(%dma_start3A_461 : memref<800xi32, #tpu.memory_space<hbm>>) target(%arg9 : memref<800xi32, #tpu.memory_space<vmem>>) target_semaphore(%run_scoped3A : memref<!tpu.dma_semaphore, #tpu.memory_space<semaphore_mem>>)
        %dma_wait3A_462 = tpu.memref_slice %arg3[%add3A_232] : memref<600000xi32, #tpu.memory_space<hbm>> -> memref<800xi32, #tpu.memory_space<hbm>>
        %dma_wait3A_463 = tpu.memref_slice %arg3[%add3A_232] : memref<600000xi32, #tpu.memory_space<hbm>> -> memref<800xi32, #tpu.memory_space<hbm>>
        tpu.wait_dma2 semaphore(%run_scoped3A : memref<!tpu.dma_semaphore, #tpu.memory_space<semaphore_mem>>) src(%dma_wait3A_463 : memref<800xi32, #tpu.memory_space<hbm>>) dst(%arg9 : memref<800xi32, #tpu.memory_space<vmem>>)
        tpu.yield
      }) : () -> ()
      %dma_start3A = arith.constant 0 : i32
      %dma_start3A_233 = tpu.memref_slice %arg9[%dma_start3A] : memref<800xi32, #tpu.memory_space<vmem>> -> memref<160xi32, #tpu.memory_space<vmem>>
      %dma_start3A_234 = arith.constant 0 : i32
      %dma_start3A_235 = arith.constant 0 : i32
      %dma_start3A_236 = tpu.memref_slice %arg25[%dma_start3A_234, %dma_start3A_235] : memref<50048x8xf32, #tpu.memory_space<vmem_shared>> -> memref<50048x8xf32, #tpu.memory_space<vmem_shared>>
      tpu.enqueue_indirect_dma source(%dma_start3A_236 : memref<50048x8xf32, #tpu.memory_space<vmem_shared>>) target(%arg12 : memref<160x8xf32, #tpu.memory_space<vmem>>) offsets(%dma_start3A_233 : memref<160xi32, #tpu.memory_space<vmem>>) semaphore(%arg19 : memref<!tpu.dma_semaphore, #tpu.memory_space<semaphore_mem>>)
      %dma_start3A_237 = arith.constant 0 : i32
      %dma_start3A_238 = tpu.memref_slice %arg8[%dma_start3A_237] : memref<800xi32, #tpu.memory_space<vmem>> -> memref<160xi32, #tpu.memory_space<vmem>>
      %dma_start3A_239 = arith.constant 0 : i32
      %dma_start3A_240 = arith.constant 0 : i32
      %dma_start3A_241 = tpu.memref_slice %arg26[%dma_start3A_239, %dma_start3A_240] : memref<5056x24xf32, #tpu.memory_space<vmem_shared>> -> memref<5056x24xf32, #tpu.memory_space<vmem_shared>>
      tpu.enqueue_indirect_dma source(%dma_start3A_241 : memref<5056x24xf32, #tpu.memory_space<vmem_shared>>) target(%arg14 : memref<160x24xf32, #tpu.memory_space<vmem>>) offsets(%dma_start3A_238 : memref<160xi32, #tpu.memory_space<vmem>>) semaphore(%arg21 : memref<!tpu.dma_semaphore, #tpu.memory_space<semaphore_mem>>)
      %dma_start3A_242 = arith.constant 160 : i32
      %dma_start3A_243 = tpu.memref_slice %arg9[%dma_start3A_242] : memref<800xi32, #tpu.memory_space<vmem>> -> memref<160xi32, #tpu.memory_space<vmem>>
      %dma_start3A_244 = arith.constant 0 : i32
      %dma_start3A_245 = arith.constant 0 : i32
      %dma_start3A_246 = tpu.memref_slice %arg25[%dma_start3A_244, %dma_start3A_245] : memref<50048x8xf32, #tpu.memory_space<vmem_shared>> -> memref<50048x8xf32, #tpu.memory_space<vmem_shared>>
      tpu.enqueue_indirect_dma source(%dma_start3A_246 : memref<50048x8xf32, #tpu.memory_space<vmem_shared>>) target(%arg13 : memref<160x8xf32, #tpu.memory_space<vmem>>) offsets(%dma_start3A_243 : memref<160xi32, #tpu.memory_space<vmem>>) semaphore(%arg20 : memref<!tpu.dma_semaphore, #tpu.memory_space<semaphore_mem>>)
      %dma_start3A_247 = arith.constant 160 : i32
      %dma_start3A_248 = tpu.memref_slice %arg8[%dma_start3A_247] : memref<800xi32, #tpu.memory_space<vmem>> -> memref<160xi32, #tpu.memory_space<vmem>>
      %dma_start3A_249 = arith.constant 0 : i32
      %dma_start3A_250 = arith.constant 0 : i32
      %dma_start3A_251 = tpu.memref_slice %arg26[%dma_start3A_249, %dma_start3A_250] : memref<5056x24xf32, #tpu.memory_space<vmem_shared>> -> memref<5056x24xf32, #tpu.memory_space<vmem_shared>>
      tpu.enqueue_indirect_dma source(%dma_start3A_251 : memref<5056x24xf32, #tpu.memory_space<vmem_shared>>) target(%arg15 : memref<160x24xf32, #tpu.memory_space<vmem>>) offsets(%dma_start3A_248 : memref<160xi32, #tpu.memory_space<vmem>>) semaphore(%arg22 : memref<!tpu.dma_semaphore, #tpu.memory_space<semaphore_mem>>)
      %dma_wait3A = arith.constant 0 : i32
      %dma_wait3A_252 = tpu.memref_slice %arg9[%dma_wait3A] : memref<800xi32, #tpu.memory_space<vmem>> -> memref<160xi32, #tpu.memory_space<vmem>>
      %dma_wait3A_253 = arith.constant 0 : i32
      %dma_wait3A_254 = arith.constant 0 : i32
      %dma_wait3A_255 = tpu.memref_slice %arg25[%dma_wait3A_253, %dma_wait3A_254] : memref<50048x8xf32, #tpu.memory_space<vmem_shared>> -> memref<50048x8xf32, #tpu.memory_space<vmem_shared>>
      tpu.wait_indirect_dma semaphore(%arg19 : memref<!tpu.dma_semaphore, #tpu.memory_space<semaphore_mem>>) src(%dma_wait3A_255 : memref<50048x8xf32, #tpu.memory_space<vmem_shared>>) dst(%arg12 : memref<160x8xf32, #tpu.memory_space<vmem>>)
      %dma_wait3A_256 = arith.constant 0 : i32
      %dma_wait3A_257 = tpu.memref_slice %arg8[%dma_wait3A_256] : memref<800xi32, #tpu.memory_space<vmem>> -> memref<160xi32, #tpu.memory_space<vmem>>
      %dma_wait3A_258 = arith.constant 0 : i32
      %dma_wait3A_259 = arith.constant 0 : i32
      %dma_wait3A_260 = tpu.memref_slice %arg26[%dma_wait3A_258, %dma_wait3A_259] : memref<5056x24xf32, #tpu.memory_space<vmem_shared>> -> memref<5056x24xf32, #tpu.memory_space<vmem_shared>>
      tpu.wait_indirect_dma semaphore(%arg21 : memref<!tpu.dma_semaphore, #tpu.memory_space<semaphore_mem>>) src(%dma_wait3A_260 : memref<5056x24xf32, #tpu.memory_space<vmem_shared>>) dst(%arg14 : memref<160x24xf32, #tpu.memory_space<vmem>>)
      %scan3A = arith.constant 0 : i32
      %scan3A_261 = arith.constant 10 : i32
      %scan3A_262 = arith.addi %scan3A, %scan3A_261 : i32
      %scan3A_263 = arith.constant 1 : i32
      scf.for %scan3A_460 = %scan3A to %scan3A_262 step %scan3A_263  : i32 {
        %mul3A_461 = arith.constant 1 : i32
        %mul3A_462 = arith.muli %scan3A_460, %mul3A_461 : i32
        %add3A_463 = arith.constant 0 : i32
        %add3A_464 = arith.addi %add3A_463, %mul3A_462 : i32
        %mul3A_465 = arith.constant 16 : i32
        %mul3A_466 = arith.muli %add3A_464, %mul3A_465 : i32
        %add3A_467 = arith.constant 0 : i32
        %add3A_468 = arith.addi %add3A_467, %mul3A_466 : i32
        %get3A = arith.index_cast %add3A_468 : i32 to index
        %get3A_469 = tpu.vector_load %arg9[%get3A] {strides = array<i32>} : memref<800xi32, #tpu.memory_space<vmem>>, vector<16xi32>,
        %mul3A_470 = arith.constant 16 : i32
        %mul3A_471 = arith.muli %add3A_464, %mul3A_470 : i32
        %swap3A = arith.index_cast %mul3A_471 : i32 to index
        %swap3A_472 = tpu.vector_load %arg10[%swap3A] {strides = array<i32>} : memref<160xi32, #tpu.memory_space<vmem>>, vector<16xi32>,
        tpu.vector_store %arg10[%swap3A], %get3A_469 {strides = array<i32>} : memref<160xi32, #tpu.memory_space<vmem>>, vector<16xi32>,
      }
      %scan3A_264 = arith.constant 10 : i32
      %scan3A_265 = arith.constant 0 : i32
      %scan3A_266 = arith.constant 10 : i32
      %scan3A_267 = arith.addi %scan3A_265, %scan3A_266 : i32
      %scan3A_268 = arith.constant 1 : i32
      scf.for %scan3A_460 = %scan3A_265 to %scan3A_267 step %scan3A_268  : i32 {
        %mul3A_461 = arith.constant 1 : i32
        %mul3A_462 = arith.muli %scan3A_460, %mul3A_461 : i32
        %add3A_463 = arith.constant 0 : i32
        %add3A_464 = arith.addi %add3A_463, %mul3A_462 : i32
        %mul3A_465 = arith.constant 16 : i32
        %mul3A_466 = arith.muli %add3A_464, %mul3A_465 : i32
        %add3A_467 = vector.broadcast %mul3A_466 : i32 to vector<16xi32>
        %add3A_468 = arith.addi %add3A_467, %iota3A : vector<16xi32>
        %add3A_469 = arith.constant 20 : i32
        %add3A_470 = vector.broadcast %add3A_469 : i32 to vector<16xi32>
        %add3A_471 = arith.addi %mul3A_13, %add3A_470 : vector<16xi32>
        %gather3A = tpu.vector_load_idx %arg14[%add3A_468, %add3A_471] : memref<160x24xf32, #tpu.memory_space<vmem>>[vector<16xi32>, vector<16xi32>], vector<16xf32>,
        %gather3A_472 = tpu.vector_load_idx %arg12[%add3A_468, %mul3A_13] : memref<160x8xf32, #tpu.memory_space<vmem>>[vector<16xi32>, vector<16xi32>], vector<16xf32>,
        %add3A_473 = arith.constant 21 : i32
        %add3A_474 = vector.broadcast %add3A_473 : i32 to vector<16xi32>
        %add3A_475 = arith.addi %mul3A_13, %add3A_474 : vector<16xi32>
        %gather3A_476 = tpu.vector_load_idx %arg14[%add3A_468, %add3A_475] : memref<160x24xf32, #tpu.memory_space<vmem>>[vector<16xi32>, vector<16xi32>], vector<16xf32>,
        %gather3A_477 = tpu.vector_load_idx %arg12[%add3A_468, %add3A_16] : memref<160x8xf32, #tpu.memory_space<vmem>>[vector<16xi32>, vector<16xi32>], vector<16xf32>,
        %add3A_478 = arith.addf %gather3A, %gather3A_472 : vector<16xf32>
        %add3A_479 = arith.addf %gather3A_476, %gather3A_477 : vector<16xf32>
        %mul3A_480 = arith.constant 2.000000e-01 : f32
        %mul3A_481 = vector.broadcast %mul3A_480 : f32 to vector<16xf32>
        %mul3A_482 = arith.mulf %mul3A_481, %add3A_478 : vector<16xf32>
        %max3A = arith.maximumf %add3A_478, %mul3A_482 : vector<16xf32>
        %exp3A = math.exp %max3A : vector<16xf32>
        %mul3A_483 = arith.constant 2.000000e-01 : f32
        %mul3A_484 = vector.broadcast %mul3A_483 : f32 to vector<16xf32>
        %mul3A_485 = arith.mulf %mul3A_484, %add3A_479 : vector<16xf32>
        %max3A_486 = arith.maximumf %add3A_479, %mul3A_485 : vector<16xf32>
        %exp3A_487 = math.exp %max3A_486 : vector<16xf32>
        %mul3A_488 = arith.constant 2 : i32
        %mul3A_489 = vector.broadcast %mul3A_488 : i32 to vector<16xi32>
        %mul3A_490 = arith.muli %add3A_468, %mul3A_489 : vector<16xi32>
        tpu.vector_store_idx %arg16[%mul3A_490], %exp3A : memref<320xf32, #tpu.memory_space<vmem>>[vector<16xi32>], vector<16xf32>,
        %mul3A_491 = arith.constant 2 : i32
        %mul3A_492 = vector.broadcast %mul3A_491 : i32 to vector<16xi32>
        %mul3A_493 = arith.muli %add3A_468, %mul3A_492 : vector<16xi32>
        %add3A_494 = arith.constant 1 : i32
        %add3A_495 = vector.broadcast %add3A_494 : i32 to vector<16xi32>
        %add3A_496 = arith.addi %mul3A_493, %add3A_495 : vector<16xi32>
        tpu.vector_store_idx %arg16[%add3A_496], %exp3A_487 : memref<320xf32, #tpu.memory_space<vmem>>[vector<16xi32>], vector<16xf32>,
      }
      %scan3A_269 = arith.constant 10 : i32
      %scan3A_270 = arith.constant 0 : i32
      %scan3A_271 = arith.constant 80 : i32
      %scan3A_272 = arith.addi %scan3A_270, %scan3A_271 : i32
      %scan3A_273 = arith.constant 4 : i32
      scf.for %scan3A_460 = %scan3A_270 to %scan3A_272 step %scan3A_273  : i32 {
        %mul3A_461 = arith.constant 1 : i32
        %mul3A_462 = arith.muli %scan3A_460, %mul3A_461 : i32
        %add3A_463 = arith.constant 0 : i32
        %add3A_464 = arith.addi %add3A_463, %mul3A_462 : i32
        %mul3A_465 = arith.constant 2 : i32
        %mul3A_466 = arith.muli %add3A_464, %mul3A_465 : i32
        %add3A_467 = vector.broadcast %mul3A_466 : i32 to vector<16xi32>
        %add3A_468 = arith.addi %add3A_467, %select_n3A : vector<16xi32>
        %gather3A = tpu.vector_load_idx %arg14[%add3A_468, %select_n3A_62] : memref<160x24xf32, #tpu.memory_space<vmem>>[vector<16xi32>, vector<16xi32>], vector<16xf32>,
        %mul3A_469 = arith.constant 4 : i32
        %mul3A_470 = arith.muli %add3A_464, %mul3A_469 : i32
        %add3A_471 = vector.broadcast %mul3A_470 : i32 to vector<16xi32>
        %add3A_472 = arith.addi %add3A_68, %add3A_471 : vector<16xi32>
        %gather3A_473 = tpu.vector_load_idx %arg16[%add3A_472] : memref<320xf32, #tpu.memory_space<vmem>>[vector<16xi32>], vector<16xf32>,
        %mul3A_474 = arith.mulf %gather3A, %gather3A_473 : vector<16xf32>
        tpu.vector_store_idx %arg17[%add3A_468, %select_n3A_62], %mul3A_474 : memref<160x24xf32, #tpu.memory_space<vmem>>[vector<16xi32>, vector<16xi32>], vector<16xf32>,
        %mul3A_475 = arith.constant 2 : i32
        %mul3A_476 = arith.muli %add3A_464, %mul3A_475 : i32
        %add3A_477 = vector.broadcast %mul3A_476 : i32 to vector<16xi32>
        %add3A_478 = arith.addi %add3A_477, %select_n3A_102 : vector<16xi32>
        %gather3A_479 = tpu.vector_load_idx %arg14[%add3A_478, %select_n3A_124] : memref<160x24xf32, #tpu.memory_space<vmem>>[vector<16xi32>, vector<16xi32>], vector<16xf32>,
        %mul3A_480 = arith.constant 4 : i32
        %mul3A_481 = arith.muli %add3A_464, %mul3A_480 : i32
        %add3A_482 = vector.broadcast %mul3A_481 : i32 to vector<16xi32>
        %add3A_483 = arith.addi %add3A_132, %add3A_482 : vector<16xi32>
        %gather3A_484 = tpu.vector_load_idx %arg16[%add3A_483] : memref<320xf32, #tpu.memory_space<vmem>>[vector<16xi32>], vector<16xf32>,
        %mul3A_485 = arith.mulf %gather3A_479, %gather3A_484 : vector<16xf32>
        tpu.vector_store_idx %arg17[%add3A_478, %select_n3A_124], %mul3A_485 : memref<160x24xf32, #tpu.memory_space<vmem>>[vector<16xi32>, vector<16xi32>], vector<16xf32>,
        %mul3A_486 = arith.constant 2 : i32
        %mul3A_487 = arith.muli %add3A_464, %mul3A_486 : i32
        %add3A_488 = vector.broadcast %mul3A_487 : i32 to vector<16xi32>
        %add3A_489 = arith.addi %add3A_488, %select_n3A_166 : vector<16xi32>
        %gather3A_490 = tpu.vector_load_idx %arg14[%add3A_489, %select_n3A_188] : memref<160x24xf32, #tpu.memory_space<vmem>>[vector<16xi32>, vector<16xi32>], vector<16xf32>,
        %mul3A_491 = arith.constant 4 : i32
        %mul3A_492 = arith.muli %add3A_464, %mul3A_491 : i32
        %add3A_493 = vector.broadcast %mul3A_492 : i32 to vector<16xi32>
        %add3A_494 = arith.addi %add3A_196, %add3A_493 : vector<16xi32>
        %gather3A_495 = tpu.vector_load_idx %arg16[%add3A_494] : memref<320xf32, #tpu.memory_space<vmem>>[vector<16xi32>], vector<16xf32>,
        %mul3A_496 = arith.mulf %gather3A_490, %gather3A_495 : vector<16xf32>
        tpu.vector_store_idx %arg17[%add3A_489, %select_n3A_188], %mul3A_496 : memref<160x24xf32, #tpu.memory_space<vmem>>[vector<16xi32>, vector<16xi32>], vector<16xf32>,
        %scan3A_497 = arith.constant 1 : i32
        %scan3A_498 = arith.addi %scan3A_460, %scan3A_497 : i32
        %mul3A_499 = arith.constant 1 : i32
        %mul3A_500 = arith.muli %scan3A_498, %mul3A_499 : i32
        %add3A_501 = arith.constant 0 : i32
        %add3A_502 = arith.addi %add3A_501, %mul3A_500 : i32
        %mul3A_503 = arith.constant 2 : i32
        %mul3A_504 = arith.muli %add3A_502, %mul3A_503 : i32
        %add3A_505 = vector.broadcast %mul3A_504 : i32 to vector<16xi32>
        %add3A_506 = arith.addi %add3A_505, %select_n3A : vector<16xi32>
        %gather3A_507 = tpu.vector_load_idx %arg14[%add3A_506, %select_n3A_62] : memref<160x24xf32, #tpu.memory_space<vmem>>[vector<16xi32>, vector<16xi32>], vector<16xf32>,
        %mul3A_508 = arith.constant 4 : i32
        %mul3A_509 = arith.muli %add3A_502, %mul3A_508 : i32
        %add3A_510 = vector.broadcast %mul3A_509 : i32 to vector<16xi32>
        %add3A_511 = arith.addi %add3A_68, %add3A_510 : vector<16xi32>
        %gather3A_512 = tpu.vector_load_idx %arg16[%add3A_511] : memref<320xf32, #tpu.memory_space<vmem>>[vector<16xi32>], vector<16xf32>,
        %mul3A_513 = arith.mulf %gather3A_507, %gather3A_512 : vector<16xf32>
        tpu.vector_store_idx %arg17[%add3A_506, %select_n3A_62], %mul3A_513 : memref<160x24xf32, #tpu.memory_space<vmem>>[vector<16xi32>, vector<16xi32>], vector<16xf32>,
        %mul3A_514 = arith.constant 2 : i32
        %mul3A_515 = arith.muli %add3A_502, %mul3A_514 : i32
        %add3A_516 = vector.broadcast %mul3A_515 : i32 to vector<16xi32>
        %add3A_517 = arith.addi %add3A_516, %select_n3A_102 : vector<16xi32>
        %gather3A_518 = tpu.vector_load_idx %arg14[%add3A_517, %select_n3A_124] : memref<160x24xf32, #tpu.memory_space<vmem>>[vector<16xi32>, vector<16xi32>], vector<16xf32>,
        %mul3A_519 = arith.constant 4 : i32
        %mul3A_520 = arith.muli %add3A_502, %mul3A_519 : i32
        %add3A_521 = vector.broadcast %mul3A_520 : i32 to vector<16xi32>
        %add3A_522 = arith.addi %add3A_132, %add3A_521 : vector<16xi32>
        %gather3A_523 = tpu.vector_load_idx %arg16[%add3A_522] : memref<320xf32, #tpu.memory_space<vmem>>[vector<16xi32>], vector<16xf32>,
        %mul3A_524 = arith.mulf %gather3A_518, %gather3A_523 : vector<16xf32>
        tpu.vector_store_idx %arg17[%add3A_517, %select_n3A_124], %mul3A_524 : memref<160x24xf32, #tpu.memory_space<vmem>>[vector<16xi32>, vector<16xi32>], vector<16xf32>,
        %mul3A_525 = arith.constant 2 : i32
        %mul3A_526 = arith.muli %add3A_502, %mul3A_525 : i32
        %add3A_527 = vector.broadcast %mul3A_526 : i32 to vector<16xi32>
        %add3A_528 = arith.addi %add3A_527, %select_n3A_166 : vector<16xi32>
        %gather3A_529 = tpu.vector_load_idx %arg14[%add3A_528, %select_n3A_188] : memref<160x24xf32, #tpu.memory_space<vmem>>[vector<16xi32>, vector<16xi32>], vector<16xf32>,
        %mul3A_530 = arith.constant 4 : i32
        %mul3A_531 = arith.muli %add3A_502, %mul3A_530 : i32
        %add3A_532 = vector.broadcast %mul3A_531 : i32 to vector<16xi32>
        %add3A_533 = arith.addi %add3A_196, %add3A_532 : vector<16xi32>
        %gather3A_534 = tpu.vector_load_idx %arg16[%add3A_533] : memref<320xf32, #tpu.memory_space<vmem>>[vector<16xi32>], vector<16xf32>,
        %mul3A_535 = arith.mulf %gather3A_529, %gather3A_534 : vector<16xf32>
        tpu.vector_store_idx %arg17[%add3A_528, %select_n3A_188], %mul3A_535 : memref<160x24xf32, #tpu.memory_space<vmem>>[vector<16xi32>, vector<16xi32>], vector<16xf32>,
        %scan3A_536 = arith.constant 2 : i32
        %scan3A_537 = arith.addi %scan3A_460, %scan3A_536 : i32
        %mul3A_538 = arith.constant 1 : i32
        %mul3A_539 = arith.muli %scan3A_537, %mul3A_538 : i32
        %add3A_540 = arith.constant 0 : i32
        %add3A_541 = arith.addi %add3A_540, %mul3A_539 : i32
        %mul3A_542 = arith.constant 2 : i32
        %mul3A_543 = arith.muli %add3A_541, %mul3A_542 : i32
        %add3A_544 = vector.broadcast %mul3A_543 : i32 to vector<16xi32>
        %add3A_545 = arith.addi %add3A_544, %select_n3A : vector<16xi32>
        %gather3A_546 = tpu.vector_load_idx %arg14[%add3A_545, %select_n3A_62] : memref<160x24xf32, #tpu.memory_space<vmem>>[vector<16xi32>, vector<16xi32>], vector<16xf32>,
        %mul3A_547 = arith.constant 4 : i32
        %mul3A_548 = arith.muli %add3A_541, %mul3A_547 : i32
        %add3A_549 = vector.broadcast %mul3A_548 : i32 to vector<16xi32>
        %add3A_550 = arith.addi %add3A_68, %add3A_549 : vector<16xi32>
        %gather3A_551 = tpu.vector_load_idx %arg16[%add3A_550] : memref<320xf32, #tpu.memory_space<vmem>>[vector<16xi32>], vector<16xf32>,
        %mul3A_552 = arith.mulf %gather3A_546, %gather3A_551 : vector<16xf32>
        tpu.vector_store_idx %arg17[%add3A_545, %select_n3A_62], %mul3A_552 : memref<160x24xf32, #tpu.memory_space<vmem>>[vector<16xi32>, vector<16xi32>], vector<16xf32>,
        %mul3A_553 = arith.constant 2 : i32
        %mul3A_554 = arith.muli %add3A_541, %mul3A_553 : i32
        %add3A_555 = vector.broadcast %mul3A_554 : i32 to vector<16xi32>
        %add3A_556 = arith.addi %add3A_555, %select_n3A_102 : vector<16xi32>
        %gather3A_557 = tpu.vector_load_idx %arg14[%add3A_556, %select_n3A_124] : memref<160x24xf32, #tpu.memory_space<vmem>>[vector<16xi32>, vector<16xi32>], vector<16xf32>,
        %mul3A_558 = arith.constant 4 : i32
        %mul3A_559 = arith.muli %add3A_541, %mul3A_558 : i32
        %add3A_560 = vector.broadcast %mul3A_559 : i32 to vector<16xi32>
        %add3A_561 = arith.addi %add3A_132, %add3A_560 : vector<16xi32>
        %gather3A_562 = tpu.vector_load_idx %arg16[%add3A_561] : memref<320xf32, #tpu.memory_space<vmem>>[vector<16xi32>], vector<16xf32>,
        %mul3A_563 = arith.mulf %gather3A_557, %gather3A_562 : vector<16xf32>
        tpu.vector_store_idx %arg17[%add3A_556, %select_n3A_124], %mul3A_563 : memref<160x24xf32, #tpu.memory_space<vmem>>[vector<16xi32>, vector<16xi32>], vector<16xf32>,
        %mul3A_564 = arith.constant 2 : i32
        %mul3A_565 = arith.muli %add3A_541, %mul3A_564 : i32
        %add3A_566 = vector.broadcast %mul3A_565 : i32 to vector<16xi32>
        %add3A_567 = arith.addi %add3A_566, %select_n3A_166 : vector<16xi32>
        %gather3A_568 = tpu.vector_load_idx %arg14[%add3A_567, %select_n3A_188] : memref<160x24xf32, #tpu.memory_space<vmem>>[vector<16xi32>, vector<16xi32>], vector<16xf32>,
        %mul3A_569 = arith.constant 4 : i32
        %mul3A_570 = arith.muli %add3A_541, %mul3A_569 : i32
        %add3A_571 = vector.broadcast %mul3A_570 : i32 to vector<16xi32>
        %add3A_572 = arith.addi %add3A_196, %add3A_571 : vector<16xi32>
        %gather3A_573 = tpu.vector_load_idx %arg16[%add3A_572] : memref<320xf32, #tpu.memory_space<vmem>>[vector<16xi32>], vector<16xf32>,
        %mul3A_574 = arith.mulf %gather3A_568, %gather3A_573 : vector<16xf32>
        tpu.vector_store_idx %arg17[%add3A_567, %select_n3A_188], %mul3A_574 : memref<160x24xf32, #tpu.memory_space<vmem>>[vector<16xi32>, vector<16xi32>], vector<16xf32>,
        %scan3A_575 = arith.constant 3 : i32
        %scan3A_576 = arith.addi %scan3A_460, %scan3A_575 : i32
        %mul3A_577 = arith.constant 1 : i32
        %mul3A_578 = arith.muli %scan3A_576, %mul3A_577 : i32
        %add3A_579 = arith.constant 0 : i32
        %add3A_580 = arith.addi %add3A_579, %mul3A_578 : i32
        %mul3A_581 = arith.constant 2 : i32
        %mul3A_582 = arith.muli %add3A_580, %mul3A_581 : i32
        %add3A_583 = vector.broadcast %mul3A_582 : i32 to vector<16xi32>
        %add3A_584 = arith.addi %add3A_583, %select_n3A : vector<16xi32>
        %gather3A_585 = tpu.vector_load_idx %arg14[%add3A_584, %select_n3A_62] : memref<160x24xf32, #tpu.memory_space<vmem>>[vector<16xi32>, vector<16xi32>], vector<16xf32>,
        %mul3A_586 = arith.constant 4 : i32
        %mul3A_587 = arith.muli %add3A_580, %mul3A_586 : i32
        %add3A_588 = vector.broadcast %mul3A_587 : i32 to vector<16xi32>
        %add3A_589 = arith.addi %add3A_68, %add3A_588 : vector<16xi32>
        %gather3A_590 = tpu.vector_load_idx %arg16[%add3A_589] : memref<320xf32, #tpu.memory_space<vmem>>[vector<16xi32>], vector<16xf32>,
        %mul3A_591 = arith.mulf %gather3A_585, %gather3A_590 : vector<16xf32>
        tpu.vector_store_idx %arg17[%add3A_584, %select_n3A_62], %mul3A_591 : memref<160x24xf32, #tpu.memory_space<vmem>>[vector<16xi32>, vector<16xi32>], vector<16xf32>,
        %mul3A_592 = arith.constant 2 : i32
        %mul3A_593 = arith.muli %add3A_580, %mul3A_592 : i32
        %add3A_594 = vector.broadcast %mul3A_593 : i32 to vector<16xi32>
        %add3A_595 = arith.addi %add3A_594, %select_n3A_102 : vector<16xi32>
        %gather3A_596 = tpu.vector_load_idx %arg14[%add3A_595, %select_n3A_124] : memref<160x24xf32, #tpu.memory_space<vmem>>[vector<16xi32>, vector<16xi32>], vector<16xf32>,
        %mul3A_597 = arith.constant 4 : i32
        %mul3A_598 = arith.muli %add3A_580, %mul3A_597 : i32
        %add3A_599 = vector.broadcast %mul3A_598 : i32 to vector<16xi32>
        %add3A_600 = arith.addi %add3A_132, %add3A_599 : vector<16xi32>
        %gather3A_601 = tpu.vector_load_idx %arg16[%add3A_600] : memref<320xf32, #tpu.memory_space<vmem>>[vector<16xi32>], vector<16xf32>,
        %mul3A_602 = arith.mulf %gather3A_596, %gather3A_601 : vector<16xf32>
        tpu.vector_store_idx %arg17[%add3A_595, %select_n3A_124], %mul3A_602 : memref<160x24xf32, #tpu.memory_space<vmem>>[vector<16xi32>, vector<16xi32>], vector<16xf32>,
        %mul3A_603 = arith.constant 2 : i32
        %mul3A_604 = arith.muli %add3A_580, %mul3A_603 : i32
        %add3A_605 = vector.broadcast %mul3A_604 : i32 to vector<16xi32>
        %add3A_606 = arith.addi %add3A_605, %select_n3A_166 : vector<16xi32>
        %gather3A_607 = tpu.vector_load_idx %arg14[%add3A_606, %select_n3A_188] : memref<160x24xf32, #tpu.memory_space<vmem>>[vector<16xi32>, vector<16xi32>], vector<16xf32>,
        %mul3A_608 = arith.constant 4 : i32
        %mul3A_609 = arith.muli %add3A_580, %mul3A_608 : i32
        %add3A_610 = vector.broadcast %mul3A_609 : i32 to vector<16xi32>
        %add3A_611 = arith.addi %add3A_196, %add3A_610 : vector<16xi32>
        %gather3A_612 = tpu.vector_load_idx %arg16[%add3A_611] : memref<320xf32, #tpu.memory_space<vmem>>[vector<16xi32>], vector<16xf32>,
        %mul3A_613 = arith.mulf %gather3A_607, %gather3A_612 : vector<16xf32>
        tpu.vector_store_idx %arg17[%add3A_606, %select_n3A_188], %mul3A_613 : memref<160x24xf32, #tpu.memory_space<vmem>>[vector<16xi32>, vector<16xi32>], vector<16xf32>,
      }
      %scan3A_274 = arith.constant 80 : i32
      %scan3A_275 = arith.constant 0 : i32
      %scan3A_276 = arith.constant 10 : i32
      %scan3A_277 = arith.addi %scan3A_275, %scan3A_276 : i32
      %scan3A_278 = arith.constant 1 : i32
      scf.for %scan3A_460 = %scan3A_275 to %scan3A_277 step %scan3A_278  : i32 {
        %mul3A_461 = arith.constant 1 : i32
        %mul3A_462 = arith.muli %scan3A_460, %mul3A_461 : i32
        %add3A_463 = arith.constant 0 : i32
        %add3A_464 = arith.addi %add3A_463, %mul3A_462 : i32
        %mul3A_465 = arith.constant 16 : i32
        %mul3A_466 = arith.muli %add3A_464, %mul3A_465 : i32
        %add3A_467 = vector.broadcast %mul3A_466 : i32 to vector<16xi32>
        %add3A_468 = arith.addi %add3A_467, %iota3A : vector<16xi32>
        %mul3A_469 = arith.constant 2 : i32
        %mul3A_470 = vector.broadcast %mul3A_469 : i32 to vector<16xi32>
        %mul3A_471 = arith.muli %add3A_468, %mul3A_470 : vector<16xi32>
        %gather3A = tpu.vector_load_idx %arg16[%mul3A_471] : memref<320xf32, #tpu.memory_space<vmem>>[vector<16xi32>], vector<16xf32>,
        %mul3A_472 = arith.constant 2 : i32
        %mul3A_473 = vector.broadcast %mul3A_472 : i32 to vector<16xi32>
        %mul3A_474 = arith.muli %add3A_468, %mul3A_473 : vector<16xi32>
        %add3A_475 = arith.constant 1 : i32
        %add3A_476 = vector.broadcast %add3A_475 : i32 to vector<16xi32>
        %add3A_477 = arith.addi %mul3A_474, %add3A_476 : vector<16xi32>
        %gather3A_478 = tpu.vector_load_idx %arg16[%add3A_477] : memref<320xf32, #tpu.memory_space<vmem>>[vector<16xi32>], vector<16xf32>,
        %add3A_479 = arith.constant 20 : i32
        %add3A_480 = vector.broadcast %add3A_479 : i32 to vector<16xi32>
        %add3A_481 = arith.addi %mul3A_13, %add3A_480 : vector<16xi32>
        tpu.vector_store_idx %arg17[%add3A_468, %add3A_481], %gather3A : memref<160x24xf32, #tpu.memory_space<vmem>>[vector<16xi32>, vector<16xi32>], vector<16xf32>,
        %add3A_482 = arith.constant 21 : i32
        %add3A_483 = vector.broadcast %add3A_482 : i32 to vector<16xi32>
        %add3A_484 = arith.addi %mul3A_13, %add3A_483 : vector<16xi32>
        tpu.vector_store_idx %arg17[%add3A_468, %add3A_484], %gather3A_478 : memref<160x24xf32, #tpu.memory_space<vmem>>[vector<16xi32>, vector<16xi32>], vector<16xf32>,
      }
      %scan3A_279 = arith.constant 10 : i32
      %dma_start3A_280 = arith.constant 0 : i32
      %dma_start3A_281 = arith.constant 0 : i32
      %dma_start3A_282 = tpu.memref_slice %arg27[%dma_start3A_280, %dma_start3A_281] : memref<50048x24xf32, #tpu.memory_space<vmem_shared>> -> memref<50048x24xf32, #tpu.memory_space<vmem_shared>>
      tpu.enqueue_indirect_dma source(%arg17 : memref<160x24xf32, #tpu.memory_space<vmem>>) target(%dma_start3A_282 : memref<50048x24xf32, #tpu.memory_space<vmem_shared>>) offsets(%arg10 : memref<160xi32, #tpu.memory_space<vmem>>) semaphore(%arg23 : memref<!tpu.dma_semaphore, #tpu.memory_space<semaphore_mem>>) {add = true}
      %dma_start3A_283 = arith.constant 320 : i32
      %dma_start3A_284 = tpu.memref_slice %arg9[%dma_start3A_283] : memref<800xi32, #tpu.memory_space<vmem>> -> memref<160xi32, #tpu.memory_space<vmem>>
      %dma_start3A_285 = arith.constant 0 : i32
      %dma_start3A_286 = arith.constant 0 : i32
      %dma_start3A_287 = tpu.memref_slice %arg25[%dma_start3A_285, %dma_start3A_286] : memref<50048x8xf32, #tpu.memory_space<vmem_shared>> -> memref<50048x8xf32, #tpu.memory_space<vmem_shared>>
      tpu.enqueue_indirect_dma source(%dma_start3A_287 : memref<50048x8xf32, #tpu.memory_space<vmem_shared>>) target(%arg12 : memref<160x8xf32, #tpu.memory_space<vmem>>) offsets(%dma_start3A_284 : memref<160xi32, #tpu.memory_space<vmem>>) semaphore(%arg19 : memref<!tpu.dma_semaphore, #tpu.memory_space<semaphore_mem>>)
      %dma_start3A_288 = arith.constant 320 : i32
      %dma_start3A_289 = tpu.memref_slice %arg8[%dma_start3A_288] : memref<800xi32, #tpu.memory_space<vmem>> -> memref<160xi32, #tpu.memory_space<vmem>>
      %dma_start3A_290 = arith.constant 0 : i32
      %dma_start3A_291 = arith.constant 0 : i32
      %dma_start3A_292 = tpu.memref_slice %arg26[%dma_start3A_290, %dma_start3A_291] : memref<5056x24xf32, #tpu.memory_space<vmem_shared>> -> memref<5056x24xf32, #tpu.memory_space<vmem_shared>>
      tpu.enqueue_indirect_dma source(%dma_start3A_292 : memref<5056x24xf32, #tpu.memory_space<vmem_shared>>) target(%arg14 : memref<160x24xf32, #tpu.memory_space<vmem>>) offsets(%dma_start3A_289 : memref<160xi32, #tpu.memory_space<vmem>>) semaphore(%arg21 : memref<!tpu.dma_semaphore, #tpu.memory_space<semaphore_mem>>)
      %dma_wait3A_293 = arith.constant 160 : i32
      %dma_wait3A_294 = tpu.memref_slice %arg9[%dma_wait3A_293] : memref<800xi32, #tpu.memory_space<vmem>> -> memref<160xi32, #tpu.memory_space<vmem>>
      %dma_wait3A_295 = arith.constant 0 : i32
      %dma_wait3A_296 = arith.constant 0 : i32
      %dma_wait3A_297 = tpu.memref_slice %arg25[%dma_wait3A_295, %dma_wait3A_296] : memref<50048x8xf32, #tpu.memory_space<vmem_shared>> -> memref<50048x8xf32, #tpu.memory_space<vmem_shared>>
      tpu.wait_indirect_dma semaphore(%arg20 : memref<!tpu.dma_semaphore, #tpu.memory_space<semaphore_mem>>) src(%dma_wait3A_297 : memref<50048x8xf32, #tpu.memory_space<vmem_shared>>) dst(%arg13 : memref<160x8xf32, #tpu.memory_space<vmem>>)
      %dma_wait3A_298 = arith.constant 160 : i32
      %dma_wait3A_299 = tpu.memref_slice %arg8[%dma_wait3A_298] : memref<800xi32, #tpu.memory_space<vmem>> -> memref<160xi32, #tpu.memory_space<vmem>>
      %dma_wait3A_300 = arith.constant 0 : i32
      %dma_wait3A_301 = arith.constant 0 : i32
      %dma_wait3A_302 = tpu.memref_slice %arg26[%dma_wait3A_300, %dma_wait3A_301] : memref<5056x24xf32, #tpu.memory_space<vmem_shared>> -> memref<5056x24xf32, #tpu.memory_space<vmem_shared>>
      tpu.wait_indirect_dma semaphore(%arg22 : memref<!tpu.dma_semaphore, #tpu.memory_space<semaphore_mem>>) src(%dma_wait3A_302 : memref<5056x24xf32, #tpu.memory_space<vmem_shared>>) dst(%arg15 : memref<160x24xf32, #tpu.memory_space<vmem>>)
      %scan3A_303 = arith.constant 0 : i32
      %scan3A_304 = arith.constant 10 : i32
      %scan3A_305 = arith.addi %scan3A_303, %scan3A_304 : i32
      %scan3A_306 = arith.constant 1 : i32
      scf.for %scan3A_460 = %scan3A_303 to %scan3A_305 step %scan3A_306  : i32 {
        %mul3A_461 = arith.constant 1 : i32
        %mul3A_462 = arith.muli %scan3A_460, %mul3A_461 : i32
        %add3A_463 = arith.constant 0 : i32
        %add3A_464 = arith.addi %add3A_463, %mul3A_462 : i32
        %mul3A_465 = arith.constant 16 : i32
        %mul3A_466 = arith.muli %add3A_464, %mul3A_465 : i32
        %add3A_467 = arith.constant 160 : i32
        %add3A_468 = arith.addi %add3A_467, %mul3A_466 : i32
        %get3A = arith.index_cast %add3A_468 : i32 to index
        %get3A_469 = tpu.vector_load %arg9[%get3A] {strides = array<i32>} : memref<800xi32, #tpu.memory_space<vmem>>, vector<16xi32>,
        %mul3A_470 = arith.constant 16 : i32
        %mul3A_471 = arith.muli %add3A_464, %mul3A_470 : i32
        %swap3A = arith.index_cast %mul3A_471 : i32 to index
        %swap3A_472 = tpu.vector_load %arg11[%swap3A] {strides = array<i32>} : memref<160xi32, #tpu.memory_space<vmem>>, vector<16xi32>,
        tpu.vector_store %arg11[%swap3A], %get3A_469 {strides = array<i32>} : memref<160xi32, #tpu.memory_space<vmem>>, vector<16xi32>,
      }
      %scan3A_307 = arith.constant 10 : i32
      %scan3A_308 = arith.constant 0 : i32
      %scan3A_309 = arith.constant 10 : i32
      %scan3A_310 = arith.addi %scan3A_308, %scan3A_309 : i32
      %scan3A_311 = arith.constant 1 : i32
      scf.for %scan3A_460 = %scan3A_308 to %scan3A_310 step %scan3A_311  : i32 {
        %mul3A_461 = arith.constant 1 : i32
        %mul3A_462 = arith.muli %scan3A_460, %mul3A_461 : i32
        %add3A_463 = arith.constant 0 : i32
        %add3A_464 = arith.addi %add3A_463, %mul3A_462 : i32
        %mul3A_465 = arith.constant 16 : i32
        %mul3A_466 = arith.muli %add3A_464, %mul3A_465 : i32
        %add3A_467 = vector.broadcast %mul3A_466 : i32 to vector<16xi32>
        %add3A_468 = arith.addi %add3A_467, %iota3A : vector<16xi32>
        %add3A_469 = arith.constant 20 : i32
        %add3A_470 = vector.broadcast %add3A_469 : i32 to vector<16xi32>
        %add3A_471 = arith.addi %mul3A_13, %add3A_470 : vector<16xi32>
        %gather3A = tpu.vector_load_idx %arg15[%add3A_468, %add3A_471] : memref<160x24xf32, #tpu.memory_space<vmem>>[vector<16xi32>, vector<16xi32>], vector<16xf32>,
        %gather3A_472 = tpu.vector_load_idx %arg13[%add3A_468, %mul3A_13] : memref<160x8xf32, #tpu.memory_space<vmem>>[vector<16xi32>, vector<16xi32>], vector<16xf32>,
        %add3A_473 = arith.constant 21 : i32
        %add3A_474 = vector.broadcast %add3A_473 : i32 to vector<16xi32>
        %add3A_475 = arith.addi %mul3A_13, %add3A_474 : vector<16xi32>
        %gather3A_476 = tpu.vector_load_idx %arg15[%add3A_468, %add3A_475] : memref<160x24xf32, #tpu.memory_space<vmem>>[vector<16xi32>, vector<16xi32>], vector<16xf32>,
        %gather3A_477 = tpu.vector_load_idx %arg13[%add3A_468, %add3A_16] : memref<160x8xf32, #tpu.memory_space<vmem>>[vector<16xi32>, vector<16xi32>], vector<16xf32>,
        %add3A_478 = arith.addf %gather3A, %gather3A_472 : vector<16xf32>
        %add3A_479 = arith.addf %gather3A_476, %gather3A_477 : vector<16xf32>
        %mul3A_480 = arith.constant 2.000000e-01 : f32
        %mul3A_481 = vector.broadcast %mul3A_480 : f32 to vector<16xf32>
        %mul3A_482 = arith.mulf %mul3A_481, %add3A_478 : vector<16xf32>
        %max3A = arith.maximumf %add3A_478, %mul3A_482 : vector<16xf32>
        %exp3A = math.exp %max3A : vector<16xf32>
        %mul3A_483 = arith.constant 2.000000e-01 : f32
        %mul3A_484 = vector.broadcast %mul3A_483 : f32 to vector<16xf32>
        %mul3A_485 = arith.mulf %mul3A_484, %add3A_479 : vector<16xf32>
        %max3A_486 = arith.maximumf %add3A_479, %mul3A_485 : vector<16xf32>
        %exp3A_487 = math.exp %max3A_486 : vector<16xf32>
        %mul3A_488 = arith.constant 2 : i32
        %mul3A_489 = vector.broadcast %mul3A_488 : i32 to vector<16xi32>
        %mul3A_490 = arith.muli %add3A_468, %mul3A_489 : vector<16xi32>
        tpu.vector_store_idx %arg16[%mul3A_490], %exp3A : memref<320xf32, #tpu.memory_space<vmem>>[vector<16xi32>], vector<16xf32>,
        %mul3A_491 = arith.constant 2 : i32
        %mul3A_492 = vector.broadcast %mul3A_491 : i32 to vector<16xi32>
        %mul3A_493 = arith.muli %add3A_468, %mul3A_492 : vector<16xi32>
        %add3A_494 = arith.constant 1 : i32
        %add3A_495 = vector.broadcast %add3A_494 : i32 to vector<16xi32>
        %add3A_496 = arith.addi %mul3A_493, %add3A_495 : vector<16xi32>
        tpu.vector_store_idx %arg16[%add3A_496], %exp3A_487 : memref<320xf32, #tpu.memory_space<vmem>>[vector<16xi32>], vector<16xf32>,
      }
      %scan3A_312 = arith.constant 10 : i32
      %scan3A_313 = arith.constant 0 : i32
      %scan3A_314 = arith.constant 80 : i32
      %scan3A_315 = arith.addi %scan3A_313, %scan3A_314 : i32
      %scan3A_316 = arith.constant 4 : i32
      scf.for %scan3A_460 = %scan3A_313 to %scan3A_315 step %scan3A_316  : i32 {
        %mul3A_461 = arith.constant 1 : i32
        %mul3A_462 = arith.muli %scan3A_460, %mul3A_461 : i32
        %add3A_463 = arith.constant 0 : i32
        %add3A_464 = arith.addi %add3A_463, %mul3A_462 : i32
        %mul3A_465 = arith.constant 2 : i32
        %mul3A_466 = arith.muli %add3A_464, %mul3A_465 : i32
        %add3A_467 = vector.broadcast %mul3A_466 : i32 to vector<16xi32>
        %add3A_468 = arith.addi %add3A_467, %select_n3A : vector<16xi32>
        %gather3A = tpu.vector_load_idx %arg15[%add3A_468, %select_n3A_62] : memref<160x24xf32, #tpu.memory_space<vmem>>[vector<16xi32>, vector<16xi32>], vector<16xf32>,
        %mul3A_469 = arith.constant 4 : i32
        %mul3A_470 = arith.muli %add3A_464, %mul3A_469 : i32
        %add3A_471 = vector.broadcast %mul3A_470 : i32 to vector<16xi32>
        %add3A_472 = arith.addi %add3A_68, %add3A_471 : vector<16xi32>
        %gather3A_473 = tpu.vector_load_idx %arg16[%add3A_472] : memref<320xf32, #tpu.memory_space<vmem>>[vector<16xi32>], vector<16xf32>,
        %mul3A_474 = arith.mulf %gather3A, %gather3A_473 : vector<16xf32>
        tpu.vector_store_idx %arg18[%add3A_468, %select_n3A_62], %mul3A_474 : memref<160x24xf32, #tpu.memory_space<vmem>>[vector<16xi32>, vector<16xi32>], vector<16xf32>,
        %mul3A_475 = arith.constant 2 : i32
        %mul3A_476 = arith.muli %add3A_464, %mul3A_475 : i32
        %add3A_477 = vector.broadcast %mul3A_476 : i32 to vector<16xi32>
        %add3A_478 = arith.addi %add3A_477, %select_n3A_102 : vector<16xi32>
        %gather3A_479 = tpu.vector_load_idx %arg15[%add3A_478, %select_n3A_124] : memref<160x24xf32, #tpu.memory_space<vmem>>[vector<16xi32>, vector<16xi32>], vector<16xf32>,
        %mul3A_480 = arith.constant 4 : i32
        %mul3A_481 = arith.muli %add3A_464, %mul3A_480 : i32
        %add3A_482 = vector.broadcast %mul3A_481 : i32 to vector<16xi32>
        %add3A_483 = arith.addi %add3A_132, %add3A_482 : vector<16xi32>
        %gather3A_484 = tpu.vector_load_idx %arg16[%add3A_483] : memref<320xf32, #tpu.memory_space<vmem>>[vector<16xi32>], vector<16xf32>,
        %mul3A_485 = arith.mulf %gather3A_479, %gather3A_484 : vector<16xf32>
        tpu.vector_store_idx %arg18[%add3A_478, %select_n3A_124], %mul3A_485 : memref<160x24xf32, #tpu.memory_space<vmem>>[vector<16xi32>, vector<16xi32>], vector<16xf32>,
        %mul3A_486 = arith.constant 2 : i32
        %mul3A_487 = arith.muli %add3A_464, %mul3A_486 : i32
        %add3A_488 = vector.broadcast %mul3A_487 : i32 to vector<16xi32>
        %add3A_489 = arith.addi %add3A_488, %select_n3A_166 : vector<16xi32>
        %gather3A_490 = tpu.vector_load_idx %arg15[%add3A_489, %select_n3A_188] : memref<160x24xf32, #tpu.memory_space<vmem>>[vector<16xi32>, vector<16xi32>], vector<16xf32>,
        %mul3A_491 = arith.constant 4 : i32
        %mul3A_492 = arith.muli %add3A_464, %mul3A_491 : i32
        %add3A_493 = vector.broadcast %mul3A_492 : i32 to vector<16xi32>
        %add3A_494 = arith.addi %add3A_196, %add3A_493 : vector<16xi32>
        %gather3A_495 = tpu.vector_load_idx %arg16[%add3A_494] : memref<320xf32, #tpu.memory_space<vmem>>[vector<16xi32>], vector<16xf32>,
        %mul3A_496 = arith.mulf %gather3A_490, %gather3A_495 : vector<16xf32>
        tpu.vector_store_idx %arg18[%add3A_489, %select_n3A_188], %mul3A_496 : memref<160x24xf32, #tpu.memory_space<vmem>>[vector<16xi32>, vector<16xi32>], vector<16xf32>,
        %scan3A_497 = arith.constant 1 : i32
        %scan3A_498 = arith.addi %scan3A_460, %scan3A_497 : i32
        %mul3A_499 = arith.constant 1 : i32
        %mul3A_500 = arith.muli %scan3A_498, %mul3A_499 : i32
        %add3A_501 = arith.constant 0 : i32
        %add3A_502 = arith.addi %add3A_501, %mul3A_500 : i32
        %mul3A_503 = arith.constant 2 : i32
        %mul3A_504 = arith.muli %add3A_502, %mul3A_503 : i32
        %add3A_505 = vector.broadcast %mul3A_504 : i32 to vector<16xi32>
        %add3A_506 = arith.addi %add3A_505, %select_n3A : vector<16xi32>
        %gather3A_507 = tpu.vector_load_idx %arg15[%add3A_506, %select_n3A_62] : memref<160x24xf32, #tpu.memory_space<vmem>>[vector<16xi32>, vector<16xi32>], vector<16xf32>,
        %mul3A_508 = arith.constant 4 : i32
        %mul3A_509 = arith.muli %add3A_502, %mul3A_508 : i32
        %add3A_510 = vector.broadcast %mul3A_509 : i32 to vector<16xi32>
        %add3A_511 = arith.addi %add3A_68, %add3A_510 : vector<16xi32>
        %gather3A_512 = tpu.vector_load_idx %arg16[%add3A_511] : memref<320xf32, #tpu.memory_space<vmem>>[vector<16xi32>], vector<16xf32>,
        %mul3A_513 = arith.mulf %gather3A_507, %gather3A_512 : vector<16xf32>
        tpu.vector_store_idx %arg18[%add3A_506, %select_n3A_62], %mul3A_513 : memref<160x24xf32, #tpu.memory_space<vmem>>[vector<16xi32>, vector<16xi32>], vector<16xf32>,
        %mul3A_514 = arith.constant 2 : i32
        %mul3A_515 = arith.muli %add3A_502, %mul3A_514 : i32
        %add3A_516 = vector.broadcast %mul3A_515 : i32 to vector<16xi32>
        %add3A_517 = arith.addi %add3A_516, %select_n3A_102 : vector<16xi32>
        %gather3A_518 = tpu.vector_load_idx %arg15[%add3A_517, %select_n3A_124] : memref<160x24xf32, #tpu.memory_space<vmem>>[vector<16xi32>, vector<16xi32>], vector<16xf32>,
        %mul3A_519 = arith.constant 4 : i32
        %mul3A_520 = arith.muli %add3A_502, %mul3A_519 : i32
        %add3A_521 = vector.broadcast %mul3A_520 : i32 to vector<16xi32>
        %add3A_522 = arith.addi %add3A_132, %add3A_521 : vector<16xi32>
        %gather3A_523 = tpu.vector_load_idx %arg16[%add3A_522] : memref<320xf32, #tpu.memory_space<vmem>>[vector<16xi32>], vector<16xf32>,
        %mul3A_524 = arith.mulf %gather3A_518, %gather3A_523 : vector<16xf32>
        tpu.vector_store_idx %arg18[%add3A_517, %select_n3A_124], %mul3A_524 : memref<160x24xf32, #tpu.memory_space<vmem>>[vector<16xi32>, vector<16xi32>], vector<16xf32>,
        %mul3A_525 = arith.constant 2 : i32
        %mul3A_526 = arith.muli %add3A_502, %mul3A_525 : i32
        %add3A_527 = vector.broadcast %mul3A_526 : i32 to vector<16xi32>
        %add3A_528 = arith.addi %add3A_527, %select_n3A_166 : vector<16xi32>
        %gather3A_529 = tpu.vector_load_idx %arg15[%add3A_528, %select_n3A_188] : memref<160x24xf32, #tpu.memory_space<vmem>>[vector<16xi32>, vector<16xi32>], vector<16xf32>,
        %mul3A_530 = arith.constant 4 : i32
        %mul3A_531 = arith.muli %add3A_502, %mul3A_530 : i32
        %add3A_532 = vector.broadcast %mul3A_531 : i32 to vector<16xi32>
        %add3A_533 = arith.addi %add3A_196, %add3A_532 : vector<16xi32>
        %gather3A_534 = tpu.vector_load_idx %arg16[%add3A_533] : memref<320xf32, #tpu.memory_space<vmem>>[vector<16xi32>], vector<16xf32>,
        %mul3A_535 = arith.mulf %gather3A_529, %gather3A_534 : vector<16xf32>
        tpu.vector_store_idx %arg18[%add3A_528, %select_n3A_188], %mul3A_535 : memref<160x24xf32, #tpu.memory_space<vmem>>[vector<16xi32>, vector<16xi32>], vector<16xf32>,
        %scan3A_536 = arith.constant 2 : i32
        %scan3A_537 = arith.addi %scan3A_460, %scan3A_536 : i32
        %mul3A_538 = arith.constant 1 : i32
        %mul3A_539 = arith.muli %scan3A_537, %mul3A_538 : i32
        %add3A_540 = arith.constant 0 : i32
        %add3A_541 = arith.addi %add3A_540, %mul3A_539 : i32
        %mul3A_542 = arith.constant 2 : i32
        %mul3A_543 = arith.muli %add3A_541, %mul3A_542 : i32
        %add3A_544 = vector.broadcast %mul3A_543 : i32 to vector<16xi32>
        %add3A_545 = arith.addi %add3A_544, %select_n3A : vector<16xi32>
        %gather3A_546 = tpu.vector_load_idx %arg15[%add3A_545, %select_n3A_62] : memref<160x24xf32, #tpu.memory_space<vmem>>[vector<16xi32>, vector<16xi32>], vector<16xf32>,
        %mul3A_547 = arith.constant 4 : i32
        %mul3A_548 = arith.muli %add3A_541, %mul3A_547 : i32
        %add3A_549 = vector.broadcast %mul3A_548 : i32 to vector<16xi32>
        %add3A_550 = arith.addi %add3A_68, %add3A_549 : vector<16xi32>
        %gather3A_551 = tpu.vector_load_idx %arg16[%add3A_550] : memref<320xf32, #tpu.memory_space<vmem>>[vector<16xi32>], vector<16xf32>,
        %mul3A_552 = arith.mulf %gather3A_546, %gather3A_551 : vector<16xf32>
        tpu.vector_store_idx %arg18[%add3A_545, %select_n3A_62], %mul3A_552 : memref<160x24xf32, #tpu.memory_space<vmem>>[vector<16xi32>, vector<16xi32>], vector<16xf32>,
        %mul3A_553 = arith.constant 2 : i32
        %mul3A_554 = arith.muli %add3A_541, %mul3A_553 : i32
        %add3A_555 = vector.broadcast %mul3A_554 : i32 to vector<16xi32>
        %add3A_556 = arith.addi %add3A_555, %select_n3A_102 : vector<16xi32>
        %gather3A_557 = tpu.vector_load_idx %arg15[%add3A_556, %select_n3A_124] : memref<160x24xf32, #tpu.memory_space<vmem>>[vector<16xi32>, vector<16xi32>], vector<16xf32>,
        %mul3A_558 = arith.constant 4 : i32
        %mul3A_559 = arith.muli %add3A_541, %mul3A_558 : i32
        %add3A_560 = vector.broadcast %mul3A_559 : i32 to vector<16xi32>
        %add3A_561 = arith.addi %add3A_132, %add3A_560 : vector<16xi32>
        %gather3A_562 = tpu.vector_load_idx %arg16[%add3A_561] : memref<320xf32, #tpu.memory_space<vmem>>[vector<16xi32>], vector<16xf32>,
        %mul3A_563 = arith.mulf %gather3A_557, %gather3A_562 : vector<16xf32>
        tpu.vector_store_idx %arg18[%add3A_556, %select_n3A_124], %mul3A_563 : memref<160x24xf32, #tpu.memory_space<vmem>>[vector<16xi32>, vector<16xi32>], vector<16xf32>,
        %mul3A_564 = arith.constant 2 : i32
        %mul3A_565 = arith.muli %add3A_541, %mul3A_564 : i32
        %add3A_566 = vector.broadcast %mul3A_565 : i32 to vector<16xi32>
        %add3A_567 = arith.addi %add3A_566, %select_n3A_166 : vector<16xi32>
        %gather3A_568 = tpu.vector_load_idx %arg15[%add3A_567, %select_n3A_188] : memref<160x24xf32, #tpu.memory_space<vmem>>[vector<16xi32>, vector<16xi32>], vector<16xf32>,
        %mul3A_569 = arith.constant 4 : i32
        %mul3A_570 = arith.muli %add3A_541, %mul3A_569 : i32
        %add3A_571 = vector.broadcast %mul3A_570 : i32 to vector<16xi32>
        %add3A_572 = arith.addi %add3A_196, %add3A_571 : vector<16xi32>
        %gather3A_573 = tpu.vector_load_idx %arg16[%add3A_572] : memref<320xf32, #tpu.memory_space<vmem>>[vector<16xi32>], vector<16xf32>,
        %mul3A_574 = arith.mulf %gather3A_568, %gather3A_573 : vector<16xf32>
        tpu.vector_store_idx %arg18[%add3A_567, %select_n3A_188], %mul3A_574 : memref<160x24xf32, #tpu.memory_space<vmem>>[vector<16xi32>, vector<16xi32>], vector<16xf32>,
        %scan3A_575 = arith.constant 3 : i32
        %scan3A_576 = arith.addi %scan3A_460, %scan3A_575 : i32
        %mul3A_577 = arith.constant 1 : i32
        %mul3A_578 = arith.muli %scan3A_576, %mul3A_577 : i32
        %add3A_579 = arith.constant 0 : i32
        %add3A_580 = arith.addi %add3A_579, %mul3A_578 : i32
        %mul3A_581 = arith.constant 2 : i32
        %mul3A_582 = arith.muli %add3A_580, %mul3A_581 : i32
        %add3A_583 = vector.broadcast %mul3A_582 : i32 to vector<16xi32>
        %add3A_584 = arith.addi %add3A_583, %select_n3A : vector<16xi32>
        %gather3A_585 = tpu.vector_load_idx %arg15[%add3A_584, %select_n3A_62] : memref<160x24xf32, #tpu.memory_space<vmem>>[vector<16xi32>, vector<16xi32>], vector<16xf32>,
        %mul3A_586 = arith.constant 4 : i32
        %mul3A_587 = arith.muli %add3A_580, %mul3A_586 : i32
        %add3A_588 = vector.broadcast %mul3A_587 : i32 to vector<16xi32>
        %add3A_589 = arith.addi %add3A_68, %add3A_588 : vector<16xi32>
        %gather3A_590 = tpu.vector_load_idx %arg16[%add3A_589] : memref<320xf32, #tpu.memory_space<vmem>>[vector<16xi32>], vector<16xf32>,
        %mul3A_591 = arith.mulf %gather3A_585, %gather3A_590 : vector<16xf32>
        tpu.vector_store_idx %arg18[%add3A_584, %select_n3A_62], %mul3A_591 : memref<160x24xf32, #tpu.memory_space<vmem>>[vector<16xi32>, vector<16xi32>], vector<16xf32>,
        %mul3A_592 = arith.constant 2 : i32
        %mul3A_593 = arith.muli %add3A_580, %mul3A_592 : i32
        %add3A_594 = vector.broadcast %mul3A_593 : i32 to vector<16xi32>
        %add3A_595 = arith.addi %add3A_594, %select_n3A_102 : vector<16xi32>
        %gather3A_596 = tpu.vector_load_idx %arg15[%add3A_595, %select_n3A_124] : memref<160x24xf32, #tpu.memory_space<vmem>>[vector<16xi32>, vector<16xi32>], vector<16xf32>,
        %mul3A_597 = arith.constant 4 : i32
        %mul3A_598 = arith.muli %add3A_580, %mul3A_597 : i32
        %add3A_599 = vector.broadcast %mul3A_598 : i32 to vector<16xi32>
        %add3A_600 = arith.addi %add3A_132, %add3A_599 : vector<16xi32>
        %gather3A_601 = tpu.vector_load_idx %arg16[%add3A_600] : memref<320xf32, #tpu.memory_space<vmem>>[vector<16xi32>], vector<16xf32>,
        %mul3A_602 = arith.mulf %gather3A_596, %gather3A_601 : vector<16xf32>
        tpu.vector_store_idx %arg18[%add3A_595, %select_n3A_124], %mul3A_602 : memref<160x24xf32, #tpu.memory_space<vmem>>[vector<16xi32>, vector<16xi32>], vector<16xf32>,
        %mul3A_603 = arith.constant 2 : i32
        %mul3A_604 = arith.muli %add3A_580, %mul3A_603 : i32
        %add3A_605 = vector.broadcast %mul3A_604 : i32 to vector<16xi32>
        %add3A_606 = arith.addi %add3A_605, %select_n3A_166 : vector<16xi32>
        %gather3A_607 = tpu.vector_load_idx %arg15[%add3A_606, %select_n3A_188] : memref<160x24xf32, #tpu.memory_space<vmem>>[vector<16xi32>, vector<16xi32>], vector<16xf32>,
        %mul3A_608 = arith.constant 4 : i32
        %mul3A_609 = arith.muli %add3A_580, %mul3A_608 : i32
        %add3A_610 = vector.broadcast %mul3A_609 : i32 to vector<16xi32>
        %add3A_611 = arith.addi %add3A_196, %add3A_610 : vector<16xi32>
        %gather3A_612 = tpu.vector_load_idx %arg16[%add3A_611] : memref<320xf32, #tpu.memory_space<vmem>>[vector<16xi32>], vector<16xf32>,
        %mul3A_613 = arith.mulf %gather3A_607, %gather3A_612 : vector<16xf32>
        tpu.vector_store_idx %arg18[%add3A_606, %select_n3A_188], %mul3A_613 : memref<160x24xf32, #tpu.memory_space<vmem>>[vector<16xi32>, vector<16xi32>], vector<16xf32>,
      }
      %scan3A_317 = arith.constant 80 : i32
      %scan3A_318 = arith.constant 0 : i32
      %scan3A_319 = arith.constant 10 : i32
      %scan3A_320 = arith.addi %scan3A_318, %scan3A_319 : i32
      %scan3A_321 = arith.constant 1 : i32
      scf.for %scan3A_460 = %scan3A_318 to %scan3A_320 step %scan3A_321  : i32 {
        %mul3A_461 = arith.constant 1 : i32
        %mul3A_462 = arith.muli %scan3A_460, %mul3A_461 : i32
        %add3A_463 = arith.constant 0 : i32
        %add3A_464 = arith.addi %add3A_463, %mul3A_462 : i32
        %mul3A_465 = arith.constant 16 : i32
        %mul3A_466 = arith.muli %add3A_464, %mul3A_465 : i32
        %add3A_467 = vector.broadcast %mul3A_466 : i32 to vector<16xi32>
        %add3A_468 = arith.addi %add3A_467, %iota3A : vector<16xi32>
        %mul3A_469 = arith.constant 2 : i32
        %mul3A_470 = vector.broadcast %mul3A_469 : i32 to vector<16xi32>
        %mul3A_471 = arith.muli %add3A_468, %mul3A_470 : vector<16xi32>
        %gather3A = tpu.vector_load_idx %arg16[%mul3A_471] : memref<320xf32, #tpu.memory_space<vmem>>[vector<16xi32>], vector<16xf32>,
        %mul3A_472 = arith.constant 2 : i32
        %mul3A_473 = vector.broadcast %mul3A_472 : i32 to vector<16xi32>
        %mul3A_474 = arith.muli %add3A_468, %mul3A_473 : vector<16xi32>
        %add3A_475 = arith.constant 1 : i32
        %add3A_476 = vector.broadcast %add3A_475 : i32 to vector<16xi32>
        %add3A_477 = arith.addi %mul3A_474, %add3A_476 : vector<16xi32>
        %gather3A_478 = tpu.vector_load_idx %arg16[%add3A_477] : memref<320xf32, #tpu.memory_space<vmem>>[vector<16xi32>], vector<16xf32>,
        %add3A_479 = arith.constant 20 : i32
        %add3A_480 = vector.broadcast %add3A_479 : i32 to vector<16xi32>
        %add3A_481 = arith.addi %mul3A_13, %add3A_480 : vector<16xi32>
        tpu.vector_store_idx %arg18[%add3A_468, %add3A_481], %gather3A : memref<160x24xf32, #tpu.memory_space<vmem>>[vector<16xi32>, vector<16xi32>], vector<16xf32>,
        %add3A_482 = arith.constant 21 : i32
        %add3A_483 = vector.broadcast %add3A_482 : i32 to vector<16xi32>
        %add3A_484 = arith.addi %mul3A_13, %add3A_483 : vector<16xi32>
        tpu.vector_store_idx %arg18[%add3A_468, %add3A_484], %gather3A_478 : memref<160x24xf32, #tpu.memory_space<vmem>>[vector<16xi32>, vector<16xi32>], vector<16xf32>,
      }
      %scan3A_322 = arith.constant 10 : i32
      %dma_start3A_323 = arith.constant 0 : i32
      %dma_start3A_324 = arith.constant 0 : i32
      %dma_start3A_325 = tpu.memref_slice %arg27[%dma_start3A_323, %dma_start3A_324] : memref<50048x24xf32, #tpu.memory_space<vmem_shared>> -> memref<50048x24xf32, #tpu.memory_space<vmem_shared>>
      tpu.enqueue_indirect_dma source(%arg18 : memref<160x24xf32, #tpu.memory_space<vmem>>) target(%dma_start3A_325 : memref<50048x24xf32, #tpu.memory_space<vmem_shared>>) offsets(%arg11 : memref<160xi32, #tpu.memory_space<vmem>>) semaphore(%arg24 : memref<!tpu.dma_semaphore, #tpu.memory_space<semaphore_mem>>) {add = true}
      %dma_start3A_326 = arith.constant 480 : i32
      %dma_start3A_327 = tpu.memref_slice %arg9[%dma_start3A_326] : memref<800xi32, #tpu.memory_space<vmem>> -> memref<160xi32, #tpu.memory_space<vmem>>
      %dma_start3A_328 = arith.constant 0 : i32
      %dma_start3A_329 = arith.constant 0 : i32
      %dma_start3A_330 = tpu.memref_slice %arg25[%dma_start3A_328, %dma_start3A_329] : memref<50048x8xf32, #tpu.memory_space<vmem_shared>> -> memref<50048x8xf32, #tpu.memory_space<vmem_shared>>
      tpu.enqueue_indirect_dma source(%dma_start3A_330 : memref<50048x8xf32, #tpu.memory_space<vmem_shared>>) target(%arg13 : memref<160x8xf32, #tpu.memory_space<vmem>>) offsets(%dma_start3A_327 : memref<160xi32, #tpu.memory_space<vmem>>) semaphore(%arg20 : memref<!tpu.dma_semaphore, #tpu.memory_space<semaphore_mem>>)
      %dma_start3A_331 = arith.constant 480 : i32
      %dma_start3A_332 = tpu.memref_slice %arg8[%dma_start3A_331] : memref<800xi32, #tpu.memory_space<vmem>> -> memref<160xi32, #tpu.memory_space<vmem>>
      %dma_start3A_333 = arith.constant 0 : i32
      %dma_start3A_334 = arith.constant 0 : i32
      %dma_start3A_335 = tpu.memref_slice %arg26[%dma_start3A_333, %dma_start3A_334] : memref<5056x24xf32, #tpu.memory_space<vmem_shared>> -> memref<5056x24xf32, #tpu.memory_space<vmem_shared>>
      tpu.enqueue_indirect_dma source(%dma_start3A_335 : memref<5056x24xf32, #tpu.memory_space<vmem_shared>>) target(%arg15 : memref<160x24xf32, #tpu.memory_space<vmem>>) offsets(%dma_start3A_332 : memref<160xi32, #tpu.memory_space<vmem>>) semaphore(%arg22 : memref<!tpu.dma_semaphore, #tpu.memory_space<semaphore_mem>>)
      %dma_wait3A_336 = arith.constant 320 : i32
      %dma_wait3A_337 = tpu.memref_slice %arg9[%dma_wait3A_336] : memref<800xi32, #tpu.memory_space<vmem>> -> memref<160xi32, #tpu.memory_space<vmem>>
      %dma_wait3A_338 = arith.constant 0 : i32
      %dma_wait3A_339 = arith.constant 0 : i32
      %dma_wait3A_340 = tpu.memref_slice %arg25[%dma_wait3A_338, %dma_wait3A_339] : memref<50048x8xf32, #tpu.memory_space<vmem_shared>> -> memref<50048x8xf32, #tpu.memory_space<vmem_shared>>
      tpu.wait_indirect_dma semaphore(%arg19 : memref<!tpu.dma_semaphore, #tpu.memory_space<semaphore_mem>>) src(%dma_wait3A_340 : memref<50048x8xf32, #tpu.memory_space<vmem_shared>>) dst(%arg12 : memref<160x8xf32, #tpu.memory_space<vmem>>)
      %dma_wait3A_341 = arith.constant 320 : i32
      %dma_wait3A_342 = tpu.memref_slice %arg8[%dma_wait3A_341] : memref<800xi32, #tpu.memory_space<vmem>> -> memref<160xi32, #tpu.memory_space<vmem>>
      %dma_wait3A_343 = arith.constant 0 : i32
      %dma_wait3A_344 = arith.constant 0 : i32
      %dma_wait3A_345 = tpu.memref_slice %arg26[%dma_wait3A_343, %dma_wait3A_344] : memref<5056x24xf32, #tpu.memory_space<vmem_shared>> -> memref<5056x24xf32, #tpu.memory_space<vmem_shared>>
      tpu.wait_indirect_dma semaphore(%arg21 : memref<!tpu.dma_semaphore, #tpu.memory_space<semaphore_mem>>) src(%dma_wait3A_345 : memref<5056x24xf32, #tpu.memory_space<vmem_shared>>) dst(%arg14 : memref<160x24xf32, #tpu.memory_space<vmem>>)
      %dma_wait3A_346 = arith.constant 0 : i32
      %dma_wait3A_347 = arith.constant 0 : i32
      %dma_wait3A_348 = tpu.memref_slice %arg27[%dma_wait3A_346, %dma_wait3A_347] : memref<50048x24xf32, #tpu.memory_space<vmem_shared>> -> memref<50048x24xf32, #tpu.memory_space<vmem_shared>>
      tpu.wait_indirect_dma semaphore(%arg23 : memref<!tpu.dma_semaphore, #tpu.memory_space<semaphore_mem>>) src(%arg17 : memref<160x24xf32, #tpu.memory_space<vmem>>) dst(%dma_wait3A_348 : memref<50048x24xf32, #tpu.memory_space<vmem_shared>>)
      %scan3A_349 = arith.constant 0 : i32
      %scan3A_350 = arith.constant 10 : i32
      %scan3A_351 = arith.addi %scan3A_349, %scan3A_350 : i32
      %scan3A_352 = arith.constant 1 : i32
      scf.for %scan3A_460 = %scan3A_349 to %scan3A_351 step %scan3A_352  : i32 {
        %mul3A_461 = arith.constant 1 : i32
        %mul3A_462 = arith.muli %scan3A_460, %mul3A_461 : i32
        %add3A_463 = arith.constant 0 : i32
        %add3A_464 = arith.addi %add3A_463, %mul3A_462 : i32
        %mul3A_465 = arith.constant 16 : i32
        %mul3A_466 = arith.muli %add3A_464, %mul3A_465 : i32
        %add3A_467 = arith.constant 320 : i32
        %add3A_468 = arith.addi %add3A_467, %mul3A_466 : i32
        %get3A = arith.index_cast %add3A_468 : i32 to index
        %get3A_469 = tpu.vector_load %arg9[%get3A] {strides = array<i32>} : memref<800xi32, #tpu.memory_space<vmem>>, vector<16xi32>,
        %mul3A_470 = arith.constant 16 : i32
        %mul3A_471 = arith.muli %add3A_464, %mul3A_470 : i32
        %swap3A = arith.index_cast %mul3A_471 : i32 to index
        %swap3A_472 = tpu.vector_load %arg10[%swap3A] {strides = array<i32>} : memref<160xi32, #tpu.memory_space<vmem>>, vector<16xi32>,
        tpu.vector_store %arg10[%swap3A], %get3A_469 {strides = array<i32>} : memref<160xi32, #tpu.memory_space<vmem>>, vector<16xi32>,
      }
      %scan3A_353 = arith.constant 10 : i32
      %scan3A_354 = arith.constant 0 : i32
      %scan3A_355 = arith.constant 10 : i32
      %scan3A_356 = arith.addi %scan3A_354, %scan3A_355 : i32
      %scan3A_357 = arith.constant 1 : i32
      scf.for %scan3A_460 = %scan3A_354 to %scan3A_356 step %scan3A_357  : i32 {
        %mul3A_461 = arith.constant 1 : i32
        %mul3A_462 = arith.muli %scan3A_460, %mul3A_461 : i32
        %add3A_463 = arith.constant 0 : i32
        %add3A_464 = arith.addi %add3A_463, %mul3A_462 : i32
        %mul3A_465 = arith.constant 16 : i32
        %mul3A_466 = arith.muli %add3A_464, %mul3A_465 : i32
        %add3A_467 = vector.broadcast %mul3A_466 : i32 to vector<16xi32>
        %add3A_468 = arith.addi %add3A_467, %iota3A : vector<16xi32>
        %add3A_469 = arith.constant 20 : i32
        %add3A_470 = vector.broadcast %add3A_469 : i32 to vector<16xi32>
        %add3A_471 = arith.addi %mul3A_13, %add3A_470 : vector<16xi32>
        %gather3A = tpu.vector_load_idx %arg14[%add3A_468, %add3A_471] : memref<160x24xf32, #tpu.memory_space<vmem>>[vector<16xi32>, vector<16xi32>], vector<16xf32>,
        %gather3A_472 = tpu.vector_load_idx %arg12[%add3A_468, %mul3A_13] : memref<160x8xf32, #tpu.memory_space<vmem>>[vector<16xi32>, vector<16xi32>], vector<16xf32>,
        %add3A_473 = arith.constant 21 : i32
        %add3A_474 = vector.broadcast %add3A_473 : i32 to vector<16xi32>
        %add3A_475 = arith.addi %mul3A_13, %add3A_474 : vector<16xi32>
        %gather3A_476 = tpu.vector_load_idx %arg14[%add3A_468, %add3A_475] : memref<160x24xf32, #tpu.memory_space<vmem>>[vector<16xi32>, vector<16xi32>], vector<16xf32>,
        %gather3A_477 = tpu.vector_load_idx %arg12[%add3A_468, %add3A_16] : memref<160x8xf32, #tpu.memory_space<vmem>>[vector<16xi32>, vector<16xi32>], vector<16xf32>,
        %add3A_478 = arith.addf %gather3A, %gather3A_472 : vector<16xf32>
        %add3A_479 = arith.addf %gather3A_476, %gather3A_477 : vector<16xf32>
        %mul3A_480 = arith.constant 2.000000e-01 : f32
        %mul3A_481 = vector.broadcast %mul3A_480 : f32 to vector<16xf32>
        %mul3A_482 = arith.mulf %mul3A_481, %add3A_478 : vector<16xf32>
        %max3A = arith.maximumf %add3A_478, %mul3A_482 : vector<16xf32>
        %exp3A = math.exp %max3A : vector<16xf32>
        %mul3A_483 = arith.constant 2.000000e-01 : f32
        %mul3A_484 = vector.broadcast %mul3A_483 : f32 to vector<16xf32>
        %mul3A_485 = arith.mulf %mul3A_484, %add3A_479 : vector<16xf32>
        %max3A_486 = arith.maximumf %add3A_479, %mul3A_485 : vector<16xf32>
        %exp3A_487 = math.exp %max3A_486 : vector<16xf32>
        %mul3A_488 = arith.constant 2 : i32
        %mul3A_489 = vector.broadcast %mul3A_488 : i32 to vector<16xi32>
        %mul3A_490 = arith.muli %add3A_468, %mul3A_489 : vector<16xi32>
        tpu.vector_store_idx %arg16[%mul3A_490], %exp3A : memref<320xf32, #tpu.memory_space<vmem>>[vector<16xi32>], vector<16xf32>,
        %mul3A_491 = arith.constant 2 : i32
        %mul3A_492 = vector.broadcast %mul3A_491 : i32 to vector<16xi32>
        %mul3A_493 = arith.muli %add3A_468, %mul3A_492 : vector<16xi32>
        %add3A_494 = arith.constant 1 : i32
        %add3A_495 = vector.broadcast %add3A_494 : i32 to vector<16xi32>
        %add3A_496 = arith.addi %mul3A_493, %add3A_495 : vector<16xi32>
        tpu.vector_store_idx %arg16[%add3A_496], %exp3A_487 : memref<320xf32, #tpu.memory_space<vmem>>[vector<16xi32>], vector<16xf32>,
      }
      %scan3A_358 = arith.constant 10 : i32
      %scan3A_359 = arith.constant 0 : i32
      %scan3A_360 = arith.constant 80 : i32
      %scan3A_361 = arith.addi %scan3A_359, %scan3A_360 : i32
      %scan3A_362 = arith.constant 4 : i32
      scf.for %scan3A_460 = %scan3A_359 to %scan3A_361 step %scan3A_362  : i32 {
        %mul3A_461 = arith.constant 1 : i32
        %mul3A_462 = arith.muli %scan3A_460, %mul3A_461 : i32
        %add3A_463 = arith.constant 0 : i32
        %add3A_464 = arith.addi %add3A_463, %mul3A_462 : i32
        %mul3A_465 = arith.constant 2 : i32
        %mul3A_466 = arith.muli %add3A_464, %mul3A_465 : i32
        %add3A_467 = vector.broadcast %mul3A_466 : i32 to vector<16xi32>
        %add3A_468 = arith.addi %add3A_467, %select_n3A : vector<16xi32>
        %gather3A = tpu.vector_load_idx %arg14[%add3A_468, %select_n3A_62] : memref<160x24xf32, #tpu.memory_space<vmem>>[vector<16xi32>, vector<16xi32>], vector<16xf32>,
        %mul3A_469 = arith.constant 4 : i32
        %mul3A_470 = arith.muli %add3A_464, %mul3A_469 : i32
        %add3A_471 = vector.broadcast %mul3A_470 : i32 to vector<16xi32>
        %add3A_472 = arith.addi %add3A_68, %add3A_471 : vector<16xi32>
        %gather3A_473 = tpu.vector_load_idx %arg16[%add3A_472] : memref<320xf32, #tpu.memory_space<vmem>>[vector<16xi32>], vector<16xf32>,
        %mul3A_474 = arith.mulf %gather3A, %gather3A_473 : vector<16xf32>
        tpu.vector_store_idx %arg17[%add3A_468, %select_n3A_62], %mul3A_474 : memref<160x24xf32, #tpu.memory_space<vmem>>[vector<16xi32>, vector<16xi32>], vector<16xf32>,
        %mul3A_475 = arith.constant 2 : i32
        %mul3A_476 = arith.muli %add3A_464, %mul3A_475 : i32
        %add3A_477 = vector.broadcast %mul3A_476 : i32 to vector<16xi32>
        %add3A_478 = arith.addi %add3A_477, %select_n3A_102 : vector<16xi32>
        %gather3A_479 = tpu.vector_load_idx %arg14[%add3A_478, %select_n3A_124] : memref<160x24xf32, #tpu.memory_space<vmem>>[vector<16xi32>, vector<16xi32>], vector<16xf32>,
        %mul3A_480 = arith.constant 4 : i32
        %mul3A_481 = arith.muli %add3A_464, %mul3A_480 : i32
        %add3A_482 = vector.broadcast %mul3A_481 : i32 to vector<16xi32>
        %add3A_483 = arith.addi %add3A_132, %add3A_482 : vector<16xi32>
        %gather3A_484 = tpu.vector_load_idx %arg16[%add3A_483] : memref<320xf32, #tpu.memory_space<vmem>>[vector<16xi32>], vector<16xf32>,
        %mul3A_485 = arith.mulf %gather3A_479, %gather3A_484 : vector<16xf32>
        tpu.vector_store_idx %arg17[%add3A_478, %select_n3A_124], %mul3A_485 : memref<160x24xf32, #tpu.memory_space<vmem>>[vector<16xi32>, vector<16xi32>], vector<16xf32>,
        %mul3A_486 = arith.constant 2 : i32
        %mul3A_487 = arith.muli %add3A_464, %mul3A_486 : i32
        %add3A_488 = vector.broadcast %mul3A_487 : i32 to vector<16xi32>
        %add3A_489 = arith.addi %add3A_488, %select_n3A_166 : vector<16xi32>
        %gather3A_490 = tpu.vector_load_idx %arg14[%add3A_489, %select_n3A_188] : memref<160x24xf32, #tpu.memory_space<vmem>>[vector<16xi32>, vector<16xi32>], vector<16xf32>,
        %mul3A_491 = arith.constant 4 : i32
        %mul3A_492 = arith.muli %add3A_464, %mul3A_491 : i32
        %add3A_493 = vector.broadcast %mul3A_492 : i32 to vector<16xi32>
        %add3A_494 = arith.addi %add3A_196, %add3A_493 : vector<16xi32>
        %gather3A_495 = tpu.vector_load_idx %arg16[%add3A_494] : memref<320xf32, #tpu.memory_space<vmem>>[vector<16xi32>], vector<16xf32>,
        %mul3A_496 = arith.mulf %gather3A_490, %gather3A_495 : vector<16xf32>
        tpu.vector_store_idx %arg17[%add3A_489, %select_n3A_188], %mul3A_496 : memref<160x24xf32, #tpu.memory_space<vmem>>[vector<16xi32>, vector<16xi32>], vector<16xf32>,
        %scan3A_497 = arith.constant 1 : i32
        %scan3A_498 = arith.addi %scan3A_460, %scan3A_497 : i32
        %mul3A_499 = arith.constant 1 : i32
        %mul3A_500 = arith.muli %scan3A_498, %mul3A_499 : i32
        %add3A_501 = arith.constant 0 : i32
        %add3A_502 = arith.addi %add3A_501, %mul3A_500 : i32
        %mul3A_503 = arith.constant 2 : i32
        %mul3A_504 = arith.muli %add3A_502, %mul3A_503 : i32
        %add3A_505 = vector.broadcast %mul3A_504 : i32 to vector<16xi32>
        %add3A_506 = arith.addi %add3A_505, %select_n3A : vector<16xi32>
        %gather3A_507 = tpu.vector_load_idx %arg14[%add3A_506, %select_n3A_62] : memref<160x24xf32, #tpu.memory_space<vmem>>[vector<16xi32>, vector<16xi32>], vector<16xf32>,
        %mul3A_508 = arith.constant 4 : i32
        %mul3A_509 = arith.muli %add3A_502, %mul3A_508 : i32
        %add3A_510 = vector.broadcast %mul3A_509 : i32 to vector<16xi32>
        %add3A_511 = arith.addi %add3A_68, %add3A_510 : vector<16xi32>
        %gather3A_512 = tpu.vector_load_idx %arg16[%add3A_511] : memref<320xf32, #tpu.memory_space<vmem>>[vector<16xi32>], vector<16xf32>,
        %mul3A_513 = arith.mulf %gather3A_507, %gather3A_512 : vector<16xf32>
        tpu.vector_store_idx %arg17[%add3A_506, %select_n3A_62], %mul3A_513 : memref<160x24xf32, #tpu.memory_space<vmem>>[vector<16xi32>, vector<16xi32>], vector<16xf32>,
        %mul3A_514 = arith.constant 2 : i32
        %mul3A_515 = arith.muli %add3A_502, %mul3A_514 : i32
        %add3A_516 = vector.broadcast %mul3A_515 : i32 to vector<16xi32>
        %add3A_517 = arith.addi %add3A_516, %select_n3A_102 : vector<16xi32>
        %gather3A_518 = tpu.vector_load_idx %arg14[%add3A_517, %select_n3A_124] : memref<160x24xf32, #tpu.memory_space<vmem>>[vector<16xi32>, vector<16xi32>], vector<16xf32>,
        %mul3A_519 = arith.constant 4 : i32
        %mul3A_520 = arith.muli %add3A_502, %mul3A_519 : i32
        %add3A_521 = vector.broadcast %mul3A_520 : i32 to vector<16xi32>
        %add3A_522 = arith.addi %add3A_132, %add3A_521 : vector<16xi32>
        %gather3A_523 = tpu.vector_load_idx %arg16[%add3A_522] : memref<320xf32, #tpu.memory_space<vmem>>[vector<16xi32>], vector<16xf32>,
        %mul3A_524 = arith.mulf %gather3A_518, %gather3A_523 : vector<16xf32>
        tpu.vector_store_idx %arg17[%add3A_517, %select_n3A_124], %mul3A_524 : memref<160x24xf32, #tpu.memory_space<vmem>>[vector<16xi32>, vector<16xi32>], vector<16xf32>,
        %mul3A_525 = arith.constant 2 : i32
        %mul3A_526 = arith.muli %add3A_502, %mul3A_525 : i32
        %add3A_527 = vector.broadcast %mul3A_526 : i32 to vector<16xi32>
        %add3A_528 = arith.addi %add3A_527, %select_n3A_166 : vector<16xi32>
        %gather3A_529 = tpu.vector_load_idx %arg14[%add3A_528, %select_n3A_188] : memref<160x24xf32, #tpu.memory_space<vmem>>[vector<16xi32>, vector<16xi32>], vector<16xf32>,
        %mul3A_530 = arith.constant 4 : i32
        %mul3A_531 = arith.muli %add3A_502, %mul3A_530 : i32
        %add3A_532 = vector.broadcast %mul3A_531 : i32 to vector<16xi32>
        %add3A_533 = arith.addi %add3A_196, %add3A_532 : vector<16xi32>
        %gather3A_534 = tpu.vector_load_idx %arg16[%add3A_533] : memref<320xf32, #tpu.memory_space<vmem>>[vector<16xi32>], vector<16xf32>,
        %mul3A_535 = arith.mulf %gather3A_529, %gather3A_534 : vector<16xf32>
        tpu.vector_store_idx %arg17[%add3A_528, %select_n3A_188], %mul3A_535 : memref<160x24xf32, #tpu.memory_space<vmem>>[vector<16xi32>, vector<16xi32>], vector<16xf32>,
        %scan3A_536 = arith.constant 2 : i32
        %scan3A_537 = arith.addi %scan3A_460, %scan3A_536 : i32
        %mul3A_538 = arith.constant 1 : i32
        %mul3A_539 = arith.muli %scan3A_537, %mul3A_538 : i32
        %add3A_540 = arith.constant 0 : i32
        %add3A_541 = arith.addi %add3A_540, %mul3A_539 : i32
        %mul3A_542 = arith.constant 2 : i32
        %mul3A_543 = arith.muli %add3A_541, %mul3A_542 : i32
        %add3A_544 = vector.broadcast %mul3A_543 : i32 to vector<16xi32>
        %add3A_545 = arith.addi %add3A_544, %select_n3A : vector<16xi32>
        %gather3A_546 = tpu.vector_load_idx %arg14[%add3A_545, %select_n3A_62] : memref<160x24xf32, #tpu.memory_space<vmem>>[vector<16xi32>, vector<16xi32>], vector<16xf32>,
        %mul3A_547 = arith.constant 4 : i32
        %mul3A_548 = arith.muli %add3A_541, %mul3A_547 : i32
        %add3A_549 = vector.broadcast %mul3A_548 : i32 to vector<16xi32>
        %add3A_550 = arith.addi %add3A_68, %add3A_549 : vector<16xi32>
        %gather3A_551 = tpu.vector_load_idx %arg16[%add3A_550] : memref<320xf32, #tpu.memory_space<vmem>>[vector<16xi32>], vector<16xf32>,
        %mul3A_552 = arith.mulf %gather3A_546, %gather3A_551 : vector<16xf32>
        tpu.vector_store_idx %arg17[%add3A_545, %select_n3A_62], %mul3A_552 : memref<160x24xf32, #tpu.memory_space<vmem>>[vector<16xi32>, vector<16xi32>], vector<16xf32>,
        %mul3A_553 = arith.constant 2 : i32
        %mul3A_554 = arith.muli %add3A_541, %mul3A_553 : i32
        %add3A_555 = vector.broadcast %mul3A_554 : i32 to vector<16xi32>
        %add3A_556 = arith.addi %add3A_555, %select_n3A_102 : vector<16xi32>
        %gather3A_557 = tpu.vector_load_idx %arg14[%add3A_556, %select_n3A_124] : memref<160x24xf32, #tpu.memory_space<vmem>>[vector<16xi32>, vector<16xi32>], vector<16xf32>,
        %mul3A_558 = arith.constant 4 : i32
        %mul3A_559 = arith.muli %add3A_541, %mul3A_558 : i32
        %add3A_560 = vector.broadcast %mul3A_559 : i32 to vector<16xi32>
        %add3A_561 = arith.addi %add3A_132, %add3A_560 : vector<16xi32>
        %gather3A_562 = tpu.vector_load_idx %arg16[%add3A_561] : memref<320xf32, #tpu.memory_space<vmem>>[vector<16xi32>], vector<16xf32>,
        %mul3A_563 = arith.mulf %gather3A_557, %gather3A_562 : vector<16xf32>
        tpu.vector_store_idx %arg17[%add3A_556, %select_n3A_124], %mul3A_563 : memref<160x24xf32, #tpu.memory_space<vmem>>[vector<16xi32>, vector<16xi32>], vector<16xf32>,
        %mul3A_564 = arith.constant 2 : i32
        %mul3A_565 = arith.muli %add3A_541, %mul3A_564 : i32
        %add3A_566 = vector.broadcast %mul3A_565 : i32 to vector<16xi32>
        %add3A_567 = arith.addi %add3A_566, %select_n3A_166 : vector<16xi32>
        %gather3A_568 = tpu.vector_load_idx %arg14[%add3A_567, %select_n3A_188] : memref<160x24xf32, #tpu.memory_space<vmem>>[vector<16xi32>, vector<16xi32>], vector<16xf32>,
        %mul3A_569 = arith.constant 4 : i32
        %mul3A_570 = arith.muli %add3A_541, %mul3A_569 : i32
        %add3A_571 = vector.broadcast %mul3A_570 : i32 to vector<16xi32>
        %add3A_572 = arith.addi %add3A_196, %add3A_571 : vector<16xi32>
        %gather3A_573 = tpu.vector_load_idx %arg16[%add3A_572] : memref<320xf32, #tpu.memory_space<vmem>>[vector<16xi32>], vector<16xf32>,
        %mul3A_574 = arith.mulf %gather3A_568, %gather3A_573 : vector<16xf32>
        tpu.vector_store_idx %arg17[%add3A_567, %select_n3A_188], %mul3A_574 : memref<160x24xf32, #tpu.memory_space<vmem>>[vector<16xi32>, vector<16xi32>], vector<16xf32>,
        %scan3A_575 = arith.constant 3 : i32
        %scan3A_576 = arith.addi %scan3A_460, %scan3A_575 : i32
        %mul3A_577 = arith.constant 1 : i32
        %mul3A_578 = arith.muli %scan3A_576, %mul3A_577 : i32
        %add3A_579 = arith.constant 0 : i32
        %add3A_580 = arith.addi %add3A_579, %mul3A_578 : i32
        %mul3A_581 = arith.constant 2 : i32
        %mul3A_582 = arith.muli %add3A_580, %mul3A_581 : i32
        %add3A_583 = vector.broadcast %mul3A_582 : i32 to vector<16xi32>
        %add3A_584 = arith.addi %add3A_583, %select_n3A : vector<16xi32>
        %gather3A_585 = tpu.vector_load_idx %arg14[%add3A_584, %select_n3A_62] : memref<160x24xf32, #tpu.memory_space<vmem>>[vector<16xi32>, vector<16xi32>], vector<16xf32>,
        %mul3A_586 = arith.constant 4 : i32
        %mul3A_587 = arith.muli %add3A_580, %mul3A_586 : i32
        %add3A_588 = vector.broadcast %mul3A_587 : i32 to vector<16xi32>
        %add3A_589 = arith.addi %add3A_68, %add3A_588 : vector<16xi32>
        %gather3A_590 = tpu.vector_load_idx %arg16[%add3A_589] : memref<320xf32, #tpu.memory_space<vmem>>[vector<16xi32>], vector<16xf32>,
        %mul3A_591 = arith.mulf %gather3A_585, %gather3A_590 : vector<16xf32>
        tpu.vector_store_idx %arg17[%add3A_584, %select_n3A_62], %mul3A_591 : memref<160x24xf32, #tpu.memory_space<vmem>>[vector<16xi32>, vector<16xi32>], vector<16xf32>,
        %mul3A_592 = arith.constant 2 : i32
        %mul3A_593 = arith.muli %add3A_580, %mul3A_592 : i32
        %add3A_594 = vector.broadcast %mul3A_593 : i32 to vector<16xi32>
        %add3A_595 = arith.addi %add3A_594, %select_n3A_102 : vector<16xi32>
        %gather3A_596 = tpu.vector_load_idx %arg14[%add3A_595, %select_n3A_124] : memref<160x24xf32, #tpu.memory_space<vmem>>[vector<16xi32>, vector<16xi32>], vector<16xf32>,
        %mul3A_597 = arith.constant 4 : i32
        %mul3A_598 = arith.muli %add3A_580, %mul3A_597 : i32
        %add3A_599 = vector.broadcast %mul3A_598 : i32 to vector<16xi32>
        %add3A_600 = arith.addi %add3A_132, %add3A_599 : vector<16xi32>
        %gather3A_601 = tpu.vector_load_idx %arg16[%add3A_600] : memref<320xf32, #tpu.memory_space<vmem>>[vector<16xi32>], vector<16xf32>,
        %mul3A_602 = arith.mulf %gather3A_596, %gather3A_601 : vector<16xf32>
        tpu.vector_store_idx %arg17[%add3A_595, %select_n3A_124], %mul3A_602 : memref<160x24xf32, #tpu.memory_space<vmem>>[vector<16xi32>, vector<16xi32>], vector<16xf32>,
        %mul3A_603 = arith.constant 2 : i32
        %mul3A_604 = arith.muli %add3A_580, %mul3A_603 : i32
        %add3A_605 = vector.broadcast %mul3A_604 : i32 to vector<16xi32>
        %add3A_606 = arith.addi %add3A_605, %select_n3A_166 : vector<16xi32>
        %gather3A_607 = tpu.vector_load_idx %arg14[%add3A_606, %select_n3A_188] : memref<160x24xf32, #tpu.memory_space<vmem>>[vector<16xi32>, vector<16xi32>], vector<16xf32>,
        %mul3A_608 = arith.constant 4 : i32
        %mul3A_609 = arith.muli %add3A_580, %mul3A_608 : i32
        %add3A_610 = vector.broadcast %mul3A_609 : i32 to vector<16xi32>
        %add3A_611 = arith.addi %add3A_196, %add3A_610 : vector<16xi32>
        %gather3A_612 = tpu.vector_load_idx %arg16[%add3A_611] : memref<320xf32, #tpu.memory_space<vmem>>[vector<16xi32>], vector<16xf32>,
        %mul3A_613 = arith.mulf %gather3A_607, %gather3A_612 : vector<16xf32>
        tpu.vector_store_idx %arg17[%add3A_606, %select_n3A_188], %mul3A_613 : memref<160x24xf32, #tpu.memory_space<vmem>>[vector<16xi32>, vector<16xi32>], vector<16xf32>,
      }
      %scan3A_363 = arith.constant 80 : i32
      %scan3A_364 = arith.constant 0 : i32
      %scan3A_365 = arith.constant 10 : i32
      %scan3A_366 = arith.addi %scan3A_364, %scan3A_365 : i32
      %scan3A_367 = arith.constant 1 : i32
      scf.for %scan3A_460 = %scan3A_364 to %scan3A_366 step %scan3A_367  : i32 {
        %mul3A_461 = arith.constant 1 : i32
        %mul3A_462 = arith.muli %scan3A_460, %mul3A_461 : i32
        %add3A_463 = arith.constant 0 : i32
        %add3A_464 = arith.addi %add3A_463, %mul3A_462 : i32
        %mul3A_465 = arith.constant 16 : i32
        %mul3A_466 = arith.muli %add3A_464, %mul3A_465 : i32
        %add3A_467 = vector.broadcast %mul3A_466 : i32 to vector<16xi32>
        %add3A_468 = arith.addi %add3A_467, %iota3A : vector<16xi32>
        %mul3A_469 = arith.constant 2 : i32
        %mul3A_470 = vector.broadcast %mul3A_469 : i32 to vector<16xi32>
        %mul3A_471 = arith.muli %add3A_468, %mul3A_470 : vector<16xi32>
        %gather3A = tpu.vector_load_idx %arg16[%mul3A_471] : memref<320xf32, #tpu.memory_space<vmem>>[vector<16xi32>], vector<16xf32>,
        %mul3A_472 = arith.constant 2 : i32
        %mul3A_473 = vector.broadcast %mul3A_472 : i32 to vector<16xi32>
        %mul3A_474 = arith.muli %add3A_468, %mul3A_473 : vector<16xi32>
        %add3A_475 = arith.constant 1 : i32
        %add3A_476 = vector.broadcast %add3A_475 : i32 to vector<16xi32>
        %add3A_477 = arith.addi %mul3A_474, %add3A_476 : vector<16xi32>
        %gather3A_478 = tpu.vector_load_idx %arg16[%add3A_477] : memref<320xf32, #tpu.memory_space<vmem>>[vector<16xi32>], vector<16xf32>,
        %add3A_479 = arith.constant 20 : i32
        %add3A_480 = vector.broadcast %add3A_479 : i32 to vector<16xi32>
        %add3A_481 = arith.addi %mul3A_13, %add3A_480 : vector<16xi32>
        tpu.vector_store_idx %arg17[%add3A_468, %add3A_481], %gather3A : memref<160x24xf32, #tpu.memory_space<vmem>>[vector<16xi32>, vector<16xi32>], vector<16xf32>,
        %add3A_482 = arith.constant 21 : i32
        %add3A_483 = vector.broadcast %add3A_482 : i32 to vector<16xi32>
        %add3A_484 = arith.addi %mul3A_13, %add3A_483 : vector<16xi32>
        tpu.vector_store_idx %arg17[%add3A_468, %add3A_484], %gather3A_478 : memref<160x24xf32, #tpu.memory_space<vmem>>[vector<16xi32>, vector<16xi32>], vector<16xf32>,
      }
      %scan3A_368 = arith.constant 10 : i32
      %dma_start3A_369 = arith.constant 0 : i32
      %dma_start3A_370 = arith.constant 0 : i32
      %dma_start3A_371 = tpu.memref_slice %arg27[%dma_start3A_369, %dma_start3A_370] : memref<50048x24xf32, #tpu.memory_space<vmem_shared>> -> memref<50048x24xf32, #tpu.memory_space<vmem_shared>>
      tpu.enqueue_indirect_dma source(%arg17 : memref<160x24xf32, #tpu.memory_space<vmem>>) target(%dma_start3A_371 : memref<50048x24xf32, #tpu.memory_space<vmem_shared>>) offsets(%arg10 : memref<160xi32, #tpu.memory_space<vmem>>) semaphore(%arg23 : memref<!tpu.dma_semaphore, #tpu.memory_space<semaphore_mem>>) {add = true}
      %dma_start3A_372 = arith.constant 640 : i32
      %dma_start3A_373 = tpu.memref_slice %arg9[%dma_start3A_372] : memref<800xi32, #tpu.memory_space<vmem>> -> memref<160xi32, #tpu.memory_space<vmem>>
      %dma_start3A_374 = arith.constant 0 : i32
      %dma_start3A_375 = arith.constant 0 : i32
      %dma_start3A_376 = tpu.memref_slice %arg25[%dma_start3A_374, %dma_start3A_375] : memref<50048x8xf32, #tpu.memory_space<vmem_shared>> -> memref<50048x8xf32, #tpu.memory_space<vmem_shared>>
      tpu.enqueue_indirect_dma source(%dma_start3A_376 : memref<50048x8xf32, #tpu.memory_space<vmem_shared>>) target(%arg12 : memref<160x8xf32, #tpu.memory_space<vmem>>) offsets(%dma_start3A_373 : memref<160xi32, #tpu.memory_space<vmem>>) semaphore(%arg19 : memref<!tpu.dma_semaphore, #tpu.memory_space<semaphore_mem>>)
      %dma_start3A_377 = arith.constant 640 : i32
      %dma_start3A_378 = tpu.memref_slice %arg8[%dma_start3A_377] : memref<800xi32, #tpu.memory_space<vmem>> -> memref<160xi32, #tpu.memory_space<vmem>>
      %dma_start3A_379 = arith.constant 0 : i32
      %dma_start3A_380 = arith.constant 0 : i32
      %dma_start3A_381 = tpu.memref_slice %arg26[%dma_start3A_379, %dma_start3A_380] : memref<5056x24xf32, #tpu.memory_space<vmem_shared>> -> memref<5056x24xf32, #tpu.memory_space<vmem_shared>>
      tpu.enqueue_indirect_dma source(%dma_start3A_381 : memref<5056x24xf32, #tpu.memory_space<vmem_shared>>) target(%arg14 : memref<160x24xf32, #tpu.memory_space<vmem>>) offsets(%dma_start3A_378 : memref<160xi32, #tpu.memory_space<vmem>>) semaphore(%arg21 : memref<!tpu.dma_semaphore, #tpu.memory_space<semaphore_mem>>)
      %dma_wait3A_382 = arith.constant 480 : i32
      %dma_wait3A_383 = tpu.memref_slice %arg9[%dma_wait3A_382] : memref<800xi32, #tpu.memory_space<vmem>> -> memref<160xi32, #tpu.memory_space<vmem>>
      %dma_wait3A_384 = arith.constant 0 : i32
      %dma_wait3A_385 = arith.constant 0 : i32
      %dma_wait3A_386 = tpu.memref_slice %arg25[%dma_wait3A_384, %dma_wait3A_385] : memref<50048x8xf32, #tpu.memory_space<vmem_shared>> -> memref<50048x8xf32, #tpu.memory_space<vmem_shared>>
      tpu.wait_indirect_dma semaphore(%arg20 : memref<!tpu.dma_semaphore, #tpu.memory_space<semaphore_mem>>) src(%dma_wait3A_386 : memref<50048x8xf32, #tpu.memory_space<vmem_shared>>) dst(%arg13 : memref<160x8xf32, #tpu.memory_space<vmem>>)
      %dma_wait3A_387 = arith.constant 480 : i32
      %dma_wait3A_388 = tpu.memref_slice %arg8[%dma_wait3A_387] : memref<800xi32, #tpu.memory_space<vmem>> -> memref<160xi32, #tpu.memory_space<vmem>>
      %dma_wait3A_389 = arith.constant 0 : i32
      %dma_wait3A_390 = arith.constant 0 : i32
      %dma_wait3A_391 = tpu.memref_slice %arg26[%dma_wait3A_389, %dma_wait3A_390] : memref<5056x24xf32, #tpu.memory_space<vmem_shared>> -> memref<5056x24xf32, #tpu.memory_space<vmem_shared>>
      tpu.wait_indirect_dma semaphore(%arg22 : memref<!tpu.dma_semaphore, #tpu.memory_space<semaphore_mem>>) src(%dma_wait3A_391 : memref<5056x24xf32, #tpu.memory_space<vmem_shared>>) dst(%arg15 : memref<160x24xf32, #tpu.memory_space<vmem>>)
      %dma_wait3A_392 = arith.constant 0 : i32
      %dma_wait3A_393 = arith.constant 0 : i32
      %dma_wait3A_394 = tpu.memref_slice %arg27[%dma_wait3A_392, %dma_wait3A_393] : memref<50048x24xf32, #tpu.memory_space<vmem_shared>> -> memref<50048x24xf32, #tpu.memory_space<vmem_shared>>
      tpu.wait_indirect_dma semaphore(%arg24 : memref<!tpu.dma_semaphore, #tpu.memory_space<semaphore_mem>>) src(%arg18 : memref<160x24xf32, #tpu.memory_space<vmem>>) dst(%dma_wait3A_394 : memref<50048x24xf32, #tpu.memory_space<vmem_shared>>)
      %scan3A_395 = arith.constant 0 : i32
      %scan3A_396 = arith.constant 10 : i32
      %scan3A_397 = arith.addi %scan3A_395, %scan3A_396 : i32
      %scan3A_398 = arith.constant 1 : i32
      scf.for %scan3A_460 = %scan3A_395 to %scan3A_397 step %scan3A_398  : i32 {
        %mul3A_461 = arith.constant 1 : i32
        %mul3A_462 = arith.muli %scan3A_460, %mul3A_461 : i32
        %add3A_463 = arith.constant 0 : i32
        %add3A_464 = arith.addi %add3A_463, %mul3A_462 : i32
        %mul3A_465 = arith.constant 16 : i32
        %mul3A_466 = arith.muli %add3A_464, %mul3A_465 : i32
        %add3A_467 = arith.constant 480 : i32
        %add3A_468 = arith.addi %add3A_467, %mul3A_466 : i32
        %get3A = arith.index_cast %add3A_468 : i32 to index
        %get3A_469 = tpu.vector_load %arg9[%get3A] {strides = array<i32>} : memref<800xi32, #tpu.memory_space<vmem>>, vector<16xi32>,
        %mul3A_470 = arith.constant 16 : i32
        %mul3A_471 = arith.muli %add3A_464, %mul3A_470 : i32
        %swap3A = arith.index_cast %mul3A_471 : i32 to index
        %swap3A_472 = tpu.vector_load %arg11[%swap3A] {strides = array<i32>} : memref<160xi32, #tpu.memory_space<vmem>>, vector<16xi32>,
        tpu.vector_store %arg11[%swap3A], %get3A_469 {strides = array<i32>} : memref<160xi32, #tpu.memory_space<vmem>>, vector<16xi32>,
      }
      %scan3A_399 = arith.constant 10 : i32
      %scan3A_400 = arith.constant 0 : i32
      %scan3A_401 = arith.constant 10 : i32
      %scan3A_402 = arith.addi %scan3A_400, %scan3A_401 : i32
      %scan3A_403 = arith.constant 1 : i32
      scf.for %scan3A_460 = %scan3A_400 to %scan3A_402 step %scan3A_403  : i32 {
        %mul3A_461 = arith.constant 1 : i32
        %mul3A_462 = arith.muli %scan3A_460, %mul3A_461 : i32
        %add3A_463 = arith.constant 0 : i32
        %add3A_464 = arith.addi %add3A_463, %mul3A_462 : i32
        %mul3A_465 = arith.constant 16 : i32
        %mul3A_466 = arith.muli %add3A_464, %mul3A_465 : i32
        %add3A_467 = vector.broadcast %mul3A_466 : i32 to vector<16xi32>
        %add3A_468 = arith.addi %add3A_467, %iota3A : vector<16xi32>
        %add3A_469 = arith.constant 20 : i32
        %add3A_470 = vector.broadcast %add3A_469 : i32 to vector<16xi32>
        %add3A_471 = arith.addi %mul3A_13, %add3A_470 : vector<16xi32>
        %gather3A = tpu.vector_load_idx %arg15[%add3A_468, %add3A_471] : memref<160x24xf32, #tpu.memory_space<vmem>>[vector<16xi32>, vector<16xi32>], vector<16xf32>,
        %gather3A_472 = tpu.vector_load_idx %arg13[%add3A_468, %mul3A_13] : memref<160x8xf32, #tpu.memory_space<vmem>>[vector<16xi32>, vector<16xi32>], vector<16xf32>,
        %add3A_473 = arith.constant 21 : i32
        %add3A_474 = vector.broadcast %add3A_473 : i32 to vector<16xi32>
        %add3A_475 = arith.addi %mul3A_13, %add3A_474 : vector<16xi32>
        %gather3A_476 = tpu.vector_load_idx %arg15[%add3A_468, %add3A_475] : memref<160x24xf32, #tpu.memory_space<vmem>>[vector<16xi32>, vector<16xi32>], vector<16xf32>,
        %gather3A_477 = tpu.vector_load_idx %arg13[%add3A_468, %add3A_16] : memref<160x8xf32, #tpu.memory_space<vmem>>[vector<16xi32>, vector<16xi32>], vector<16xf32>,
        %add3A_478 = arith.addf %gather3A, %gather3A_472 : vector<16xf32>
        %add3A_479 = arith.addf %gather3A_476, %gather3A_477 : vector<16xf32>
        %mul3A_480 = arith.constant 2.000000e-01 : f32
        %mul3A_481 = vector.broadcast %mul3A_480 : f32 to vector<16xf32>
        %mul3A_482 = arith.mulf %mul3A_481, %add3A_478 : vector<16xf32>
        %max3A = arith.maximumf %add3A_478, %mul3A_482 : vector<16xf32>
        %exp3A = math.exp %max3A : vector<16xf32>
        %mul3A_483 = arith.constant 2.000000e-01 : f32
        %mul3A_484 = vector.broadcast %mul3A_483 : f32 to vector<16xf32>
        %mul3A_485 = arith.mulf %mul3A_484, %add3A_479 : vector<16xf32>
        %max3A_486 = arith.maximumf %add3A_479, %mul3A_485 : vector<16xf32>
        %exp3A_487 = math.exp %max3A_486 : vector<16xf32>
        %mul3A_488 = arith.constant 2 : i32
        %mul3A_489 = vector.broadcast %mul3A_488 : i32 to vector<16xi32>
        %mul3A_490 = arith.muli %add3A_468, %mul3A_489 : vector<16xi32>
        tpu.vector_store_idx %arg16[%mul3A_490], %exp3A : memref<320xf32, #tpu.memory_space<vmem>>[vector<16xi32>], vector<16xf32>,
        %mul3A_491 = arith.constant 2 : i32
        %mul3A_492 = vector.broadcast %mul3A_491 : i32 to vector<16xi32>
        %mul3A_493 = arith.muli %add3A_468, %mul3A_492 : vector<16xi32>
        %add3A_494 = arith.constant 1 : i32
        %add3A_495 = vector.broadcast %add3A_494 : i32 to vector<16xi32>
        %add3A_496 = arith.addi %mul3A_493, %add3A_495 : vector<16xi32>
        tpu.vector_store_idx %arg16[%add3A_496], %exp3A_487 : memref<320xf32, #tpu.memory_space<vmem>>[vector<16xi32>], vector<16xf32>,
      }
      %scan3A_404 = arith.constant 10 : i32
      %scan3A_405 = arith.constant 0 : i32
      %scan3A_406 = arith.constant 80 : i32
      %scan3A_407 = arith.addi %scan3A_405, %scan3A_406 : i32
      %scan3A_408 = arith.constant 4 : i32
      scf.for %scan3A_460 = %scan3A_405 to %scan3A_407 step %scan3A_408  : i32 {
        %mul3A_461 = arith.constant 1 : i32
        %mul3A_462 = arith.muli %scan3A_460, %mul3A_461 : i32
        %add3A_463 = arith.constant 0 : i32
        %add3A_464 = arith.addi %add3A_463, %mul3A_462 : i32
        %mul3A_465 = arith.constant 2 : i32
        %mul3A_466 = arith.muli %add3A_464, %mul3A_465 : i32
        %add3A_467 = vector.broadcast %mul3A_466 : i32 to vector<16xi32>
        %add3A_468 = arith.addi %add3A_467, %select_n3A : vector<16xi32>
        %gather3A = tpu.vector_load_idx %arg15[%add3A_468, %select_n3A_62] : memref<160x24xf32, #tpu.memory_space<vmem>>[vector<16xi32>, vector<16xi32>], vector<16xf32>,
        %mul3A_469 = arith.constant 4 : i32
        %mul3A_470 = arith.muli %add3A_464, %mul3A_469 : i32
        %add3A_471 = vector.broadcast %mul3A_470 : i32 to vector<16xi32>
        %add3A_472 = arith.addi %add3A_68, %add3A_471 : vector<16xi32>
        %gather3A_473 = tpu.vector_load_idx %arg16[%add3A_472] : memref<320xf32, #tpu.memory_space<vmem>>[vector<16xi32>], vector<16xf32>,
        %mul3A_474 = arith.mulf %gather3A, %gather3A_473 : vector<16xf32>
        tpu.vector_store_idx %arg18[%add3A_468, %select_n3A_62], %mul3A_474 : memref<160x24xf32, #tpu.memory_space<vmem>>[vector<16xi32>, vector<16xi32>], vector<16xf32>,
        %mul3A_475 = arith.constant 2 : i32
        %mul3A_476 = arith.muli %add3A_464, %mul3A_475 : i32
        %add3A_477 = vector.broadcast %mul3A_476 : i32 to vector<16xi32>
        %add3A_478 = arith.addi %add3A_477, %select_n3A_102 : vector<16xi32>
        %gather3A_479 = tpu.vector_load_idx %arg15[%add3A_478, %select_n3A_124] : memref<160x24xf32, #tpu.memory_space<vmem>>[vector<16xi32>, vector<16xi32>], vector<16xf32>,
        %mul3A_480 = arith.constant 4 : i32
        %mul3A_481 = arith.muli %add3A_464, %mul3A_480 : i32
        %add3A_482 = vector.broadcast %mul3A_481 : i32 to vector<16xi32>
        %add3A_483 = arith.addi %add3A_132, %add3A_482 : vector<16xi32>
        %gather3A_484 = tpu.vector_load_idx %arg16[%add3A_483] : memref<320xf32, #tpu.memory_space<vmem>>[vector<16xi32>], vector<16xf32>,
        %mul3A_485 = arith.mulf %gather3A_479, %gather3A_484 : vector<16xf32>
        tpu.vector_store_idx %arg18[%add3A_478, %select_n3A_124], %mul3A_485 : memref<160x24xf32, #tpu.memory_space<vmem>>[vector<16xi32>, vector<16xi32>], vector<16xf32>,
        %mul3A_486 = arith.constant 2 : i32
        %mul3A_487 = arith.muli %add3A_464, %mul3A_486 : i32
        %add3A_488 = vector.broadcast %mul3A_487 : i32 to vector<16xi32>
        %add3A_489 = arith.addi %add3A_488, %select_n3A_166 : vector<16xi32>
        %gather3A_490 = tpu.vector_load_idx %arg15[%add3A_489, %select_n3A_188] : memref<160x24xf32, #tpu.memory_space<vmem>>[vector<16xi32>, vector<16xi32>], vector<16xf32>,
        %mul3A_491 = arith.constant 4 : i32
        %mul3A_492 = arith.muli %add3A_464, %mul3A_491 : i32
        %add3A_493 = vector.broadcast %mul3A_492 : i32 to vector<16xi32>
        %add3A_494 = arith.addi %add3A_196, %add3A_493 : vector<16xi32>
        %gather3A_495 = tpu.vector_load_idx %arg16[%add3A_494] : memref<320xf32, #tpu.memory_space<vmem>>[vector<16xi32>], vector<16xf32>,
        %mul3A_496 = arith.mulf %gather3A_490, %gather3A_495 : vector<16xf32>
        tpu.vector_store_idx %arg18[%add3A_489, %select_n3A_188], %mul3A_496 : memref<160x24xf32, #tpu.memory_space<vmem>>[vector<16xi32>, vector<16xi32>], vector<16xf32>,
        %scan3A_497 = arith.constant 1 : i32
        %scan3A_498 = arith.addi %scan3A_460, %scan3A_497 : i32
        %mul3A_499 = arith.constant 1 : i32
        %mul3A_500 = arith.muli %scan3A_498, %mul3A_499 : i32
        %add3A_501 = arith.constant 0 : i32
        %add3A_502 = arith.addi %add3A_501, %mul3A_500 : i32
        %mul3A_503 = arith.constant 2 : i32
        %mul3A_504 = arith.muli %add3A_502, %mul3A_503 : i32
        %add3A_505 = vector.broadcast %mul3A_504 : i32 to vector<16xi32>
        %add3A_506 = arith.addi %add3A_505, %select_n3A : vector<16xi32>
        %gather3A_507 = tpu.vector_load_idx %arg15[%add3A_506, %select_n3A_62] : memref<160x24xf32, #tpu.memory_space<vmem>>[vector<16xi32>, vector<16xi32>], vector<16xf32>,
        %mul3A_508 = arith.constant 4 : i32
        %mul3A_509 = arith.muli %add3A_502, %mul3A_508 : i32
        %add3A_510 = vector.broadcast %mul3A_509 : i32 to vector<16xi32>
        %add3A_511 = arith.addi %add3A_68, %add3A_510 : vector<16xi32>
        %gather3A_512 = tpu.vector_load_idx %arg16[%add3A_511] : memref<320xf32, #tpu.memory_space<vmem>>[vector<16xi32>], vector<16xf32>,
        %mul3A_513 = arith.mulf %gather3A_507, %gather3A_512 : vector<16xf32>
        tpu.vector_store_idx %arg18[%add3A_506, %select_n3A_62], %mul3A_513 : memref<160x24xf32, #tpu.memory_space<vmem>>[vector<16xi32>, vector<16xi32>], vector<16xf32>,
        %mul3A_514 = arith.constant 2 : i32
        %mul3A_515 = arith.muli %add3A_502, %mul3A_514 : i32
        %add3A_516 = vector.broadcast %mul3A_515 : i32 to vector<16xi32>
        %add3A_517 = arith.addi %add3A_516, %select_n3A_102 : vector<16xi32>
        %gather3A_518 = tpu.vector_load_idx %arg15[%add3A_517, %select_n3A_124] : memref<160x24xf32, #tpu.memory_space<vmem>>[vector<16xi32>, vector<16xi32>], vector<16xf32>,
        %mul3A_519 = arith.constant 4 : i32
        %mul3A_520 = arith.muli %add3A_502, %mul3A_519 : i32
        %add3A_521 = vector.broadcast %mul3A_520 : i32 to vector<16xi32>
        %add3A_522 = arith.addi %add3A_132, %add3A_521 : vector<16xi32>
        %gather3A_523 = tpu.vector_load_idx %arg16[%add3A_522] : memref<320xf32, #tpu.memory_space<vmem>>[vector<16xi32>], vector<16xf32>,
        %mul3A_524 = arith.mulf %gather3A_518, %gather3A_523 : vector<16xf32>
        tpu.vector_store_idx %arg18[%add3A_517, %select_n3A_124], %mul3A_524 : memref<160x24xf32, #tpu.memory_space<vmem>>[vector<16xi32>, vector<16xi32>], vector<16xf32>,
        %mul3A_525 = arith.constant 2 : i32
        %mul3A_526 = arith.muli %add3A_502, %mul3A_525 : i32
        %add3A_527 = vector.broadcast %mul3A_526 : i32 to vector<16xi32>
        %add3A_528 = arith.addi %add3A_527, %select_n3A_166 : vector<16xi32>
        %gather3A_529 = tpu.vector_load_idx %arg15[%add3A_528, %select_n3A_188] : memref<160x24xf32, #tpu.memory_space<vmem>>[vector<16xi32>, vector<16xi32>], vector<16xf32>,
        %mul3A_530 = arith.constant 4 : i32
        %mul3A_531 = arith.muli %add3A_502, %mul3A_530 : i32
        %add3A_532 = vector.broadcast %mul3A_531 : i32 to vector<16xi32>
        %add3A_533 = arith.addi %add3A_196, %add3A_532 : vector<16xi32>
        %gather3A_534 = tpu.vector_load_idx %arg16[%add3A_533] : memref<320xf32, #tpu.memory_space<vmem>>[vector<16xi32>], vector<16xf32>,
        %mul3A_535 = arith.mulf %gather3A_529, %gather3A_534 : vector<16xf32>
        tpu.vector_store_idx %arg18[%add3A_528, %select_n3A_188], %mul3A_535 : memref<160x24xf32, #tpu.memory_space<vmem>>[vector<16xi32>, vector<16xi32>], vector<16xf32>,
        %scan3A_536 = arith.constant 2 : i32
        %scan3A_537 = arith.addi %scan3A_460, %scan3A_536 : i32
        %mul3A_538 = arith.constant 1 : i32
        %mul3A_539 = arith.muli %scan3A_537, %mul3A_538 : i32
        %add3A_540 = arith.constant 0 : i32
        %add3A_541 = arith.addi %add3A_540, %mul3A_539 : i32
        %mul3A_542 = arith.constant 2 : i32
        %mul3A_543 = arith.muli %add3A_541, %mul3A_542 : i32
        %add3A_544 = vector.broadcast %mul3A_543 : i32 to vector<16xi32>
        %add3A_545 = arith.addi %add3A_544, %select_n3A : vector<16xi32>
        %gather3A_546 = tpu.vector_load_idx %arg15[%add3A_545, %select_n3A_62] : memref<160x24xf32, #tpu.memory_space<vmem>>[vector<16xi32>, vector<16xi32>], vector<16xf32>,
        %mul3A_547 = arith.constant 4 : i32
        %mul3A_548 = arith.muli %add3A_541, %mul3A_547 : i32
        %add3A_549 = vector.broadcast %mul3A_548 : i32 to vector<16xi32>
        %add3A_550 = arith.addi %add3A_68, %add3A_549 : vector<16xi32>
        %gather3A_551 = tpu.vector_load_idx %arg16[%add3A_550] : memref<320xf32, #tpu.memory_space<vmem>>[vector<16xi32>], vector<16xf32>,
        %mul3A_552 = arith.mulf %gather3A_546, %gather3A_551 : vector<16xf32>
        tpu.vector_store_idx %arg18[%add3A_545, %select_n3A_62], %mul3A_552 : memref<160x24xf32, #tpu.memory_space<vmem>>[vector<16xi32>, vector<16xi32>], vector<16xf32>,
        %mul3A_553 = arith.constant 2 : i32
        %mul3A_554 = arith.muli %add3A_541, %mul3A_553 : i32
        %add3A_555 = vector.broadcast %mul3A_554 : i32 to vector<16xi32>
        %add3A_556 = arith.addi %add3A_555, %select_n3A_102 : vector<16xi32>
        %gather3A_557 = tpu.vector_load_idx %arg15[%add3A_556, %select_n3A_124] : memref<160x24xf32, #tpu.memory_space<vmem>>[vector<16xi32>, vector<16xi32>], vector<16xf32>,
        %mul3A_558 = arith.constant 4 : i32
        %mul3A_559 = arith.muli %add3A_541, %mul3A_558 : i32
        %add3A_560 = vector.broadcast %mul3A_559 : i32 to vector<16xi32>
        %add3A_561 = arith.addi %add3A_132, %add3A_560 : vector<16xi32>
        %gather3A_562 = tpu.vector_load_idx %arg16[%add3A_561] : memref<320xf32, #tpu.memory_space<vmem>>[vector<16xi32>], vector<16xf32>,
        %mul3A_563 = arith.mulf %gather3A_557, %gather3A_562 : vector<16xf32>
        tpu.vector_store_idx %arg18[%add3A_556, %select_n3A_124], %mul3A_563 : memref<160x24xf32, #tpu.memory_space<vmem>>[vector<16xi32>, vector<16xi32>], vector<16xf32>,
        %mul3A_564 = arith.constant 2 : i32
        %mul3A_565 = arith.muli %add3A_541, %mul3A_564 : i32
        %add3A_566 = vector.broadcast %mul3A_565 : i32 to vector<16xi32>
        %add3A_567 = arith.addi %add3A_566, %select_n3A_166 : vector<16xi32>
        %gather3A_568 = tpu.vector_load_idx %arg15[%add3A_567, %select_n3A_188] : memref<160x24xf32, #tpu.memory_space<vmem>>[vector<16xi32>, vector<16xi32>], vector<16xf32>,
        %mul3A_569 = arith.constant 4 : i32
        %mul3A_570 = arith.muli %add3A_541, %mul3A_569 : i32
        %add3A_571 = vector.broadcast %mul3A_570 : i32 to vector<16xi32>
        %add3A_572 = arith.addi %add3A_196, %add3A_571 : vector<16xi32>
        %gather3A_573 = tpu.vector_load_idx %arg16[%add3A_572] : memref<320xf32, #tpu.memory_space<vmem>>[vector<16xi32>], vector<16xf32>,
        %mul3A_574 = arith.mulf %gather3A_568, %gather3A_573 : vector<16xf32>
        tpu.vector_store_idx %arg18[%add3A_567, %select_n3A_188], %mul3A_574 : memref<160x24xf32, #tpu.memory_space<vmem>>[vector<16xi32>, vector<16xi32>], vector<16xf32>,
        %scan3A_575 = arith.constant 3 : i32
        %scan3A_576 = arith.addi %scan3A_460, %scan3A_575 : i32
        %mul3A_577 = arith.constant 1 : i32
        %mul3A_578 = arith.muli %scan3A_576, %mul3A_577 : i32
        %add3A_579 = arith.constant 0 : i32
        %add3A_580 = arith.addi %add3A_579, %mul3A_578 : i32
        %mul3A_581 = arith.constant 2 : i32
        %mul3A_582 = arith.muli %add3A_580, %mul3A_581 : i32
        %add3A_583 = vector.broadcast %mul3A_582 : i32 to vector<16xi32>
        %add3A_584 = arith.addi %add3A_583, %select_n3A : vector<16xi32>
        %gather3A_585 = tpu.vector_load_idx %arg15[%add3A_584, %select_n3A_62] : memref<160x24xf32, #tpu.memory_space<vmem>>[vector<16xi32>, vector<16xi32>], vector<16xf32>,
        %mul3A_586 = arith.constant 4 : i32
        %mul3A_587 = arith.muli %add3A_580, %mul3A_586 : i32
        %add3A_588 = vector.broadcast %mul3A_587 : i32 to vector<16xi32>
        %add3A_589 = arith.addi %add3A_68, %add3A_588 : vector<16xi32>
        %gather3A_590 = tpu.vector_load_idx %arg16[%add3A_589] : memref<320xf32, #tpu.memory_space<vmem>>[vector<16xi32>], vector<16xf32>,
        %mul3A_591 = arith.mulf %gather3A_585, %gather3A_590 : vector<16xf32>
        tpu.vector_store_idx %arg18[%add3A_584, %select_n3A_62], %mul3A_591 : memref<160x24xf32, #tpu.memory_space<vmem>>[vector<16xi32>, vector<16xi32>], vector<16xf32>,
        %mul3A_592 = arith.constant 2 : i32
        %mul3A_593 = arith.muli %add3A_580, %mul3A_592 : i32
        %add3A_594 = vector.broadcast %mul3A_593 : i32 to vector<16xi32>
        %add3A_595 = arith.addi %add3A_594, %select_n3A_102 : vector<16xi32>
        %gather3A_596 = tpu.vector_load_idx %arg15[%add3A_595, %select_n3A_124] : memref<160x24xf32, #tpu.memory_space<vmem>>[vector<16xi32>, vector<16xi32>], vector<16xf32>,
        %mul3A_597 = arith.constant 4 : i32
        %mul3A_598 = arith.muli %add3A_580, %mul3A_597 : i32
        %add3A_599 = vector.broadcast %mul3A_598 : i32 to vector<16xi32>
        %add3A_600 = arith.addi %add3A_132, %add3A_599 : vector<16xi32>
        %gather3A_601 = tpu.vector_load_idx %arg16[%add3A_600] : memref<320xf32, #tpu.memory_space<vmem>>[vector<16xi32>], vector<16xf32>,
        %mul3A_602 = arith.mulf %gather3A_596, %gather3A_601 : vector<16xf32>
        tpu.vector_store_idx %arg18[%add3A_595, %select_n3A_124], %mul3A_602 : memref<160x24xf32, #tpu.memory_space<vmem>>[vector<16xi32>, vector<16xi32>], vector<16xf32>,
        %mul3A_603 = arith.constant 2 : i32
        %mul3A_604 = arith.muli %add3A_580, %mul3A_603 : i32
        %add3A_605 = vector.broadcast %mul3A_604 : i32 to vector<16xi32>
        %add3A_606 = arith.addi %add3A_605, %select_n3A_166 : vector<16xi32>
        %gather3A_607 = tpu.vector_load_idx %arg15[%add3A_606, %select_n3A_188] : memref<160x24xf32, #tpu.memory_space<vmem>>[vector<16xi32>, vector<16xi32>], vector<16xf32>,
        %mul3A_608 = arith.constant 4 : i32
        %mul3A_609 = arith.muli %add3A_580, %mul3A_608 : i32
        %add3A_610 = vector.broadcast %mul3A_609 : i32 to vector<16xi32>
        %add3A_611 = arith.addi %add3A_196, %add3A_610 : vector<16xi32>
        %gather3A_612 = tpu.vector_load_idx %arg16[%add3A_611] : memref<320xf32, #tpu.memory_space<vmem>>[vector<16xi32>], vector<16xf32>,
        %mul3A_613 = arith.mulf %gather3A_607, %gather3A_612 : vector<16xf32>
        tpu.vector_store_idx %arg18[%add3A_606, %select_n3A_188], %mul3A_613 : memref<160x24xf32, #tpu.memory_space<vmem>>[vector<16xi32>, vector<16xi32>], vector<16xf32>,
      }
      %scan3A_409 = arith.constant 80 : i32
      %scan3A_410 = arith.constant 0 : i32
      %scan3A_411 = arith.constant 10 : i32
      %scan3A_412 = arith.addi %scan3A_410, %scan3A_411 : i32
      %scan3A_413 = arith.constant 1 : i32
      scf.for %scan3A_460 = %scan3A_410 to %scan3A_412 step %scan3A_413  : i32 {
        %mul3A_461 = arith.constant 1 : i32
        %mul3A_462 = arith.muli %scan3A_460, %mul3A_461 : i32
        %add3A_463 = arith.constant 0 : i32
        %add3A_464 = arith.addi %add3A_463, %mul3A_462 : i32
        %mul3A_465 = arith.constant 16 : i32
        %mul3A_466 = arith.muli %add3A_464, %mul3A_465 : i32
        %add3A_467 = vector.broadcast %mul3A_466 : i32 to vector<16xi32>
        %add3A_468 = arith.addi %add3A_467, %iota3A : vector<16xi32>
        %mul3A_469 = arith.constant 2 : i32
        %mul3A_470 = vector.broadcast %mul3A_469 : i32 to vector<16xi32>
        %mul3A_471 = arith.muli %add3A_468, %mul3A_470 : vector<16xi32>
        %gather3A = tpu.vector_load_idx %arg16[%mul3A_471] : memref<320xf32, #tpu.memory_space<vmem>>[vector<16xi32>], vector<16xf32>,
        %mul3A_472 = arith.constant 2 : i32
        %mul3A_473 = vector.broadcast %mul3A_472 : i32 to vector<16xi32>
        %mul3A_474 = arith.muli %add3A_468, %mul3A_473 : vector<16xi32>
        %add3A_475 = arith.constant 1 : i32
        %add3A_476 = vector.broadcast %add3A_475 : i32 to vector<16xi32>
        %add3A_477 = arith.addi %mul3A_474, %add3A_476 : vector<16xi32>
        %gather3A_478 = tpu.vector_load_idx %arg16[%add3A_477] : memref<320xf32, #tpu.memory_space<vmem>>[vector<16xi32>], vector<16xf32>,
        %add3A_479 = arith.constant 20 : i32
        %add3A_480 = vector.broadcast %add3A_479 : i32 to vector<16xi32>
        %add3A_481 = arith.addi %mul3A_13, %add3A_480 : vector<16xi32>
        tpu.vector_store_idx %arg18[%add3A_468, %add3A_481], %gather3A : memref<160x24xf32, #tpu.memory_space<vmem>>[vector<16xi32>, vector<16xi32>], vector<16xf32>,
        %add3A_482 = arith.constant 21 : i32
        %add3A_483 = vector.broadcast %add3A_482 : i32 to vector<16xi32>
        %add3A_484 = arith.addi %mul3A_13, %add3A_483 : vector<16xi32>
        tpu.vector_store_idx %arg18[%add3A_468, %add3A_484], %gather3A_478 : memref<160x24xf32, #tpu.memory_space<vmem>>[vector<16xi32>, vector<16xi32>], vector<16xf32>,
      }
      %scan3A_414 = arith.constant 10 : i32
      %dma_start3A_415 = arith.constant 0 : i32
      %dma_start3A_416 = arith.constant 0 : i32
      %dma_start3A_417 = tpu.memref_slice %arg27[%dma_start3A_415, %dma_start3A_416] : memref<50048x24xf32, #tpu.memory_space<vmem_shared>> -> memref<50048x24xf32, #tpu.memory_space<vmem_shared>>
      tpu.enqueue_indirect_dma source(%arg18 : memref<160x24xf32, #tpu.memory_space<vmem>>) target(%dma_start3A_417 : memref<50048x24xf32, #tpu.memory_space<vmem_shared>>) offsets(%arg11 : memref<160xi32, #tpu.memory_space<vmem>>) semaphore(%arg24 : memref<!tpu.dma_semaphore, #tpu.memory_space<semaphore_mem>>) {add = true}
      %dma_wait3A_418 = arith.constant 640 : i32
      %dma_wait3A_419 = tpu.memref_slice %arg9[%dma_wait3A_418] : memref<800xi32, #tpu.memory_space<vmem>> -> memref<160xi32, #tpu.memory_space<vmem>>
      %dma_wait3A_420 = arith.constant 0 : i32
      %dma_wait3A_421 = arith.constant 0 : i32
      %dma_wait3A_422 = tpu.memref_slice %arg25[%dma_wait3A_420, %dma_wait3A_421] : memref<50048x8xf32, #tpu.memory_space<vmem_shared>> -> memref<50048x8xf32, #tpu.memory_space<vmem_shared>>
      tpu.wait_indirect_dma semaphore(%arg19 : memref<!tpu.dma_semaphore, #tpu.memory_space<semaphore_mem>>) src(%dma_wait3A_422 : memref<50048x8xf32, #tpu.memory_space<vmem_shared>>) dst(%arg12 : memref<160x8xf32, #tpu.memory_space<vmem>>)
      %dma_wait3A_423 = arith.constant 640 : i32
      %dma_wait3A_424 = tpu.memref_slice %arg8[%dma_wait3A_423] : memref<800xi32, #tpu.memory_space<vmem>> -> memref<160xi32, #tpu.memory_space<vmem>>
      %dma_wait3A_425 = arith.constant 0 : i32
      %dma_wait3A_426 = arith.constant 0 : i32
      %dma_wait3A_427 = tpu.memref_slice %arg26[%dma_wait3A_425, %dma_wait3A_426] : memref<5056x24xf32, #tpu.memory_space<vmem_shared>> -> memref<5056x24xf32, #tpu.memory_space<vmem_shared>>
      tpu.wait_indirect_dma semaphore(%arg21 : memref<!tpu.dma_semaphore, #tpu.memory_space<semaphore_mem>>) src(%dma_wait3A_427 : memref<5056x24xf32, #tpu.memory_space<vmem_shared>>) dst(%arg14 : memref<160x24xf32, #tpu.memory_space<vmem>>)
      %dma_wait3A_428 = arith.constant 0 : i32
      %dma_wait3A_429 = arith.constant 0 : i32
      %dma_wait3A_430 = tpu.memref_slice %arg27[%dma_wait3A_428, %dma_wait3A_429] : memref<50048x24xf32, #tpu.memory_space<vmem_shared>> -> memref<50048x24xf32, #tpu.memory_space<vmem_shared>>
      tpu.wait_indirect_dma semaphore(%arg23 : memref<!tpu.dma_semaphore, #tpu.memory_space<semaphore_mem>>) src(%arg17 : memref<160x24xf32, #tpu.memory_space<vmem>>) dst(%dma_wait3A_430 : memref<50048x24xf32, #tpu.memory_space<vmem_shared>>)
      %scan3A_431 = arith.constant 0 : i32
      %scan3A_432 = arith.constant 10 : i32
      %scan3A_433 = arith.addi %scan3A_431, %scan3A_432 : i32
      %scan3A_434 = arith.constant 1 : i32
      scf.for %scan3A_460 = %scan3A_431 to %scan3A_433 step %scan3A_434  : i32 {
        %mul3A_461 = arith.constant 1 : i32
        %mul3A_462 = arith.muli %scan3A_460, %mul3A_461 : i32
        %add3A_463 = arith.constant 0 : i32
        %add3A_464 = arith.addi %add3A_463, %mul3A_462 : i32
        %mul3A_465 = arith.constant 16 : i32
        %mul3A_466 = arith.muli %add3A_464, %mul3A_465 : i32
        %add3A_467 = arith.constant 640 : i32
        %add3A_468 = arith.addi %add3A_467, %mul3A_466 : i32
        %get3A = arith.index_cast %add3A_468 : i32 to index
        %get3A_469 = tpu.vector_load %arg9[%get3A] {strides = array<i32>} : memref<800xi32, #tpu.memory_space<vmem>>, vector<16xi32>,
        %mul3A_470 = arith.constant 16 : i32
        %mul3A_471 = arith.muli %add3A_464, %mul3A_470 : i32
        %swap3A = arith.index_cast %mul3A_471 : i32 to index
        %swap3A_472 = tpu.vector_load %arg10[%swap3A] {strides = array<i32>} : memref<160xi32, #tpu.memory_space<vmem>>, vector<16xi32>,
        tpu.vector_store %arg10[%swap3A], %get3A_469 {strides = array<i32>} : memref<160xi32, #tpu.memory_space<vmem>>, vector<16xi32>,
      }
      %scan3A_435 = arith.constant 10 : i32
      %scan3A_436 = arith.constant 0 : i32
      %scan3A_437 = arith.constant 10 : i32
      %scan3A_438 = arith.addi %scan3A_436, %scan3A_437 : i32
      %scan3A_439 = arith.constant 1 : i32
      scf.for %scan3A_460 = %scan3A_436 to %scan3A_438 step %scan3A_439  : i32 {
        %mul3A_461 = arith.constant 1 : i32
        %mul3A_462 = arith.muli %scan3A_460, %mul3A_461 : i32
        %add3A_463 = arith.constant 0 : i32
        %add3A_464 = arith.addi %add3A_463, %mul3A_462 : i32
        %mul3A_465 = arith.constant 16 : i32
        %mul3A_466 = arith.muli %add3A_464, %mul3A_465 : i32
        %add3A_467 = vector.broadcast %mul3A_466 : i32 to vector<16xi32>
        %add3A_468 = arith.addi %add3A_467, %iota3A : vector<16xi32>
        %add3A_469 = arith.constant 20 : i32
        %add3A_470 = vector.broadcast %add3A_469 : i32 to vector<16xi32>
        %add3A_471 = arith.addi %mul3A_13, %add3A_470 : vector<16xi32>
        %gather3A = tpu.vector_load_idx %arg14[%add3A_468, %add3A_471] : memref<160x24xf32, #tpu.memory_space<vmem>>[vector<16xi32>, vector<16xi32>], vector<16xf32>,
        %gather3A_472 = tpu.vector_load_idx %arg12[%add3A_468, %mul3A_13] : memref<160x8xf32, #tpu.memory_space<vmem>>[vector<16xi32>, vector<16xi32>], vector<16xf32>,
        %add3A_473 = arith.constant 21 : i32
        %add3A_474 = vector.broadcast %add3A_473 : i32 to vector<16xi32>
        %add3A_475 = arith.addi %mul3A_13, %add3A_474 : vector<16xi32>
        %gather3A_476 = tpu.vector_load_idx %arg14[%add3A_468, %add3A_475] : memref<160x24xf32, #tpu.memory_space<vmem>>[vector<16xi32>, vector<16xi32>], vector<16xf32>,
        %gather3A_477 = tpu.vector_load_idx %arg12[%add3A_468, %add3A_16] : memref<160x8xf32, #tpu.memory_space<vmem>>[vector<16xi32>, vector<16xi32>], vector<16xf32>,
        %add3A_478 = arith.addf %gather3A, %gather3A_472 : vector<16xf32>
        %add3A_479 = arith.addf %gather3A_476, %gather3A_477 : vector<16xf32>
        %mul3A_480 = arith.constant 2.000000e-01 : f32
        %mul3A_481 = vector.broadcast %mul3A_480 : f32 to vector<16xf32>
        %mul3A_482 = arith.mulf %mul3A_481, %add3A_478 : vector<16xf32>
        %max3A = arith.maximumf %add3A_478, %mul3A_482 : vector<16xf32>
        %exp3A = math.exp %max3A : vector<16xf32>
        %mul3A_483 = arith.constant 2.000000e-01 : f32
        %mul3A_484 = vector.broadcast %mul3A_483 : f32 to vector<16xf32>
        %mul3A_485 = arith.mulf %mul3A_484, %add3A_479 : vector<16xf32>
        %max3A_486 = arith.maximumf %add3A_479, %mul3A_485 : vector<16xf32>
        %exp3A_487 = math.exp %max3A_486 : vector<16xf32>
        %mul3A_488 = arith.constant 2 : i32
        %mul3A_489 = vector.broadcast %mul3A_488 : i32 to vector<16xi32>
        %mul3A_490 = arith.muli %add3A_468, %mul3A_489 : vector<16xi32>
        tpu.vector_store_idx %arg16[%mul3A_490], %exp3A : memref<320xf32, #tpu.memory_space<vmem>>[vector<16xi32>], vector<16xf32>,
        %mul3A_491 = arith.constant 2 : i32
        %mul3A_492 = vector.broadcast %mul3A_491 : i32 to vector<16xi32>
        %mul3A_493 = arith.muli %add3A_468, %mul3A_492 : vector<16xi32>
        %add3A_494 = arith.constant 1 : i32
        %add3A_495 = vector.broadcast %add3A_494 : i32 to vector<16xi32>
        %add3A_496 = arith.addi %mul3A_493, %add3A_495 : vector<16xi32>
        tpu.vector_store_idx %arg16[%add3A_496], %exp3A_487 : memref<320xf32, #tpu.memory_space<vmem>>[vector<16xi32>], vector<16xf32>,
      }
      %scan3A_440 = arith.constant 10 : i32
      %scan3A_441 = arith.constant 0 : i32
      %scan3A_442 = arith.constant 80 : i32
      %scan3A_443 = arith.addi %scan3A_441, %scan3A_442 : i32
      %scan3A_444 = arith.constant 4 : i32
      scf.for %scan3A_460 = %scan3A_441 to %scan3A_443 step %scan3A_444  : i32 {
        %mul3A_461 = arith.constant 1 : i32
        %mul3A_462 = arith.muli %scan3A_460, %mul3A_461 : i32
        %add3A_463 = arith.constant 0 : i32
        %add3A_464 = arith.addi %add3A_463, %mul3A_462 : i32
        %mul3A_465 = arith.constant 2 : i32
        %mul3A_466 = arith.muli %add3A_464, %mul3A_465 : i32
        %add3A_467 = vector.broadcast %mul3A_466 : i32 to vector<16xi32>
        %add3A_468 = arith.addi %add3A_467, %select_n3A : vector<16xi32>
        %gather3A = tpu.vector_load_idx %arg14[%add3A_468, %select_n3A_62] : memref<160x24xf32, #tpu.memory_space<vmem>>[vector<16xi32>, vector<16xi32>], vector<16xf32>,
        %mul3A_469 = arith.constant 4 : i32
        %mul3A_470 = arith.muli %add3A_464, %mul3A_469 : i32
        %add3A_471 = vector.broadcast %mul3A_470 : i32 to vector<16xi32>
        %add3A_472 = arith.addi %add3A_68, %add3A_471 : vector<16xi32>
        %gather3A_473 = tpu.vector_load_idx %arg16[%add3A_472] : memref<320xf32, #tpu.memory_space<vmem>>[vector<16xi32>], vector<16xf32>,
        %mul3A_474 = arith.mulf %gather3A, %gather3A_473 : vector<16xf32>
        tpu.vector_store_idx %arg17[%add3A_468, %select_n3A_62], %mul3A_474 : memref<160x24xf32, #tpu.memory_space<vmem>>[vector<16xi32>, vector<16xi32>], vector<16xf32>,
        %mul3A_475 = arith.constant 2 : i32
        %mul3A_476 = arith.muli %add3A_464, %mul3A_475 : i32
        %add3A_477 = vector.broadcast %mul3A_476 : i32 to vector<16xi32>
        %add3A_478 = arith.addi %add3A_477, %select_n3A_102 : vector<16xi32>
        %gather3A_479 = tpu.vector_load_idx %arg14[%add3A_478, %select_n3A_124] : memref<160x24xf32, #tpu.memory_space<vmem>>[vector<16xi32>, vector<16xi32>], vector<16xf32>,
        %mul3A_480 = arith.constant 4 : i32
        %mul3A_481 = arith.muli %add3A_464, %mul3A_480 : i32
        %add3A_482 = vector.broadcast %mul3A_481 : i32 to vector<16xi32>
        %add3A_483 = arith.addi %add3A_132, %add3A_482 : vector<16xi32>
        %gather3A_484 = tpu.vector_load_idx %arg16[%add3A_483] : memref<320xf32, #tpu.memory_space<vmem>>[vector<16xi32>], vector<16xf32>,
        %mul3A_485 = arith.mulf %gather3A_479, %gather3A_484 : vector<16xf32>
        tpu.vector_store_idx %arg17[%add3A_478, %select_n3A_124], %mul3A_485 : memref<160x24xf32, #tpu.memory_space<vmem>>[vector<16xi32>, vector<16xi32>], vector<16xf32>,
        %mul3A_486 = arith.constant 2 : i32
        %mul3A_487 = arith.muli %add3A_464, %mul3A_486 : i32
        %add3A_488 = vector.broadcast %mul3A_487 : i32 to vector<16xi32>
        %add3A_489 = arith.addi %add3A_488, %select_n3A_166 : vector<16xi32>
        %gather3A_490 = tpu.vector_load_idx %arg14[%add3A_489, %select_n3A_188] : memref<160x24xf32, #tpu.memory_space<vmem>>[vector<16xi32>, vector<16xi32>], vector<16xf32>,
        %mul3A_491 = arith.constant 4 : i32
        %mul3A_492 = arith.muli %add3A_464, %mul3A_491 : i32
        %add3A_493 = vector.broadcast %mul3A_492 : i32 to vector<16xi32>
        %add3A_494 = arith.addi %add3A_196, %add3A_493 : vector<16xi32>
        %gather3A_495 = tpu.vector_load_idx %arg16[%add3A_494] : memref<320xf32, #tpu.memory_space<vmem>>[vector<16xi32>], vector<16xf32>,
        %mul3A_496 = arith.mulf %gather3A_490, %gather3A_495 : vector<16xf32>
        tpu.vector_store_idx %arg17[%add3A_489, %select_n3A_188], %mul3A_496 : memref<160x24xf32, #tpu.memory_space<vmem>>[vector<16xi32>, vector<16xi32>], vector<16xf32>,
        %scan3A_497 = arith.constant 1 : i32
        %scan3A_498 = arith.addi %scan3A_460, %scan3A_497 : i32
        %mul3A_499 = arith.constant 1 : i32
        %mul3A_500 = arith.muli %scan3A_498, %mul3A_499 : i32
        %add3A_501 = arith.constant 0 : i32
        %add3A_502 = arith.addi %add3A_501, %mul3A_500 : i32
        %mul3A_503 = arith.constant 2 : i32
        %mul3A_504 = arith.muli %add3A_502, %mul3A_503 : i32
        %add3A_505 = vector.broadcast %mul3A_504 : i32 to vector<16xi32>
        %add3A_506 = arith.addi %add3A_505, %select_n3A : vector<16xi32>
        %gather3A_507 = tpu.vector_load_idx %arg14[%add3A_506, %select_n3A_62] : memref<160x24xf32, #tpu.memory_space<vmem>>[vector<16xi32>, vector<16xi32>], vector<16xf32>,
        %mul3A_508 = arith.constant 4 : i32
        %mul3A_509 = arith.muli %add3A_502, %mul3A_508 : i32
        %add3A_510 = vector.broadcast %mul3A_509 : i32 to vector<16xi32>
        %add3A_511 = arith.addi %add3A_68, %add3A_510 : vector<16xi32>
        %gather3A_512 = tpu.vector_load_idx %arg16[%add3A_511] : memref<320xf32, #tpu.memory_space<vmem>>[vector<16xi32>], vector<16xf32>,
        %mul3A_513 = arith.mulf %gather3A_507, %gather3A_512 : vector<16xf32>
        tpu.vector_store_idx %arg17[%add3A_506, %select_n3A_62], %mul3A_513 : memref<160x24xf32, #tpu.memory_space<vmem>>[vector<16xi32>, vector<16xi32>], vector<16xf32>,
        %mul3A_514 = arith.constant 2 : i32
        %mul3A_515 = arith.muli %add3A_502, %mul3A_514 : i32
        %add3A_516 = vector.broadcast %mul3A_515 : i32 to vector<16xi32>
        %add3A_517 = arith.addi %add3A_516, %select_n3A_102 : vector<16xi32>
        %gather3A_518 = tpu.vector_load_idx %arg14[%add3A_517, %select_n3A_124] : memref<160x24xf32, #tpu.memory_space<vmem>>[vector<16xi32>, vector<16xi32>], vector<16xf32>,
        %mul3A_519 = arith.constant 4 : i32
        %mul3A_520 = arith.muli %add3A_502, %mul3A_519 : i32
        %add3A_521 = vector.broadcast %mul3A_520 : i32 to vector<16xi32>
        %add3A_522 = arith.addi %add3A_132, %add3A_521 : vector<16xi32>
        %gather3A_523 = tpu.vector_load_idx %arg16[%add3A_522] : memref<320xf32, #tpu.memory_space<vmem>>[vector<16xi32>], vector<16xf32>,
        %mul3A_524 = arith.mulf %gather3A_518, %gather3A_523 : vector<16xf32>
        tpu.vector_store_idx %arg17[%add3A_517, %select_n3A_124], %mul3A_524 : memref<160x24xf32, #tpu.memory_space<vmem>>[vector<16xi32>, vector<16xi32>], vector<16xf32>,
        %mul3A_525 = arith.constant 2 : i32
        %mul3A_526 = arith.muli %add3A_502, %mul3A_525 : i32
        %add3A_527 = vector.broadcast %mul3A_526 : i32 to vector<16xi32>
        %add3A_528 = arith.addi %add3A_527, %select_n3A_166 : vector<16xi32>
        %gather3A_529 = tpu.vector_load_idx %arg14[%add3A_528, %select_n3A_188] : memref<160x24xf32, #tpu.memory_space<vmem>>[vector<16xi32>, vector<16xi32>], vector<16xf32>,
        %mul3A_530 = arith.constant 4 : i32
        %mul3A_531 = arith.muli %add3A_502, %mul3A_530 : i32
        %add3A_532 = vector.broadcast %mul3A_531 : i32 to vector<16xi32>
        %add3A_533 = arith.addi %add3A_196, %add3A_532 : vector<16xi32>
        %gather3A_534 = tpu.vector_load_idx %arg16[%add3A_533] : memref<320xf32, #tpu.memory_space<vmem>>[vector<16xi32>], vector<16xf32>,
        %mul3A_535 = arith.mulf %gather3A_529, %gather3A_534 : vector<16xf32>
        tpu.vector_store_idx %arg17[%add3A_528, %select_n3A_188], %mul3A_535 : memref<160x24xf32, #tpu.memory_space<vmem>>[vector<16xi32>, vector<16xi32>], vector<16xf32>,
        %scan3A_536 = arith.constant 2 : i32
        %scan3A_537 = arith.addi %scan3A_460, %scan3A_536 : i32
        %mul3A_538 = arith.constant 1 : i32
        %mul3A_539 = arith.muli %scan3A_537, %mul3A_538 : i32
        %add3A_540 = arith.constant 0 : i32
        %add3A_541 = arith.addi %add3A_540, %mul3A_539 : i32
        %mul3A_542 = arith.constant 2 : i32
        %mul3A_543 = arith.muli %add3A_541, %mul3A_542 : i32
        %add3A_544 = vector.broadcast %mul3A_543 : i32 to vector<16xi32>
        %add3A_545 = arith.addi %add3A_544, %select_n3A : vector<16xi32>
        %gather3A_546 = tpu.vector_load_idx %arg14[%add3A_545, %select_n3A_62] : memref<160x24xf32, #tpu.memory_space<vmem>>[vector<16xi32>, vector<16xi32>], vector<16xf32>,
        %mul3A_547 = arith.constant 4 : i32
        %mul3A_548 = arith.muli %add3A_541, %mul3A_547 : i32
        %add3A_549 = vector.broadcast %mul3A_548 : i32 to vector<16xi32>
        %add3A_550 = arith.addi %add3A_68, %add3A_549 : vector<16xi32>
        %gather3A_551 = tpu.vector_load_idx %arg16[%add3A_550] : memref<320xf32, #tpu.memory_space<vmem>>[vector<16xi32>], vector<16xf32>,
        %mul3A_552 = arith.mulf %gather3A_546, %gather3A_551 : vector<16xf32>
        tpu.vector_store_idx %arg17[%add3A_545, %select_n3A_62], %mul3A_552 : memref<160x24xf32, #tpu.memory_space<vmem>>[vector<16xi32>, vector<16xi32>], vector<16xf32>,
        %mul3A_553 = arith.constant 2 : i32
        %mul3A_554 = arith.muli %add3A_541, %mul3A_553 : i32
        %add3A_555 = vector.broadcast %mul3A_554 : i32 to vector<16xi32>
        %add3A_556 = arith.addi %add3A_555, %select_n3A_102 : vector<16xi32>
        %gather3A_557 = tpu.vector_load_idx %arg14[%add3A_556, %select_n3A_124] : memref<160x24xf32, #tpu.memory_space<vmem>>[vector<16xi32>, vector<16xi32>], vector<16xf32>,
        %mul3A_558 = arith.constant 4 : i32
        %mul3A_559 = arith.muli %add3A_541, %mul3A_558 : i32
        %add3A_560 = vector.broadcast %mul3A_559 : i32 to vector<16xi32>
        %add3A_561 = arith.addi %add3A_132, %add3A_560 : vector<16xi32>
        %gather3A_562 = tpu.vector_load_idx %arg16[%add3A_561] : memref<320xf32, #tpu.memory_space<vmem>>[vector<16xi32>], vector<16xf32>,
        %mul3A_563 = arith.mulf %gather3A_557, %gather3A_562 : vector<16xf32>
        tpu.vector_store_idx %arg17[%add3A_556, %select_n3A_124], %mul3A_563 : memref<160x24xf32, #tpu.memory_space<vmem>>[vector<16xi32>, vector<16xi32>], vector<16xf32>,
        %mul3A_564 = arith.constant 2 : i32
        %mul3A_565 = arith.muli %add3A_541, %mul3A_564 : i32
        %add3A_566 = vector.broadcast %mul3A_565 : i32 to vector<16xi32>
        %add3A_567 = arith.addi %add3A_566, %select_n3A_166 : vector<16xi32>
        %gather3A_568 = tpu.vector_load_idx %arg14[%add3A_567, %select_n3A_188] : memref<160x24xf32, #tpu.memory_space<vmem>>[vector<16xi32>, vector<16xi32>], vector<16xf32>,
        %mul3A_569 = arith.constant 4 : i32
        %mul3A_570 = arith.muli %add3A_541, %mul3A_569 : i32
        %add3A_571 = vector.broadcast %mul3A_570 : i32 to vector<16xi32>
        %add3A_572 = arith.addi %add3A_196, %add3A_571 : vector<16xi32>
        %gather3A_573 = tpu.vector_load_idx %arg16[%add3A_572] : memref<320xf32, #tpu.memory_space<vmem>>[vector<16xi32>], vector<16xf32>,
        %mul3A_574 = arith.mulf %gather3A_568, %gather3A_573 : vector<16xf32>
        tpu.vector_store_idx %arg17[%add3A_567, %select_n3A_188], %mul3A_574 : memref<160x24xf32, #tpu.memory_space<vmem>>[vector<16xi32>, vector<16xi32>], vector<16xf32>,
        %scan3A_575 = arith.constant 3 : i32
        %scan3A_576 = arith.addi %scan3A_460, %scan3A_575 : i32
        %mul3A_577 = arith.constant 1 : i32
        %mul3A_578 = arith.muli %scan3A_576, %mul3A_577 : i32
        %add3A_579 = arith.constant 0 : i32
        %add3A_580 = arith.addi %add3A_579, %mul3A_578 : i32
        %mul3A_581 = arith.constant 2 : i32
        %mul3A_582 = arith.muli %add3A_580, %mul3A_581 : i32
        %add3A_583 = vector.broadcast %mul3A_582 : i32 to vector<16xi32>
        %add3A_584 = arith.addi %add3A_583, %select_n3A : vector<16xi32>
        %gather3A_585 = tpu.vector_load_idx %arg14[%add3A_584, %select_n3A_62] : memref<160x24xf32, #tpu.memory_space<vmem>>[vector<16xi32>, vector<16xi32>], vector<16xf32>,
        %mul3A_586 = arith.constant 4 : i32
        %mul3A_587 = arith.muli %add3A_580, %mul3A_586 : i32
        %add3A_588 = vector.broadcast %mul3A_587 : i32 to vector<16xi32>
        %add3A_589 = arith.addi %add3A_68, %add3A_588 : vector<16xi32>
        %gather3A_590 = tpu.vector_load_idx %arg16[%add3A_589] : memref<320xf32, #tpu.memory_space<vmem>>[vector<16xi32>], vector<16xf32>,
        %mul3A_591 = arith.mulf %gather3A_585, %gather3A_590 : vector<16xf32>
        tpu.vector_store_idx %arg17[%add3A_584, %select_n3A_62], %mul3A_591 : memref<160x24xf32, #tpu.memory_space<vmem>>[vector<16xi32>, vector<16xi32>], vector<16xf32>,
        %mul3A_592 = arith.constant 2 : i32
        %mul3A_593 = arith.muli %add3A_580, %mul3A_592 : i32
        %add3A_594 = vector.broadcast %mul3A_593 : i32 to vector<16xi32>
        %add3A_595 = arith.addi %add3A_594, %select_n3A_102 : vector<16xi32>
        %gather3A_596 = tpu.vector_load_idx %arg14[%add3A_595, %select_n3A_124] : memref<160x24xf32, #tpu.memory_space<vmem>>[vector<16xi32>, vector<16xi32>], vector<16xf32>,
        %mul3A_597 = arith.constant 4 : i32
        %mul3A_598 = arith.muli %add3A_580, %mul3A_597 : i32
        %add3A_599 = vector.broadcast %mul3A_598 : i32 to vector<16xi32>
        %add3A_600 = arith.addi %add3A_132, %add3A_599 : vector<16xi32>
        %gather3A_601 = tpu.vector_load_idx %arg16[%add3A_600] : memref<320xf32, #tpu.memory_space<vmem>>[vector<16xi32>], vector<16xf32>,
        %mul3A_602 = arith.mulf %gather3A_596, %gather3A_601 : vector<16xf32>
        tpu.vector_store_idx %arg17[%add3A_595, %select_n3A_124], %mul3A_602 : memref<160x24xf32, #tpu.memory_space<vmem>>[vector<16xi32>, vector<16xi32>], vector<16xf32>,
        %mul3A_603 = arith.constant 2 : i32
        %mul3A_604 = arith.muli %add3A_580, %mul3A_603 : i32
        %add3A_605 = vector.broadcast %mul3A_604 : i32 to vector<16xi32>
        %add3A_606 = arith.addi %add3A_605, %select_n3A_166 : vector<16xi32>
        %gather3A_607 = tpu.vector_load_idx %arg14[%add3A_606, %select_n3A_188] : memref<160x24xf32, #tpu.memory_space<vmem>>[vector<16xi32>, vector<16xi32>], vector<16xf32>,
        %mul3A_608 = arith.constant 4 : i32
        %mul3A_609 = arith.muli %add3A_580, %mul3A_608 : i32
        %add3A_610 = vector.broadcast %mul3A_609 : i32 to vector<16xi32>
        %add3A_611 = arith.addi %add3A_196, %add3A_610 : vector<16xi32>
        %gather3A_612 = tpu.vector_load_idx %arg16[%add3A_611] : memref<320xf32, #tpu.memory_space<vmem>>[vector<16xi32>], vector<16xf32>,
        %mul3A_613 = arith.mulf %gather3A_607, %gather3A_612 : vector<16xf32>
        tpu.vector_store_idx %arg17[%add3A_606, %select_n3A_188], %mul3A_613 : memref<160x24xf32, #tpu.memory_space<vmem>>[vector<16xi32>, vector<16xi32>], vector<16xf32>,
      }
      %scan3A_445 = arith.constant 80 : i32
      %scan3A_446 = arith.constant 0 : i32
      %scan3A_447 = arith.constant 10 : i32
      %scan3A_448 = arith.addi %scan3A_446, %scan3A_447 : i32
      %scan3A_449 = arith.constant 1 : i32
      scf.for %scan3A_460 = %scan3A_446 to %scan3A_448 step %scan3A_449  : i32 {
        %mul3A_461 = arith.constant 1 : i32
        %mul3A_462 = arith.muli %scan3A_460, %mul3A_461 : i32
        %add3A_463 = arith.constant 0 : i32
        %add3A_464 = arith.addi %add3A_463, %mul3A_462 : i32
        %mul3A_465 = arith.constant 16 : i32
        %mul3A_466 = arith.muli %add3A_464, %mul3A_465 : i32
        %add3A_467 = vector.broadcast %mul3A_466 : i32 to vector<16xi32>
        %add3A_468 = arith.addi %add3A_467, %iota3A : vector<16xi32>
        %mul3A_469 = arith.constant 2 : i32
        %mul3A_470 = vector.broadcast %mul3A_469 : i32 to vector<16xi32>
        %mul3A_471 = arith.muli %add3A_468, %mul3A_470 : vector<16xi32>
        %gather3A = tpu.vector_load_idx %arg16[%mul3A_471] : memref<320xf32, #tpu.memory_space<vmem>>[vector<16xi32>], vector<16xf32>,
        %mul3A_472 = arith.constant 2 : i32
        %mul3A_473 = vector.broadcast %mul3A_472 : i32 to vector<16xi32>
        %mul3A_474 = arith.muli %add3A_468, %mul3A_473 : vector<16xi32>
        %add3A_475 = arith.constant 1 : i32
        %add3A_476 = vector.broadcast %add3A_475 : i32 to vector<16xi32>
        %add3A_477 = arith.addi %mul3A_474, %add3A_476 : vector<16xi32>
        %gather3A_478 = tpu.vector_load_idx %arg16[%add3A_477] : memref<320xf32, #tpu.memory_space<vmem>>[vector<16xi32>], vector<16xf32>,
        %add3A_479 = arith.constant 20 : i32
        %add3A_480 = vector.broadcast %add3A_479 : i32 to vector<16xi32>
        %add3A_481 = arith.addi %mul3A_13, %add3A_480 : vector<16xi32>
        tpu.vector_store_idx %arg17[%add3A_468, %add3A_481], %gather3A : memref<160x24xf32, #tpu.memory_space<vmem>>[vector<16xi32>, vector<16xi32>], vector<16xf32>,
        %add3A_482 = arith.constant 21 : i32
        %add3A_483 = vector.broadcast %add3A_482 : i32 to vector<16xi32>
        %add3A_484 = arith.addi %mul3A_13, %add3A_483 : vector<16xi32>
        tpu.vector_store_idx %arg17[%add3A_468, %add3A_484], %gather3A_478 : memref<160x24xf32, #tpu.memory_space<vmem>>[vector<16xi32>, vector<16xi32>], vector<16xf32>,
      }
      %scan3A_450 = arith.constant 10 : i32
      %dma_start3A_451 = arith.constant 0 : i32
      %dma_start3A_452 = arith.constant 0 : i32
      %dma_start3A_453 = tpu.memref_slice %arg27[%dma_start3A_451, %dma_start3A_452] : memref<50048x24xf32, #tpu.memory_space<vmem_shared>> -> memref<50048x24xf32, #tpu.memory_space<vmem_shared>>
      tpu.enqueue_indirect_dma source(%arg17 : memref<160x24xf32, #tpu.memory_space<vmem>>) target(%dma_start3A_453 : memref<50048x24xf32, #tpu.memory_space<vmem_shared>>) offsets(%arg10 : memref<160xi32, #tpu.memory_space<vmem>>) semaphore(%arg23 : memref<!tpu.dma_semaphore, #tpu.memory_space<semaphore_mem>>) {add = true}
      %dma_wait3A_454 = arith.constant 0 : i32
      %dma_wait3A_455 = arith.constant 0 : i32
      %dma_wait3A_456 = tpu.memref_slice %arg27[%dma_wait3A_454, %dma_wait3A_455] : memref<50048x24xf32, #tpu.memory_space<vmem_shared>> -> memref<50048x24xf32, #tpu.memory_space<vmem_shared>>
      tpu.wait_indirect_dma semaphore(%arg24 : memref<!tpu.dma_semaphore, #tpu.memory_space<semaphore_mem>>) src(%arg18 : memref<160x24xf32, #tpu.memory_space<vmem>>) dst(%dma_wait3A_456 : memref<50048x24xf32, #tpu.memory_space<vmem_shared>>)
      %dma_wait3A_457 = arith.constant 0 : i32
      %dma_wait3A_458 = arith.constant 0 : i32
      %dma_wait3A_459 = tpu.memref_slice %arg27[%dma_wait3A_457, %dma_wait3A_458] : memref<50048x24xf32, #tpu.memory_space<vmem_shared>> -> memref<50048x24xf32, #tpu.memory_space<vmem_shared>>
      tpu.wait_indirect_dma semaphore(%arg23 : memref<!tpu.dma_semaphore, #tpu.memory_space<semaphore_mem>>) src(%arg17 : memref<160x24xf32, #tpu.memory_space<vmem>>) dst(%dma_wait3A_459 : memref<50048x24xf32, #tpu.memory_space<vmem_shared>>)
    }
    %while3A_219 = arith.constant 1 : i32
    scf.for %while3A_225 = %while3A_217 to %while3A_213 step %while3A_219  : i32 {
      %mul3A_226 = arith.muli %while3A_225, %while3A : i32
      %add3A_227 = arith.addi %while3A_210, %mul3A_226 : i32
      %mul3A_228 = arith.constant 19200 : i32
      %mul3A_229 = arith.muli %add3A, %mul3A_228 : i32
      %mul3A_230 = arith.constant 800 : i32
      %mul3A_231 = arith.muli %add3A_227, %mul3A_230 : i32
      %add3A_232 = arith.addi %mul3A_229, %mul3A_231 : i32
      "tpu.region"() ({
        %run_scoped3A = tpu.sem_alloc : memref<!tpu.dma_semaphore, #tpu.memory_space<semaphore_mem>>
        %dma_start3A_460 = tpu.memref_slice %arg2[%add3A_232] : memref<600000xi32, #tpu.memory_space<hbm>> -> memref<800xi32, #tpu.memory_space<hbm>>
        %dma_start3A_461 = tpu.memref_slice %arg2[%add3A_232] : memref<600000xi32, #tpu.memory_space<hbm>> -> memref<800xi32, #tpu.memory_space<hbm>>
        tpu.enqueue_dma source(%dma_start3A_461 : memref<800xi32, #tpu.memory_space<hbm>>) target(%arg8 : memref<800xi32, #tpu.memory_space<vmem>>) target_semaphore(%run_scoped3A : memref<!tpu.dma_semaphore, #tpu.memory_space<semaphore_mem>>)
        %dma_wait3A_462 = tpu.memref_slice %arg2[%add3A_232] : memref<600000xi32, #tpu.memory_space<hbm>> -> memref<800xi32, #tpu.memory_space<hbm>>
        %dma_wait3A_463 = tpu.memref_slice %arg2[%add3A_232] : memref<600000xi32, #tpu.memory_space<hbm>> -> memref<800xi32, #tpu.memory_space<hbm>>
        tpu.wait_dma2 semaphore(%run_scoped3A : memref<!tpu.dma_semaphore, #tpu.memory_space<semaphore_mem>>) src(%dma_wait3A_463 : memref<800xi32, #tpu.memory_space<hbm>>) dst(%arg8 : memref<800xi32, #tpu.memory_space<vmem>>)
        tpu.yield
      }) : () -> ()
      "tpu.region"() ({
        %run_scoped3A = tpu.sem_alloc : memref<!tpu.dma_semaphore, #tpu.memory_space<semaphore_mem>>
        %dma_start3A_460 = tpu.memref_slice %arg3[%add3A_232] : memref<600000xi32, #tpu.memory_space<hbm>> -> memref<800xi32, #tpu.memory_space<hbm>>
        %dma_start3A_461 = tpu.memref_slice %arg3[%add3A_232] : memref<600000xi32, #tpu.memory_space<hbm>> -> memref<800xi32, #tpu.memory_space<hbm>>
        tpu.enqueue_dma source(%dma_start3A_461 : memref<800xi32, #tpu.memory_space<hbm>>) target(%arg9 : memref<800xi32, #tpu.memory_space<vmem>>) target_semaphore(%run_scoped3A : memref<!tpu.dma_semaphore, #tpu.memory_space<semaphore_mem>>)
        %dma_wait3A_462 = tpu.memref_slice %arg3[%add3A_232] : memref<600000xi32, #tpu.memory_space<hbm>> -> memref<800xi32, #tpu.memory_space<hbm>>
        %dma_wait3A_463 = tpu.memref_slice %arg3[%add3A_232] : memref<600000xi32, #tpu.memory_space<hbm>> -> memref<800xi32, #tpu.memory_space<hbm>>
        tpu.wait_dma2 semaphore(%run_scoped3A : memref<!tpu.dma_semaphore, #tpu.memory_space<semaphore_mem>>) src(%dma_wait3A_463 : memref<800xi32, #tpu.memory_space<hbm>>) dst(%arg9 : memref<800xi32, #tpu.memory_space<vmem>>)
        tpu.yield
      }) : () -> ()
      %dma_start3A = arith.constant 0 : i32
      %dma_start3A_233 = tpu.memref_slice %arg9[%dma_start3A] : memref<800xi32, #tpu.memory_space<vmem>> -> memref<160xi32, #tpu.memory_space<vmem>>
      %dma_start3A_234 = arith.constant 0 : i32
      %dma_start3A_235 = arith.constant 0 : i32
      %dma_start3A_236 = tpu.memref_slice %arg25[%dma_start3A_234, %dma_start3A_235] : memref<50048x8xf32, #tpu.memory_space<vmem_shared>> -> memref<50048x8xf32, #tpu.memory_space<vmem_shared>>
      tpu.enqueue_indirect_dma source(%dma_start3A_236 : memref<50048x8xf32, #tpu.memory_space<vmem_shared>>) target(%arg12 : memref<160x8xf32, #tpu.memory_space<vmem>>) offsets(%dma_start3A_233 : memref<160xi32, #tpu.memory_space<vmem>>) semaphore(%arg19 : memref<!tpu.dma_semaphore, #tpu.memory_space<semaphore_mem>>)
      %dma_start3A_237 = arith.constant 0 : i32
      %dma_start3A_238 = tpu.memref_slice %arg8[%dma_start3A_237] : memref<800xi32, #tpu.memory_space<vmem>> -> memref<160xi32, #tpu.memory_space<vmem>>
      %dma_start3A_239 = arith.constant 0 : i32
      %dma_start3A_240 = arith.constant 0 : i32
      %dma_start3A_241 = tpu.memref_slice %arg26[%dma_start3A_239, %dma_start3A_240] : memref<5056x24xf32, #tpu.memory_space<vmem_shared>> -> memref<5056x24xf32, #tpu.memory_space<vmem_shared>>
      tpu.enqueue_indirect_dma source(%dma_start3A_241 : memref<5056x24xf32, #tpu.memory_space<vmem_shared>>) target(%arg14 : memref<160x24xf32, #tpu.memory_space<vmem>>) offsets(%dma_start3A_238 : memref<160xi32, #tpu.memory_space<vmem>>) semaphore(%arg21 : memref<!tpu.dma_semaphore, #tpu.memory_space<semaphore_mem>>)
      %dma_start3A_242 = arith.constant 160 : i32
      %dma_start3A_243 = tpu.memref_slice %arg9[%dma_start3A_242] : memref<800xi32, #tpu.memory_space<vmem>> -> memref<160xi32, #tpu.memory_space<vmem>>
      %dma_start3A_244 = arith.constant 0 : i32
      %dma_start3A_245 = arith.constant 0 : i32
      %dma_start3A_246 = tpu.memref_slice %arg25[%dma_start3A_244, %dma_start3A_245] : memref<50048x8xf32, #tpu.memory_space<vmem_shared>> -> memref<50048x8xf32, #tpu.memory_space<vmem_shared>>
      tpu.enqueue_indirect_dma source(%dma_start3A_246 : memref<50048x8xf32, #tpu.memory_space<vmem_shared>>) target(%arg13 : memref<160x8xf32, #tpu.memory_space<vmem>>) offsets(%dma_start3A_243 : memref<160xi32, #tpu.memory_space<vmem>>) semaphore(%arg20 : memref<!tpu.dma_semaphore, #tpu.memory_space<semaphore_mem>>)
      %dma_start3A_247 = arith.constant 160 : i32
      %dma_start3A_248 = tpu.memref_slice %arg8[%dma_start3A_247] : memref<800xi32, #tpu.memory_space<vmem>> -> memref<160xi32, #tpu.memory_space<vmem>>
      %dma_start3A_249 = arith.constant 0 : i32
      %dma_start3A_250 = arith.constant 0 : i32
      %dma_start3A_251 = tpu.memref_slice %arg26[%dma_start3A_249, %dma_start3A_250] : memref<5056x24xf32, #tpu.memory_space<vmem_shared>> -> memref<5056x24xf32, #tpu.memory_space<vmem_shared>>
      tpu.enqueue_indirect_dma source(%dma_start3A_251 : memref<5056x24xf32, #tpu.memory_space<vmem_shared>>) target(%arg15 : memref<160x24xf32, #tpu.memory_space<vmem>>) offsets(%dma_start3A_248 : memref<160xi32, #tpu.memory_space<vmem>>) semaphore(%arg22 : memref<!tpu.dma_semaphore, #tpu.memory_space<semaphore_mem>>)
      %dma_wait3A = arith.constant 0 : i32
      %dma_wait3A_252 = tpu.memref_slice %arg9[%dma_wait3A] : memref<800xi32, #tpu.memory_space<vmem>> -> memref<160xi32, #tpu.memory_space<vmem>>
      %dma_wait3A_253 = arith.constant 0 : i32
      %dma_wait3A_254 = arith.constant 0 : i32
      %dma_wait3A_255 = tpu.memref_slice %arg25[%dma_wait3A_253, %dma_wait3A_254] : memref<50048x8xf32, #tpu.memory_space<vmem_shared>> -> memref<50048x8xf32, #tpu.memory_space<vmem_shared>>
      tpu.wait_indirect_dma semaphore(%arg19 : memref<!tpu.dma_semaphore, #tpu.memory_space<semaphore_mem>>) src(%dma_wait3A_255 : memref<50048x8xf32, #tpu.memory_space<vmem_shared>>) dst(%arg12 : memref<160x8xf32, #tpu.memory_space<vmem>>)
      %dma_wait3A_256 = arith.constant 0 : i32
      %dma_wait3A_257 = tpu.memref_slice %arg8[%dma_wait3A_256] : memref<800xi32, #tpu.memory_space<vmem>> -> memref<160xi32, #tpu.memory_space<vmem>>
      %dma_wait3A_258 = arith.constant 0 : i32
      %dma_wait3A_259 = arith.constant 0 : i32
      %dma_wait3A_260 = tpu.memref_slice %arg26[%dma_wait3A_258, %dma_wait3A_259] : memref<5056x24xf32, #tpu.memory_space<vmem_shared>> -> memref<5056x24xf32, #tpu.memory_space<vmem_shared>>
      tpu.wait_indirect_dma semaphore(%arg21 : memref<!tpu.dma_semaphore, #tpu.memory_space<semaphore_mem>>) src(%dma_wait3A_260 : memref<5056x24xf32, #tpu.memory_space<vmem_shared>>) dst(%arg14 : memref<160x24xf32, #tpu.memory_space<vmem>>)
      %scan3A = arith.constant 0 : i32
      %scan3A_261 = arith.constant 10 : i32
      %scan3A_262 = arith.addi %scan3A, %scan3A_261 : i32
      %scan3A_263 = arith.constant 1 : i32
      scf.for %scan3A_460 = %scan3A to %scan3A_262 step %scan3A_263  : i32 {
        %mul3A_461 = arith.constant 1 : i32
        %mul3A_462 = arith.muli %scan3A_460, %mul3A_461 : i32
        %add3A_463 = arith.constant 0 : i32
        %add3A_464 = arith.addi %add3A_463, %mul3A_462 : i32
        %mul3A_465 = arith.constant 16 : i32
        %mul3A_466 = arith.muli %add3A_464, %mul3A_465 : i32
        %add3A_467 = arith.constant 0 : i32
        %add3A_468 = arith.addi %add3A_467, %mul3A_466 : i32
        %get3A = arith.index_cast %add3A_468 : i32 to index
        %get3A_469 = tpu.vector_load %arg9[%get3A] {strides = array<i32>} : memref<800xi32, #tpu.memory_space<vmem>>, vector<16xi32>,
        %mul3A_470 = arith.constant 16 : i32
        %mul3A_471 = arith.muli %add3A_464, %mul3A_470 : i32
        %swap3A = arith.index_cast %mul3A_471 : i32 to index
        %swap3A_472 = tpu.vector_load %arg10[%swap3A] {strides = array<i32>} : memref<160xi32, #tpu.memory_space<vmem>>, vector<16xi32>,
        tpu.vector_store %arg10[%swap3A], %get3A_469 {strides = array<i32>} : memref<160xi32, #tpu.memory_space<vmem>>, vector<16xi32>,
      }
      %scan3A_264 = arith.constant 10 : i32
      %scan3A_265 = arith.constant 0 : i32
      %scan3A_266 = arith.constant 10 : i32
      %scan3A_267 = arith.addi %scan3A_265, %scan3A_266 : i32
      %scan3A_268 = arith.constant 1 : i32
      scf.for %scan3A_460 = %scan3A_265 to %scan3A_267 step %scan3A_268  : i32 {
        %mul3A_461 = arith.constant 1 : i32
        %mul3A_462 = arith.muli %scan3A_460, %mul3A_461 : i32
        %add3A_463 = arith.constant 0 : i32
        %add3A_464 = arith.addi %add3A_463, %mul3A_462 : i32
        %mul3A_465 = arith.constant 16 : i32
        %mul3A_466 = arith.muli %add3A_464, %mul3A_465 : i32
        %add3A_467 = vector.broadcast %mul3A_466 : i32 to vector<16xi32>
        %add3A_468 = arith.addi %add3A_467, %iota3A : vector<16xi32>
        %add3A_469 = arith.constant 20 : i32
        %add3A_470 = vector.broadcast %add3A_469 : i32 to vector<16xi32>
        %add3A_471 = arith.addi %mul3A_13, %add3A_470 : vector<16xi32>
        %gather3A = tpu.vector_load_idx %arg14[%add3A_468, %add3A_471] : memref<160x24xf32, #tpu.memory_space<vmem>>[vector<16xi32>, vector<16xi32>], vector<16xf32>,
        %gather3A_472 = tpu.vector_load_idx %arg12[%add3A_468, %mul3A_13] : memref<160x8xf32, #tpu.memory_space<vmem>>[vector<16xi32>, vector<16xi32>], vector<16xf32>,
        %add3A_473 = arith.constant 21 : i32
        %add3A_474 = vector.broadcast %add3A_473 : i32 to vector<16xi32>
        %add3A_475 = arith.addi %mul3A_13, %add3A_474 : vector<16xi32>
        %gather3A_476 = tpu.vector_load_idx %arg14[%add3A_468, %add3A_475] : memref<160x24xf32, #tpu.memory_space<vmem>>[vector<16xi32>, vector<16xi32>], vector<16xf32>,
        %gather3A_477 = tpu.vector_load_idx %arg12[%add3A_468, %add3A_16] : memref<160x8xf32, #tpu.memory_space<vmem>>[vector<16xi32>, vector<16xi32>], vector<16xf32>,
        %add3A_478 = arith.addf %gather3A, %gather3A_472 : vector<16xf32>
        %add3A_479 = arith.addf %gather3A_476, %gather3A_477 : vector<16xf32>
        %mul3A_480 = arith.constant 2.000000e-01 : f32
        %mul3A_481 = vector.broadcast %mul3A_480 : f32 to vector<16xf32>
        %mul3A_482 = arith.mulf %mul3A_481, %add3A_478 : vector<16xf32>
        %max3A = arith.maximumf %add3A_478, %mul3A_482 : vector<16xf32>
        %exp3A = math.exp %max3A : vector<16xf32>
        %mul3A_483 = arith.constant 2.000000e-01 : f32
        %mul3A_484 = vector.broadcast %mul3A_483 : f32 to vector<16xf32>
        %mul3A_485 = arith.mulf %mul3A_484, %add3A_479 : vector<16xf32>
        %max3A_486 = arith.maximumf %add3A_479, %mul3A_485 : vector<16xf32>
        %exp3A_487 = math.exp %max3A_486 : vector<16xf32>
        %mul3A_488 = arith.constant 2 : i32
        %mul3A_489 = vector.broadcast %mul3A_488 : i32 to vector<16xi32>
        %mul3A_490 = arith.muli %add3A_468, %mul3A_489 : vector<16xi32>
        tpu.vector_store_idx %arg16[%mul3A_490], %exp3A : memref<320xf32, #tpu.memory_space<vmem>>[vector<16xi32>], vector<16xf32>,
        %mul3A_491 = arith.constant 2 : i32
        %mul3A_492 = vector.broadcast %mul3A_491 : i32 to vector<16xi32>
        %mul3A_493 = arith.muli %add3A_468, %mul3A_492 : vector<16xi32>
        %add3A_494 = arith.constant 1 : i32
        %add3A_495 = vector.broadcast %add3A_494 : i32 to vector<16xi32>
        %add3A_496 = arith.addi %mul3A_493, %add3A_495 : vector<16xi32>
        tpu.vector_store_idx %arg16[%add3A_496], %exp3A_487 : memref<320xf32, #tpu.memory_space<vmem>>[vector<16xi32>], vector<16xf32>,
      }
      %scan3A_269 = arith.constant 10 : i32
      %scan3A_270 = arith.constant 0 : i32
      %scan3A_271 = arith.constant 80 : i32
      %scan3A_272 = arith.addi %scan3A_270, %scan3A_271 : i32
      %scan3A_273 = arith.constant 4 : i32
      scf.for %scan3A_460 = %scan3A_270 to %scan3A_272 step %scan3A_273  : i32 {
        %mul3A_461 = arith.constant 1 : i32
        %mul3A_462 = arith.muli %scan3A_460, %mul3A_461 : i32
        %add3A_463 = arith.constant 0 : i32
        %add3A_464 = arith.addi %add3A_463, %mul3A_462 : i32
        %mul3A_465 = arith.constant 2 : i32
        %mul3A_466 = arith.muli %add3A_464, %mul3A_465 : i32
        %add3A_467 = vector.broadcast %mul3A_466 : i32 to vector<16xi32>
        %add3A_468 = arith.addi %add3A_467, %select_n3A : vector<16xi32>
        %gather3A = tpu.vector_load_idx %arg14[%add3A_468, %select_n3A_62] : memref<160x24xf32, #tpu.memory_space<vmem>>[vector<16xi32>, vector<16xi32>], vector<16xf32>,
        %mul3A_469 = arith.constant 4 : i32
        %mul3A_470 = arith.muli %add3A_464, %mul3A_469 : i32
        %add3A_471 = vector.broadcast %mul3A_470 : i32 to vector<16xi32>
        %add3A_472 = arith.addi %add3A_68, %add3A_471 : vector<16xi32>
        %gather3A_473 = tpu.vector_load_idx %arg16[%add3A_472] : memref<320xf32, #tpu.memory_space<vmem>>[vector<16xi32>], vector<16xf32>,
        %mul3A_474 = arith.mulf %gather3A, %gather3A_473 : vector<16xf32>
        tpu.vector_store_idx %arg17[%add3A_468, %select_n3A_62], %mul3A_474 : memref<160x24xf32, #tpu.memory_space<vmem>>[vector<16xi32>, vector<16xi32>], vector<16xf32>,
        %mul3A_475 = arith.constant 2 : i32
        %mul3A_476 = arith.muli %add3A_464, %mul3A_475 : i32
        %add3A_477 = vector.broadcast %mul3A_476 : i32 to vector<16xi32>
        %add3A_478 = arith.addi %add3A_477, %select_n3A_102 : vector<16xi32>
        %gather3A_479 = tpu.vector_load_idx %arg14[%add3A_478, %select_n3A_124] : memref<160x24xf32, #tpu.memory_space<vmem>>[vector<16xi32>, vector<16xi32>], vector<16xf32>,
        %mul3A_480 = arith.constant 4 : i32
        %mul3A_481 = arith.muli %add3A_464, %mul3A_480 : i32
        %add3A_482 = vector.broadcast %mul3A_481 : i32 to vector<16xi32>
        %add3A_483 = arith.addi %add3A_132, %add3A_482 : vector<16xi32>
        %gather3A_484 = tpu.vector_load_idx %arg16[%add3A_483] : memref<320xf32, #tpu.memory_space<vmem>>[vector<16xi32>], vector<16xf32>,
        %mul3A_485 = arith.mulf %gather3A_479, %gather3A_484 : vector<16xf32>
        tpu.vector_store_idx %arg17[%add3A_478, %select_n3A_124], %mul3A_485 : memref<160x24xf32, #tpu.memory_space<vmem>>[vector<16xi32>, vector<16xi32>], vector<16xf32>,
        %mul3A_486 = arith.constant 2 : i32
        %mul3A_487 = arith.muli %add3A_464, %mul3A_486 : i32
        %add3A_488 = vector.broadcast %mul3A_487 : i32 to vector<16xi32>
        %add3A_489 = arith.addi %add3A_488, %select_n3A_166 : vector<16xi32>
        %gather3A_490 = tpu.vector_load_idx %arg14[%add3A_489, %select_n3A_188] : memref<160x24xf32, #tpu.memory_space<vmem>>[vector<16xi32>, vector<16xi32>], vector<16xf32>,
        %mul3A_491 = arith.constant 4 : i32
        %mul3A_492 = arith.muli %add3A_464, %mul3A_491 : i32
        %add3A_493 = vector.broadcast %mul3A_492 : i32 to vector<16xi32>
        %add3A_494 = arith.addi %add3A_196, %add3A_493 : vector<16xi32>
        %gather3A_495 = tpu.vector_load_idx %arg16[%add3A_494] : memref<320xf32, #tpu.memory_space<vmem>>[vector<16xi32>], vector<16xf32>,
        %mul3A_496 = arith.mulf %gather3A_490, %gather3A_495 : vector<16xf32>
        tpu.vector_store_idx %arg17[%add3A_489, %select_n3A_188], %mul3A_496 : memref<160x24xf32, #tpu.memory_space<vmem>>[vector<16xi32>, vector<16xi32>], vector<16xf32>,
        %scan3A_497 = arith.constant 1 : i32
        %scan3A_498 = arith.addi %scan3A_460, %scan3A_497 : i32
        %mul3A_499 = arith.constant 1 : i32
        %mul3A_500 = arith.muli %scan3A_498, %mul3A_499 : i32
        %add3A_501 = arith.constant 0 : i32
        %add3A_502 = arith.addi %add3A_501, %mul3A_500 : i32
        %mul3A_503 = arith.constant 2 : i32
        %mul3A_504 = arith.muli %add3A_502, %mul3A_503 : i32
        %add3A_505 = vector.broadcast %mul3A_504 : i32 to vector<16xi32>
        %add3A_506 = arith.addi %add3A_505, %select_n3A : vector<16xi32>
        %gather3A_507 = tpu.vector_load_idx %arg14[%add3A_506, %select_n3A_62] : memref<160x24xf32, #tpu.memory_space<vmem>>[vector<16xi32>, vector<16xi32>], vector<16xf32>,
        %mul3A_508 = arith.constant 4 : i32
        %mul3A_509 = arith.muli %add3A_502, %mul3A_508 : i32
        %add3A_510 = vector.broadcast %mul3A_509 : i32 to vector<16xi32>
        %add3A_511 = arith.addi %add3A_68, %add3A_510 : vector<16xi32>
        %gather3A_512 = tpu.vector_load_idx %arg16[%add3A_511] : memref<320xf32, #tpu.memory_space<vmem>>[vector<16xi32>], vector<16xf32>,
        %mul3A_513 = arith.mulf %gather3A_507, %gather3A_512 : vector<16xf32>
        tpu.vector_store_idx %arg17[%add3A_506, %select_n3A_62], %mul3A_513 : memref<160x24xf32, #tpu.memory_space<vmem>>[vector<16xi32>, vector<16xi32>], vector<16xf32>,
        %mul3A_514 = arith.constant 2 : i32
        %mul3A_515 = arith.muli %add3A_502, %mul3A_514 : i32
        %add3A_516 = vector.broadcast %mul3A_515 : i32 to vector<16xi32>
        %add3A_517 = arith.addi %add3A_516, %select_n3A_102 : vector<16xi32>
        %gather3A_518 = tpu.vector_load_idx %arg14[%add3A_517, %select_n3A_124] : memref<160x24xf32, #tpu.memory_space<vmem>>[vector<16xi32>, vector<16xi32>], vector<16xf32>,
        %mul3A_519 = arith.constant 4 : i32
        %mul3A_520 = arith.muli %add3A_502, %mul3A_519 : i32
        %add3A_521 = vector.broadcast %mul3A_520 : i32 to vector<16xi32>
        %add3A_522 = arith.addi %add3A_132, %add3A_521 : vector<16xi32>
        %gather3A_523 = tpu.vector_load_idx %arg16[%add3A_522] : memref<320xf32, #tpu.memory_space<vmem>>[vector<16xi32>], vector<16xf32>,
        %mul3A_524 = arith.mulf %gather3A_518, %gather3A_523 : vector<16xf32>
        tpu.vector_store_idx %arg17[%add3A_517, %select_n3A_124], %mul3A_524 : memref<160x24xf32, #tpu.memory_space<vmem>>[vector<16xi32>, vector<16xi32>], vector<16xf32>,
        %mul3A_525 = arith.constant 2 : i32
        %mul3A_526 = arith.muli %add3A_502, %mul3A_525 : i32
        %add3A_527 = vector.broadcast %mul3A_526 : i32 to vector<16xi32>
        %add3A_528 = arith.addi %add3A_527, %select_n3A_166 : vector<16xi32>
        %gather3A_529 = tpu.vector_load_idx %arg14[%add3A_528, %select_n3A_188] : memref<160x24xf32, #tpu.memory_space<vmem>>[vector<16xi32>, vector<16xi32>], vector<16xf32>,
        %mul3A_530 = arith.constant 4 : i32
        %mul3A_531 = arith.muli %add3A_502, %mul3A_530 : i32
        %add3A_532 = vector.broadcast %mul3A_531 : i32 to vector<16xi32>
        %add3A_533 = arith.addi %add3A_196, %add3A_532 : vector<16xi32>
        %gather3A_534 = tpu.vector_load_idx %arg16[%add3A_533] : memref<320xf32, #tpu.memory_space<vmem>>[vector<16xi32>], vector<16xf32>,
        %mul3A_535 = arith.mulf %gather3A_529, %gather3A_534 : vector<16xf32>
        tpu.vector_store_idx %arg17[%add3A_528, %select_n3A_188], %mul3A_535 : memref<160x24xf32, #tpu.memory_space<vmem>>[vector<16xi32>, vector<16xi32>], vector<16xf32>,
        %scan3A_536 = arith.constant 2 : i32
        %scan3A_537 = arith.addi %scan3A_460, %scan3A_536 : i32
        %mul3A_538 = arith.constant 1 : i32
        %mul3A_539 = arith.muli %scan3A_537, %mul3A_538 : i32
        %add3A_540 = arith.constant 0 : i32
        %add3A_541 = arith.addi %add3A_540, %mul3A_539 : i32
        %mul3A_542 = arith.constant 2 : i32
        %mul3A_543 = arith.muli %add3A_541, %mul3A_542 : i32
        %add3A_544 = vector.broadcast %mul3A_543 : i32 to vector<16xi32>
        %add3A_545 = arith.addi %add3A_544, %select_n3A : vector<16xi32>
        %gather3A_546 = tpu.vector_load_idx %arg14[%add3A_545, %select_n3A_62] : memref<160x24xf32, #tpu.memory_space<vmem>>[vector<16xi32>, vector<16xi32>], vector<16xf32>,
        %mul3A_547 = arith.constant 4 : i32
        %mul3A_548 = arith.muli %add3A_541, %mul3A_547 : i32
        %add3A_549 = vector.broadcast %mul3A_548 : i32 to vector<16xi32>
        %add3A_550 = arith.addi %add3A_68, %add3A_549 : vector<16xi32>
        %gather3A_551 = tpu.vector_load_idx %arg16[%add3A_550] : memref<320xf32, #tpu.memory_space<vmem>>[vector<16xi32>], vector<16xf32>,
        %mul3A_552 = arith.mulf %gather3A_546, %gather3A_551 : vector<16xf32>
        tpu.vector_store_idx %arg17[%add3A_545, %select_n3A_62], %mul3A_552 : memref<160x24xf32, #tpu.memory_space<vmem>>[vector<16xi32>, vector<16xi32>], vector<16xf32>,
        %mul3A_553 = arith.constant 2 : i32
        %mul3A_554 = arith.muli %add3A_541, %mul3A_553 : i32
        %add3A_555 = vector.broadcast %mul3A_554 : i32 to vector<16xi32>
        %add3A_556 = arith.addi %add3A_555, %select_n3A_102 : vector<16xi32>
        %gather3A_557 = tpu.vector_load_idx %arg14[%add3A_556, %select_n3A_124] : memref<160x24xf32, #tpu.memory_space<vmem>>[vector<16xi32>, vector<16xi32>], vector<16xf32>,
        %mul3A_558 = arith.constant 4 : i32
        %mul3A_559 = arith.muli %add3A_541, %mul3A_558 : i32
        %add3A_560 = vector.broadcast %mul3A_559 : i32 to vector<16xi32>
        %add3A_561 = arith.addi %add3A_132, %add3A_560 : vector<16xi32>
        %gather3A_562 = tpu.vector_load_idx %arg16[%add3A_561] : memref<320xf32, #tpu.memory_space<vmem>>[vector<16xi32>], vector<16xf32>,
        %mul3A_563 = arith.mulf %gather3A_557, %gather3A_562 : vector<16xf32>
        tpu.vector_store_idx %arg17[%add3A_556, %select_n3A_124], %mul3A_563 : memref<160x24xf32, #tpu.memory_space<vmem>>[vector<16xi32>, vector<16xi32>], vector<16xf32>,
        %mul3A_564 = arith.constant 2 : i32
        %mul3A_565 = arith.muli %add3A_541, %mul3A_564 : i32
        %add3A_566 = vector.broadcast %mul3A_565 : i32 to vector<16xi32>
        %add3A_567 = arith.addi %add3A_566, %select_n3A_166 : vector<16xi32>
        %gather3A_568 = tpu.vector_load_idx %arg14[%add3A_567, %select_n3A_188] : memref<160x24xf32, #tpu.memory_space<vmem>>[vector<16xi32>, vector<16xi32>], vector<16xf32>,
        %mul3A_569 = arith.constant 4 : i32
        %mul3A_570 = arith.muli %add3A_541, %mul3A_569 : i32
        %add3A_571 = vector.broadcast %mul3A_570 : i32 to vector<16xi32>
        %add3A_572 = arith.addi %add3A_196, %add3A_571 : vector<16xi32>
        %gather3A_573 = tpu.vector_load_idx %arg16[%add3A_572] : memref<320xf32, #tpu.memory_space<vmem>>[vector<16xi32>], vector<16xf32>,
        %mul3A_574 = arith.mulf %gather3A_568, %gather3A_573 : vector<16xf32>
        tpu.vector_store_idx %arg17[%add3A_567, %select_n3A_188], %mul3A_574 : memref<160x24xf32, #tpu.memory_space<vmem>>[vector<16xi32>, vector<16xi32>], vector<16xf32>,
        %scan3A_575 = arith.constant 3 : i32
        %scan3A_576 = arith.addi %scan3A_460, %scan3A_575 : i32
        %mul3A_577 = arith.constant 1 : i32
        %mul3A_578 = arith.muli %scan3A_576, %mul3A_577 : i32
        %add3A_579 = arith.constant 0 : i32
        %add3A_580 = arith.addi %add3A_579, %mul3A_578 : i32
        %mul3A_581 = arith.constant 2 : i32
        %mul3A_582 = arith.muli %add3A_580, %mul3A_581 : i32
        %add3A_583 = vector.broadcast %mul3A_582 : i32 to vector<16xi32>
        %add3A_584 = arith.addi %add3A_583, %select_n3A : vector<16xi32>
        %gather3A_585 = tpu.vector_load_idx %arg14[%add3A_584, %select_n3A_62] : memref<160x24xf32, #tpu.memory_space<vmem>>[vector<16xi32>, vector<16xi32>], vector<16xf32>,
        %mul3A_586 = arith.constant 4 : i32
        %mul3A_587 = arith.muli %add3A_580, %mul3A_586 : i32
        %add3A_588 = vector.broadcast %mul3A_587 : i32 to vector<16xi32>
        %add3A_589 = arith.addi %add3A_68, %add3A_588 : vector<16xi32>
        %gather3A_590 = tpu.vector_load_idx %arg16[%add3A_589] : memref<320xf32, #tpu.memory_space<vmem>>[vector<16xi32>], vector<16xf32>,
        %mul3A_591 = arith.mulf %gather3A_585, %gather3A_590 : vector<16xf32>
        tpu.vector_store_idx %arg17[%add3A_584, %select_n3A_62], %mul3A_591 : memref<160x24xf32, #tpu.memory_space<vmem>>[vector<16xi32>, vector<16xi32>], vector<16xf32>,
        %mul3A_592 = arith.constant 2 : i32
        %mul3A_593 = arith.muli %add3A_580, %mul3A_592 : i32
        %add3A_594 = vector.broadcast %mul3A_593 : i32 to vector<16xi32>
        %add3A_595 = arith.addi %add3A_594, %select_n3A_102 : vector<16xi32>
        %gather3A_596 = tpu.vector_load_idx %arg14[%add3A_595, %select_n3A_124] : memref<160x24xf32, #tpu.memory_space<vmem>>[vector<16xi32>, vector<16xi32>], vector<16xf32>,
        %mul3A_597 = arith.constant 4 : i32
        %mul3A_598 = arith.muli %add3A_580, %mul3A_597 : i32
        %add3A_599 = vector.broadcast %mul3A_598 : i32 to vector<16xi32>
        %add3A_600 = arith.addi %add3A_132, %add3A_599 : vector<16xi32>
        %gather3A_601 = tpu.vector_load_idx %arg16[%add3A_600] : memref<320xf32, #tpu.memory_space<vmem>>[vector<16xi32>], vector<16xf32>,
        %mul3A_602 = arith.mulf %gather3A_596, %gather3A_601 : vector<16xf32>
        tpu.vector_store_idx %arg17[%add3A_595, %select_n3A_124], %mul3A_602 : memref<160x24xf32, #tpu.memory_space<vmem>>[vector<16xi32>, vector<16xi32>], vector<16xf32>,
        %mul3A_603 = arith.constant 2 : i32
        %mul3A_604 = arith.muli %add3A_580, %mul3A_603 : i32
        %add3A_605 = vector.broadcast %mul3A_604 : i32 to vector<16xi32>
        %add3A_606 = arith.addi %add3A_605, %select_n3A_166 : vector<16xi32>
        %gather3A_607 = tpu.vector_load_idx %arg14[%add3A_606, %select_n3A_188] : memref<160x24xf32, #tpu.memory_space<vmem>>[vector<16xi32>, vector<16xi32>], vector<16xf32>,
        %mul3A_608 = arith.constant 4 : i32
        %mul3A_609 = arith.muli %add3A_580, %mul3A_608 : i32
        %add3A_610 = vector.broadcast %mul3A_609 : i32 to vector<16xi32>
        %add3A_611 = arith.addi %add3A_196, %add3A_610 : vector<16xi32>
        %gather3A_612 = tpu.vector_load_idx %arg16[%add3A_611] : memref<320xf32, #tpu.memory_space<vmem>>[vector<16xi32>], vector<16xf32>,
        %mul3A_613 = arith.mulf %gather3A_607, %gather3A_612 : vector<16xf32>
        tpu.vector_store_idx %arg17[%add3A_606, %select_n3A_188], %mul3A_613 : memref<160x24xf32, #tpu.memory_space<vmem>>[vector<16xi32>, vector<16xi32>], vector<16xf32>,
      }
      %scan3A_274 = arith.constant 80 : i32
      %scan3A_275 = arith.constant 0 : i32
      %scan3A_276 = arith.constant 10 : i32
      %scan3A_277 = arith.addi %scan3A_275, %scan3A_276 : i32
      %scan3A_278 = arith.constant 1 : i32
      scf.for %scan3A_460 = %scan3A_275 to %scan3A_277 step %scan3A_278  : i32 {
        %mul3A_461 = arith.constant 1 : i32
        %mul3A_462 = arith.muli %scan3A_460, %mul3A_461 : i32
        %add3A_463 = arith.constant 0 : i32
        %add3A_464 = arith.addi %add3A_463, %mul3A_462 : i32
        %mul3A_465 = arith.constant 16 : i32
        %mul3A_466 = arith.muli %add3A_464, %mul3A_465 : i32
        %add3A_467 = vector.broadcast %mul3A_466 : i32 to vector<16xi32>
        %add3A_468 = arith.addi %add3A_467, %iota3A : vector<16xi32>
        %mul3A_469 = arith.constant 2 : i32
        %mul3A_470 = vector.broadcast %mul3A_469 : i32 to vector<16xi32>
        %mul3A_471 = arith.muli %add3A_468, %mul3A_470 : vector<16xi32>
        %gather3A = tpu.vector_load_idx %arg16[%mul3A_471] : memref<320xf32, #tpu.memory_space<vmem>>[vector<16xi32>], vector<16xf32>,
        %mul3A_472 = arith.constant 2 : i32
        %mul3A_473 = vector.broadcast %mul3A_472 : i32 to vector<16xi32>
        %mul3A_474 = arith.muli %add3A_468, %mul3A_473 : vector<16xi32>
        %add3A_475 = arith.constant 1 : i32
        %add3A_476 = vector.broadcast %add3A_475 : i32 to vector<16xi32>
        %add3A_477 = arith.addi %mul3A_474, %add3A_476 : vector<16xi32>
        %gather3A_478 = tpu.vector_load_idx %arg16[%add3A_477] : memref<320xf32, #tpu.memory_space<vmem>>[vector<16xi32>], vector<16xf32>,
        %add3A_479 = arith.constant 20 : i32
        %add3A_480 = vector.broadcast %add3A_479 : i32 to vector<16xi32>
        %add3A_481 = arith.addi %mul3A_13, %add3A_480 : vector<16xi32>
        tpu.vector_store_idx %arg17[%add3A_468, %add3A_481], %gather3A : memref<160x24xf32, #tpu.memory_space<vmem>>[vector<16xi32>, vector<16xi32>], vector<16xf32>,
        %add3A_482 = arith.constant 21 : i32
        %add3A_483 = vector.broadcast %add3A_482 : i32 to vector<16xi32>
        %add3A_484 = arith.addi %mul3A_13, %add3A_483 : vector<16xi32>
        tpu.vector_store_idx %arg17[%add3A_468, %add3A_484], %gather3A_478 : memref<160x24xf32, #tpu.memory_space<vmem>>[vector<16xi32>, vector<16xi32>], vector<16xf32>,
      }
      %scan3A_279 = arith.constant 10 : i32
      %dma_start3A_280 = arith.constant 0 : i32
      %dma_start3A_281 = arith.constant 0 : i32
      %dma_start3A_282 = tpu.memref_slice %arg27[%dma_start3A_280, %dma_start3A_281] : memref<50048x24xf32, #tpu.memory_space<vmem_shared>> -> memref<50048x24xf32, #tpu.memory_space<vmem_shared>>
      tpu.enqueue_indirect_dma source(%arg17 : memref<160x24xf32, #tpu.memory_space<vmem>>) target(%dma_start3A_282 : memref<50048x24xf32, #tpu.memory_space<vmem_shared>>) offsets(%arg10 : memref<160xi32, #tpu.memory_space<vmem>>) semaphore(%arg23 : memref<!tpu.dma_semaphore, #tpu.memory_space<semaphore_mem>>) {add = true}
      %dma_start3A_283 = arith.constant 320 : i32
      %dma_start3A_284 = tpu.memref_slice %arg9[%dma_start3A_283] : memref<800xi32, #tpu.memory_space<vmem>> -> memref<160xi32, #tpu.memory_space<vmem>>
      %dma_start3A_285 = arith.constant 0 : i32
      %dma_start3A_286 = arith.constant 0 : i32
      %dma_start3A_287 = tpu.memref_slice %arg25[%dma_start3A_285, %dma_start3A_286] : memref<50048x8xf32, #tpu.memory_space<vmem_shared>> -> memref<50048x8xf32, #tpu.memory_space<vmem_shared>>
      tpu.enqueue_indirect_dma source(%dma_start3A_287 : memref<50048x8xf32, #tpu.memory_space<vmem_shared>>) target(%arg12 : memref<160x8xf32, #tpu.memory_space<vmem>>) offsets(%dma_start3A_284 : memref<160xi32, #tpu.memory_space<vmem>>) semaphore(%arg19 : memref<!tpu.dma_semaphore, #tpu.memory_space<semaphore_mem>>)
      %dma_start3A_288 = arith.constant 320 : i32
      %dma_start3A_289 = tpu.memref_slice %arg8[%dma_start3A_288] : memref<800xi32, #tpu.memory_space<vmem>> -> memref<160xi32, #tpu.memory_space<vmem>>
      %dma_start3A_290 = arith.constant 0 : i32
      %dma_start3A_291 = arith.constant 0 : i32
      %dma_start3A_292 = tpu.memref_slice %arg26[%dma_start3A_290, %dma_start3A_291] : memref<5056x24xf32, #tpu.memory_space<vmem_shared>> -> memref<5056x24xf32, #tpu.memory_space<vmem_shared>>
      tpu.enqueue_indirect_dma source(%dma_start3A_292 : memref<5056x24xf32, #tpu.memory_space<vmem_shared>>) target(%arg14 : memref<160x24xf32, #tpu.memory_space<vmem>>) offsets(%dma_start3A_289 : memref<160xi32, #tpu.memory_space<vmem>>) semaphore(%arg21 : memref<!tpu.dma_semaphore, #tpu.memory_space<semaphore_mem>>)
      %dma_wait3A_293 = arith.constant 160 : i32
      %dma_wait3A_294 = tpu.memref_slice %arg9[%dma_wait3A_293] : memref<800xi32, #tpu.memory_space<vmem>> -> memref<160xi32, #tpu.memory_space<vmem>>
      %dma_wait3A_295 = arith.constant 0 : i32
      %dma_wait3A_296 = arith.constant 0 : i32
      %dma_wait3A_297 = tpu.memref_slice %arg25[%dma_wait3A_295, %dma_wait3A_296] : memref<50048x8xf32, #tpu.memory_space<vmem_shared>> -> memref<50048x8xf32, #tpu.memory_space<vmem_shared>>
      tpu.wait_indirect_dma semaphore(%arg20 : memref<!tpu.dma_semaphore, #tpu.memory_space<semaphore_mem>>) src(%dma_wait3A_297 : memref<50048x8xf32, #tpu.memory_space<vmem_shared>>) dst(%arg13 : memref<160x8xf32, #tpu.memory_space<vmem>>)
      %dma_wait3A_298 = arith.constant 160 : i32
      %dma_wait3A_299 = tpu.memref_slice %arg8[%dma_wait3A_298] : memref<800xi32, #tpu.memory_space<vmem>> -> memref<160xi32, #tpu.memory_space<vmem>>
      %dma_wait3A_300 = arith.constant 0 : i32
      %dma_wait3A_301 = arith.constant 0 : i32
      %dma_wait3A_302 = tpu.memref_slice %arg26[%dma_wait3A_300, %dma_wait3A_301] : memref<5056x24xf32, #tpu.memory_space<vmem_shared>> -> memref<5056x24xf32, #tpu.memory_space<vmem_shared>>
      tpu.wait_indirect_dma semaphore(%arg22 : memref<!tpu.dma_semaphore, #tpu.memory_space<semaphore_mem>>) src(%dma_wait3A_302 : memref<5056x24xf32, #tpu.memory_space<vmem_shared>>) dst(%arg15 : memref<160x24xf32, #tpu.memory_space<vmem>>)
      %scan3A_303 = arith.constant 0 : i32
      %scan3A_304 = arith.constant 10 : i32
      %scan3A_305 = arith.addi %scan3A_303, %scan3A_304 : i32
      %scan3A_306 = arith.constant 1 : i32
      scf.for %scan3A_460 = %scan3A_303 to %scan3A_305 step %scan3A_306  : i32 {
        %mul3A_461 = arith.constant 1 : i32
        %mul3A_462 = arith.muli %scan3A_460, %mul3A_461 : i32
        %add3A_463 = arith.constant 0 : i32
        %add3A_464 = arith.addi %add3A_463, %mul3A_462 : i32
        %mul3A_465 = arith.constant 16 : i32
        %mul3A_466 = arith.muli %add3A_464, %mul3A_465 : i32
        %add3A_467 = arith.constant 160 : i32
        %add3A_468 = arith.addi %add3A_467, %mul3A_466 : i32
        %get3A = arith.index_cast %add3A_468 : i32 to index
        %get3A_469 = tpu.vector_load %arg9[%get3A] {strides = array<i32>} : memref<800xi32, #tpu.memory_space<vmem>>, vector<16xi32>,
        %mul3A_470 = arith.constant 16 : i32
        %mul3A_471 = arith.muli %add3A_464, %mul3A_470 : i32
        %swap3A = arith.index_cast %mul3A_471 : i32 to index
        %swap3A_472 = tpu.vector_load %arg11[%swap3A] {strides = array<i32>} : memref<160xi32, #tpu.memory_space<vmem>>, vector<16xi32>,
        tpu.vector_store %arg11[%swap3A], %get3A_469 {strides = array<i32>} : memref<160xi32, #tpu.memory_space<vmem>>, vector<16xi32>,
      }
      %scan3A_307 = arith.constant 10 : i32
      %scan3A_308 = arith.constant 0 : i32
      %scan3A_309 = arith.constant 10 : i32
      %scan3A_310 = arith.addi %scan3A_308, %scan3A_309 : i32
      %scan3A_311 = arith.constant 1 : i32
      scf.for %scan3A_460 = %scan3A_308 to %scan3A_310 step %scan3A_311  : i32 {
        %mul3A_461 = arith.constant 1 : i32
        %mul3A_462 = arith.muli %scan3A_460, %mul3A_461 : i32
        %add3A_463 = arith.constant 0 : i32
        %add3A_464 = arith.addi %add3A_463, %mul3A_462 : i32
        %mul3A_465 = arith.constant 16 : i32
        %mul3A_466 = arith.muli %add3A_464, %mul3A_465 : i32
        %add3A_467 = vector.broadcast %mul3A_466 : i32 to vector<16xi32>
        %add3A_468 = arith.addi %add3A_467, %iota3A : vector<16xi32>
        %add3A_469 = arith.constant 20 : i32
        %add3A_470 = vector.broadcast %add3A_469 : i32 to vector<16xi32>
        %add3A_471 = arith.addi %mul3A_13, %add3A_470 : vector<16xi32>
        %gather3A = tpu.vector_load_idx %arg15[%add3A_468, %add3A_471] : memref<160x24xf32, #tpu.memory_space<vmem>>[vector<16xi32>, vector<16xi32>], vector<16xf32>,
        %gather3A_472 = tpu.vector_load_idx %arg13[%add3A_468, %mul3A_13] : memref<160x8xf32, #tpu.memory_space<vmem>>[vector<16xi32>, vector<16xi32>], vector<16xf32>,
        %add3A_473 = arith.constant 21 : i32
        %add3A_474 = vector.broadcast %add3A_473 : i32 to vector<16xi32>
        %add3A_475 = arith.addi %mul3A_13, %add3A_474 : vector<16xi32>
        %gather3A_476 = tpu.vector_load_idx %arg15[%add3A_468, %add3A_475] : memref<160x24xf32, #tpu.memory_space<vmem>>[vector<16xi32>, vector<16xi32>], vector<16xf32>,
        %gather3A_477 = tpu.vector_load_idx %arg13[%add3A_468, %add3A_16] : memref<160x8xf32, #tpu.memory_space<vmem>>[vector<16xi32>, vector<16xi32>], vector<16xf32>,
        %add3A_478 = arith.addf %gather3A, %gather3A_472 : vector<16xf32>
        %add3A_479 = arith.addf %gather3A_476, %gather3A_477 : vector<16xf32>
        %mul3A_480 = arith.constant 2.000000e-01 : f32
        %mul3A_481 = vector.broadcast %mul3A_480 : f32 to vector<16xf32>
        %mul3A_482 = arith.mulf %mul3A_481, %add3A_478 : vector<16xf32>
        %max3A = arith.maximumf %add3A_478, %mul3A_482 : vector<16xf32>
        %exp3A = math.exp %max3A : vector<16xf32>
        %mul3A_483 = arith.constant 2.000000e-01 : f32
        %mul3A_484 = vector.broadcast %mul3A_483 : f32 to vector<16xf32>
        %mul3A_485 = arith.mulf %mul3A_484, %add3A_479 : vector<16xf32>
        %max3A_486 = arith.maximumf %add3A_479, %mul3A_485 : vector<16xf32>
        %exp3A_487 = math.exp %max3A_486 : vector<16xf32>
        %mul3A_488 = arith.constant 2 : i32
        %mul3A_489 = vector.broadcast %mul3A_488 : i32 to vector<16xi32>
        %mul3A_490 = arith.muli %add3A_468, %mul3A_489 : vector<16xi32>
        tpu.vector_store_idx %arg16[%mul3A_490], %exp3A : memref<320xf32, #tpu.memory_space<vmem>>[vector<16xi32>], vector<16xf32>,
        %mul3A_491 = arith.constant 2 : i32
        %mul3A_492 = vector.broadcast %mul3A_491 : i32 to vector<16xi32>
        %mul3A_493 = arith.muli %add3A_468, %mul3A_492 : vector<16xi32>
        %add3A_494 = arith.constant 1 : i32
        %add3A_495 = vector.broadcast %add3A_494 : i32 to vector<16xi32>
        %add3A_496 = arith.addi %mul3A_493, %add3A_495 : vector<16xi32>
        tpu.vector_store_idx %arg16[%add3A_496], %exp3A_487 : memref<320xf32, #tpu.memory_space<vmem>>[vector<16xi32>], vector<16xf32>,
      }
      %scan3A_312 = arith.constant 10 : i32
      %scan3A_313 = arith.constant 0 : i32
      %scan3A_314 = arith.constant 80 : i32
      %scan3A_315 = arith.addi %scan3A_313, %scan3A_314 : i32
      %scan3A_316 = arith.constant 4 : i32
      scf.for %scan3A_460 = %scan3A_313 to %scan3A_315 step %scan3A_316  : i32 {
        %mul3A_461 = arith.constant 1 : i32
        %mul3A_462 = arith.muli %scan3A_460, %mul3A_461 : i32
        %add3A_463 = arith.constant 0 : i32
        %add3A_464 = arith.addi %add3A_463, %mul3A_462 : i32
        %mul3A_465 = arith.constant 2 : i32
        %mul3A_466 = arith.muli %add3A_464, %mul3A_465 : i32
        %add3A_467 = vector.broadcast %mul3A_466 : i32 to vector<16xi32>
        %add3A_468 = arith.addi %add3A_467, %select_n3A : vector<16xi32>
        %gather3A = tpu.vector_load_idx %arg15[%add3A_468, %select_n3A_62] : memref<160x24xf32, #tpu.memory_space<vmem>>[vector<16xi32>, vector<16xi32>], vector<16xf32>,
        %mul3A_469 = arith.constant 4 : i32
        %mul3A_470 = arith.muli %add3A_464, %mul3A_469 : i32
        %add3A_471 = vector.broadcast %mul3A_470 : i32 to vector<16xi32>
        %add3A_472 = arith.addi %add3A_68, %add3A_471 : vector<16xi32>
        %gather3A_473 = tpu.vector_load_idx %arg16[%add3A_472] : memref<320xf32, #tpu.memory_space<vmem>>[vector<16xi32>], vector<16xf32>,
        %mul3A_474 = arith.mulf %gather3A, %gather3A_473 : vector<16xf32>
        tpu.vector_store_idx %arg18[%add3A_468, %select_n3A_62], %mul3A_474 : memref<160x24xf32, #tpu.memory_space<vmem>>[vector<16xi32>, vector<16xi32>], vector<16xf32>,
        %mul3A_475 = arith.constant 2 : i32
        %mul3A_476 = arith.muli %add3A_464, %mul3A_475 : i32
        %add3A_477 = vector.broadcast %mul3A_476 : i32 to vector<16xi32>
        %add3A_478 = arith.addi %add3A_477, %select_n3A_102 : vector<16xi32>
        %gather3A_479 = tpu.vector_load_idx %arg15[%add3A_478, %select_n3A_124] : memref<160x24xf32, #tpu.memory_space<vmem>>[vector<16xi32>, vector<16xi32>], vector<16xf32>,
        %mul3A_480 = arith.constant 4 : i32
        %mul3A_481 = arith.muli %add3A_464, %mul3A_480 : i32
        %add3A_482 = vector.broadcast %mul3A_481 : i32 to vector<16xi32>
        %add3A_483 = arith.addi %add3A_132, %add3A_482 : vector<16xi32>
        %gather3A_484 = tpu.vector_load_idx %arg16[%add3A_483] : memref<320xf32, #tpu.memory_space<vmem>>[vector<16xi32>], vector<16xf32>,
        %mul3A_485 = arith.mulf %gather3A_479, %gather3A_484 : vector<16xf32>
        tpu.vector_store_idx %arg18[%add3A_478, %select_n3A_124], %mul3A_485 : memref<160x24xf32, #tpu.memory_space<vmem>>[vector<16xi32>, vector<16xi32>], vector<16xf32>,
        %mul3A_486 = arith.constant 2 : i32
        %mul3A_487 = arith.muli %add3A_464, %mul3A_486 : i32
        %add3A_488 = vector.broadcast %mul3A_487 : i32 to vector<16xi32>
        %add3A_489 = arith.addi %add3A_488, %select_n3A_166 : vector<16xi32>
        %gather3A_490 = tpu.vector_load_idx %arg15[%add3A_489, %select_n3A_188] : memref<160x24xf32, #tpu.memory_space<vmem>>[vector<16xi32>, vector<16xi32>], vector<16xf32>,
        %mul3A_491 = arith.constant 4 : i32
        %mul3A_492 = arith.muli %add3A_464, %mul3A_491 : i32
        %add3A_493 = vector.broadcast %mul3A_492 : i32 to vector<16xi32>
        %add3A_494 = arith.addi %add3A_196, %add3A_493 : vector<16xi32>
        %gather3A_495 = tpu.vector_load_idx %arg16[%add3A_494] : memref<320xf32, #tpu.memory_space<vmem>>[vector<16xi32>], vector<16xf32>,
        %mul3A_496 = arith.mulf %gather3A_490, %gather3A_495 : vector<16xf32>
        tpu.vector_store_idx %arg18[%add3A_489, %select_n3A_188], %mul3A_496 : memref<160x24xf32, #tpu.memory_space<vmem>>[vector<16xi32>, vector<16xi32>], vector<16xf32>,
        %scan3A_497 = arith.constant 1 : i32
        %scan3A_498 = arith.addi %scan3A_460, %scan3A_497 : i32
        %mul3A_499 = arith.constant 1 : i32
        %mul3A_500 = arith.muli %scan3A_498, %mul3A_499 : i32
        %add3A_501 = arith.constant 0 : i32
        %add3A_502 = arith.addi %add3A_501, %mul3A_500 : i32
        %mul3A_503 = arith.constant 2 : i32
        %mul3A_504 = arith.muli %add3A_502, %mul3A_503 : i32
        %add3A_505 = vector.broadcast %mul3A_504 : i32 to vector<16xi32>
        %add3A_506 = arith.addi %add3A_505, %select_n3A : vector<16xi32>
        %gather3A_507 = tpu.vector_load_idx %arg15[%add3A_506, %select_n3A_62] : memref<160x24xf32, #tpu.memory_space<vmem>>[vector<16xi32>, vector<16xi32>], vector<16xf32>,
        %mul3A_508 = arith.constant 4 : i32
        %mul3A_509 = arith.muli %add3A_502, %mul3A_508 : i32
        %add3A_510 = vector.broadcast %mul3A_509 : i32 to vector<16xi32>
        %add3A_511 = arith.addi %add3A_68, %add3A_510 : vector<16xi32>
        %gather3A_512 = tpu.vector_load_idx %arg16[%add3A_511] : memref<320xf32, #tpu.memory_space<vmem>>[vector<16xi32>], vector<16xf32>,
        %mul3A_513 = arith.mulf %gather3A_507, %gather3A_512 : vector<16xf32>
        tpu.vector_store_idx %arg18[%add3A_506, %select_n3A_62], %mul3A_513 : memref<160x24xf32, #tpu.memory_space<vmem>>[vector<16xi32>, vector<16xi32>], vector<16xf32>,
        %mul3A_514 = arith.constant 2 : i32
        %mul3A_515 = arith.muli %add3A_502, %mul3A_514 : i32
        %add3A_516 = vector.broadcast %mul3A_515 : i32 to vector<16xi32>
        %add3A_517 = arith.addi %add3A_516, %select_n3A_102 : vector<16xi32>
        %gather3A_518 = tpu.vector_load_idx %arg15[%add3A_517, %select_n3A_124] : memref<160x24xf32, #tpu.memory_space<vmem>>[vector<16xi32>, vector<16xi32>], vector<16xf32>,
        %mul3A_519 = arith.constant 4 : i32
        %mul3A_520 = arith.muli %add3A_502, %mul3A_519 : i32
        %add3A_521 = vector.broadcast %mul3A_520 : i32 to vector<16xi32>
        %add3A_522 = arith.addi %add3A_132, %add3A_521 : vector<16xi32>
        %gather3A_523 = tpu.vector_load_idx %arg16[%add3A_522] : memref<320xf32, #tpu.memory_space<vmem>>[vector<16xi32>], vector<16xf32>,
        %mul3A_524 = arith.mulf %gather3A_518, %gather3A_523 : vector<16xf32>
        tpu.vector_store_idx %arg18[%add3A_517, %select_n3A_124], %mul3A_524 : memref<160x24xf32, #tpu.memory_space<vmem>>[vector<16xi32>, vector<16xi32>], vector<16xf32>,
        %mul3A_525 = arith.constant 2 : i32
        %mul3A_526 = arith.muli %add3A_502, %mul3A_525 : i32
        %add3A_527 = vector.broadcast %mul3A_526 : i32 to vector<16xi32>
        %add3A_528 = arith.addi %add3A_527, %select_n3A_166 : vector<16xi32>
        %gather3A_529 = tpu.vector_load_idx %arg15[%add3A_528, %select_n3A_188] : memref<160x24xf32, #tpu.memory_space<vmem>>[vector<16xi32>, vector<16xi32>], vector<16xf32>,
        %mul3A_530 = arith.constant 4 : i32
        %mul3A_531 = arith.muli %add3A_502, %mul3A_530 : i32
        %add3A_532 = vector.broadcast %mul3A_531 : i32 to vector<16xi32>
        %add3A_533 = arith.addi %add3A_196, %add3A_532 : vector<16xi32>
        %gather3A_534 = tpu.vector_load_idx %arg16[%add3A_533] : memref<320xf32, #tpu.memory_space<vmem>>[vector<16xi32>], vector<16xf32>,
        %mul3A_535 = arith.mulf %gather3A_529, %gather3A_534 : vector<16xf32>
        tpu.vector_store_idx %arg18[%add3A_528, %select_n3A_188], %mul3A_535 : memref<160x24xf32, #tpu.memory_space<vmem>>[vector<16xi32>, vector<16xi32>], vector<16xf32>,
        %scan3A_536 = arith.constant 2 : i32
        %scan3A_537 = arith.addi %scan3A_460, %scan3A_536 : i32
        %mul3A_538 = arith.constant 1 : i32
        %mul3A_539 = arith.muli %scan3A_537, %mul3A_538 : i32
        %add3A_540 = arith.constant 0 : i32
        %add3A_541 = arith.addi %add3A_540, %mul3A_539 : i32
        %mul3A_542 = arith.constant 2 : i32
        %mul3A_543 = arith.muli %add3A_541, %mul3A_542 : i32
        %add3A_544 = vector.broadcast %mul3A_543 : i32 to vector<16xi32>
        %add3A_545 = arith.addi %add3A_544, %select_n3A : vector<16xi32>
        %gather3A_546 = tpu.vector_load_idx %arg15[%add3A_545, %select_n3A_62] : memref<160x24xf32, #tpu.memory_space<vmem>>[vector<16xi32>, vector<16xi32>], vector<16xf32>,
        %mul3A_547 = arith.constant 4 : i32
        %mul3A_548 = arith.muli %add3A_541, %mul3A_547 : i32
        %add3A_549 = vector.broadcast %mul3A_548 : i32 to vector<16xi32>
        %add3A_550 = arith.addi %add3A_68, %add3A_549 : vector<16xi32>
        %gather3A_551 = tpu.vector_load_idx %arg16[%add3A_550] : memref<320xf32, #tpu.memory_space<vmem>>[vector<16xi32>], vector<16xf32>,
        %mul3A_552 = arith.mulf %gather3A_546, %gather3A_551 : vector<16xf32>
        tpu.vector_store_idx %arg18[%add3A_545, %select_n3A_62], %mul3A_552 : memref<160x24xf32, #tpu.memory_space<vmem>>[vector<16xi32>, vector<16xi32>], vector<16xf32>,
        %mul3A_553 = arith.constant 2 : i32
        %mul3A_554 = arith.muli %add3A_541, %mul3A_553 : i32
        %add3A_555 = vector.broadcast %mul3A_554 : i32 to vector<16xi32>
        %add3A_556 = arith.addi %add3A_555, %select_n3A_102 : vector<16xi32>
        %gather3A_557 = tpu.vector_load_idx %arg15[%add3A_556, %select_n3A_124] : memref<160x24xf32, #tpu.memory_space<vmem>>[vector<16xi32>, vector<16xi32>], vector<16xf32>,
        %mul3A_558 = arith.constant 4 : i32
        %mul3A_559 = arith.muli %add3A_541, %mul3A_558 : i32
        %add3A_560 = vector.broadcast %mul3A_559 : i32 to vector<16xi32>
        %add3A_561 = arith.addi %add3A_132, %add3A_560 : vector<16xi32>
        %gather3A_562 = tpu.vector_load_idx %arg16[%add3A_561] : memref<320xf32, #tpu.memory_space<vmem>>[vector<16xi32>], vector<16xf32>,
        %mul3A_563 = arith.mulf %gather3A_557, %gather3A_562 : vector<16xf32>
        tpu.vector_store_idx %arg18[%add3A_556, %select_n3A_124], %mul3A_563 : memref<160x24xf32, #tpu.memory_space<vmem>>[vector<16xi32>, vector<16xi32>], vector<16xf32>,
        %mul3A_564 = arith.constant 2 : i32
        %mul3A_565 = arith.muli %add3A_541, %mul3A_564 : i32
        %add3A_566 = vector.broadcast %mul3A_565 : i32 to vector<16xi32>
        %add3A_567 = arith.addi %add3A_566, %select_n3A_166 : vector<16xi32>
        %gather3A_568 = tpu.vector_load_idx %arg15[%add3A_567, %select_n3A_188] : memref<160x24xf32, #tpu.memory_space<vmem>>[vector<16xi32>, vector<16xi32>], vector<16xf32>,
        %mul3A_569 = arith.constant 4 : i32
        %mul3A_570 = arith.muli %add3A_541, %mul3A_569 : i32
        %add3A_571 = vector.broadcast %mul3A_570 : i32 to vector<16xi32>
        %add3A_572 = arith.addi %add3A_196, %add3A_571 : vector<16xi32>
        %gather3A_573 = tpu.vector_load_idx %arg16[%add3A_572] : memref<320xf32, #tpu.memory_space<vmem>>[vector<16xi32>], vector<16xf32>,
        %mul3A_574 = arith.mulf %gather3A_568, %gather3A_573 : vector<16xf32>
        tpu.vector_store_idx %arg18[%add3A_567, %select_n3A_188], %mul3A_574 : memref<160x24xf32, #tpu.memory_space<vmem>>[vector<16xi32>, vector<16xi32>], vector<16xf32>,
        %scan3A_575 = arith.constant 3 : i32
        %scan3A_576 = arith.addi %scan3A_460, %scan3A_575 : i32
        %mul3A_577 = arith.constant 1 : i32
        %mul3A_578 = arith.muli %scan3A_576, %mul3A_577 : i32
        %add3A_579 = arith.constant 0 : i32
        %add3A_580 = arith.addi %add3A_579, %mul3A_578 : i32
        %mul3A_581 = arith.constant 2 : i32
        %mul3A_582 = arith.muli %add3A_580, %mul3A_581 : i32
        %add3A_583 = vector.broadcast %mul3A_582 : i32 to vector<16xi32>
        %add3A_584 = arith.addi %add3A_583, %select_n3A : vector<16xi32>
        %gather3A_585 = tpu.vector_load_idx %arg15[%add3A_584, %select_n3A_62] : memref<160x24xf32, #tpu.memory_space<vmem>>[vector<16xi32>, vector<16xi32>], vector<16xf32>,
        %mul3A_586 = arith.constant 4 : i32
        %mul3A_587 = arith.muli %add3A_580, %mul3A_586 : i32
        %add3A_588 = vector.broadcast %mul3A_587 : i32 to vector<16xi32>
        %add3A_589 = arith.addi %add3A_68, %add3A_588 : vector<16xi32>
        %gather3A_590 = tpu.vector_load_idx %arg16[%add3A_589] : memref<320xf32, #tpu.memory_space<vmem>>[vector<16xi32>], vector<16xf32>,
        %mul3A_591 = arith.mulf %gather3A_585, %gather3A_590 : vector<16xf32>
        tpu.vector_store_idx %arg18[%add3A_584, %select_n3A_62], %mul3A_591 : memref<160x24xf32, #tpu.memory_space<vmem>>[vector<16xi32>, vector<16xi32>], vector<16xf32>,
        %mul3A_592 = arith.constant 2 : i32
        %mul3A_593 = arith.muli %add3A_580, %mul3A_592 : i32
        %add3A_594 = vector.broadcast %mul3A_593 : i32 to vector<16xi32>
        %add3A_595 = arith.addi %add3A_594, %select_n3A_102 : vector<16xi32>
        %gather3A_596 = tpu.vector_load_idx %arg15[%add3A_595, %select_n3A_124] : memref<160x24xf32, #tpu.memory_space<vmem>>[vector<16xi32>, vector<16xi32>], vector<16xf32>,
        %mul3A_597 = arith.constant 4 : i32
        %mul3A_598 = arith.muli %add3A_580, %mul3A_597 : i32
        %add3A_599 = vector.broadcast %mul3A_598 : i32 to vector<16xi32>
        %add3A_600 = arith.addi %add3A_132, %add3A_599 : vector<16xi32>
        %gather3A_601 = tpu.vector_load_idx %arg16[%add3A_600] : memref<320xf32, #tpu.memory_space<vmem>>[vector<16xi32>], vector<16xf32>,
        %mul3A_602 = arith.mulf %gather3A_596, %gather3A_601 : vector<16xf32>
        tpu.vector_store_idx %arg18[%add3A_595, %select_n3A_124], %mul3A_602 : memref<160x24xf32, #tpu.memory_space<vmem>>[vector<16xi32>, vector<16xi32>], vector<16xf32>,
        %mul3A_603 = arith.constant 2 : i32
        %mul3A_604 = arith.muli %add3A_580, %mul3A_603 : i32
        %add3A_605 = vector.broadcast %mul3A_604 : i32 to vector<16xi32>
        %add3A_606 = arith.addi %add3A_605, %select_n3A_166 : vector<16xi32>
        %gather3A_607 = tpu.vector_load_idx %arg15[%add3A_606, %select_n3A_188] : memref<160x24xf32, #tpu.memory_space<vmem>>[vector<16xi32>, vector<16xi32>], vector<16xf32>,
        %mul3A_608 = arith.constant 4 : i32
        %mul3A_609 = arith.muli %add3A_580, %mul3A_608 : i32
        %add3A_610 = vector.broadcast %mul3A_609 : i32 to vector<16xi32>
        %add3A_611 = arith.addi %add3A_196, %add3A_610 : vector<16xi32>
        %gather3A_612 = tpu.vector_load_idx %arg16[%add3A_611] : memref<320xf32, #tpu.memory_space<vmem>>[vector<16xi32>], vector<16xf32>,
        %mul3A_613 = arith.mulf %gather3A_607, %gather3A_612 : vector<16xf32>
        tpu.vector_store_idx %arg18[%add3A_606, %select_n3A_188], %mul3A_613 : memref<160x24xf32, #tpu.memory_space<vmem>>[vector<16xi32>, vector<16xi32>], vector<16xf32>,
      }
      %scan3A_317 = arith.constant 80 : i32
      %scan3A_318 = arith.constant 0 : i32
      %scan3A_319 = arith.constant 10 : i32
      %scan3A_320 = arith.addi %scan3A_318, %scan3A_319 : i32
      %scan3A_321 = arith.constant 1 : i32
      scf.for %scan3A_460 = %scan3A_318 to %scan3A_320 step %scan3A_321  : i32 {
        %mul3A_461 = arith.constant 1 : i32
        %mul3A_462 = arith.muli %scan3A_460, %mul3A_461 : i32
        %add3A_463 = arith.constant 0 : i32
        %add3A_464 = arith.addi %add3A_463, %mul3A_462 : i32
        %mul3A_465 = arith.constant 16 : i32
        %mul3A_466 = arith.muli %add3A_464, %mul3A_465 : i32
        %add3A_467 = vector.broadcast %mul3A_466 : i32 to vector<16xi32>
        %add3A_468 = arith.addi %add3A_467, %iota3A : vector<16xi32>
        %mul3A_469 = arith.constant 2 : i32
        %mul3A_470 = vector.broadcast %mul3A_469 : i32 to vector<16xi32>
        %mul3A_471 = arith.muli %add3A_468, %mul3A_470 : vector<16xi32>
        %gather3A = tpu.vector_load_idx %arg16[%mul3A_471] : memref<320xf32, #tpu.memory_space<vmem>>[vector<16xi32>], vector<16xf32>,
        %mul3A_472 = arith.constant 2 : i32
        %mul3A_473 = vector.broadcast %mul3A_472 : i32 to vector<16xi32>
        %mul3A_474 = arith.muli %add3A_468, %mul3A_473 : vector<16xi32>
        %add3A_475 = arith.constant 1 : i32
        %add3A_476 = vector.broadcast %add3A_475 : i32 to vector<16xi32>
        %add3A_477 = arith.addi %mul3A_474, %add3A_476 : vector<16xi32>
        %gather3A_478 = tpu.vector_load_idx %arg16[%add3A_477] : memref<320xf32, #tpu.memory_space<vmem>>[vector<16xi32>], vector<16xf32>,
        %add3A_479 = arith.constant 20 : i32
        %add3A_480 = vector.broadcast %add3A_479 : i32 to vector<16xi32>
        %add3A_481 = arith.addi %mul3A_13, %add3A_480 : vector<16xi32>
        tpu.vector_store_idx %arg18[%add3A_468, %add3A_481], %gather3A : memref<160x24xf32, #tpu.memory_space<vmem>>[vector<16xi32>, vector<16xi32>], vector<16xf32>,
        %add3A_482 = arith.constant 21 : i32
        %add3A_483 = vector.broadcast %add3A_482 : i32 to vector<16xi32>
        %add3A_484 = arith.addi %mul3A_13, %add3A_483 : vector<16xi32>
        tpu.vector_store_idx %arg18[%add3A_468, %add3A_484], %gather3A_478 : memref<160x24xf32, #tpu.memory_space<vmem>>[vector<16xi32>, vector<16xi32>], vector<16xf32>,
      }
      %scan3A_322 = arith.constant 10 : i32
      %dma_start3A_323 = arith.constant 0 : i32
      %dma_start3A_324 = arith.constant 0 : i32
      %dma_start3A_325 = tpu.memref_slice %arg27[%dma_start3A_323, %dma_start3A_324] : memref<50048x24xf32, #tpu.memory_space<vmem_shared>> -> memref<50048x24xf32, #tpu.memory_space<vmem_shared>>
      tpu.enqueue_indirect_dma source(%arg18 : memref<160x24xf32, #tpu.memory_space<vmem>>) target(%dma_start3A_325 : memref<50048x24xf32, #tpu.memory_space<vmem_shared>>) offsets(%arg11 : memref<160xi32, #tpu.memory_space<vmem>>) semaphore(%arg24 : memref<!tpu.dma_semaphore, #tpu.memory_space<semaphore_mem>>) {add = true}
      %dma_start3A_326 = arith.constant 480 : i32
      %dma_start3A_327 = tpu.memref_slice %arg9[%dma_start3A_326] : memref<800xi32, #tpu.memory_space<vmem>> -> memref<160xi32, #tpu.memory_space<vmem>>
      %dma_start3A_328 = arith.constant 0 : i32
      %dma_start3A_329 = arith.constant 0 : i32
      %dma_start3A_330 = tpu.memref_slice %arg25[%dma_start3A_328, %dma_start3A_329] : memref<50048x8xf32, #tpu.memory_space<vmem_shared>> -> memref<50048x8xf32, #tpu.memory_space<vmem_shared>>
      tpu.enqueue_indirect_dma source(%dma_start3A_330 : memref<50048x8xf32, #tpu.memory_space<vmem_shared>>) target(%arg13 : memref<160x8xf32, #tpu.memory_space<vmem>>) offsets(%dma_start3A_327 : memref<160xi32, #tpu.memory_space<vmem>>) semaphore(%arg20 : memref<!tpu.dma_semaphore, #tpu.memory_space<semaphore_mem>>)
      %dma_start3A_331 = arith.constant 480 : i32
      %dma_start3A_332 = tpu.memref_slice %arg8[%dma_start3A_331] : memref<800xi32, #tpu.memory_space<vmem>> -> memref<160xi32, #tpu.memory_space<vmem>>
      %dma_start3A_333 = arith.constant 0 : i32
      %dma_start3A_334 = arith.constant 0 : i32
      %dma_start3A_335 = tpu.memref_slice %arg26[%dma_start3A_333, %dma_start3A_334] : memref<5056x24xf32, #tpu.memory_space<vmem_shared>> -> memref<5056x24xf32, #tpu.memory_space<vmem_shared>>
      tpu.enqueue_indirect_dma source(%dma_start3A_335 : memref<5056x24xf32, #tpu.memory_space<vmem_shared>>) target(%arg15 : memref<160x24xf32, #tpu.memory_space<vmem>>) offsets(%dma_start3A_332 : memref<160xi32, #tpu.memory_space<vmem>>) semaphore(%arg22 : memref<!tpu.dma_semaphore, #tpu.memory_space<semaphore_mem>>)
      %dma_wait3A_336 = arith.constant 320 : i32
      %dma_wait3A_337 = tpu.memref_slice %arg9[%dma_wait3A_336] : memref<800xi32, #tpu.memory_space<vmem>> -> memref<160xi32, #tpu.memory_space<vmem>>
      %dma_wait3A_338 = arith.constant 0 : i32
      %dma_wait3A_339 = arith.constant 0 : i32
      %dma_wait3A_340 = tpu.memref_slice %arg25[%dma_wait3A_338, %dma_wait3A_339] : memref<50048x8xf32, #tpu.memory_space<vmem_shared>> -> memref<50048x8xf32, #tpu.memory_space<vmem_shared>>
      tpu.wait_indirect_dma semaphore(%arg19 : memref<!tpu.dma_semaphore, #tpu.memory_space<semaphore_mem>>) src(%dma_wait3A_340 : memref<50048x8xf32, #tpu.memory_space<vmem_shared>>) dst(%arg12 : memref<160x8xf32, #tpu.memory_space<vmem>>)
      %dma_wait3A_341 = arith.constant 320 : i32
      %dma_wait3A_342 = tpu.memref_slice %arg8[%dma_wait3A_341] : memref<800xi32, #tpu.memory_space<vmem>> -> memref<160xi32, #tpu.memory_space<vmem>>
      %dma_wait3A_343 = arith.constant 0 : i32
      %dma_wait3A_344 = arith.constant 0 : i32
      %dma_wait3A_345 = tpu.memref_slice %arg26[%dma_wait3A_343, %dma_wait3A_344] : memref<5056x24xf32, #tpu.memory_space<vmem_shared>> -> memref<5056x24xf32, #tpu.memory_space<vmem_shared>>
      tpu.wait_indirect_dma semaphore(%arg21 : memref<!tpu.dma_semaphore, #tpu.memory_space<semaphore_mem>>) src(%dma_wait3A_345 : memref<5056x24xf32, #tpu.memory_space<vmem_shared>>) dst(%arg14 : memref<160x24xf32, #tpu.memory_space<vmem>>)
      %dma_wait3A_346 = arith.constant 0 : i32
      %dma_wait3A_347 = arith.constant 0 : i32
      %dma_wait3A_348 = tpu.memref_slice %arg27[%dma_wait3A_346, %dma_wait3A_347] : memref<50048x24xf32, #tpu.memory_space<vmem_shared>> -> memref<50048x24xf32, #tpu.memory_space<vmem_shared>>
      tpu.wait_indirect_dma semaphore(%arg23 : memref<!tpu.dma_semaphore, #tpu.memory_space<semaphore_mem>>) src(%arg17 : memref<160x24xf32, #tpu.memory_space<vmem>>) dst(%dma_wait3A_348 : memref<50048x24xf32, #tpu.memory_space<vmem_shared>>)
      %scan3A_349 = arith.constant 0 : i32
      %scan3A_350 = arith.constant 10 : i32
      %scan3A_351 = arith.addi %scan3A_349, %scan3A_350 : i32
      %scan3A_352 = arith.constant 1 : i32
      scf.for %scan3A_460 = %scan3A_349 to %scan3A_351 step %scan3A_352  : i32 {
        %mul3A_461 = arith.constant 1 : i32
        %mul3A_462 = arith.muli %scan3A_460, %mul3A_461 : i32
        %add3A_463 = arith.constant 0 : i32
        %add3A_464 = arith.addi %add3A_463, %mul3A_462 : i32
        %mul3A_465 = arith.constant 16 : i32
        %mul3A_466 = arith.muli %add3A_464, %mul3A_465 : i32
        %add3A_467 = arith.constant 320 : i32
        %add3A_468 = arith.addi %add3A_467, %mul3A_466 : i32
        %get3A = arith.index_cast %add3A_468 : i32 to index
        %get3A_469 = tpu.vector_load %arg9[%get3A] {strides = array<i32>} : memref<800xi32, #tpu.memory_space<vmem>>, vector<16xi32>,
        %mul3A_470 = arith.constant 16 : i32
        %mul3A_471 = arith.muli %add3A_464, %mul3A_470 : i32
        %swap3A = arith.index_cast %mul3A_471 : i32 to index
        %swap3A_472 = tpu.vector_load %arg10[%swap3A] {strides = array<i32>} : memref<160xi32, #tpu.memory_space<vmem>>, vector<16xi32>,
        tpu.vector_store %arg10[%swap3A], %get3A_469 {strides = array<i32>} : memref<160xi32, #tpu.memory_space<vmem>>, vector<16xi32>,
      }
      %scan3A_353 = arith.constant 10 : i32
      %scan3A_354 = arith.constant 0 : i32
      %scan3A_355 = arith.constant 10 : i32
      %scan3A_356 = arith.addi %scan3A_354, %scan3A_355 : i32
      %scan3A_357 = arith.constant 1 : i32
      scf.for %scan3A_460 = %scan3A_354 to %scan3A_356 step %scan3A_357  : i32 {
        %mul3A_461 = arith.constant 1 : i32
        %mul3A_462 = arith.muli %scan3A_460, %mul3A_461 : i32
        %add3A_463 = arith.constant 0 : i32
        %add3A_464 = arith.addi %add3A_463, %mul3A_462 : i32
        %mul3A_465 = arith.constant 16 : i32
        %mul3A_466 = arith.muli %add3A_464, %mul3A_465 : i32
        %add3A_467 = vector.broadcast %mul3A_466 : i32 to vector<16xi32>
        %add3A_468 = arith.addi %add3A_467, %iota3A : vector<16xi32>
        %add3A_469 = arith.constant 20 : i32
        %add3A_470 = vector.broadcast %add3A_469 : i32 to vector<16xi32>
        %add3A_471 = arith.addi %mul3A_13, %add3A_470 : vector<16xi32>
        %gather3A = tpu.vector_load_idx %arg14[%add3A_468, %add3A_471] : memref<160x24xf32, #tpu.memory_space<vmem>>[vector<16xi32>, vector<16xi32>], vector<16xf32>,
        %gather3A_472 = tpu.vector_load_idx %arg12[%add3A_468, %mul3A_13] : memref<160x8xf32, #tpu.memory_space<vmem>>[vector<16xi32>, vector<16xi32>], vector<16xf32>,
        %add3A_473 = arith.constant 21 : i32
        %add3A_474 = vector.broadcast %add3A_473 : i32 to vector<16xi32>
        %add3A_475 = arith.addi %mul3A_13, %add3A_474 : vector<16xi32>
        %gather3A_476 = tpu.vector_load_idx %arg14[%add3A_468, %add3A_475] : memref<160x24xf32, #tpu.memory_space<vmem>>[vector<16xi32>, vector<16xi32>], vector<16xf32>,
        %gather3A_477 = tpu.vector_load_idx %arg12[%add3A_468, %add3A_16] : memref<160x8xf32, #tpu.memory_space<vmem>>[vector<16xi32>, vector<16xi32>], vector<16xf32>,
        %add3A_478 = arith.addf %gather3A, %gather3A_472 : vector<16xf32>
        %add3A_479 = arith.addf %gather3A_476, %gather3A_477 : vector<16xf32>
        %mul3A_480 = arith.constant 2.000000e-01 : f32
        %mul3A_481 = vector.broadcast %mul3A_480 : f32 to vector<16xf32>
        %mul3A_482 = arith.mulf %mul3A_481, %add3A_478 : vector<16xf32>
        %max3A = arith.maximumf %add3A_478, %mul3A_482 : vector<16xf32>
        %exp3A = math.exp %max3A : vector<16xf32>
        %mul3A_483 = arith.constant 2.000000e-01 : f32
        %mul3A_484 = vector.broadcast %mul3A_483 : f32 to vector<16xf32>
        %mul3A_485 = arith.mulf %mul3A_484, %add3A_479 : vector<16xf32>
        %max3A_486 = arith.maximumf %add3A_479, %mul3A_485 : vector<16xf32>
        %exp3A_487 = math.exp %max3A_486 : vector<16xf32>
        %mul3A_488 = arith.constant 2 : i32
        %mul3A_489 = vector.broadcast %mul3A_488 : i32 to vector<16xi32>
        %mul3A_490 = arith.muli %add3A_468, %mul3A_489 : vector<16xi32>
        tpu.vector_store_idx %arg16[%mul3A_490], %exp3A : memref<320xf32, #tpu.memory_space<vmem>>[vector<16xi32>], vector<16xf32>,
        %mul3A_491 = arith.constant 2 : i32
        %mul3A_492 = vector.broadcast %mul3A_491 : i32 to vector<16xi32>
        %mul3A_493 = arith.muli %add3A_468, %mul3A_492 : vector<16xi32>
        %add3A_494 = arith.constant 1 : i32
        %add3A_495 = vector.broadcast %add3A_494 : i32 to vector<16xi32>
        %add3A_496 = arith.addi %mul3A_493, %add3A_495 : vector<16xi32>
        tpu.vector_store_idx %arg16[%add3A_496], %exp3A_487 : memref<320xf32, #tpu.memory_space<vmem>>[vector<16xi32>], vector<16xf32>,
      }
      %scan3A_358 = arith.constant 10 : i32
      %scan3A_359 = arith.constant 0 : i32
      %scan3A_360 = arith.constant 80 : i32
      %scan3A_361 = arith.addi %scan3A_359, %scan3A_360 : i32
      %scan3A_362 = arith.constant 4 : i32
      scf.for %scan3A_460 = %scan3A_359 to %scan3A_361 step %scan3A_362  : i32 {
        %mul3A_461 = arith.constant 1 : i32
        %mul3A_462 = arith.muli %scan3A_460, %mul3A_461 : i32
        %add3A_463 = arith.constant 0 : i32
        %add3A_464 = arith.addi %add3A_463, %mul3A_462 : i32
        %mul3A_465 = arith.constant 2 : i32
        %mul3A_466 = arith.muli %add3A_464, %mul3A_465 : i32
        %add3A_467 = vector.broadcast %mul3A_466 : i32 to vector<16xi32>
        %add3A_468 = arith.addi %add3A_467, %select_n3A : vector<16xi32>
        %gather3A = tpu.vector_load_idx %arg14[%add3A_468, %select_n3A_62] : memref<160x24xf32, #tpu.memory_space<vmem>>[vector<16xi32>, vector<16xi32>], vector<16xf32>,
        %mul3A_469 = arith.constant 4 : i32
        %mul3A_470 = arith.muli %add3A_464, %mul3A_469 : i32
        %add3A_471 = vector.broadcast %mul3A_470 : i32 to vector<16xi32>
        %add3A_472 = arith.addi %add3A_68, %add3A_471 : vector<16xi32>
        %gather3A_473 = tpu.vector_load_idx %arg16[%add3A_472] : memref<320xf32, #tpu.memory_space<vmem>>[vector<16xi32>], vector<16xf32>,
        %mul3A_474 = arith.mulf %gather3A, %gather3A_473 : vector<16xf32>
        tpu.vector_store_idx %arg17[%add3A_468, %select_n3A_62], %mul3A_474 : memref<160x24xf32, #tpu.memory_space<vmem>>[vector<16xi32>, vector<16xi32>], vector<16xf32>,
        %mul3A_475 = arith.constant 2 : i32
        %mul3A_476 = arith.muli %add3A_464, %mul3A_475 : i32
        %add3A_477 = vector.broadcast %mul3A_476 : i32 to vector<16xi32>
        %add3A_478 = arith.addi %add3A_477, %select_n3A_102 : vector<16xi32>
        %gather3A_479 = tpu.vector_load_idx %arg14[%add3A_478, %select_n3A_124] : memref<160x24xf32, #tpu.memory_space<vmem>>[vector<16xi32>, vector<16xi32>], vector<16xf32>,
        %mul3A_480 = arith.constant 4 : i32
        %mul3A_481 = arith.muli %add3A_464, %mul3A_480 : i32
        %add3A_482 = vector.broadcast %mul3A_481 : i32 to vector<16xi32>
        %add3A_483 = arith.addi %add3A_132, %add3A_482 : vector<16xi32>
        %gather3A_484 = tpu.vector_load_idx %arg16[%add3A_483] : memref<320xf32, #tpu.memory_space<vmem>>[vector<16xi32>], vector<16xf32>,
        %mul3A_485 = arith.mulf %gather3A_479, %gather3A_484 : vector<16xf32>
        tpu.vector_store_idx %arg17[%add3A_478, %select_n3A_124], %mul3A_485 : memref<160x24xf32, #tpu.memory_space<vmem>>[vector<16xi32>, vector<16xi32>], vector<16xf32>,
        %mul3A_486 = arith.constant 2 : i32
        %mul3A_487 = arith.muli %add3A_464, %mul3A_486 : i32
        %add3A_488 = vector.broadcast %mul3A_487 : i32 to vector<16xi32>
        %add3A_489 = arith.addi %add3A_488, %select_n3A_166 : vector<16xi32>
        %gather3A_490 = tpu.vector_load_idx %arg14[%add3A_489, %select_n3A_188] : memref<160x24xf32, #tpu.memory_space<vmem>>[vector<16xi32>, vector<16xi32>], vector<16xf32>,
        %mul3A_491 = arith.constant 4 : i32
        %mul3A_492 = arith.muli %add3A_464, %mul3A_491 : i32
        %add3A_493 = vector.broadcast %mul3A_492 : i32 to vector<16xi32>
        %add3A_494 = arith.addi %add3A_196, %add3A_493 : vector<16xi32>
        %gather3A_495 = tpu.vector_load_idx %arg16[%add3A_494] : memref<320xf32, #tpu.memory_space<vmem>>[vector<16xi32>], vector<16xf32>,
        %mul3A_496 = arith.mulf %gather3A_490, %gather3A_495 : vector<16xf32>
        tpu.vector_store_idx %arg17[%add3A_489, %select_n3A_188], %mul3A_496 : memref<160x24xf32, #tpu.memory_space<vmem>>[vector<16xi32>, vector<16xi32>], vector<16xf32>,
        %scan3A_497 = arith.constant 1 : i32
        %scan3A_498 = arith.addi %scan3A_460, %scan3A_497 : i32
        %mul3A_499 = arith.constant 1 : i32
        %mul3A_500 = arith.muli %scan3A_498, %mul3A_499 : i32
        %add3A_501 = arith.constant 0 : i32
        %add3A_502 = arith.addi %add3A_501, %mul3A_500 : i32
        %mul3A_503 = arith.constant 2 : i32
        %mul3A_504 = arith.muli %add3A_502, %mul3A_503 : i32
        %add3A_505 = vector.broadcast %mul3A_504 : i32 to vector<16xi32>
        %add3A_506 = arith.addi %add3A_505, %select_n3A : vector<16xi32>
        %gather3A_507 = tpu.vector_load_idx %arg14[%add3A_506, %select_n3A_62] : memref<160x24xf32, #tpu.memory_space<vmem>>[vector<16xi32>, vector<16xi32>], vector<16xf32>,
        %mul3A_508 = arith.constant 4 : i32
        %mul3A_509 = arith.muli %add3A_502, %mul3A_508 : i32
        %add3A_510 = vector.broadcast %mul3A_509 : i32 to vector<16xi32>
        %add3A_511 = arith.addi %add3A_68, %add3A_510 : vector<16xi32>
        %gather3A_512 = tpu.vector_load_idx %arg16[%add3A_511] : memref<320xf32, #tpu.memory_space<vmem>>[vector<16xi32>], vector<16xf32>,
        %mul3A_513 = arith.mulf %gather3A_507, %gather3A_512 : vector<16xf32>
        tpu.vector_store_idx %arg17[%add3A_506, %select_n3A_62], %mul3A_513 : memref<160x24xf32, #tpu.memory_space<vmem>>[vector<16xi32>, vector<16xi32>], vector<16xf32>,
        %mul3A_514 = arith.constant 2 : i32
        %mul3A_515 = arith.muli %add3A_502, %mul3A_514 : i32
        %add3A_516 = vector.broadcast %mul3A_515 : i32 to vector<16xi32>
        %add3A_517 = arith.addi %add3A_516, %select_n3A_102 : vector<16xi32>
        %gather3A_518 = tpu.vector_load_idx %arg14[%add3A_517, %select_n3A_124] : memref<160x24xf32, #tpu.memory_space<vmem>>[vector<16xi32>, vector<16xi32>], vector<16xf32>,
        %mul3A_519 = arith.constant 4 : i32
        %mul3A_520 = arith.muli %add3A_502, %mul3A_519 : i32
        %add3A_521 = vector.broadcast %mul3A_520 : i32 to vector<16xi32>
        %add3A_522 = arith.addi %add3A_132, %add3A_521 : vector<16xi32>
        %gather3A_523 = tpu.vector_load_idx %arg16[%add3A_522] : memref<320xf32, #tpu.memory_space<vmem>>[vector<16xi32>], vector<16xf32>,
        %mul3A_524 = arith.mulf %gather3A_518, %gather3A_523 : vector<16xf32>
        tpu.vector_store_idx %arg17[%add3A_517, %select_n3A_124], %mul3A_524 : memref<160x24xf32, #tpu.memory_space<vmem>>[vector<16xi32>, vector<16xi32>], vector<16xf32>,
        %mul3A_525 = arith.constant 2 : i32
        %mul3A_526 = arith.muli %add3A_502, %mul3A_525 : i32
        %add3A_527 = vector.broadcast %mul3A_526 : i32 to vector<16xi32>
        %add3A_528 = arith.addi %add3A_527, %select_n3A_166 : vector<16xi32>
        %gather3A_529 = tpu.vector_load_idx %arg14[%add3A_528, %select_n3A_188] : memref<160x24xf32, #tpu.memory_space<vmem>>[vector<16xi32>, vector<16xi32>], vector<16xf32>,
        %mul3A_530 = arith.constant 4 : i32
        %mul3A_531 = arith.muli %add3A_502, %mul3A_530 : i32
        %add3A_532 = vector.broadcast %mul3A_531 : i32 to vector<16xi32>
        %add3A_533 = arith.addi %add3A_196, %add3A_532 : vector<16xi32>
        %gather3A_534 = tpu.vector_load_idx %arg16[%add3A_533] : memref<320xf32, #tpu.memory_space<vmem>>[vector<16xi32>], vector<16xf32>,
        %mul3A_535 = arith.mulf %gather3A_529, %gather3A_534 : vector<16xf32>
        tpu.vector_store_idx %arg17[%add3A_528, %select_n3A_188], %mul3A_535 : memref<160x24xf32, #tpu.memory_space<vmem>>[vector<16xi32>, vector<16xi32>], vector<16xf32>,
        %scan3A_536 = arith.constant 2 : i32
        %scan3A_537 = arith.addi %scan3A_460, %scan3A_536 : i32
        %mul3A_538 = arith.constant 1 : i32
        %mul3A_539 = arith.muli %scan3A_537, %mul3A_538 : i32
        %add3A_540 = arith.constant 0 : i32
        %add3A_541 = arith.addi %add3A_540, %mul3A_539 : i32
        %mul3A_542 = arith.constant 2 : i32
        %mul3A_543 = arith.muli %add3A_541, %mul3A_542 : i32
        %add3A_544 = vector.broadcast %mul3A_543 : i32 to vector<16xi32>
        %add3A_545 = arith.addi %add3A_544, %select_n3A : vector<16xi32>
        %gather3A_546 = tpu.vector_load_idx %arg14[%add3A_545, %select_n3A_62] : memref<160x24xf32, #tpu.memory_space<vmem>>[vector<16xi32>, vector<16xi32>], vector<16xf32>,
        %mul3A_547 = arith.constant 4 : i32
        %mul3A_548 = arith.muli %add3A_541, %mul3A_547 : i32
        %add3A_549 = vector.broadcast %mul3A_548 : i32 to vector<16xi32>
        %add3A_550 = arith.addi %add3A_68, %add3A_549 : vector<16xi32>
        %gather3A_551 = tpu.vector_load_idx %arg16[%add3A_550] : memref<320xf32, #tpu.memory_space<vmem>>[vector<16xi32>], vector<16xf32>,
        %mul3A_552 = arith.mulf %gather3A_546, %gather3A_551 : vector<16xf32>
        tpu.vector_store_idx %arg17[%add3A_545, %select_n3A_62], %mul3A_552 : memref<160x24xf32, #tpu.memory_space<vmem>>[vector<16xi32>, vector<16xi32>], vector<16xf32>,
        %mul3A_553 = arith.constant 2 : i32
        %mul3A_554 = arith.muli %add3A_541, %mul3A_553 : i32
        %add3A_555 = vector.broadcast %mul3A_554 : i32 to vector<16xi32>
        %add3A_556 = arith.addi %add3A_555, %select_n3A_102 : vector<16xi32>
        %gather3A_557 = tpu.vector_load_idx %arg14[%add3A_556, %select_n3A_124] : memref<160x24xf32, #tpu.memory_space<vmem>>[vector<16xi32>, vector<16xi32>], vector<16xf32>,
        %mul3A_558 = arith.constant 4 : i32
        %mul3A_559 = arith.muli %add3A_541, %mul3A_558 : i32
        %add3A_560 = vector.broadcast %mul3A_559 : i32 to vector<16xi32>
        %add3A_561 = arith.addi %add3A_132, %add3A_560 : vector<16xi32>
        %gather3A_562 = tpu.vector_load_idx %arg16[%add3A_561] : memref<320xf32, #tpu.memory_space<vmem>>[vector<16xi32>], vector<16xf32>,
        %mul3A_563 = arith.mulf %gather3A_557, %gather3A_562 : vector<16xf32>
        tpu.vector_store_idx %arg17[%add3A_556, %select_n3A_124], %mul3A_563 : memref<160x24xf32, #tpu.memory_space<vmem>>[vector<16xi32>, vector<16xi32>], vector<16xf32>,
        %mul3A_564 = arith.constant 2 : i32
        %mul3A_565 = arith.muli %add3A_541, %mul3A_564 : i32
        %add3A_566 = vector.broadcast %mul3A_565 : i32 to vector<16xi32>
        %add3A_567 = arith.addi %add3A_566, %select_n3A_166 : vector<16xi32>
        %gather3A_568 = tpu.vector_load_idx %arg14[%add3A_567, %select_n3A_188] : memref<160x24xf32, #tpu.memory_space<vmem>>[vector<16xi32>, vector<16xi32>], vector<16xf32>,
        %mul3A_569 = arith.constant 4 : i32
        %mul3A_570 = arith.muli %add3A_541, %mul3A_569 : i32
        %add3A_571 = vector.broadcast %mul3A_570 : i32 to vector<16xi32>
        %add3A_572 = arith.addi %add3A_196, %add3A_571 : vector<16xi32>
        %gather3A_573 = tpu.vector_load_idx %arg16[%add3A_572] : memref<320xf32, #tpu.memory_space<vmem>>[vector<16xi32>], vector<16xf32>,
        %mul3A_574 = arith.mulf %gather3A_568, %gather3A_573 : vector<16xf32>
        tpu.vector_store_idx %arg17[%add3A_567, %select_n3A_188], %mul3A_574 : memref<160x24xf32, #tpu.memory_space<vmem>>[vector<16xi32>, vector<16xi32>], vector<16xf32>,
        %scan3A_575 = arith.constant 3 : i32
        %scan3A_576 = arith.addi %scan3A_460, %scan3A_575 : i32
        %mul3A_577 = arith.constant 1 : i32
        %mul3A_578 = arith.muli %scan3A_576, %mul3A_577 : i32
        %add3A_579 = arith.constant 0 : i32
        %add3A_580 = arith.addi %add3A_579, %mul3A_578 : i32
        %mul3A_581 = arith.constant 2 : i32
        %mul3A_582 = arith.muli %add3A_580, %mul3A_581 : i32
        %add3A_583 = vector.broadcast %mul3A_582 : i32 to vector<16xi32>
        %add3A_584 = arith.addi %add3A_583, %select_n3A : vector<16xi32>
        %gather3A_585 = tpu.vector_load_idx %arg14[%add3A_584, %select_n3A_62] : memref<160x24xf32, #tpu.memory_space<vmem>>[vector<16xi32>, vector<16xi32>], vector<16xf32>,
        %mul3A_586 = arith.constant 4 : i32
        %mul3A_587 = arith.muli %add3A_580, %mul3A_586 : i32
        %add3A_588 = vector.broadcast %mul3A_587 : i32 to vector<16xi32>
        %add3A_589 = arith.addi %add3A_68, %add3A_588 : vector<16xi32>
        %gather3A_590 = tpu.vector_load_idx %arg16[%add3A_589] : memref<320xf32, #tpu.memory_space<vmem>>[vector<16xi32>], vector<16xf32>,
        %mul3A_591 = arith.mulf %gather3A_585, %gather3A_590 : vector<16xf32>
        tpu.vector_store_idx %arg17[%add3A_584, %select_n3A_62], %mul3A_591 : memref<160x24xf32, #tpu.memory_space<vmem>>[vector<16xi32>, vector<16xi32>], vector<16xf32>,
        %mul3A_592 = arith.constant 2 : i32
        %mul3A_593 = arith.muli %add3A_580, %mul3A_592 : i32
        %add3A_594 = vector.broadcast %mul3A_593 : i32 to vector<16xi32>
        %add3A_595 = arith.addi %add3A_594, %select_n3A_102 : vector<16xi32>
        %gather3A_596 = tpu.vector_load_idx %arg14[%add3A_595, %select_n3A_124] : memref<160x24xf32, #tpu.memory_space<vmem>>[vector<16xi32>, vector<16xi32>], vector<16xf32>,
        %mul3A_597 = arith.constant 4 : i32
        %mul3A_598 = arith.muli %add3A_580, %mul3A_597 : i32
        %add3A_599 = vector.broadcast %mul3A_598 : i32 to vector<16xi32>
        %add3A_600 = arith.addi %add3A_132, %add3A_599 : vector<16xi32>
        %gather3A_601 = tpu.vector_load_idx %arg16[%add3A_600] : memref<320xf32, #tpu.memory_space<vmem>>[vector<16xi32>], vector<16xf32>,
        %mul3A_602 = arith.mulf %gather3A_596, %gather3A_601 : vector<16xf32>
        tpu.vector_store_idx %arg17[%add3A_595, %select_n3A_124], %mul3A_602 : memref<160x24xf32, #tpu.memory_space<vmem>>[vector<16xi32>, vector<16xi32>], vector<16xf32>,
        %mul3A_603 = arith.constant 2 : i32
        %mul3A_604 = arith.muli %add3A_580, %mul3A_603 : i32
        %add3A_605 = vector.broadcast %mul3A_604 : i32 to vector<16xi32>
        %add3A_606 = arith.addi %add3A_605, %select_n3A_166 : vector<16xi32>
        %gather3A_607 = tpu.vector_load_idx %arg14[%add3A_606, %select_n3A_188] : memref<160x24xf32, #tpu.memory_space<vmem>>[vector<16xi32>, vector<16xi32>], vector<16xf32>,
        %mul3A_608 = arith.constant 4 : i32
        %mul3A_609 = arith.muli %add3A_580, %mul3A_608 : i32
        %add3A_610 = vector.broadcast %mul3A_609 : i32 to vector<16xi32>
        %add3A_611 = arith.addi %add3A_196, %add3A_610 : vector<16xi32>
        %gather3A_612 = tpu.vector_load_idx %arg16[%add3A_611] : memref<320xf32, #tpu.memory_space<vmem>>[vector<16xi32>], vector<16xf32>,
        %mul3A_613 = arith.mulf %gather3A_607, %gather3A_612 : vector<16xf32>
        tpu.vector_store_idx %arg17[%add3A_606, %select_n3A_188], %mul3A_613 : memref<160x24xf32, #tpu.memory_space<vmem>>[vector<16xi32>, vector<16xi32>], vector<16xf32>,
      }
      %scan3A_363 = arith.constant 80 : i32
      %scan3A_364 = arith.constant 0 : i32
      %scan3A_365 = arith.constant 10 : i32
      %scan3A_366 = arith.addi %scan3A_364, %scan3A_365 : i32
      %scan3A_367 = arith.constant 1 : i32
      scf.for %scan3A_460 = %scan3A_364 to %scan3A_366 step %scan3A_367  : i32 {
        %mul3A_461 = arith.constant 1 : i32
        %mul3A_462 = arith.muli %scan3A_460, %mul3A_461 : i32
        %add3A_463 = arith.constant 0 : i32
        %add3A_464 = arith.addi %add3A_463, %mul3A_462 : i32
        %mul3A_465 = arith.constant 16 : i32
        %mul3A_466 = arith.muli %add3A_464, %mul3A_465 : i32
        %add3A_467 = vector.broadcast %mul3A_466 : i32 to vector<16xi32>
        %add3A_468 = arith.addi %add3A_467, %iota3A : vector<16xi32>
        %mul3A_469 = arith.constant 2 : i32
        %mul3A_470 = vector.broadcast %mul3A_469 : i32 to vector<16xi32>
        %mul3A_471 = arith.muli %add3A_468, %mul3A_470 : vector<16xi32>
        %gather3A = tpu.vector_load_idx %arg16[%mul3A_471] : memref<320xf32, #tpu.memory_space<vmem>>[vector<16xi32>], vector<16xf32>,
        %mul3A_472 = arith.constant 2 : i32
        %mul3A_473 = vector.broadcast %mul3A_472 : i32 to vector<16xi32>
        %mul3A_474 = arith.muli %add3A_468, %mul3A_473 : vector<16xi32>
        %add3A_475 = arith.constant 1 : i32
        %add3A_476 = vector.broadcast %add3A_475 : i32 to vector<16xi32>
        %add3A_477 = arith.addi %mul3A_474, %add3A_476 : vector<16xi32>
        %gather3A_478 = tpu.vector_load_idx %arg16[%add3A_477] : memref<320xf32, #tpu.memory_space<vmem>>[vector<16xi32>], vector<16xf32>,
        %add3A_479 = arith.constant 20 : i32
        %add3A_480 = vector.broadcast %add3A_479 : i32 to vector<16xi32>
        %add3A_481 = arith.addi %mul3A_13, %add3A_480 : vector<16xi32>
        tpu.vector_store_idx %arg17[%add3A_468, %add3A_481], %gather3A : memref<160x24xf32, #tpu.memory_space<vmem>>[vector<16xi32>, vector<16xi32>], vector<16xf32>,
        %add3A_482 = arith.constant 21 : i32
        %add3A_483 = vector.broadcast %add3A_482 : i32 to vector<16xi32>
        %add3A_484 = arith.addi %mul3A_13, %add3A_483 : vector<16xi32>
        tpu.vector_store_idx %arg17[%add3A_468, %add3A_484], %gather3A_478 : memref<160x24xf32, #tpu.memory_space<vmem>>[vector<16xi32>, vector<16xi32>], vector<16xf32>,
      }
      %scan3A_368 = arith.constant 10 : i32
      %dma_start3A_369 = arith.constant 0 : i32
      %dma_start3A_370 = arith.constant 0 : i32
      %dma_start3A_371 = tpu.memref_slice %arg27[%dma_start3A_369, %dma_start3A_370] : memref<50048x24xf32, #tpu.memory_space<vmem_shared>> -> memref<50048x24xf32, #tpu.memory_space<vmem_shared>>
      tpu.enqueue_indirect_dma source(%arg17 : memref<160x24xf32, #tpu.memory_space<vmem>>) target(%dma_start3A_371 : memref<50048x24xf32, #tpu.memory_space<vmem_shared>>) offsets(%arg10 : memref<160xi32, #tpu.memory_space<vmem>>) semaphore(%arg23 : memref<!tpu.dma_semaphore, #tpu.memory_space<semaphore_mem>>) {add = true}
      %dma_start3A_372 = arith.constant 640 : i32
      %dma_start3A_373 = tpu.memref_slice %arg9[%dma_start3A_372] : memref<800xi32, #tpu.memory_space<vmem>> -> memref<160xi32, #tpu.memory_space<vmem>>
      %dma_start3A_374 = arith.constant 0 : i32
      %dma_start3A_375 = arith.constant 0 : i32
      %dma_start3A_376 = tpu.memref_slice %arg25[%dma_start3A_374, %dma_start3A_375] : memref<50048x8xf32, #tpu.memory_space<vmem_shared>> -> memref<50048x8xf32, #tpu.memory_space<vmem_shared>>
      tpu.enqueue_indirect_dma source(%dma_start3A_376 : memref<50048x8xf32, #tpu.memory_space<vmem_shared>>) target(%arg12 : memref<160x8xf32, #tpu.memory_space<vmem>>) offsets(%dma_start3A_373 : memref<160xi32, #tpu.memory_space<vmem>>) semaphore(%arg19 : memref<!tpu.dma_semaphore, #tpu.memory_space<semaphore_mem>>)
      %dma_start3A_377 = arith.constant 640 : i32
      %dma_start3A_378 = tpu.memref_slice %arg8[%dma_start3A_377] : memref<800xi32, #tpu.memory_space<vmem>> -> memref<160xi32, #tpu.memory_space<vmem>>
      %dma_start3A_379 = arith.constant 0 : i32
      %dma_start3A_380 = arith.constant 0 : i32
      %dma_start3A_381 = tpu.memref_slice %arg26[%dma_start3A_379, %dma_start3A_380] : memref<5056x24xf32, #tpu.memory_space<vmem_shared>> -> memref<5056x24xf32, #tpu.memory_space<vmem_shared>>
      tpu.enqueue_indirect_dma source(%dma_start3A_381 : memref<5056x24xf32, #tpu.memory_space<vmem_shared>>) target(%arg14 : memref<160x24xf32, #tpu.memory_space<vmem>>) offsets(%dma_start3A_378 : memref<160xi32, #tpu.memory_space<vmem>>) semaphore(%arg21 : memref<!tpu.dma_semaphore, #tpu.memory_space<semaphore_mem>>)
      %dma_wait3A_382 = arith.constant 480 : i32
      %dma_wait3A_383 = tpu.memref_slice %arg9[%dma_wait3A_382] : memref<800xi32, #tpu.memory_space<vmem>> -> memref<160xi32, #tpu.memory_space<vmem>>
      %dma_wait3A_384 = arith.constant 0 : i32
      %dma_wait3A_385 = arith.constant 0 : i32
      %dma_wait3A_386 = tpu.memref_slice %arg25[%dma_wait3A_384, %dma_wait3A_385] : memref<50048x8xf32, #tpu.memory_space<vmem_shared>> -> memref<50048x8xf32, #tpu.memory_space<vmem_shared>>
      tpu.wait_indirect_dma semaphore(%arg20 : memref<!tpu.dma_semaphore, #tpu.memory_space<semaphore_mem>>) src(%dma_wait3A_386 : memref<50048x8xf32, #tpu.memory_space<vmem_shared>>) dst(%arg13 : memref<160x8xf32, #tpu.memory_space<vmem>>)
      %dma_wait3A_387 = arith.constant 480 : i32
      %dma_wait3A_388 = tpu.memref_slice %arg8[%dma_wait3A_387] : memref<800xi32, #tpu.memory_space<vmem>> -> memref<160xi32, #tpu.memory_space<vmem>>
      %dma_wait3A_389 = arith.constant 0 : i32
      %dma_wait3A_390 = arith.constant 0 : i32
      %dma_wait3A_391 = tpu.memref_slice %arg26[%dma_wait3A_389, %dma_wait3A_390] : memref<5056x24xf32, #tpu.memory_space<vmem_shared>> -> memref<5056x24xf32, #tpu.memory_space<vmem_shared>>
      tpu.wait_indirect_dma semaphore(%arg22 : memref<!tpu.dma_semaphore, #tpu.memory_space<semaphore_mem>>) src(%dma_wait3A_391 : memref<5056x24xf32, #tpu.memory_space<vmem_shared>>) dst(%arg15 : memref<160x24xf32, #tpu.memory_space<vmem>>)
      %dma_wait3A_392 = arith.constant 0 : i32
      %dma_wait3A_393 = arith.constant 0 : i32
      %dma_wait3A_394 = tpu.memref_slice %arg27[%dma_wait3A_392, %dma_wait3A_393] : memref<50048x24xf32, #tpu.memory_space<vmem_shared>> -> memref<50048x24xf32, #tpu.memory_space<vmem_shared>>
      tpu.wait_indirect_dma semaphore(%arg24 : memref<!tpu.dma_semaphore, #tpu.memory_space<semaphore_mem>>) src(%arg18 : memref<160x24xf32, #tpu.memory_space<vmem>>) dst(%dma_wait3A_394 : memref<50048x24xf32, #tpu.memory_space<vmem_shared>>)
      %scan3A_395 = arith.constant 0 : i32
      %scan3A_396 = arith.constant 10 : i32
      %scan3A_397 = arith.addi %scan3A_395, %scan3A_396 : i32
      %scan3A_398 = arith.constant 1 : i32
      scf.for %scan3A_460 = %scan3A_395 to %scan3A_397 step %scan3A_398  : i32 {
        %mul3A_461 = arith.constant 1 : i32
        %mul3A_462 = arith.muli %scan3A_460, %mul3A_461 : i32
        %add3A_463 = arith.constant 0 : i32
        %add3A_464 = arith.addi %add3A_463, %mul3A_462 : i32
        %mul3A_465 = arith.constant 16 : i32
        %mul3A_466 = arith.muli %add3A_464, %mul3A_465 : i32
        %add3A_467 = arith.constant 480 : i32
        %add3A_468 = arith.addi %add3A_467, %mul3A_466 : i32
        %get3A = arith.index_cast %add3A_468 : i32 to index
        %get3A_469 = tpu.vector_load %arg9[%get3A] {strides = array<i32>} : memref<800xi32, #tpu.memory_space<vmem>>, vector<16xi32>,
        %mul3A_470 = arith.constant 16 : i32
        %mul3A_471 = arith.muli %add3A_464, %mul3A_470 : i32
        %swap3A = arith.index_cast %mul3A_471 : i32 to index
        %swap3A_472 = tpu.vector_load %arg11[%swap3A] {strides = array<i32>} : memref<160xi32, #tpu.memory_space<vmem>>, vector<16xi32>,
        tpu.vector_store %arg11[%swap3A], %get3A_469 {strides = array<i32>} : memref<160xi32, #tpu.memory_space<vmem>>, vector<16xi32>,
      }
      %scan3A_399 = arith.constant 10 : i32
      %scan3A_400 = arith.constant 0 : i32
      %scan3A_401 = arith.constant 10 : i32
      %scan3A_402 = arith.addi %scan3A_400, %scan3A_401 : i32
      %scan3A_403 = arith.constant 1 : i32
      scf.for %scan3A_460 = %scan3A_400 to %scan3A_402 step %scan3A_403  : i32 {
        %mul3A_461 = arith.constant 1 : i32
        %mul3A_462 = arith.muli %scan3A_460, %mul3A_461 : i32
        %add3A_463 = arith.constant 0 : i32
        %add3A_464 = arith.addi %add3A_463, %mul3A_462 : i32
        %mul3A_465 = arith.constant 16 : i32
        %mul3A_466 = arith.muli %add3A_464, %mul3A_465 : i32
        %add3A_467 = vector.broadcast %mul3A_466 : i32 to vector<16xi32>
        %add3A_468 = arith.addi %add3A_467, %iota3A : vector<16xi32>
        %add3A_469 = arith.constant 20 : i32
        %add3A_470 = vector.broadcast %add3A_469 : i32 to vector<16xi32>
        %add3A_471 = arith.addi %mul3A_13, %add3A_470 : vector<16xi32>
        %gather3A = tpu.vector_load_idx %arg15[%add3A_468, %add3A_471] : memref<160x24xf32, #tpu.memory_space<vmem>>[vector<16xi32>, vector<16xi32>], vector<16xf32>,
        %gather3A_472 = tpu.vector_load_idx %arg13[%add3A_468, %mul3A_13] : memref<160x8xf32, #tpu.memory_space<vmem>>[vector<16xi32>, vector<16xi32>], vector<16xf32>,
        %add3A_473 = arith.constant 21 : i32
        %add3A_474 = vector.broadcast %add3A_473 : i32 to vector<16xi32>
        %add3A_475 = arith.addi %mul3A_13, %add3A_474 : vector<16xi32>
        %gather3A_476 = tpu.vector_load_idx %arg15[%add3A_468, %add3A_475] : memref<160x24xf32, #tpu.memory_space<vmem>>[vector<16xi32>, vector<16xi32>], vector<16xf32>,
        %gather3A_477 = tpu.vector_load_idx %arg13[%add3A_468, %add3A_16] : memref<160x8xf32, #tpu.memory_space<vmem>>[vector<16xi32>, vector<16xi32>], vector<16xf32>,
        %add3A_478 = arith.addf %gather3A, %gather3A_472 : vector<16xf32>
        %add3A_479 = arith.addf %gather3A_476, %gather3A_477 : vector<16xf32>
        %mul3A_480 = arith.constant 2.000000e-01 : f32
        %mul3A_481 = vector.broadcast %mul3A_480 : f32 to vector<16xf32>
        %mul3A_482 = arith.mulf %mul3A_481, %add3A_478 : vector<16xf32>
        %max3A = arith.maximumf %add3A_478, %mul3A_482 : vector<16xf32>
        %exp3A = math.exp %max3A : vector<16xf32>
        %mul3A_483 = arith.constant 2.000000e-01 : f32
        %mul3A_484 = vector.broadcast %mul3A_483 : f32 to vector<16xf32>
        %mul3A_485 = arith.mulf %mul3A_484, %add3A_479 : vector<16xf32>
        %max3A_486 = arith.maximumf %add3A_479, %mul3A_485 : vector<16xf32>
        %exp3A_487 = math.exp %max3A_486 : vector<16xf32>
        %mul3A_488 = arith.constant 2 : i32
        %mul3A_489 = vector.broadcast %mul3A_488 : i32 to vector<16xi32>
        %mul3A_490 = arith.muli %add3A_468, %mul3A_489 : vector<16xi32>
        tpu.vector_store_idx %arg16[%mul3A_490], %exp3A : memref<320xf32, #tpu.memory_space<vmem>>[vector<16xi32>], vector<16xf32>,
        %mul3A_491 = arith.constant 2 : i32
        %mul3A_492 = vector.broadcast %mul3A_491 : i32 to vector<16xi32>
        %mul3A_493 = arith.muli %add3A_468, %mul3A_492 : vector<16xi32>
        %add3A_494 = arith.constant 1 : i32
        %add3A_495 = vector.broadcast %add3A_494 : i32 to vector<16xi32>
        %add3A_496 = arith.addi %mul3A_493, %add3A_495 : vector<16xi32>
        tpu.vector_store_idx %arg16[%add3A_496], %exp3A_487 : memref<320xf32, #tpu.memory_space<vmem>>[vector<16xi32>], vector<16xf32>,
      }
      %scan3A_404 = arith.constant 10 : i32
      %scan3A_405 = arith.constant 0 : i32
      %scan3A_406 = arith.constant 80 : i32
      %scan3A_407 = arith.addi %scan3A_405, %scan3A_406 : i32
      %scan3A_408 = arith.constant 4 : i32
      scf.for %scan3A_460 = %scan3A_405 to %scan3A_407 step %scan3A_408  : i32 {
        %mul3A_461 = arith.constant 1 : i32
        %mul3A_462 = arith.muli %scan3A_460, %mul3A_461 : i32
        %add3A_463 = arith.constant 0 : i32
        %add3A_464 = arith.addi %add3A_463, %mul3A_462 : i32
        %mul3A_465 = arith.constant 2 : i32
        %mul3A_466 = arith.muli %add3A_464, %mul3A_465 : i32
        %add3A_467 = vector.broadcast %mul3A_466 : i32 to vector<16xi32>
        %add3A_468 = arith.addi %add3A_467, %select_n3A : vector<16xi32>
        %gather3A = tpu.vector_load_idx %arg15[%add3A_468, %select_n3A_62] : memref<160x24xf32, #tpu.memory_space<vmem>>[vector<16xi32>, vector<16xi32>], vector<16xf32>,
        %mul3A_469 = arith.constant 4 : i32
        %mul3A_470 = arith.muli %add3A_464, %mul3A_469 : i32
        %add3A_471 = vector.broadcast %mul3A_470 : i32 to vector<16xi32>
        %add3A_472 = arith.addi %add3A_68, %add3A_471 : vector<16xi32>
        %gather3A_473 = tpu.vector_load_idx %arg16[%add3A_472] : memref<320xf32, #tpu.memory_space<vmem>>[vector<16xi32>], vector<16xf32>,
        %mul3A_474 = arith.mulf %gather3A, %gather3A_473 : vector<16xf32>
        tpu.vector_store_idx %arg18[%add3A_468, %select_n3A_62], %mul3A_474 : memref<160x24xf32, #tpu.memory_space<vmem>>[vector<16xi32>, vector<16xi32>], vector<16xf32>,
        %mul3A_475 = arith.constant 2 : i32
        %mul3A_476 = arith.muli %add3A_464, %mul3A_475 : i32
        %add3A_477 = vector.broadcast %mul3A_476 : i32 to vector<16xi32>
        %add3A_478 = arith.addi %add3A_477, %select_n3A_102 : vector<16xi32>
        %gather3A_479 = tpu.vector_load_idx %arg15[%add3A_478, %select_n3A_124] : memref<160x24xf32, #tpu.memory_space<vmem>>[vector<16xi32>, vector<16xi32>], vector<16xf32>,
        %mul3A_480 = arith.constant 4 : i32
        %mul3A_481 = arith.muli %add3A_464, %mul3A_480 : i32
        %add3A_482 = vector.broadcast %mul3A_481 : i32 to vector<16xi32>
        %add3A_483 = arith.addi %add3A_132, %add3A_482 : vector<16xi32>
        %gather3A_484 = tpu.vector_load_idx %arg16[%add3A_483] : memref<320xf32, #tpu.memory_space<vmem>>[vector<16xi32>], vector<16xf32>,
        %mul3A_485 = arith.mulf %gather3A_479, %gather3A_484 : vector<16xf32>
        tpu.vector_store_idx %arg18[%add3A_478, %select_n3A_124], %mul3A_485 : memref<160x24xf32, #tpu.memory_space<vmem>>[vector<16xi32>, vector<16xi32>], vector<16xf32>,
        %mul3A_486 = arith.constant 2 : i32
        %mul3A_487 = arith.muli %add3A_464, %mul3A_486 : i32
        %add3A_488 = vector.broadcast %mul3A_487 : i32 to vector<16xi32>
        %add3A_489 = arith.addi %add3A_488, %select_n3A_166 : vector<16xi32>
        %gather3A_490 = tpu.vector_load_idx %arg15[%add3A_489, %select_n3A_188] : memref<160x24xf32, #tpu.memory_space<vmem>>[vector<16xi32>, vector<16xi32>], vector<16xf32>,
        %mul3A_491 = arith.constant 4 : i32
        %mul3A_492 = arith.muli %add3A_464, %mul3A_491 : i32
        %add3A_493 = vector.broadcast %mul3A_492 : i32 to vector<16xi32>
        %add3A_494 = arith.addi %add3A_196, %add3A_493 : vector<16xi32>
        %gather3A_495 = tpu.vector_load_idx %arg16[%add3A_494] : memref<320xf32, #tpu.memory_space<vmem>>[vector<16xi32>], vector<16xf32>,
        %mul3A_496 = arith.mulf %gather3A_490, %gather3A_495 : vector<16xf32>
        tpu.vector_store_idx %arg18[%add3A_489, %select_n3A_188], %mul3A_496 : memref<160x24xf32, #tpu.memory_space<vmem>>[vector<16xi32>, vector<16xi32>], vector<16xf32>,
        %scan3A_497 = arith.constant 1 : i32
        %scan3A_498 = arith.addi %scan3A_460, %scan3A_497 : i32
        %mul3A_499 = arith.constant 1 : i32
        %mul3A_500 = arith.muli %scan3A_498, %mul3A_499 : i32
        %add3A_501 = arith.constant 0 : i32
        %add3A_502 = arith.addi %add3A_501, %mul3A_500 : i32
        %mul3A_503 = arith.constant 2 : i32
        %mul3A_504 = arith.muli %add3A_502, %mul3A_503 : i32
        %add3A_505 = vector.broadcast %mul3A_504 : i32 to vector<16xi32>
        %add3A_506 = arith.addi %add3A_505, %select_n3A : vector<16xi32>
        %gather3A_507 = tpu.vector_load_idx %arg15[%add3A_506, %select_n3A_62] : memref<160x24xf32, #tpu.memory_space<vmem>>[vector<16xi32>, vector<16xi32>], vector<16xf32>,
        %mul3A_508 = arith.constant 4 : i32
        %mul3A_509 = arith.muli %add3A_502, %mul3A_508 : i32
        %add3A_510 = vector.broadcast %mul3A_509 : i32 to vector<16xi32>
        %add3A_511 = arith.addi %add3A_68, %add3A_510 : vector<16xi32>
        %gather3A_512 = tpu.vector_load_idx %arg16[%add3A_511] : memref<320xf32, #tpu.memory_space<vmem>>[vector<16xi32>], vector<16xf32>,
        %mul3A_513 = arith.mulf %gather3A_507, %gather3A_512 : vector<16xf32>
        tpu.vector_store_idx %arg18[%add3A_506, %select_n3A_62], %mul3A_513 : memref<160x24xf32, #tpu.memory_space<vmem>>[vector<16xi32>, vector<16xi32>], vector<16xf32>,
        %mul3A_514 = arith.constant 2 : i32
        %mul3A_515 = arith.muli %add3A_502, %mul3A_514 : i32
        %add3A_516 = vector.broadcast %mul3A_515 : i32 to vector<16xi32>
        %add3A_517 = arith.addi %add3A_516, %select_n3A_102 : vector<16xi32>
        %gather3A_518 = tpu.vector_load_idx %arg15[%add3A_517, %select_n3A_124] : memref<160x24xf32, #tpu.memory_space<vmem>>[vector<16xi32>, vector<16xi32>], vector<16xf32>,
        %mul3A_519 = arith.constant 4 : i32
        %mul3A_520 = arith.muli %add3A_502, %mul3A_519 : i32
        %add3A_521 = vector.broadcast %mul3A_520 : i32 to vector<16xi32>
        %add3A_522 = arith.addi %add3A_132, %add3A_521 : vector<16xi32>
        %gather3A_523 = tpu.vector_load_idx %arg16[%add3A_522] : memref<320xf32, #tpu.memory_space<vmem>>[vector<16xi32>], vector<16xf32>,
        %mul3A_524 = arith.mulf %gather3A_518, %gather3A_523 : vector<16xf32>
        tpu.vector_store_idx %arg18[%add3A_517, %select_n3A_124], %mul3A_524 : memref<160x24xf32, #tpu.memory_space<vmem>>[vector<16xi32>, vector<16xi32>], vector<16xf32>,
        %mul3A_525 = arith.constant 2 : i32
        %mul3A_526 = arith.muli %add3A_502, %mul3A_525 : i32
        %add3A_527 = vector.broadcast %mul3A_526 : i32 to vector<16xi32>
        %add3A_528 = arith.addi %add3A_527, %select_n3A_166 : vector<16xi32>
        %gather3A_529 = tpu.vector_load_idx %arg15[%add3A_528, %select_n3A_188] : memref<160x24xf32, #tpu.memory_space<vmem>>[vector<16xi32>, vector<16xi32>], vector<16xf32>,
        %mul3A_530 = arith.constant 4 : i32
        %mul3A_531 = arith.muli %add3A_502, %mul3A_530 : i32
        %add3A_532 = vector.broadcast %mul3A_531 : i32 to vector<16xi32>
        %add3A_533 = arith.addi %add3A_196, %add3A_532 : vector<16xi32>
        %gather3A_534 = tpu.vector_load_idx %arg16[%add3A_533] : memref<320xf32, #tpu.memory_space<vmem>>[vector<16xi32>], vector<16xf32>,
        %mul3A_535 = arith.mulf %gather3A_529, %gather3A_534 : vector<16xf32>
        tpu.vector_store_idx %arg18[%add3A_528, %select_n3A_188], %mul3A_535 : memref<160x24xf32, #tpu.memory_space<vmem>>[vector<16xi32>, vector<16xi32>], vector<16xf32>,
        %scan3A_536 = arith.constant 2 : i32
        %scan3A_537 = arith.addi %scan3A_460, %scan3A_536 : i32
        %mul3A_538 = arith.constant 1 : i32
        %mul3A_539 = arith.muli %scan3A_537, %mul3A_538 : i32
        %add3A_540 = arith.constant 0 : i32
        %add3A_541 = arith.addi %add3A_540, %mul3A_539 : i32
        %mul3A_542 = arith.constant 2 : i32
        %mul3A_543 = arith.muli %add3A_541, %mul3A_542 : i32
        %add3A_544 = vector.broadcast %mul3A_543 : i32 to vector<16xi32>
        %add3A_545 = arith.addi %add3A_544, %select_n3A : vector<16xi32>
        %gather3A_546 = tpu.vector_load_idx %arg15[%add3A_545, %select_n3A_62] : memref<160x24xf32, #tpu.memory_space<vmem>>[vector<16xi32>, vector<16xi32>], vector<16xf32>,
        %mul3A_547 = arith.constant 4 : i32
        %mul3A_548 = arith.muli %add3A_541, %mul3A_547 : i32
        %add3A_549 = vector.broadcast %mul3A_548 : i32 to vector<16xi32>
        %add3A_550 = arith.addi %add3A_68, %add3A_549 : vector<16xi32>
        %gather3A_551 = tpu.vector_load_idx %arg16[%add3A_550] : memref<320xf32, #tpu.memory_space<vmem>>[vector<16xi32>], vector<16xf32>,
        %mul3A_552 = arith.mulf %gather3A_546, %gather3A_551 : vector<16xf32>
        tpu.vector_store_idx %arg18[%add3A_545, %select_n3A_62], %mul3A_552 : memref<160x24xf32, #tpu.memory_space<vmem>>[vector<16xi32>, vector<16xi32>], vector<16xf32>,
        %mul3A_553 = arith.constant 2 : i32
        %mul3A_554 = arith.muli %add3A_541, %mul3A_553 : i32
        %add3A_555 = vector.broadcast %mul3A_554 : i32 to vector<16xi32>
        %add3A_556 = arith.addi %add3A_555, %select_n3A_102 : vector<16xi32>
        %gather3A_557 = tpu.vector_load_idx %arg15[%add3A_556, %select_n3A_124] : memref<160x24xf32, #tpu.memory_space<vmem>>[vector<16xi32>, vector<16xi32>], vector<16xf32>,
        %mul3A_558 = arith.constant 4 : i32
        %mul3A_559 = arith.muli %add3A_541, %mul3A_558 : i32
        %add3A_560 = vector.broadcast %mul3A_559 : i32 to vector<16xi32>
        %add3A_561 = arith.addi %add3A_132, %add3A_560 : vector<16xi32>
        %gather3A_562 = tpu.vector_load_idx %arg16[%add3A_561] : memref<320xf32, #tpu.memory_space<vmem>>[vector<16xi32>], vector<16xf32>,
        %mul3A_563 = arith.mulf %gather3A_557, %gather3A_562 : vector<16xf32>
        tpu.vector_store_idx %arg18[%add3A_556, %select_n3A_124], %mul3A_563 : memref<160x24xf32, #tpu.memory_space<vmem>>[vector<16xi32>, vector<16xi32>], vector<16xf32>,
        %mul3A_564 = arith.constant 2 : i32
        %mul3A_565 = arith.muli %add3A_541, %mul3A_564 : i32
        %add3A_566 = vector.broadcast %mul3A_565 : i32 to vector<16xi32>
        %add3A_567 = arith.addi %add3A_566, %select_n3A_166 : vector<16xi32>
        %gather3A_568 = tpu.vector_load_idx %arg15[%add3A_567, %select_n3A_188] : memref<160x24xf32, #tpu.memory_space<vmem>>[vector<16xi32>, vector<16xi32>], vector<16xf32>,
        %mul3A_569 = arith.constant 4 : i32
        %mul3A_570 = arith.muli %add3A_541, %mul3A_569 : i32
        %add3A_571 = vector.broadcast %mul3A_570 : i32 to vector<16xi32>
        %add3A_572 = arith.addi %add3A_196, %add3A_571 : vector<16xi32>
        %gather3A_573 = tpu.vector_load_idx %arg16[%add3A_572] : memref<320xf32, #tpu.memory_space<vmem>>[vector<16xi32>], vector<16xf32>,
        %mul3A_574 = arith.mulf %gather3A_568, %gather3A_573 : vector<16xf32>
        tpu.vector_store_idx %arg18[%add3A_567, %select_n3A_188], %mul3A_574 : memref<160x24xf32, #tpu.memory_space<vmem>>[vector<16xi32>, vector<16xi32>], vector<16xf32>,
        %scan3A_575 = arith.constant 3 : i32
        %scan3A_576 = arith.addi %scan3A_460, %scan3A_575 : i32
        %mul3A_577 = arith.constant 1 : i32
        %mul3A_578 = arith.muli %scan3A_576, %mul3A_577 : i32
        %add3A_579 = arith.constant 0 : i32
        %add3A_580 = arith.addi %add3A_579, %mul3A_578 : i32
        %mul3A_581 = arith.constant 2 : i32
        %mul3A_582 = arith.muli %add3A_580, %mul3A_581 : i32
        %add3A_583 = vector.broadcast %mul3A_582 : i32 to vector<16xi32>
        %add3A_584 = arith.addi %add3A_583, %select_n3A : vector<16xi32>
        %gather3A_585 = tpu.vector_load_idx %arg15[%add3A_584, %select_n3A_62] : memref<160x24xf32, #tpu.memory_space<vmem>>[vector<16xi32>, vector<16xi32>], vector<16xf32>,
        %mul3A_586 = arith.constant 4 : i32
        %mul3A_587 = arith.muli %add3A_580, %mul3A_586 : i32
        %add3A_588 = vector.broadcast %mul3A_587 : i32 to vector<16xi32>
        %add3A_589 = arith.addi %add3A_68, %add3A_588 : vector<16xi32>
        %gather3A_590 = tpu.vector_load_idx %arg16[%add3A_589] : memref<320xf32, #tpu.memory_space<vmem>>[vector<16xi32>], vector<16xf32>,
        %mul3A_591 = arith.mulf %gather3A_585, %gather3A_590 : vector<16xf32>
        tpu.vector_store_idx %arg18[%add3A_584, %select_n3A_62], %mul3A_591 : memref<160x24xf32, #tpu.memory_space<vmem>>[vector<16xi32>, vector<16xi32>], vector<16xf32>,
        %mul3A_592 = arith.constant 2 : i32
        %mul3A_593 = arith.muli %add3A_580, %mul3A_592 : i32
        %add3A_594 = vector.broadcast %mul3A_593 : i32 to vector<16xi32>
        %add3A_595 = arith.addi %add3A_594, %select_n3A_102 : vector<16xi32>
        %gather3A_596 = tpu.vector_load_idx %arg15[%add3A_595, %select_n3A_124] : memref<160x24xf32, #tpu.memory_space<vmem>>[vector<16xi32>, vector<16xi32>], vector<16xf32>,
        %mul3A_597 = arith.constant 4 : i32
        %mul3A_598 = arith.muli %add3A_580, %mul3A_597 : i32
        %add3A_599 = vector.broadcast %mul3A_598 : i32 to vector<16xi32>
        %add3A_600 = arith.addi %add3A_132, %add3A_599 : vector<16xi32>
        %gather3A_601 = tpu.vector_load_idx %arg16[%add3A_600] : memref<320xf32, #tpu.memory_space<vmem>>[vector<16xi32>], vector<16xf32>,
        %mul3A_602 = arith.mulf %gather3A_596, %gather3A_601 : vector<16xf32>
        tpu.vector_store_idx %arg18[%add3A_595, %select_n3A_124], %mul3A_602 : memref<160x24xf32, #tpu.memory_space<vmem>>[vector<16xi32>, vector<16xi32>], vector<16xf32>,
        %mul3A_603 = arith.constant 2 : i32
        %mul3A_604 = arith.muli %add3A_580, %mul3A_603 : i32
        %add3A_605 = vector.broadcast %mul3A_604 : i32 to vector<16xi32>
        %add3A_606 = arith.addi %add3A_605, %select_n3A_166 : vector<16xi32>
        %gather3A_607 = tpu.vector_load_idx %arg15[%add3A_606, %select_n3A_188] : memref<160x24xf32, #tpu.memory_space<vmem>>[vector<16xi32>, vector<16xi32>], vector<16xf32>,
        %mul3A_608 = arith.constant 4 : i32
        %mul3A_609 = arith.muli %add3A_580, %mul3A_608 : i32
        %add3A_610 = vector.broadcast %mul3A_609 : i32 to vector<16xi32>
        %add3A_611 = arith.addi %add3A_196, %add3A_610 : vector<16xi32>
        %gather3A_612 = tpu.vector_load_idx %arg16[%add3A_611] : memref<320xf32, #tpu.memory_space<vmem>>[vector<16xi32>], vector<16xf32>,
        %mul3A_613 = arith.mulf %gather3A_607, %gather3A_612 : vector<16xf32>
        tpu.vector_store_idx %arg18[%add3A_606, %select_n3A_188], %mul3A_613 : memref<160x24xf32, #tpu.memory_space<vmem>>[vector<16xi32>, vector<16xi32>], vector<16xf32>,
      }
      %scan3A_409 = arith.constant 80 : i32
      %scan3A_410 = arith.constant 0 : i32
      %scan3A_411 = arith.constant 10 : i32
      %scan3A_412 = arith.addi %scan3A_410, %scan3A_411 : i32
      %scan3A_413 = arith.constant 1 : i32
      scf.for %scan3A_460 = %scan3A_410 to %scan3A_412 step %scan3A_413  : i32 {
        %mul3A_461 = arith.constant 1 : i32
        %mul3A_462 = arith.muli %scan3A_460, %mul3A_461 : i32
        %add3A_463 = arith.constant 0 : i32
        %add3A_464 = arith.addi %add3A_463, %mul3A_462 : i32
        %mul3A_465 = arith.constant 16 : i32
        %mul3A_466 = arith.muli %add3A_464, %mul3A_465 : i32
        %add3A_467 = vector.broadcast %mul3A_466 : i32 to vector<16xi32>
        %add3A_468 = arith.addi %add3A_467, %iota3A : vector<16xi32>
        %mul3A_469 = arith.constant 2 : i32
        %mul3A_470 = vector.broadcast %mul3A_469 : i32 to vector<16xi32>
        %mul3A_471 = arith.muli %add3A_468, %mul3A_470 : vector<16xi32>
        %gather3A = tpu.vector_load_idx %arg16[%mul3A_471] : memref<320xf32, #tpu.memory_space<vmem>>[vector<16xi32>], vector<16xf32>,
        %mul3A_472 = arith.constant 2 : i32
        %mul3A_473 = vector.broadcast %mul3A_472 : i32 to vector<16xi32>
        %mul3A_474 = arith.muli %add3A_468, %mul3A_473 : vector<16xi32>
        %add3A_475 = arith.constant 1 : i32
        %add3A_476 = vector.broadcast %add3A_475 : i32 to vector<16xi32>
        %add3A_477 = arith.addi %mul3A_474, %add3A_476 : vector<16xi32>
        %gather3A_478 = tpu.vector_load_idx %arg16[%add3A_477] : memref<320xf32, #tpu.memory_space<vmem>>[vector<16xi32>], vector<16xf32>,
        %add3A_479 = arith.constant 20 : i32
        %add3A_480 = vector.broadcast %add3A_479 : i32 to vector<16xi32>
        %add3A_481 = arith.addi %mul3A_13, %add3A_480 : vector<16xi32>
        tpu.vector_store_idx %arg18[%add3A_468, %add3A_481], %gather3A : memref<160x24xf32, #tpu.memory_space<vmem>>[vector<16xi32>, vector<16xi32>], vector<16xf32>,
        %add3A_482 = arith.constant 21 : i32
        %add3A_483 = vector.broadcast %add3A_482 : i32 to vector<16xi32>
        %add3A_484 = arith.addi %mul3A_13, %add3A_483 : vector<16xi32>
        tpu.vector_store_idx %arg18[%add3A_468, %add3A_484], %gather3A_478 : memref<160x24xf32, #tpu.memory_space<vmem>>[vector<16xi32>, vector<16xi32>], vector<16xf32>,
      }
      %scan3A_414 = arith.constant 10 : i32
      %dma_start3A_415 = arith.constant 0 : i32
      %dma_start3A_416 = arith.constant 0 : i32
      %dma_start3A_417 = tpu.memref_slice %arg27[%dma_start3A_415, %dma_start3A_416] : memref<50048x24xf32, #tpu.memory_space<vmem_shared>> -> memref<50048x24xf32, #tpu.memory_space<vmem_shared>>
      tpu.enqueue_indirect_dma source(%arg18 : memref<160x24xf32, #tpu.memory_space<vmem>>) target(%dma_start3A_417 : memref<50048x24xf32, #tpu.memory_space<vmem_shared>>) offsets(%arg11 : memref<160xi32, #tpu.memory_space<vmem>>) semaphore(%arg24 : memref<!tpu.dma_semaphore, #tpu.memory_space<semaphore_mem>>) {add = true}
      %dma_wait3A_418 = arith.constant 640 : i32
      %dma_wait3A_419 = tpu.memref_slice %arg9[%dma_wait3A_418] : memref<800xi32, #tpu.memory_space<vmem>> -> memref<160xi32, #tpu.memory_space<vmem>>
      %dma_wait3A_420 = arith.constant 0 : i32
      %dma_wait3A_421 = arith.constant 0 : i32
      %dma_wait3A_422 = tpu.memref_slice %arg25[%dma_wait3A_420, %dma_wait3A_421] : memref<50048x8xf32, #tpu.memory_space<vmem_shared>> -> memref<50048x8xf32, #tpu.memory_space<vmem_shared>>
      tpu.wait_indirect_dma semaphore(%arg19 : memref<!tpu.dma_semaphore, #tpu.memory_space<semaphore_mem>>) src(%dma_wait3A_422 : memref<50048x8xf32, #tpu.memory_space<vmem_shared>>) dst(%arg12 : memref<160x8xf32, #tpu.memory_space<vmem>>)
      %dma_wait3A_423 = arith.constant 640 : i32
      %dma_wait3A_424 = tpu.memref_slice %arg8[%dma_wait3A_423] : memref<800xi32, #tpu.memory_space<vmem>> -> memref<160xi32, #tpu.memory_space<vmem>>
      %dma_wait3A_425 = arith.constant 0 : i32
      %dma_wait3A_426 = arith.constant 0 : i32
      %dma_wait3A_427 = tpu.memref_slice %arg26[%dma_wait3A_425, %dma_wait3A_426] : memref<5056x24xf32, #tpu.memory_space<vmem_shared>> -> memref<5056x24xf32, #tpu.memory_space<vmem_shared>>
      tpu.wait_indirect_dma semaphore(%arg21 : memref<!tpu.dma_semaphore, #tpu.memory_space<semaphore_mem>>) src(%dma_wait3A_427 : memref<5056x24xf32, #tpu.memory_space<vmem_shared>>) dst(%arg14 : memref<160x24xf32, #tpu.memory_space<vmem>>)
      %dma_wait3A_428 = arith.constant 0 : i32
      %dma_wait3A_429 = arith.constant 0 : i32
      %dma_wait3A_430 = tpu.memref_slice %arg27[%dma_wait3A_428, %dma_wait3A_429] : memref<50048x24xf32, #tpu.memory_space<vmem_shared>> -> memref<50048x24xf32, #tpu.memory_space<vmem_shared>>
      tpu.wait_indirect_dma semaphore(%arg23 : memref<!tpu.dma_semaphore, #tpu.memory_space<semaphore_mem>>) src(%arg17 : memref<160x24xf32, #tpu.memory_space<vmem>>) dst(%dma_wait3A_430 : memref<50048x24xf32, #tpu.memory_space<vmem_shared>>)
      %scan3A_431 = arith.constant 0 : i32
      %scan3A_432 = arith.constant 10 : i32
      %scan3A_433 = arith.addi %scan3A_431, %scan3A_432 : i32
      %scan3A_434 = arith.constant 1 : i32
      scf.for %scan3A_460 = %scan3A_431 to %scan3A_433 step %scan3A_434  : i32 {
        %mul3A_461 = arith.constant 1 : i32
        %mul3A_462 = arith.muli %scan3A_460, %mul3A_461 : i32
        %add3A_463 = arith.constant 0 : i32
        %add3A_464 = arith.addi %add3A_463, %mul3A_462 : i32
        %mul3A_465 = arith.constant 16 : i32
        %mul3A_466 = arith.muli %add3A_464, %mul3A_465 : i32
        %add3A_467 = arith.constant 640 : i32
        %add3A_468 = arith.addi %add3A_467, %mul3A_466 : i32
        %get3A = arith.index_cast %add3A_468 : i32 to index
        %get3A_469 = tpu.vector_load %arg9[%get3A] {strides = array<i32>} : memref<800xi32, #tpu.memory_space<vmem>>, vector<16xi32>,
        %mul3A_470 = arith.constant 16 : i32
        %mul3A_471 = arith.muli %add3A_464, %mul3A_470 : i32
        %swap3A = arith.index_cast %mul3A_471 : i32 to index
        %swap3A_472 = tpu.vector_load %arg10[%swap3A] {strides = array<i32>} : memref<160xi32, #tpu.memory_space<vmem>>, vector<16xi32>,
        tpu.vector_store %arg10[%swap3A], %get3A_469 {strides = array<i32>} : memref<160xi32, #tpu.memory_space<vmem>>, vector<16xi32>,
      }
      %scan3A_435 = arith.constant 10 : i32
      %scan3A_436 = arith.constant 0 : i32
      %scan3A_437 = arith.constant 10 : i32
      %scan3A_438 = arith.addi %scan3A_436, %scan3A_437 : i32
      %scan3A_439 = arith.constant 1 : i32
      scf.for %scan3A_460 = %scan3A_436 to %scan3A_438 step %scan3A_439  : i32 {
        %mul3A_461 = arith.constant 1 : i32
        %mul3A_462 = arith.muli %scan3A_460, %mul3A_461 : i32
        %add3A_463 = arith.constant 0 : i32
        %add3A_464 = arith.addi %add3A_463, %mul3A_462 : i32
        %mul3A_465 = arith.constant 16 : i32
        %mul3A_466 = arith.muli %add3A_464, %mul3A_465 : i32
        %add3A_467 = vector.broadcast %mul3A_466 : i32 to vector<16xi32>
        %add3A_468 = arith.addi %add3A_467, %iota3A : vector<16xi32>
        %add3A_469 = arith.constant 20 : i32
        %add3A_470 = vector.broadcast %add3A_469 : i32 to vector<16xi32>
        %add3A_471 = arith.addi %mul3A_13, %add3A_470 : vector<16xi32>
        %gather3A = tpu.vector_load_idx %arg14[%add3A_468, %add3A_471] : memref<160x24xf32, #tpu.memory_space<vmem>>[vector<16xi32>, vector<16xi32>], vector<16xf32>,
        %gather3A_472 = tpu.vector_load_idx %arg12[%add3A_468, %mul3A_13] : memref<160x8xf32, #tpu.memory_space<vmem>>[vector<16xi32>, vector<16xi32>], vector<16xf32>,
        %add3A_473 = arith.constant 21 : i32
        %add3A_474 = vector.broadcast %add3A_473 : i32 to vector<16xi32>
        %add3A_475 = arith.addi %mul3A_13, %add3A_474 : vector<16xi32>
        %gather3A_476 = tpu.vector_load_idx %arg14[%add3A_468, %add3A_475] : memref<160x24xf32, #tpu.memory_space<vmem>>[vector<16xi32>, vector<16xi32>], vector<16xf32>,
        %gather3A_477 = tpu.vector_load_idx %arg12[%add3A_468, %add3A_16] : memref<160x8xf32, #tpu.memory_space<vmem>>[vector<16xi32>, vector<16xi32>], vector<16xf32>,
        %add3A_478 = arith.addf %gather3A, %gather3A_472 : vector<16xf32>
        %add3A_479 = arith.addf %gather3A_476, %gather3A_477 : vector<16xf32>
        %mul3A_480 = arith.constant 2.000000e-01 : f32
        %mul3A_481 = vector.broadcast %mul3A_480 : f32 to vector<16xf32>
        %mul3A_482 = arith.mulf %mul3A_481, %add3A_478 : vector<16xf32>
        %max3A = arith.maximumf %add3A_478, %mul3A_482 : vector<16xf32>
        %exp3A = math.exp %max3A : vector<16xf32>
        %mul3A_483 = arith.constant 2.000000e-01 : f32
        %mul3A_484 = vector.broadcast %mul3A_483 : f32 to vector<16xf32>
        %mul3A_485 = arith.mulf %mul3A_484, %add3A_479 : vector<16xf32>
        %max3A_486 = arith.maximumf %add3A_479, %mul3A_485 : vector<16xf32>
        %exp3A_487 = math.exp %max3A_486 : vector<16xf32>
        %mul3A_488 = arith.constant 2 : i32
        %mul3A_489 = vector.broadcast %mul3A_488 : i32 to vector<16xi32>
        %mul3A_490 = arith.muli %add3A_468, %mul3A_489 : vector<16xi32>
        tpu.vector_store_idx %arg16[%mul3A_490], %exp3A : memref<320xf32, #tpu.memory_space<vmem>>[vector<16xi32>], vector<16xf32>,
        %mul3A_491 = arith.constant 2 : i32
        %mul3A_492 = vector.broadcast %mul3A_491 : i32 to vector<16xi32>
        %mul3A_493 = arith.muli %add3A_468, %mul3A_492 : vector<16xi32>
        %add3A_494 = arith.constant 1 : i32
        %add3A_495 = vector.broadcast %add3A_494 : i32 to vector<16xi32>
        %add3A_496 = arith.addi %mul3A_493, %add3A_495 : vector<16xi32>
        tpu.vector_store_idx %arg16[%add3A_496], %exp3A_487 : memref<320xf32, #tpu.memory_space<vmem>>[vector<16xi32>], vector<16xf32>,
      }
      %scan3A_440 = arith.constant 10 : i32
      %scan3A_441 = arith.constant 0 : i32
      %scan3A_442 = arith.constant 80 : i32
      %scan3A_443 = arith.addi %scan3A_441, %scan3A_442 : i32
      %scan3A_444 = arith.constant 4 : i32
      scf.for %scan3A_460 = %scan3A_441 to %scan3A_443 step %scan3A_444  : i32 {
        %mul3A_461 = arith.constant 1 : i32
        %mul3A_462 = arith.muli %scan3A_460, %mul3A_461 : i32
        %add3A_463 = arith.constant 0 : i32
        %add3A_464 = arith.addi %add3A_463, %mul3A_462 : i32
        %mul3A_465 = arith.constant 2 : i32
        %mul3A_466 = arith.muli %add3A_464, %mul3A_465 : i32
        %add3A_467 = vector.broadcast %mul3A_466 : i32 to vector<16xi32>
        %add3A_468 = arith.addi %add3A_467, %select_n3A : vector<16xi32>
        %gather3A = tpu.vector_load_idx %arg14[%add3A_468, %select_n3A_62] : memref<160x24xf32, #tpu.memory_space<vmem>>[vector<16xi32>, vector<16xi32>], vector<16xf32>,
        %mul3A_469 = arith.constant 4 : i32
        %mul3A_470 = arith.muli %add3A_464, %mul3A_469 : i32
        %add3A_471 = vector.broadcast %mul3A_470 : i32 to vector<16xi32>
        %add3A_472 = arith.addi %add3A_68, %add3A_471 : vector<16xi32>
        %gather3A_473 = tpu.vector_load_idx %arg16[%add3A_472] : memref<320xf32, #tpu.memory_space<vmem>>[vector<16xi32>], vector<16xf32>,
        %mul3A_474 = arith.mulf %gather3A, %gather3A_473 : vector<16xf32>
        tpu.vector_store_idx %arg17[%add3A_468, %select_n3A_62], %mul3A_474 : memref<160x24xf32, #tpu.memory_space<vmem>>[vector<16xi32>, vector<16xi32>], vector<16xf32>,
        %mul3A_475 = arith.constant 2 : i32
        %mul3A_476 = arith.muli %add3A_464, %mul3A_475 : i32
        %add3A_477 = vector.broadcast %mul3A_476 : i32 to vector<16xi32>
        %add3A_478 = arith.addi %add3A_477, %select_n3A_102 : vector<16xi32>
        %gather3A_479 = tpu.vector_load_idx %arg14[%add3A_478, %select_n3A_124] : memref<160x24xf32, #tpu.memory_space<vmem>>[vector<16xi32>, vector<16xi32>], vector<16xf32>,
        %mul3A_480 = arith.constant 4 : i32
        %mul3A_481 = arith.muli %add3A_464, %mul3A_480 : i32
        %add3A_482 = vector.broadcast %mul3A_481 : i32 to vector<16xi32>
        %add3A_483 = arith.addi %add3A_132, %add3A_482 : vector<16xi32>
        %gather3A_484 = tpu.vector_load_idx %arg16[%add3A_483] : memref<320xf32, #tpu.memory_space<vmem>>[vector<16xi32>], vector<16xf32>,
        %mul3A_485 = arith.mulf %gather3A_479, %gather3A_484 : vector<16xf32>
        tpu.vector_store_idx %arg17[%add3A_478, %select_n3A_124], %mul3A_485 : memref<160x24xf32, #tpu.memory_space<vmem>>[vector<16xi32>, vector<16xi32>], vector<16xf32>,
        %mul3A_486 = arith.constant 2 : i32
        %mul3A_487 = arith.muli %add3A_464, %mul3A_486 : i32
        %add3A_488 = vector.broadcast %mul3A_487 : i32 to vector<16xi32>
        %add3A_489 = arith.addi %add3A_488, %select_n3A_166 : vector<16xi32>
        %gather3A_490 = tpu.vector_load_idx %arg14[%add3A_489, %select_n3A_188] : memref<160x24xf32, #tpu.memory_space<vmem>>[vector<16xi32>, vector<16xi32>], vector<16xf32>,
        %mul3A_491 = arith.constant 4 : i32
        %mul3A_492 = arith.muli %add3A_464, %mul3A_491 : i32
        %add3A_493 = vector.broadcast %mul3A_492 : i32 to vector<16xi32>
        %add3A_494 = arith.addi %add3A_196, %add3A_493 : vector<16xi32>
        %gather3A_495 = tpu.vector_load_idx %arg16[%add3A_494] : memref<320xf32, #tpu.memory_space<vmem>>[vector<16xi32>], vector<16xf32>,
        %mul3A_496 = arith.mulf %gather3A_490, %gather3A_495 : vector<16xf32>
        tpu.vector_store_idx %arg17[%add3A_489, %select_n3A_188], %mul3A_496 : memref<160x24xf32, #tpu.memory_space<vmem>>[vector<16xi32>, vector<16xi32>], vector<16xf32>,
        %scan3A_497 = arith.constant 1 : i32
        %scan3A_498 = arith.addi %scan3A_460, %scan3A_497 : i32
        %mul3A_499 = arith.constant 1 : i32
        %mul3A_500 = arith.muli %scan3A_498, %mul3A_499 : i32
        %add3A_501 = arith.constant 0 : i32
        %add3A_502 = arith.addi %add3A_501, %mul3A_500 : i32
        %mul3A_503 = arith.constant 2 : i32
        %mul3A_504 = arith.muli %add3A_502, %mul3A_503 : i32
        %add3A_505 = vector.broadcast %mul3A_504 : i32 to vector<16xi32>
        %add3A_506 = arith.addi %add3A_505, %select_n3A : vector<16xi32>
        %gather3A_507 = tpu.vector_load_idx %arg14[%add3A_506, %select_n3A_62] : memref<160x24xf32, #tpu.memory_space<vmem>>[vector<16xi32>, vector<16xi32>], vector<16xf32>,
        %mul3A_508 = arith.constant 4 : i32
        %mul3A_509 = arith.muli %add3A_502, %mul3A_508 : i32
        %add3A_510 = vector.broadcast %mul3A_509 : i32 to vector<16xi32>
        %add3A_511 = arith.addi %add3A_68, %add3A_510 : vector<16xi32>
        %gather3A_512 = tpu.vector_load_idx %arg16[%add3A_511] : memref<320xf32, #tpu.memory_space<vmem>>[vector<16xi32>], vector<16xf32>,
        %mul3A_513 = arith.mulf %gather3A_507, %gather3A_512 : vector<16xf32>
        tpu.vector_store_idx %arg17[%add3A_506, %select_n3A_62], %mul3A_513 : memref<160x24xf32, #tpu.memory_space<vmem>>[vector<16xi32>, vector<16xi32>], vector<16xf32>,
        %mul3A_514 = arith.constant 2 : i32
        %mul3A_515 = arith.muli %add3A_502, %mul3A_514 : i32
        %add3A_516 = vector.broadcast %mul3A_515 : i32 to vector<16xi32>
        %add3A_517 = arith.addi %add3A_516, %select_n3A_102 : vector<16xi32>
        %gather3A_518 = tpu.vector_load_idx %arg14[%add3A_517, %select_n3A_124] : memref<160x24xf32, #tpu.memory_space<vmem>>[vector<16xi32>, vector<16xi32>], vector<16xf32>,
        %mul3A_519 = arith.constant 4 : i32
        %mul3A_520 = arith.muli %add3A_502, %mul3A_519 : i32
        %add3A_521 = vector.broadcast %mul3A_520 : i32 to vector<16xi32>
        %add3A_522 = arith.addi %add3A_132, %add3A_521 : vector<16xi32>
        %gather3A_523 = tpu.vector_load_idx %arg16[%add3A_522] : memref<320xf32, #tpu.memory_space<vmem>>[vector<16xi32>], vector<16xf32>,
        %mul3A_524 = arith.mulf %gather3A_518, %gather3A_523 : vector<16xf32>
        tpu.vector_store_idx %arg17[%add3A_517, %select_n3A_124], %mul3A_524 : memref<160x24xf32, #tpu.memory_space<vmem>>[vector<16xi32>, vector<16xi32>], vector<16xf32>,
        %mul3A_525 = arith.constant 2 : i32
        %mul3A_526 = arith.muli %add3A_502, %mul3A_525 : i32
        %add3A_527 = vector.broadcast %mul3A_526 : i32 to vector<16xi32>
        %add3A_528 = arith.addi %add3A_527, %select_n3A_166 : vector<16xi32>
        %gather3A_529 = tpu.vector_load_idx %arg14[%add3A_528, %select_n3A_188] : memref<160x24xf32, #tpu.memory_space<vmem>>[vector<16xi32>, vector<16xi32>], vector<16xf32>,
        %mul3A_530 = arith.constant 4 : i32
        %mul3A_531 = arith.muli %add3A_502, %mul3A_530 : i32
        %add3A_532 = vector.broadcast %mul3A_531 : i32 to vector<16xi32>
        %add3A_533 = arith.addi %add3A_196, %add3A_532 : vector<16xi32>
        %gather3A_534 = tpu.vector_load_idx %arg16[%add3A_533] : memref<320xf32, #tpu.memory_space<vmem>>[vector<16xi32>], vector<16xf32>,
        %mul3A_535 = arith.mulf %gather3A_529, %gather3A_534 : vector<16xf32>
        tpu.vector_store_idx %arg17[%add3A_528, %select_n3A_188], %mul3A_535 : memref<160x24xf32, #tpu.memory_space<vmem>>[vector<16xi32>, vector<16xi32>], vector<16xf32>,
        %scan3A_536 = arith.constant 2 : i32
        %scan3A_537 = arith.addi %scan3A_460, %scan3A_536 : i32
        %mul3A_538 = arith.constant 1 : i32
        %mul3A_539 = arith.muli %scan3A_537, %mul3A_538 : i32
        %add3A_540 = arith.constant 0 : i32
        %add3A_541 = arith.addi %add3A_540, %mul3A_539 : i32
        %mul3A_542 = arith.constant 2 : i32
        %mul3A_543 = arith.muli %add3A_541, %mul3A_542 : i32
        %add3A_544 = vector.broadcast %mul3A_543 : i32 to vector<16xi32>
        %add3A_545 = arith.addi %add3A_544, %select_n3A : vector<16xi32>
        %gather3A_546 = tpu.vector_load_idx %arg14[%add3A_545, %select_n3A_62] : memref<160x24xf32, #tpu.memory_space<vmem>>[vector<16xi32>, vector<16xi32>], vector<16xf32>,
        %mul3A_547 = arith.constant 4 : i32
        %mul3A_548 = arith.muli %add3A_541, %mul3A_547 : i32
        %add3A_549 = vector.broadcast %mul3A_548 : i32 to vector<16xi32>
        %add3A_550 = arith.addi %add3A_68, %add3A_549 : vector<16xi32>
        %gather3A_551 = tpu.vector_load_idx %arg16[%add3A_550] : memref<320xf32, #tpu.memory_space<vmem>>[vector<16xi32>], vector<16xf32>,
        %mul3A_552 = arith.mulf %gather3A_546, %gather3A_551 : vector<16xf32>
        tpu.vector_store_idx %arg17[%add3A_545, %select_n3A_62], %mul3A_552 : memref<160x24xf32, #tpu.memory_space<vmem>>[vector<16xi32>, vector<16xi32>], vector<16xf32>,
        %mul3A_553 = arith.constant 2 : i32
        %mul3A_554 = arith.muli %add3A_541, %mul3A_553 : i32
        %add3A_555 = vector.broadcast %mul3A_554 : i32 to vector<16xi32>
        %add3A_556 = arith.addi %add3A_555, %select_n3A_102 : vector<16xi32>
        %gather3A_557 = tpu.vector_load_idx %arg14[%add3A_556, %select_n3A_124] : memref<160x24xf32, #tpu.memory_space<vmem>>[vector<16xi32>, vector<16xi32>], vector<16xf32>,
        %mul3A_558 = arith.constant 4 : i32
        %mul3A_559 = arith.muli %add3A_541, %mul3A_558 : i32
        %add3A_560 = vector.broadcast %mul3A_559 : i32 to vector<16xi32>
        %add3A_561 = arith.addi %add3A_132, %add3A_560 : vector<16xi32>
        %gather3A_562 = tpu.vector_load_idx %arg16[%add3A_561] : memref<320xf32, #tpu.memory_space<vmem>>[vector<16xi32>], vector<16xf32>,
        %mul3A_563 = arith.mulf %gather3A_557, %gather3A_562 : vector<16xf32>
        tpu.vector_store_idx %arg17[%add3A_556, %select_n3A_124], %mul3A_563 : memref<160x24xf32, #tpu.memory_space<vmem>>[vector<16xi32>, vector<16xi32>], vector<16xf32>,
        %mul3A_564 = arith.constant 2 : i32
        %mul3A_565 = arith.muli %add3A_541, %mul3A_564 : i32
        %add3A_566 = vector.broadcast %mul3A_565 : i32 to vector<16xi32>
        %add3A_567 = arith.addi %add3A_566, %select_n3A_166 : vector<16xi32>
        %gather3A_568 = tpu.vector_load_idx %arg14[%add3A_567, %select_n3A_188] : memref<160x24xf32, #tpu.memory_space<vmem>>[vector<16xi32>, vector<16xi32>], vector<16xf32>,
        %mul3A_569 = arith.constant 4 : i32
        %mul3A_570 = arith.muli %add3A_541, %mul3A_569 : i32
        %add3A_571 = vector.broadcast %mul3A_570 : i32 to vector<16xi32>
        %add3A_572 = arith.addi %add3A_196, %add3A_571 : vector<16xi32>
        %gather3A_573 = tpu.vector_load_idx %arg16[%add3A_572] : memref<320xf32, #tpu.memory_space<vmem>>[vector<16xi32>], vector<16xf32>,
        %mul3A_574 = arith.mulf %gather3A_568, %gather3A_573 : vector<16xf32>
        tpu.vector_store_idx %arg17[%add3A_567, %select_n3A_188], %mul3A_574 : memref<160x24xf32, #tpu.memory_space<vmem>>[vector<16xi32>, vector<16xi32>], vector<16xf32>,
        %scan3A_575 = arith.constant 3 : i32
        %scan3A_576 = arith.addi %scan3A_460, %scan3A_575 : i32
        %mul3A_577 = arith.constant 1 : i32
        %mul3A_578 = arith.muli %scan3A_576, %mul3A_577 : i32
        %add3A_579 = arith.constant 0 : i32
        %add3A_580 = arith.addi %add3A_579, %mul3A_578 : i32
        %mul3A_581 = arith.constant 2 : i32
        %mul3A_582 = arith.muli %add3A_580, %mul3A_581 : i32
        %add3A_583 = vector.broadcast %mul3A_582 : i32 to vector<16xi32>
        %add3A_584 = arith.addi %add3A_583, %select_n3A : vector<16xi32>
        %gather3A_585 = tpu.vector_load_idx %arg14[%add3A_584, %select_n3A_62] : memref<160x24xf32, #tpu.memory_space<vmem>>[vector<16xi32>, vector<16xi32>], vector<16xf32>,
        %mul3A_586 = arith.constant 4 : i32
        %mul3A_587 = arith.muli %add3A_580, %mul3A_586 : i32
        %add3A_588 = vector.broadcast %mul3A_587 : i32 to vector<16xi32>
        %add3A_589 = arith.addi %add3A_68, %add3A_588 : vector<16xi32>
        %gather3A_590 = tpu.vector_load_idx %arg16[%add3A_589] : memref<320xf32, #tpu.memory_space<vmem>>[vector<16xi32>], vector<16xf32>,
        %mul3A_591 = arith.mulf %gather3A_585, %gather3A_590 : vector<16xf32>
        tpu.vector_store_idx %arg17[%add3A_584, %select_n3A_62], %mul3A_591 : memref<160x24xf32, #tpu.memory_space<vmem>>[vector<16xi32>, vector<16xi32>], vector<16xf32>,
        %mul3A_592 = arith.constant 2 : i32
        %mul3A_593 = arith.muli %add3A_580, %mul3A_592 : i32
        %add3A_594 = vector.broadcast %mul3A_593 : i32 to vector<16xi32>
        %add3A_595 = arith.addi %add3A_594, %select_n3A_102 : vector<16xi32>
        %gather3A_596 = tpu.vector_load_idx %arg14[%add3A_595, %select_n3A_124] : memref<160x24xf32, #tpu.memory_space<vmem>>[vector<16xi32>, vector<16xi32>], vector<16xf32>,
        %mul3A_597 = arith.constant 4 : i32
        %mul3A_598 = arith.muli %add3A_580, %mul3A_597 : i32
        %add3A_599 = vector.broadcast %mul3A_598 : i32 to vector<16xi32>
        %add3A_600 = arith.addi %add3A_132, %add3A_599 : vector<16xi32>
        %gather3A_601 = tpu.vector_load_idx %arg16[%add3A_600] : memref<320xf32, #tpu.memory_space<vmem>>[vector<16xi32>], vector<16xf32>,
        %mul3A_602 = arith.mulf %gather3A_596, %gather3A_601 : vector<16xf32>
        tpu.vector_store_idx %arg17[%add3A_595, %select_n3A_124], %mul3A_602 : memref<160x24xf32, #tpu.memory_space<vmem>>[vector<16xi32>, vector<16xi32>], vector<16xf32>,
        %mul3A_603 = arith.constant 2 : i32
        %mul3A_604 = arith.muli %add3A_580, %mul3A_603 : i32
        %add3A_605 = vector.broadcast %mul3A_604 : i32 to vector<16xi32>
        %add3A_606 = arith.addi %add3A_605, %select_n3A_166 : vector<16xi32>
        %gather3A_607 = tpu.vector_load_idx %arg14[%add3A_606, %select_n3A_188] : memref<160x24xf32, #tpu.memory_space<vmem>>[vector<16xi32>, vector<16xi32>], vector<16xf32>,
        %mul3A_608 = arith.constant 4 : i32
        %mul3A_609 = arith.muli %add3A_580, %mul3A_608 : i32
        %add3A_610 = vector.broadcast %mul3A_609 : i32 to vector<16xi32>
        %add3A_611 = arith.addi %add3A_196, %add3A_610 : vector<16xi32>
        %gather3A_612 = tpu.vector_load_idx %arg16[%add3A_611] : memref<320xf32, #tpu.memory_space<vmem>>[vector<16xi32>], vector<16xf32>,
        %mul3A_613 = arith.mulf %gather3A_607, %gather3A_612 : vector<16xf32>
        tpu.vector_store_idx %arg17[%add3A_606, %select_n3A_188], %mul3A_613 : memref<160x24xf32, #tpu.memory_space<vmem>>[vector<16xi32>, vector<16xi32>], vector<16xf32>,
      }
      %scan3A_445 = arith.constant 80 : i32
      %scan3A_446 = arith.constant 0 : i32
      %scan3A_447 = arith.constant 10 : i32
      %scan3A_448 = arith.addi %scan3A_446, %scan3A_447 : i32
      %scan3A_449 = arith.constant 1 : i32
      scf.for %scan3A_460 = %scan3A_446 to %scan3A_448 step %scan3A_449  : i32 {
        %mul3A_461 = arith.constant 1 : i32
        %mul3A_462 = arith.muli %scan3A_460, %mul3A_461 : i32
        %add3A_463 = arith.constant 0 : i32
        %add3A_464 = arith.addi %add3A_463, %mul3A_462 : i32
        %mul3A_465 = arith.constant 16 : i32
        %mul3A_466 = arith.muli %add3A_464, %mul3A_465 : i32
        %add3A_467 = vector.broadcast %mul3A_466 : i32 to vector<16xi32>
        %add3A_468 = arith.addi %add3A_467, %iota3A : vector<16xi32>
        %mul3A_469 = arith.constant 2 : i32
        %mul3A_470 = vector.broadcast %mul3A_469 : i32 to vector<16xi32>
        %mul3A_471 = arith.muli %add3A_468, %mul3A_470 : vector<16xi32>
        %gather3A = tpu.vector_load_idx %arg16[%mul3A_471] : memref<320xf32, #tpu.memory_space<vmem>>[vector<16xi32>], vector<16xf32>,
        %mul3A_472 = arith.constant 2 : i32
        %mul3A_473 = vector.broadcast %mul3A_472 : i32 to vector<16xi32>
        %mul3A_474 = arith.muli %add3A_468, %mul3A_473 : vector<16xi32>
        %add3A_475 = arith.constant 1 : i32
        %add3A_476 = vector.broadcast %add3A_475 : i32 to vector<16xi32>
        %add3A_477 = arith.addi %mul3A_474, %add3A_476 : vector<16xi32>
        %gather3A_478 = tpu.vector_load_idx %arg16[%add3A_477] : memref<320xf32, #tpu.memory_space<vmem>>[vector<16xi32>], vector<16xf32>,
        %add3A_479 = arith.constant 20 : i32
        %add3A_480 = vector.broadcast %add3A_479 : i32 to vector<16xi32>
        %add3A_481 = arith.addi %mul3A_13, %add3A_480 : vector<16xi32>
        tpu.vector_store_idx %arg17[%add3A_468, %add3A_481], %gather3A : memref<160x24xf32, #tpu.memory_space<vmem>>[vector<16xi32>, vector<16xi32>], vector<16xf32>,
        %add3A_482 = arith.constant 21 : i32
        %add3A_483 = vector.broadcast %add3A_482 : i32 to vector<16xi32>
        %add3A_484 = arith.addi %mul3A_13, %add3A_483 : vector<16xi32>
        tpu.vector_store_idx %arg17[%add3A_468, %add3A_484], %gather3A_478 : memref<160x24xf32, #tpu.memory_space<vmem>>[vector<16xi32>, vector<16xi32>], vector<16xf32>,
      }
      %scan3A_450 = arith.constant 10 : i32
      %dma_start3A_451 = arith.constant 0 : i32
      %dma_start3A_452 = arith.constant 0 : i32
      %dma_start3A_453 = tpu.memref_slice %arg27[%dma_start3A_451, %dma_start3A_452] : memref<50048x24xf32, #tpu.memory_space<vmem_shared>> -> memref<50048x24xf32, #tpu.memory_space<vmem_shared>>
      tpu.enqueue_indirect_dma source(%arg17 : memref<160x24xf32, #tpu.memory_space<vmem>>) target(%dma_start3A_453 : memref<50048x24xf32, #tpu.memory_space<vmem_shared>>) offsets(%arg10 : memref<160xi32, #tpu.memory_space<vmem>>) semaphore(%arg23 : memref<!tpu.dma_semaphore, #tpu.memory_space<semaphore_mem>>) {add = true}
      %dma_wait3A_454 = arith.constant 0 : i32
      %dma_wait3A_455 = arith.constant 0 : i32
      %dma_wait3A_456 = tpu.memref_slice %arg27[%dma_wait3A_454, %dma_wait3A_455] : memref<50048x24xf32, #tpu.memory_space<vmem_shared>> -> memref<50048x24xf32, #tpu.memory_space<vmem_shared>>
      tpu.wait_indirect_dma semaphore(%arg24 : memref<!tpu.dma_semaphore, #tpu.memory_space<semaphore_mem>>) src(%arg18 : memref<160x24xf32, #tpu.memory_space<vmem>>) dst(%dma_wait3A_456 : memref<50048x24xf32, #tpu.memory_space<vmem_shared>>)
      %dma_wait3A_457 = arith.constant 0 : i32
      %dma_wait3A_458 = arith.constant 0 : i32
      %dma_wait3A_459 = tpu.memref_slice %arg27[%dma_wait3A_457, %dma_wait3A_458] : memref<50048x24xf32, #tpu.memory_space<vmem_shared>> -> memref<50048x24xf32, #tpu.memory_space<vmem_shared>>
      tpu.wait_indirect_dma semaphore(%arg23 : memref<!tpu.dma_semaphore, #tpu.memory_space<semaphore_mem>>) src(%arg17 : memref<160x24xf32, #tpu.memory_space<vmem>>) dst(%dma_wait3A_459 : memref<50048x24xf32, #tpu.memory_space<vmem_shared>>)
    }
    %barrier3A_220 = arith.constant 0 : index
    tpu.barrier barrier_id(%barrier3A_220)
    %mul3A_221 = arith.constant 3128 : i32
    %mul3A_222 = arith.muli %arg1, %mul3A_221 : i32
    %mul3A_223 = arith.constant 3128 : i32
    %mul3A_224 = arith.muli %arg1, %mul3A_223 : i32
    "tpu.region"() ({
      %run_scoped3A = tpu.sem_alloc : memref<!tpu.dma_semaphore, #tpu.memory_space<semaphore_mem>>
      %dma_start3A = arith.constant 0 : i32
      %dma_start3A_225 = tpu.memref_slice %arg7[%arg0, %mul3A_224, %dma_start3A] : memref<2x50048x24xf32, #tpu.memory_space<hbm>> -> memref<1x3128x24xf32, #tpu.memory_space<hbm>>
      %dma_start3A_226 = tpu.memref_squeeze %dma_start3A_225 : memref<1x3128x24xf32, #tpu.memory_space<hbm>> -> memref<3128x24xf32, #tpu.memory_space<hbm>>
      %dma_start3A_227 = arith.constant 0 : i32
      %dma_start3A_228 = tpu.memref_slice %arg27[%mul3A_222, %dma_start3A_227] : memref<50048x24xf32, #tpu.memory_space<vmem_shared>> -> memref<3128x24xf32, #tpu.memory_space<vmem_shared>>
      tpu.enqueue_dma source(%dma_start3A_228 : memref<3128x24xf32, #tpu.memory_space<vmem_shared>>) target(%dma_start3A_226 : memref<3128x24xf32, #tpu.memory_space<hbm>>) target_semaphore(%run_scoped3A : memref<!tpu.dma_semaphore, #tpu.memory_space<semaphore_mem>>)
      %dma_wait3A = arith.constant 0 : i32
      %dma_wait3A_229 = tpu.memref_slice %arg7[%arg0, %mul3A_224, %dma_wait3A] : memref<2x50048x24xf32, #tpu.memory_space<hbm>> -> memref<1x3128x24xf32, #tpu.memory_space<hbm>>
      %dma_wait3A_230 = tpu.memref_squeeze %dma_wait3A_229 : memref<1x3128x24xf32, #tpu.memory_space<hbm>> -> memref<3128x24xf32, #tpu.memory_space<hbm>>
      %dma_wait3A_231 = arith.constant 0 : i32
      %dma_wait3A_232 = tpu.memref_slice %arg27[%mul3A_222, %dma_wait3A_231] : memref<50048x24xf32, #tpu.memory_space<vmem_shared>> -> memref<3128x24xf32, #tpu.memory_space<vmem_shared>>
      tpu.wait_dma2 semaphore(%run_scoped3A : memref<!tpu.dma_semaphore, #tpu.memory_space<semaphore_mem>>) src(%dma_wait3A_232 : memref<3128x24xf32, #tpu.memory_space<vmem_shared>>) dst(%dma_wait3A_230 : memref<3128x24xf32, #tpu.memory_space<hbm>>)
      tpu.yield
    }) : () -> ()
    return
  }
}

module attributes {stable_mosaic.version = 14 : i64} {
  func.func @_proj_kernel(%arg0: i32, %arg1: memref<5000x128xf32, #tpu.memory_space<vmem>>, %arg2: memref<5000x128xf32, #tpu.memory_space<vmem>>, %arg3: memref<128x8xf32, #tpu.memory_space<vmem>>, %arg4: memref<128x24xf32, #tpu.memory_space<vmem>>, %arg5: memref<5000x8xf32, #tpu.memory_space<vmem>>, %arg6: memref<5000x24xf32, #tpu.memory_space<vmem>>) attributes {dimension_semantics = [#tpu.dimension_semantics<arbitrary>], iteration_bounds = array<i64: 10>, scalar_prefetch = 0 : i64, scratch_operands = 0 : i64, tpu.core_type = #tpu.core_type<tc>, window_params = [{transform_indices = @transform_0, window_bounds = array<i64: 5000, 128>}, {pipeline_mode = #tpu.pipeline_mode<synchronous>, transform_indices = @transform_1, window_bounds = array<i64: 5000, 128>}, {pipeline_mode = #tpu.pipeline_mode<synchronous>, transform_indices = @transform_2, window_bounds = array<i64: 128, 8>}, {pipeline_mode = #tpu.pipeline_mode<synchronous>, transform_indices = @transform_3, window_bounds = array<i64: 128, 24>}, {transform_indices = @transform_4, window_bounds = array<i64: 5000, 8>}, {pipeline_mode = #tpu.pipeline_mode<synchronous>, transform_indices = @transform_5, window_bounds = array<i64: 5000, 24>}]} {
    %get3A = arith.constant 0 : index
    %get3A_0 = arith.constant 0 : index
    %get3A_1 = vector.load %arg1[%get3A, %get3A_0] : memref<5000x128xf32, #tpu.memory_space<vmem>>, vector<5000x128xf32>
    %get3A_2 = arith.constant 0 : index
    %get3A_3 = arith.constant 0 : index
    %get3A_4 = vector.load %arg3[%get3A_2, %get3A_3] : memref<128x8xf32, #tpu.memory_space<vmem>>, vector<128x8xf32>
    %dot_general3A = arith.constant dense<0.000000e+00> : vector<5000x8xf32>
    %dot_general3A_5 = tpu.matmul %get3A_1, %get3A_4, %dot_general3A {dimension_numbers = #tpu.dot_dimension_numbers<[1], [0], [0], [1], [0, 0, 1, 1], [], []>, transpose_lhs_hint = false} : vector<5000x128xf32>, vector<128x8xf32>, vector<5000x8xf32> -> vector<5000x8xf32>
    %swap3A = arith.constant 0 : index
    %swap3A_6 = arith.constant 0 : index
    %swap3A_7 = vector.load %arg5[%swap3A, %swap3A_6] : memref<5000x8xf32, #tpu.memory_space<vmem>>, vector<5000x8xf32>
    tpu.vector_store %arg5[%swap3A, %swap3A_6], %dot_general3A_5 {strides = array<i32>} : memref<5000x8xf32, #tpu.memory_space<vmem>>, vector<5000x8xf32>,
    %eq3A = arith.constant 0 : i32
    %eq3A_8 = arith.cmpi eq, %arg0, %eq3A : i32
    %convert_element_type3A = arith.extui %eq3A_8 : i1 to i32
    %cond3A = arith.constant 0 : i32
    %cond3A_9 = arith.cmpi ne, %convert_element_type3A, %cond3A : i32
    scf.if %cond3A_9 {
      %get3A_10 = arith.constant 0 : index
      %get3A_11 = arith.constant 0 : index
      %get3A_12 = vector.load %arg2[%get3A_10, %get3A_11] : memref<5000x128xf32, #tpu.memory_space<vmem>>, vector<5000x128xf32>
      %get3A_13 = arith.constant 0 : index
      %get3A_14 = arith.constant 0 : index
      %get3A_15 = vector.load %arg4[%get3A_13, %get3A_14] : memref<128x24xf32, #tpu.memory_space<vmem>>, vector<128x24xf32>
      %dot_general3A_16 = arith.constant dense<0.000000e+00> : vector<5000x24xf32>
      %dot_general3A_17 = tpu.matmul %get3A_12, %get3A_15, %dot_general3A_16 {dimension_numbers = #tpu.dot_dimension_numbers<[1], [0], [0], [1], [0, 0, 1, 1], [], []>, transpose_lhs_hint = false} : vector<5000x128xf32>, vector<128x24xf32>, vector<5000x24xf32> -> vector<5000x24xf32>
      %swap3A_18 = arith.constant 0 : index
      %swap3A_19 = arith.constant 0 : index
      %swap3A_20 = vector.load %arg6[%swap3A_18, %swap3A_19] : memref<5000x24xf32, #tpu.memory_space<vmem>>, vector<5000x24xf32>
      tpu.vector_store %arg6[%swap3A_18, %swap3A_19], %dot_general3A_17 {strides = array<i32>} : memref<5000x24xf32, #tpu.memory_space<vmem>>, vector<5000x24xf32>,
    } else {
    }
    return
  }
  func.func @transform_0(%arg0: i32) -> (i32, i32) {
    %c0_i32 = arith.constant 0 : i32
    %c0_i32_0 = arith.constant 0 : i32
    return %arg0, %c0_i32 : i32, i32
  }
  func.func @transform_1(%arg0: i32) -> (i32, i32) {
    %c0_i32 = arith.constant 0 : i32
    %c0_i32_0 = arith.constant 0 : i32
    %c0_i32_1 = arith.constant 0 : i32
    return %c0_i32, %c0_i32_0 : i32, i32
  }
  func.func @transform_2(%arg0: i32) -> (i32, i32) {
    %c0_i32 = arith.constant 0 : i32
    %c0_i32_0 = arith.constant 0 : i32
    %c0_i32_1 = arith.constant 0 : i32
    return %c0_i32, %c0_i32_0 : i32, i32
  }
  func.func @transform_3(%arg0: i32) -> (i32, i32) {
    %c0_i32 = arith.constant 0 : i32
    %c0_i32_0 = arith.constant 0 : i32
    %c0_i32_1 = arith.constant 0 : i32
    return %c0_i32, %c0_i32_0 : i32, i32
  }
  func.func @transform_4(%arg0: i32) -> (i32, i32) {
    %c0_i32 = arith.constant 0 : i32
    %c0_i32_0 = arith.constant 0 : i32
    return %arg0, %c0_i32 : i32, i32
  }
  func.func @transform_5(%arg0: i32) -> (i32, i32) {
    %c0_i32 = arith.constant 0 : i32
    %c0_i32_0 = arith.constant 0 : i32
    %c0_i32_1 = arith.constant 0 : i32
    return %c0_i32, %c0_i32_0 : i32, i32
  }
}

module attributes {stable_mosaic.version = 14 : i64} {
  func.func @_fin_kernel(%arg0: i32, %arg1: memref<2x2000x24xf32, #tpu.memory_space<vmem>>, %arg2: memref<1x10xf32, #tpu.memory_space<vmem>>, %arg3: memref<2000x10xf32, #tpu.memory_space<vmem>>) attributes {dimension_semantics = [#tpu.dimension_semantics<arbitrary>], iteration_bounds = array<i64: 25>, scalar_prefetch = 0 : i64, scratch_operands = 0 : i64, tpu.core_type = #tpu.core_type<tc>, window_params = [{transform_indices = @transform_0, window_bounds = array<i64: 2, 2000, 24>}, {pipeline_mode = #tpu.pipeline_mode<synchronous>, transform_indices = @transform_1, window_bounds = array<i64: 1, 10>}, {transform_indices = @transform_2, window_bounds = array<i64: 2000, 10>}]} {
    %get3A = arith.constant 0 : index
    %get3A_0 = arith.constant 0 : index
    %get3A_1 = arith.constant 0 : index
    %get3A_2 = vector.load %arg1[%get3A, %get3A_0, %get3A_1] : memref<2x2000x24xf32, #tpu.memory_space<vmem>>, vector<1x2000x24xf32>
    %get3A_3 = vector.shape_cast %get3A_2 : vector<1x2000x24xf32> to vector<2000x24xf32>
    %get3A_4 = arith.constant 1 : index
    %get3A_5 = arith.constant 0 : index
    %get3A_6 = arith.constant 0 : index
    %get3A_7 = vector.load %arg1[%get3A_4, %get3A_5, %get3A_6] : memref<2x2000x24xf32, #tpu.memory_space<vmem>>, vector<1x2000x24xf32>
    %get3A_8 = vector.shape_cast %get3A_7 : vector<1x2000x24xf32> to vector<2000x24xf32>
    %add3A = arith.addf %get3A_3, %get3A_8 : vector<2000x24xf32>
    %slice3A = vector.extract_strided_slice %add3A {offsets = [0, 20], sizes = [2000, 1], strides = [1, 1]} : vector<2000x24xf32> to vector<2000x1xf32>
    %max3A = arith.constant 1.000000e-30 : f32
    %max3A_9 = vector.broadcast %max3A : f32 to vector<2000x1xf32>
    %max3A_10 = arith.maximumf %slice3A, %max3A_9 : vector<2000x1xf32>
    %slice3A_11 = vector.extract_strided_slice %add3A {offsets = [0, 21], sizes = [2000, 1], strides = [1, 1]} : vector<2000x24xf32> to vector<2000x1xf32>
    %max3A_12 = arith.constant 1.000000e-30 : f32
    %max3A_13 = vector.broadcast %max3A_12 : f32 to vector<2000x1xf32>
    %max3A_14 = arith.maximumf %slice3A_11, %max3A_13 : vector<2000x1xf32>
    %slice3A_15 = vector.extract_strided_slice %add3A {offsets = [0, 0], sizes = [2000, 10], strides = [1, 1]} : vector<2000x24xf32> to vector<2000x10xf32>
    %div3A = vector.broadcast %max3A_10 : vector<2000x1xf32> to vector<2000x10xf32>
    %div3A_16 = arith.divf %slice3A_15, %div3A : vector<2000x10xf32>
    %slice3A_17 = vector.extract_strided_slice %add3A {offsets = [0, 10], sizes = [2000, 10], strides = [1, 1]} : vector<2000x24xf32> to vector<2000x10xf32>
    %div3A_18 = vector.broadcast %max3A_14 : vector<2000x1xf32> to vector<2000x10xf32>
    %div3A_19 = arith.divf %slice3A_17, %div3A_18 : vector<2000x10xf32>
    %add3A_20 = arith.addf %div3A_16, %div3A_19 : vector<2000x10xf32>
    %get3A_21 = arith.constant 0 : index
    %get3A_22 = arith.constant 0 : index
    %get3A_23 = vector.load %arg2[%get3A_21, %get3A_22] : memref<1x10xf32, #tpu.memory_space<vmem>>, vector<1x10xf32>
    %add3A_24 = vector.broadcast %get3A_23 : vector<1x10xf32> to vector<2000x10xf32>
    %add3A_25 = arith.addf %add3A_20, %add3A_24 : vector<2000x10xf32>
    %swap3A = arith.constant 0 : index
    %swap3A_26 = arith.constant 0 : index
    %swap3A_27 = vector.load %arg3[%swap3A, %swap3A_26] : memref<2000x10xf32, #tpu.memory_space<vmem>>, vector<2000x10xf32>
    tpu.vector_store %arg3[%swap3A, %swap3A_26], %add3A_25 {strides = array<i32>} : memref<2000x10xf32, #tpu.memory_space<vmem>>, vector<2000x10xf32>,
    return
  }
  func.func @transform_0(%arg0: i32) -> (i32, i32, i32) {
    %c0_i32 = arith.constant 0 : i32
    %c0_i32_0 = arith.constant 0 : i32
    %c0_i32_1 = arith.constant 0 : i32
    return %c0_i32, %arg0, %c0_i32_0 : i32, i32, i32
  }
  func.func @transform_1(%arg0: i32) -> (i32, i32) {
    %c0_i32 = arith.constant 0 : i32
    %c0_i32_0 = arith.constant 0 : i32
    %c0_i32_1 = arith.constant 0 : i32
    return %c0_i32, %c0_i32_0 : i32, i32
  }
  func.func @transform_2(%arg0: i32) -> (i32, i32) {
    %c0_i32 = arith.constant 0 : i32
    %c0_i32_0 = arith.constant 0 : i32
    return %arg0, %c0_i32 : i32, i32
  }
}

</mosaic_0001>

<sc_bundles>
// kernel: kernel.5.cloned.1.call-start
scs
__scs_entry_jumppad:
0x0: {  	(pc) =	sbr.rel $0x88, $3  }
0x1: {  	(tag) =	ssettag $0x0;
	lr =	simm.s32 $0x1  }
0x2: {  	[smem:$0x3F97] =	sst lr;
	_ =	strace $0xD0000000  }
0x3: {  	_ = 	snop  }
0x4: {  	_ = 	snop  }
0x5: {  	_ = 	snop  }
0x6: {  	_ = 	snop  }
0x7: {  	_ = 	snop  }
__scs_overlays_trampoline_lowered:
0x8: {  	[smem:$0x3FA6] =	sst s0  }
0x9: {  	[smem:$0x3FA7] =	sst s1  }
0xa: {  	[smem:$0x3FA8] =	sst s2  }
0xb: {  	[smem:$0x3FA9] =	sst s3  }
0xc: {  	[smem:$0x3FAA] =	sst s4  }
0xd: {  	[smem:$0x3FAB] =	sst s5  }
0xe: {  	[smem:$0x3FAC] =	sst s6  }
0xf: {  	[smem:$0x3FAD] =	sst s7  }
0x10: {  	[smem:$0x3FAE] =	sst s8  }
0x11: {  	[smem:$0x3FAF] =	sst s9;
	s0 =	simm.s32 @!p0 $0x0  }
0x12: {  	s1 =	sld [smem:$0x3F95];
	s0 =	simm.s32 @p0 $0x1  }
0x13: {  	[smem:$0x3FB0] =	sst s0;
	s0 =	simm.s32 @!p1 $0x0  }
0x14: {  	s2 =	sld [smem:$0x3F94];
	s0 =	simm.s32 @p1 $0x1  }
0x15: {  	[smem:$0x3FB1] =	sst s0;
	s0 =	simm.s32 @!p2 $0x0  }
0x16: {  	s3 =	sld [smem:$0x3FDB];
	s0 =	simm.s32 @p2 $0x1  }
0x17: {  	s4 =	simm.s32 $0x1BF5;
	[smem:$0x3FB3] =	sst s0  }
0x18: {  	s0 =	sld [smem:$0x3F96];
	_ =	swait.ge [sflag:s4], $0x0  }
0x19: {  	s7 =	sld [smem:$0x3F97]  }
0x1a: {  	s8 =	sadd.s32 $0xFFFFE003, lr  }
0x1b: {  	s9 =	sadd.s32 $0xFFFFFEF7, lr;
	s5 =	simm.s32 $0xFFFFFFFF;
	p2 =	slt.u32 s8, $0xFFFFF086  }
0x1c: {  	p1 =	slt.u32 s9, $0xF7A;
	s5 =	simm.s32 @!p2 $0x0  }
0x1d: {  	s5 =	simm.s32 @p1 $0x1;
	p0 =	seq.s32 s7, s2  }
0x1e: {  	s7 =	smul.u32 @!p0 $0xF7A, s2;
	p2 =	seq.s32 @!p0 s5, $0x0  }
0x1f: {  	s9 =	smul.u32 $0xF7A, s1;
	s8 =	simm.s32 @!p0 $0x1BF5;
	p2 =	por !p2, p0  }
0x20: {  	[sflag:s8] =	ssyncset.s32 @!p0 $0xFFFFF086;
	s6 =	sadd.s32 @!p0 s3, s7;
	s7 =	simm.s32 @!p0 $0x108  }
0x21: {  	s3 =	sadd.s32 s3, s9;
	s6 =	sadd.s32 @!p0 $0x88, s6;
	s7 =	simm.s32 @p2 $0x1082  }
0x22: {  	[simem:s7], [sflag:s8] =	dma.local @!p0 [hbm:s6], $0xF7A  }
0x23: {  	s9 =	sor.u32 $0xD0000000, s2;
	s6 =	simm.s32 $0x108;
	_ =	swait.ge @!p0 [sflag:s8], $0x0  }
0x24: {  	s3 =	sadd.s32 $0x88, s3;
	s6 =	simm.s32 @!p1 $0x1082;
	[sflag:s4] =	ssyncset.s32 $0xFFFFF086  }
0x25: {  	[simem:s6], [sflag:s4] =	dma.local [hbm:s3], $0xF7A  }
0x26: {  	[smem:$0x3F97] =	sst s1;
	(tag) =	ssettag s2;
	_ =	strace s9  }
0x27: {  	s1 =	sld [smem:$0x3FA7]  }
0x28: {  	s2 =	sld [smem:$0x3FA8]  }
0x29: {  	s4 =	sld [smem:$0x3FAA]  }
0x2a: {  	p0 =	seq.s32 s5, $0x0;
	s5 =	sld [smem:$0x3FAB]  }
0x2b: {  	s6 =	sld [smem:$0x3FAC]  }
0x2c: {  	s7 =	sld [smem:$0x3FAD]  }
0x2d: {  	s3 =	simm.s32 $0x108;
	s8 =	sld [smem:$0x3FAE]  }
0x2e: {  	s3 =	simm.s32 @!p0 $0x1082;
	s9 =	sld [smem:$0x3FAF]  }
0x2f: {  	lr =	sadd.s32 s0, s3;
	s0 =	sld [smem:$0x3FA6]  }
0x30: {  	s3 =	sld [smem:$0x3FA9]  }
0x31: {  	[smem:$0x3FB2] =	sst s10  }
0x32: {  	s10 =	sld [smem:$0x3FB0];
	_ =	sdelay $0x3  }
0x33: {  	p0 =	seq.s32 s10, $0x1;
	s10 =	sld [smem:$0x3FB2];
	_ =	sdelay $0x3  }
0x34: {  	[smem:$0x3FB2] =	sst s10  }
0x35: {  	s10 =	sld [smem:$0x3FB1];
	_ =	sdelay $0x3  }
0x36: {  	p1 =	seq.s32 s10, $0x1;
	s10 =	sld [smem:$0x3FB2];
	_ =	sdelay $0x3  }
0x37: {  	[smem:$0x3FB2] =	sst s10  }
0x38: {  	s10 =	sld [smem:$0x3FB3]  }
0x39: {  	_ = 	snop;
	(pc) =	sbr.ind lr, $3  }
0x3a: {  	_ = 	snop  }
0x3b: {  	_ = 	snop  }
0x3c: {  	p2 =	seq.s32 s10, $0x1;
	s10 =	sld [smem:$0x3FB2]  }
0x3d: {  	_ =	shalt  }
0x3e: {  	_ =	shalt  }
0x3f: {  	_ =	shalt  }
0x40: {  	_ =	shalt  }
0x41: {  	_ =	shalt  }
0x42: {  	_ =	shalt  }
0x43: {  	_ =	shalt  }
0x44: {  	_ =	shalt  }
0x45: {  	_ =	shalt  }
0x46: {  	_ =	shalt  }
0x47: {  	_ =	shalt  }
0x48: {  	_ =	shalt  }
0x49: {  	_ =	shalt  }
0x4a: {  	_ =	shalt  }
0x4b: {  	_ =	shalt  }
0x4c: {  	_ =	shalt  }
0x4d: {  	_ =	shalt  }
0x4e: {  	_ =	shalt  }
0x4f: {  	_ =	shalt  }
0x50: {  	_ =	shalt  }
0x51: {  	_ =	shalt  }
0x52: {  	_ =	shalt  }
0x53: {  	_ =	shalt  }
0x54: {  	_ =	shalt  }
0x55: {  	_ =	shalt  }
0x56: {  	_ =	shalt  }
0x57: {  	_ =	shalt  }
0x58: {  	_ =	shalt  }
0x59: {  	_ =	shalt  }
0x5a: {  	_ =	shalt  }
0x5b: {  	_ =	shalt  }
0x5c: {  	_ =	shalt  }
0x5d: {  	_ =	shalt  }
0x5e: {  	_ =	shalt  }
0x5f: {  	_ =	shalt  }
0x60: {  	_ =	shalt  }
0x61: {  	_ =	shalt  }
0x62: {  	_ =	shalt  }
0x63: {  	_ =	shalt  }
0x64: {  	_ =	shalt  }
0x65: {  	_ =	shalt  }
0x66: {  	_ =	shalt  }
0x67: {  	_ =	shalt  }
0x68: {  	_ =	shalt  }
0x69: {  	_ =	shalt  }
0x6a: {  	_ =	shalt  }
0x6b: {  	_ =	shalt  }
0x6c: {  	_ =	shalt  }
0x6d: {  	_ =	shalt  }
0x6e: {  	_ =	shalt  }
0x6f: {  	_ =	shalt  }
0x70: {  	_ =	shalt  }
0x71: {  	_ =	shalt  }
0x72: {  	_ =	shalt  }
0x73: {  	_ =	shalt  }
0x74: {  	_ =	shalt  }
0x75: {  	_ =	shalt  }
0x76: {  	_ =	shalt  }
0x77: {  	_ =	shalt  }
0x78: {  	_ =	shalt  }
0x79: {  	_ =	shalt  }
0x7a: {  	_ =	shalt  }
0x7b: {  	_ =	shalt  }
0x7c: {  	_ =	shalt  }
0x7d: {  	_ =	shalt  }
0x7e: {  	_ =	shalt  }
0x7f: {  	_ =	shalt  }
0x80: {  	_ =	shalt  }
0x81: {  	_ =	shalt  }
0x82: {  	_ =	shalt  }
0x83: {  	_ =	shalt  }
0x84: {  	_ =	shalt  }
0x85: {  	_ =	shalt  }
0x86: {  	_ =	shalt  }
0x87: {  	_ =	shalt  }
.Lfunc_end0:
.L_simem_size_0:
called_computation_lowered:
.L_overlay_start_0:
0x88: {  	s2 =	sld [smem:$0x3FD9]  }
0x89: {  	s3 =	sld [smem:$0x3FFE];
	_ =	sdelay $0x1  }
0x8a: {  	s1 =	srdreg.scid  }
0x8b: {  	s0 =	sand.u32 $0x1, s1  }
0x8c: {  	s17 =	sshll.u32 s0, $0xA;
	s2 =	sadd.s32 s3, s2  }
0x8d: {  	s2 =	sadd.s32 s2, s17  }
0x8e: {  	[smem:$0x3FBE] =	sst s2  }
0x8f: {  	_ = 	snop  }
0x90: {  	s2 =	sld [smem:$0x3FD0];
	(tm) =	ssettm $0x1  }
0x91: {  	s18 =	sld [smem:$0x3FFB];
	_ =	sdelay $0x3  }
0x92: {  	_ =	strace s18  }
0x93: {  	s3 =	sld [smem:$0x3FFC];
	_ =	sdelay $0x3  }
0x94: {  	_ =	strace s3  }
0x95: {  	s3 =	sld [smem:$0x3FFD];
	_ =	sdelay $0x3  }
0x96: {  	_ =	strace s3  }
0x97: {  	_ =	strace $0x8FFFFFFF  }
0x98: {  	s19 =	sld [smem:$0x3FDB];
	_ =	sdelay $0x1  }
0x99: {  	s4 =	simm.s32 $_scs_section_size  }
0x9a: {  	s5 =	simm.s32 $_size__tile_overlayer_lowered;
	s6 =	simm.s32 $_tile_overlayer_lowered  }
0x9b: {  	s22 =	simm.s32 $0x1BFF;
	s21 =	sshll.u32 s6, $0x1;
	s3 =	sadd.s32 s4, s19  }
0x9c: {  	s7 =	simm.s32 $0x0;
	s20 =	sshll.u32 s5, $0x1;
	s5 =	sadd.s32 s21, s3  }
0x9d: {  	[timem:s7], [sflag:s22] =	dma.local [hbm:s5], s20  }
0x9e: {  	_ =	swait.ge [sflag:s22], s20  }
0x9f: {  	s4 =	ssub.s32 $0x0, s20;
	[sflag:s22] =	ssyncset.done $0x0  }
0xa0: {  	[sflag:s22] =	ssyncadd.s32 s4;
	_ =	sdelay $0x1  }
0xa1: {  	s23 =	simm.s32 $0x1B8B  }
0xa2: {  	_ =	swait.ge [sflag:s23], $0x1  }
0xa3: {  	[sflag:s23] =	ssyncset.done $0x0  }
0xa4: {  	s25 =	simm.s32 $0x1B8E;
	s24 =	sld [smem:$0x3FFE];
	[sflag:s23] =	ssyncadd.s32 $0xFFFFFFFF  }
0xa5: {  	s26 =	simm.s32 $execute0_lowered;
	[smem:$0x3FD2] =	sst s25  }
0xa6: {  	s5 =	sshll.u32 s26, $0x1;
	_ =	strace $0x80000046;
	[dreg:$0x1] =	wrdreg $0xFFFFFFFF  }
0xa7: {  	s28 =	simm.s32 $_size_execute0_lowered;
	s3 =	sadd.s32 s3, s5;
	[dreg:$0x0] =	wrdreg $0x0  }
0xa8: {  	s5 =	sshll.u32 s28, $0x1;
	[dreg:$0x2] =	wrdreg s3  }
0xa9: {  	[dreg:$0x3] =	wrdreg s5  }
0xaa: {  	[dreg:$0x4] =	wrdreg $0xC0  }
0xab: {  	_ =	task [dreg:s7], $0x5FFFF  }
0xac: {  	[dreg:$0x1] =	wrdreg $0xFFFFFFFF  }
0xad: {  	[dreg:$0x0] =	wrdreg $0x60  }
0xae: {  	[dreg:$0x2] =	wrdreg s24  }
0xaf: {  	[dreg:$0x3] =	wrdreg s2  }
0xb0: {  	[dreg:$0x4] =	wrdreg $0xB0800  }
0xb1: {  	[dreg:$0x5] =	wrdreg $0x4EC00  }
0xb2: {  	[dreg:$0x6] =	wrdreg $0xCE200  }
0xb3: {  	[dreg:$0x7] =	wrdreg $0x9  }
0xb4: {  	_ =	task.clear_ibuf [dreg:s7], $0x8FFFF;
	_ =	strace $0x90000046  }
0xb5: {  	s29 =	simm.s32 $0x9;
	_ =	strace $0x80000048  }
0xb6: {  	_ =	swait.ge [sflag:s29], $0x1  }
0xb7: {  	[sflag:s29] =	ssyncadd.s32 $0xFFFFFFFF  }
0xb8: {  	_ =	strace $0x90000048  }
0xb9: {  	_ =	sfence  }
0xba: {  	s30 =	sld [smem:$0x0];
	_ =	sdelay $0x2  }
0xbb: {  	s31 =	sshll.u32 s1, $0xD;
	s1 =	sshrl.u32 s1, $0x2  }
0xbc: {  	s3 =	sand.u32 $0x4000, s31;
	s1 =	sadd.s32 s1, s30  }
0xbd: {  	s0 =	sor.u32 s3, s0;
	s1 =	sshll.u32 s1, $0x11  }
0xbe: {  	s0 =	sor.u32 s1, s0  }
0xbf: {  	s0 =	sadd.s32 $0x8F2B, s0  }
0xc0: {  	[sflag:s0] =	ssyncadd.remote.s32 $0x1  }
0xc1: {  	_ =	sfence.sel $0xFFFF  }
0xc2: {  	[dreg:$0x0] =	wrdreg $0xFFFFFFFF;
	(pc) =	sbr.abs _section_cstart, $3  }
0xc3: {  	[dreg:$0x1] =	wrdreg $0xFFFFFFFF  }
0xc4: {  	_ =	task.clear_ibuf [dreg:s7], $0x2FFFF;
	_ =	strace $0x9FFFFFFF  }
0xc5: {  	(tm) =	ssettm $0x7FFFFFFF  }
tec
execute0_lowered:
.L_overlay_start_1:
0x0: {  	(tag) =	ssettag $0x1  }
0x1: {  	s0 =	rddreg [dreg:$0x0]  }
0x2: {  	s3 =	rddreg [dreg:$0x2]  }
0x3: {  	s4 =	rddreg [dreg:$0x3]  }
0x4: {  	s5 =	rddreg [dreg:$0x4]  }
0x5: {  	s14 =	stileid.u32;
	s19 =	simm.s32 $0x0;
	s6 =	srdreg.scid  }
0x6: {  	s18 =	simm.s32 $0x7;
	s28 =	simm.s32 $0x2080;
	s29 =	simm.s32 $0x1  }
0x7: {  	s30 =	simm.s32 $0x3;
	s31 =	simm.s32 $0x2F80;
	s15 =	simm.s32 $0x4  }
0x8: {  	s16 =	simm.s32 $0x3FC0;
	s17 =	simm.s32 $0x6E0;
	s1 =	smul.u32 $0x61C0, s14  }
0x9: {  	s2 =	smul.u32 $0x1DA0, s14;
	[smem:$0x7FF] =	sst s19;
	s6 =	sand.u32 $0x1, s6  }
0xa: {  	s8 =	smul.u32 $0x12540, s14;
	s7 =	sadd.s32 $0x1000, s0;
	s13 =	sadd.s32 $0x23600, s0  }
0xb: {  	s23 =	sshll.u32 s14, $0x6;
	_ =	strace $0x80000047;
	s10 =	smul.u32 $0x125400, s6  }
0xc: {  	s12 =	ssub.s32 $0x2, s6;
	[dreg:$0x7] =	wrdreg s13;
	s6 =	sshll.u32 s6, $0x4  }
0xd: {  	s20 =	sor.u32 $0x1C07, s23;
	s13 =	simm.s32 $0x6;
	s23 =	simm.s32 $0x780  }
0xe: {  	s9 =	sshrl.u32 s1, $0x3;
	s11 =	sshrl.u32 s2, $0x3;
	s21 =	sshrl.u32 s12, $0x1  }
0xf: {  	s6 =	sor.u32 s14, s6;
	s2 =	sadd.s32 s2, s3;
	s1 =	sadd.s32 s1, s4  }
0x10: {  	[dreg:$0x9] =	wrdreg s20;
	s9 =	sadd.s32 s9, s0;
	s11 =	sadd.s32 s11, s0  }
0x11: {  	s10 =	sadd.s32 s8, s10;
	s22 =	ssub.s32 s12, s21;
	p0 =	seq.s32 s6, $0x1F  }
0x12: {  	s12 =	simm.s32 $0x6;
	s8 =	sadd.s32 s8, s5;
	s14 =	smul.u32 $0x4B00, s6  }
0x13: {  	s25 =	sshrl.u32 s2, $0x3;
	s26 =	sshrl.u32 s1, $0x3;
	s21 =	simm.s32 $0x320  }
0x14: {  	s1 =	simm.s32 $0x640;
	s6 =	simm.s32 $0x5A0;
	s2 =	simm.s32 $0x280  }
0x15: {  	s10 =	sshrl.u32 s10, $0x3;
	s11 =	sadd.s32 $0x1FA00, s11;
	[dreg:$0xd] =	wrdreg s25  }
0x16: {  	v0 =	vlaneseq.u32;
	s9 =	sadd.s32 $0x13600, s9;
	s12 =	simm.s32 @!p0 $0x18;
	[dreg:$0xe] =	wrdreg s26  }
0x17: {  	vm0 =	vcmask $0x2700;
	v1 =	vimm.s32 $0x1;
	vm1 =	vcmask $0x700;
	s24 =	smax.u32 s22, $0x1;
	s25 =	sshrl.u32 s8, $0x3;
	[dreg:$0x8] =	wrdreg s11  }
0x18: {  	v5 =	vimm.s32 $0x5;
	v6 =	vimm.s32 $0x3;
	v8 =	vimm.s32 $0x7;
	s22 =	simm.s32 $0xA0;
	s26 =	simm.s32 $0xC80;
	[dreg:$0xa] =	wrdreg s9  }
0x19: {  	v7 =	vshrl.u32 v0, $0x3;
	v1 =	vsel vm0, $0x0, v1;
	v2 =	vor.u32 $0x10, v0;
	s0 =	sadd.s32 s10, s0;
	[dreg:$0xc] =	wrdreg s24;
	s24 =	simm.s32 $0x1180  }
0x1a: {  	v4 =	vor.u32 $0x20, v0;
	v5 =	vsel vm0, $0x4, v5;
	v6 =	vsel vm1, $0x2, v6;
	s11 =	simm.s32 $0x2;
	[dreg:$0xf] =	wrdreg s25;
	s0 =	sadd.s32 $0x25C00, s0  }
0x1b: {  	v8 =	vsel vm1, $0x6, v8;
	v3 =	vadd.s32 $0x1, v7;
	v7 =	vadd.s32 $0x5, v7;
	s10 =	simm.s32 $0x5;
	[dreg:$0xb] =	wrdreg s0;
	s0 =	simm.s32 $0x30C0  }
.LBB2_1:
0x1c: {  	[dreg:$0x6] =	wrdreg s19  }
0x1d: {  	s8 =	rddreg [dreg:$0x8]  }
0x1e: {  	s9 =	rddreg [dreg:$0xd]  }
0x1f: {  	[spmem:s9], [sflag:s20] =	dma.local [hbm:s8], $0x3B4  }
0x20: {  	_ =	swait.ge [sflag:s18], $0x3B4  }
0x21: {  	[sflag:s18] =	ssyncset.done $0x0;
	s9 =	rddreg [dreg:$0xa]  }
0x22: {  	s19 =	rddreg [dreg:$0xe];
	[sflag:s18] =	ssyncadd.s32 $0xFFFFFC4C  }
0x23: {  	[spmem:s19], [sflag:s20] =	dma.local [hbm:s9], $0xC38  }
0x24: {  	_ =	swait.ge [sflag:s18], $0xC38  }
0x25: {  	[sflag:s18] =	ssyncset.done $0x0  }
0x26: {  	s19 =	rddreg [dreg:$0x7];
	[sflag:s18] =	ssyncadd.s32 $0xFFFFF3C8  }
0x27: {  	[spmem:s25], [sflag:s20] =	dma.local [hbm:s19], $0x24A8  }
0x28: {  	_ =	swait.ge [sflag:s18], $0x24A8  }
0x29: {  	[sflag:s18] =	ssyncset.done $0x0  }
0x2a: {  	[sflag:s18] =	ssyncadd.s32 $0xFFFFDB58  }
0x2b: {  	s25 =	simm.s32 $0x0;
	[bflag:$0x0] =	sbarrier.arrive $0xFFFF  }
.LBB2_2:
0x2c: {  	s8 =	smul.u32 $0x320, s25;
	_ =	sdelay $0x1  }
0x2d: {  	s8 =	sadd.s32 s14, s8  }
0x2e: {  	s8 =	sshrl.u32 s8, $0x3  }
0x2f: {  	s19 =	simm.s32 $0x0;
	s9 =	sadd.s32 s7, s8  }
0x30: {  	[tilespmem:s19], [sflag:$0x7] =	stream.linear.gather [hbm4b:s9+s19], $0x320, $0x38;
	[tilespmem:$0x1F360] =	vst v63  }
0x31: {  	_ =	swait.ge [sflag:s18], $0x320  }
0x32: {  	[sflag:s18] =	ssyncset.done $0x0  }
0x33: {  	[sflag:s18] =	ssyncadd.s32 $0xFFFFFCE0  }
0x34: {  	s20 =	rddreg [dreg:$0x1]  }
0x35: {  	s8 =	sadd.s32 s20, s8  }
0x36: {  	[tilespmem:s21], [sflag:$0x7] =	stream.linear.gather [hbm4b:s8+s19], $0x320, $0x38;
	[tilespmem:$0x1F360] =	vst v63  }
0x37: {  	_ =	swait.ge [sflag:s18], $0x320  }
0x38: {  	[sflag:s18] =	ssyncset.done $0x0  }
0x39: {  	[sflag:s18] =	ssyncadd.s32 $0xFFFFFCE0  }
0x3a: {  	[tilespmem:s23], [sflag:$0x1] =	stream.indirect.gather [spmem:s4], $0x8, s21, s22, $0xb8;
	[tilespmem:$0x1F360] =	vst v63  }
0x3b: {  	_ = 	snop  }
0x3c: {  	[tilespmem:s24], [sflag:$0x3] =	stream.indirect.gather [spmem:s3], $0x18, s19, s22, $0xb8;
	[tilespmem:$0x1F360] =	vst v63  }
0x3d: {  	s9 =	simm.s32 $0x3C0  }
0x3e: {  	[tilespmem:s26], [sflag:$0x2] =	stream.indirect.gather [spmem:s4], $0x8, s9, s22, $0xb8;
	[tilespmem:$0x1F360] =	vst v63  }
0x3f: {  	_ = 	snop  }
0x40: {  	[tilespmem:s28], [sflag:$0x4] =	stream.indirect.gather [spmem:s3], $0x18, s22, s22, $0xb8;
	[tilespmem:$0x1F360] =	vst v63  }
0x41: {  	_ =	swait.ge [sflag:s29], $0x500  }
0x42: {  	[sflag:s29] =	ssyncset.done $0x0  }
0x43: {  	[sflag:s29] =	ssyncadd.s32 $0xFFFFFB00  }
0x44: {  	_ =	swait.ge [sflag:s30], $0xF00  }
0x45: {  	[sflag:s30] =	ssyncset.done $0x0  }
0x46: {  	[sflag:s30] =	ssyncadd.s32 $0xFFFFF100  }
0x47: {  	v9 =	vld [tilespmem:$0x320]  }
0x48: {  	v10 =	vld [tilespmem:$0x330]  }
0x49: {  	v11 =	vld [tilespmem:$0x340]  }
0x4a: {  	v12 =	vld [tilespmem:$0x350]  }
0x4b: {  	v13 =	vld [tilespmem:$0x360]  }
0x4c: {  	[tilespmem:$0x640] =	vst v9;
	v9 =	vld [tilespmem:$0x370]  }
0x4d: {  	[tilespmem:$0x650] =	vst v10;
	v10 =	vld [tilespmem:$0x380]  }
0x4e: {  	[tilespmem:$0x660] =	vst v11;
	v11 =	vld [tilespmem:$0x390]  }
0x4f: {  	v14 =	vor.u32 s19, v0;
	[tilespmem:$0x670] =	vst v12;
	v12 =	vld [tilespmem:$0x3A0]  }
0x50: {  	v15 =	vshll.u32 v14, $0x3;
	[tilespmem:$0x680] =	vst v13;
	v13 =	vld [tilespmem:$0x3B0]  }
0x51: {  	v16 =	vor.u32 $0x1, v15;
	[tilespmem:$0x690] =	vst v9;
	v9 =	vmul.u32 $0x18, v14  }
0x52: {  	[tilespmem:$0x6A0] =	vst v10  }
0x53: {  	[tilespmem:$0x6B0] =	vst v11;
	v10 =	vadd.s32 $0x14, v9  }
0x54: {  	[tilespmem:$0x6C0] =	vst v12;
	v9 =	vadd.s32 $0x15, v9  }
0x55: {  	[tilespmem:$0x6D0] =	vst v13  }
0x56: {  	v11 =	vld.idx.msk [tilespmem:v16+s23+$0x0], $0xffff  }
0x57: {  	v12 =	vld.idx.msk [tilespmem:v15+s23+$0x0], $0xffff  }
0x58: {  	v10 =	vld.idx.msk [tilespmem:v10+s24+$0x0], $0xffff  }
0x59: {  	v9 =	vld.idx.msk [tilespmem:v9+s24+$0x0], $0xffff;
	_ =	sdelay $0x3  }
0x5a: {  	v10 =	vadd.f32 v12, v10  }
0x5b: {  	v9 =	vadd.f32 v11, v9  }
0x5c: {  	v11 =	vmul.f32 $2.000000030e-01, v10  }
0x5d: {  	v12 =	vmul.f32 $2.000000030e-01, v9  }
0x5e: {  	v10 =	vmax.f32 v10, v11  }
0x5f: {  	v9 =	vmax.f32 v9, v12;
	v10 =	vmul.f32 $1.442695020e+00, v10  }
0x60: {  	v11 =	vmul.f32 $1.442695020e+00, v9  }
0x61: {  	(erf) = vpow2.f32 v10  }
0x62: {  	(erf) = vpow2.f32 v11;
	_ =	sdelay $0x2  }
0x63: {  	s20 =	simm.s32 $0x10  }
0x64: {  	v9 =	vor.u32 s20, v0;
	v11 =	vshll.u32 v14, $0x1  }
0x65: {  	v10 =	vshll.u32 v9, $0x3;
	v12 =	vor.u32 $0x1, v11  }
0x66: {  	s8 =	simm.s32 $0x20;
	v14 =	vmul.u32 $0x18, v9;
	v13 =	vor.u32 $0x1, v10  }
.LBB2_3:
0x67: {  	p0 =	sne.s32 s8, $0x90  }
0x68: {  	v15 =	vadd.s32 $0x14, v14;
	v16 =	vpop (erf)  }
0x69: {  	v14 =	vadd.s32 $0x15, v14;
	[tilespmem:v11+s31+$0x0] =	vst.idx.msk $0xffff, v16;
	v11 =	vpop (erf)  }
0x6a: {  	[tilespmem:v12+s31+$0x0] =	vst.idx.msk $0xffff, v11  }
0x6b: {  	v11 =	vld.idx.msk [tilespmem:v13+s23+$0x0], $0xffff  }
0x6c: {  	v10 =	vld.idx.msk [tilespmem:v10+s23+$0x0], $0xffff  }
0x6d: {  	v12 =	vld.idx.msk [tilespmem:v15+s24+$0x0], $0xffff  }
0x6e: {  	v13 =	vld.idx.msk [tilespmem:v14+s24+$0x0], $0xffff;
	_ =	sdelay $0x4  }
0x6f: {  	v10 =	vadd.f32 v10, v12  }
0x70: {  	v11 =	vadd.f32 v11, v13  }
0x71: {  	v12 =	vmul.f32 $2.000000030e-01, v10  }
0x72: {  	v13 =	vmul.f32 $2.000000030e-01, v11  }
0x73: {  	v10 =	vmax.f32 v10, v12  }
0x74: {  	v10 =	vmul.f32 $1.442695020e+00, v10;
	v11 =	vmax.f32 v11, v13  }
0x75: {  	v11 =	vmul.f32 $1.442695020e+00, v11  }
0x76: {  	(erf) = vpow2.f32 v10  }
0x77: {  	(erf) = vpow2.f32 v11;
	_ =	sdelay $0x1  }
.Ltmp0:
0x78: {  	(pc) =	sbr.rel @p0 .LBB2_3-.Ltmp0, $4  }
0x79: {  	_ = 	snop  }
0x7a: {  	v11 =	vshll.u32 v9, $0x1;
	v9 =	vor.u32 s8, v0  }
0x7b: {  	v10 =	vshll.u32 v9, $0x3;
	v12 =	vor.u32 $0x1, v11  }
0x7c: {  	s8 =	sadd.s32 $0x10, s8;
	v14 =	vmul.u32 $0x18, v9;
	v13 =	vor.u32 $0x1, v10  }
0x7d: {  	_ =	sdelay $0x2  }
0x7e: {  	v15 =	vadd.s32 $0x14, v14;
	v16 =	vpop (erf)  }
0x7f: {  	v14 =	vadd.s32 $0x15, v14;
	[tilespmem:v11+s31+$0x0] =	vst.idx.msk $0xffff, v16;
	v11 =	vpop (erf)  }
0x80: {  	[tilespmem:v12+s31+$0x0] =	vst.idx.msk $0xffff, v11  }
0x81: {  	v11 =	vld.idx.msk [tilespmem:v13+s23+$0x0], $0xffff  }
0x82: {  	v10 =	vld.idx.msk [tilespmem:v10+s23+$0x0], $0xffff  }
0x83: {  	v12 =	vld.idx.msk [tilespmem:v15+s24+$0x0], $0xffff  }
0x84: {  	v13 =	vld.idx.msk [tilespmem:v14+s24+$0x0], $0xffff;
	_ =	sdelay $0x3  }
0x85: {  	v10 =	vadd.f32 v10, v12  }
0x86: {  	v11 =	vadd.f32 v11, v13  }
0x87: {  	v12 =	vmul.f32 $2.000000030e-01, v10  }
0x88: {  	v13 =	vmul.f32 $2.000000030e-01, v11  }
0x89: {  	v10 =	vmax.f32 v10, v12  }
0x8a: {  	v11 =	vmax.f32 v11, v13;
	v10 =	vmul.f32 $1.442695020e+00, v10  }
0x8b: {  	v11 =	vmul.f32 $1.442695020e+00, v11  }
0x8c: {  	(erf) = vpow2.f32 v10  }
0x8d: {  	(erf) = vpow2.f32 v11  }
0x8e: {  	s8 =	simm.s32 $0x0  }
0x8f: {  	v10 =	vmov s8  }
0x90: {  	v10 =	vmul.u32 $0x18, v10  }
0x91: {  	v9 =	vshll.u32 v9, $0x1  }
0x92: {  	s19 =	simm.s32 $0x0;
	v11 =	vor.u32 $0x1, v9;
	v10 =	vbroadcast v10, $0x0  }
0x93: {  	v12 =	vor.u32 s19, v1  }
0x94: {  	v13 =	vor.u32 v0, v10  }
0x95: {  	v14 =	vpop (erf)  }
0x96: {  	[tilespmem:v9+s31+$0x0] =	vst.idx.msk $0xffff, v14;
	v9 =	vpop (erf)  }
0x97: {  	[tilespmem:v11+s31+$0x0] =	vst.idx.msk $0xffff, v9  }
0x98: {  	v9 =	vld.idx.msk [tilespmem:v12+s31+$0x0], $0xffff  }
0x99: {  	v11 =	vld.idx.msk [tilespmem:v13+s24+$0x0], $0xffff;
	_ =	sdelay $0x2  }
0x9a: {  	v12 =	vadd.s32 v2, v10  }
0x9b: {  	v14 =	vor.u32 s19, v3  }
0x9c: {  	v9 =	vmul.f32 v9, v11;
	_ =	sdelay $0x1  }
0x9d: {  	[tilespmem:v13+s0+$0x0] =	vst.idx.msk $0xffff, v9  }
0x9e: {  	v9 =	vld.idx.msk [tilespmem:v12+s24+$0x0], $0xffff  }
0x9f: {  	v11 =	vld.idx.msk [tilespmem:v14+s31+$0x0], $0xffff;
	_ =	sdelay $0x2  }
0xa0: {  	v10 =	vadd.s32 v4, v10  }
0xa1: {  	v13 =	vor.u32 s19, v6  }
0xa2: {  	v9 =	vmul.f32 v11, v9;
	_ =	sdelay $0x1  }
0xa3: {  	s20 =	simm.s32 $0x2;
	[tilespmem:v12+s0+$0x0] =	vst.idx.msk $0xffff, v9  }
0xa4: {  	v9 =	vmov s20;
	v11 =	vld.idx.msk [tilespmem:v10+s24+$0x0], $0xffff  }
0xa5: {  	v9 =	vmul.u32 $0x18, v9;
	v12 =	vld.idx.msk [tilespmem:v13+s31+$0x0], $0xffff;
	_ =	sdelay $0x1  }
0xa6: {  	s9 =	simm.s32 $0x4;
	v9 =	vbroadcast v9, $0x0  }
0xa7: {  	v14 =	vor.u32 s9, v5  }
0xa8: {  	v13 =	vor.u32 v0, v9  }
0xa9: {  	v11 =	vmul.f32 v12, v11;
	_ =	sdelay $0x1  }
0xaa: {  	[tilespmem:v10+s0+$0x0] =	vst.idx.msk $0xffff, v11  }
0xab: {  	v11 =	vld.idx.msk [tilespmem:v14+s31+$0x0], $0xffff  }
0xac: {  	v10 =	vld.idx.msk [tilespmem:v13+s24+$0x0], $0xffff;
	_ =	sdelay $0x2  }
0xad: {  	v12 =	vadd.s32 v2, v9  }
0xae: {  	v14 =	vor.u32 s9, v7  }
0xaf: {  	v10 =	vmul.f32 v11, v10;
	_ =	sdelay $0x1  }
0xb0: {  	[tilespmem:v13+s0+$0x0] =	vst.idx.msk $0xffff, v10  }
0xb1: {  	v10 =	vld.idx.msk [tilespmem:v12+s24+$0x0], $0xffff  }
0xb2: {  	v11 =	vld.idx.msk [tilespmem:v14+s31+$0x0], $0xffff;
	_ =	sdelay $0x2  }
0xb3: {  	v9 =	vadd.s32 v4, v9  }
0xb4: {  	v13 =	vor.u32 s9, v8  }
0xb5: {  	v10 =	vmul.f32 v11, v10;
	_ =	sdelay $0x1  }
0xb6: {  	s19 =	simm.s32 $0x4;
	[tilespmem:v12+s0+$0x0] =	vst.idx.msk $0xffff, v10  }
0xb7: {  	v10 =	vmov s19;
	v11 =	vld.idx.msk [tilespmem:v9+s24+$0x0], $0xffff  }
0xb8: {  	v10 =	vmul.u32 $0x18, v10;
	v12 =	vld.idx.msk [tilespmem:v13+s31+$0x0], $0xffff;
	_ =	sdelay $0x1  }
0xb9: {  	s20 =	simm.s32 $0x8;
	v10 =	vbroadcast v10, $0x0  }
0xba: {  	v14 =	vor.u32 s20, v1  }
0xbb: {  	v13 =	vor.u32 v0, v10  }
0xbc: {  	v11 =	vmul.f32 v12, v11;
	_ =	sdelay $0x1  }
0xbd: {  	[tilespmem:v9+s0+$0x0] =	vst.idx.msk $0xffff, v11  }
0xbe: {  	v11 =	vld.idx.msk [tilespmem:v14+s31+$0x0], $0xffff  }
0xbf: {  	v9 =	vld.idx.msk [tilespmem:v13+s24+$0x0], $0xffff;
	_ =	sdelay $0x2  }
0xc0: {  	v12 =	vadd.s32 v2, v10  }
0xc1: {  	v14 =	vor.u32 s20, v3  }
0xc2: {  	v9 =	vmul.f32 v11, v9;
	_ =	sdelay $0x1  }
0xc3: {  	[tilespmem:v13+s0+$0x0] =	vst.idx.msk $0xffff, v9  }
0xc4: {  	v9 =	vld.idx.msk [tilespmem:v12+s24+$0x0], $0xffff  }
0xc5: {  	v11 =	vld.idx.msk [tilespmem:v14+s31+$0x0], $0xffff;
	_ =	sdelay $0x2  }
0xc6: {  	v10 =	vadd.s32 v4, v10  }
0xc7: {  	v13 =	vor.u32 s20, v6  }
0xc8: {  	v9 =	vmul.f32 v11, v9;
	_ =	sdelay $0x1  }
0xc9: {  	s8 =	simm.s32 $0x6;
	[tilespmem:v12+s0+$0x0] =	vst.idx.msk $0xffff, v9  }
0xca: {  	v9 =	vmov s8;
	v11 =	vld.idx.msk [tilespmem:v10+s24+$0x0], $0xffff  }
0xcb: {  	v9 =	vmul.u32 $0x18, v9;
	v12 =	vld.idx.msk [tilespmem:v13+s31+$0x0], $0xffff;
	_ =	sdelay $0x1  }
0xcc: {  	s9 =	simm.s32 $0xC;
	v9 =	vbroadcast v9, $0x0  }
0xcd: {  	v14 =	vor.u32 s9, v5  }
0xce: {  	v13 =	vor.u32 v0, v9  }
0xcf: {  	v11 =	vmul.f32 v12, v11;
	_ =	sdelay $0x1  }
0xd0: {  	[tilespmem:v10+s0+$0x0] =	vst.idx.msk $0xffff, v11  }
0xd1: {  	v12 =	vld.idx.msk [tilespmem:v14+s31+$0x0], $0xffff  }
0xd2: {  	v11 =	vld.idx.msk [tilespmem:v13+s24+$0x0], $0xffff;
	_ =	sdelay $0x2  }
0xd3: {  	v10 =	vadd.s32 v2, v9  }
0xd4: {  	v14 =	vor.u32 s9, v7  }
0xd5: {  	v11 =	vmul.f32 v12, v11;
	_ =	sdelay $0x1  }
0xd6: {  	[tilespmem:v13+s0+$0x0] =	vst.idx.msk $0xffff, v11  }
0xd7: {  	v12 =	vld.idx.msk [tilespmem:v10+s24+$0x0], $0xffff  }
0xd8: {  	v13 =	vld.idx.msk [tilespmem:v14+s31+$0x0], $0xffff;
	_ =	sdelay $0x2  }
0xd9: {  	v9 =	vor.u32 v4, v9  }
0xda: {  	v11 =	vor.u32 s9, v8  }
0xdb: {  	s19 =	simm.s32 $0x0;
	v12 =	vmul.f32 v13, v12  }
.LBB2_5:
0xdc: {  	s19 =	sadd.s32 $0x4, s19;
	s9 =	sadd.s32 $0x10, s9;
	s8 =	sadd.s32 $0x8, s8  }
0xdd: {  	p0 =	slt.u32 s19, $0x4C;
	[tilespmem:v10+s0+$0x0] =	vst.idx.msk $0xffff, v12  }
0xde: {  	s20 =	sadd.s32 $0xFFFFFFFA, s8;
	v10 =	vld.idx.msk [tilespmem:v9+s24+$0x0], $0xffff  }
0xdf: {  	v12 =	vmov s20;
	v11 =	vld.idx.msk [tilespmem:v11+s31+$0x0], $0xffff  }
0xe0: {  	v12 =	vmul.u32 $0x18, v12;
	_ =	sdelay $0x1  }
0xe1: {  	s20 =	sadd.s32 $0xFFFFFFF4, s9;
	v12 =	vbroadcast v12, $0x0  }
0xe2: {  	v13 =	vor.u32 s20, v1  }
0xe3: {  	v14 =	vor.u32 v0, v12  }
0xe4: {  	v10 =	vmul.f32 v11, v10;
	_ =	sdelay $0x1  }
0xe5: {  	[tilespmem:v9+s0+$0x0] =	vst.idx.msk $0xffff, v10  }
0xe6: {  	v9 =	vld.idx.msk [tilespmem:v13+s31+$0x0], $0xffff  }
0xe7: {  	v10 =	vld.idx.msk [tilespmem:v14+s24+$0x0], $0xffff;
	_ =	sdelay $0x3  }
0xe8: {  	v11 =	vadd.s32 v2, v12;
	v13 =	vor.u32 s20, v3;
	_ =	sdelay $0x1  }
0xe9: {  	v9 =	vmul.f32 v9, v10;
	_ =	sdelay $0x1  }
0xea: {  	[tilespmem:v14+s0+$0x0] =	vst.idx.msk $0xffff, v9  }
0xeb: {  	v9 =	vld.idx.msk [tilespmem:v11+s24+$0x0], $0xffff  }
0xec: {  	v10 =	vld.idx.msk [tilespmem:v13+s31+$0x0], $0xffff;
	_ =	sdelay $0x3  }
0xed: {  	v12 =	vadd.s32 v4, v12;
	v13 =	vor.u32 s20, v6;
	_ =	sdelay $0x1  }
0xee: {  	v9 =	vmul.f32 v10, v9;
	_ =	sdelay $0x1  }
0xef: {  	s20 =	sadd.s32 $0xFFFFFFFC, s8;
	[tilespmem:v11+s0+$0x0] =	vst.idx.msk $0xffff, v9  }
0xf0: {  	v10 =	vmov s20;
	v9 =	vld.idx.msk [tilespmem:v12+s24+$0x0], $0xffff  }
0xf1: {  	v10 =	vmul.u32 $0x18, v10;
	v11 =	vld.idx.msk [tilespmem:v13+s31+$0x0], $0xffff;
	_ =	sdelay $0x1  }
0xf2: {  	v10 =	vbroadcast v10, $0x0  }
0xf3: {  	s20 =	sadd.s32 $0xFFFFFFF8, s9  }
0xf4: {  	v14 =	vor.u32 s20, v5;
	v13 =	vor.u32 v0, v10;
	_ =	sdelay $0x1  }
0xf5: {  	v9 =	vmul.f32 v11, v9;
	_ =	sdelay $0x1  }
0xf6: {  	[tilespmem:v12+s0+$0x0] =	vst.idx.msk $0xffff, v9  }
0xf7: {  	v9 =	vld.idx.msk [tilespmem:v13+s24+$0x0], $0xffff  }
0xf8: {  	v11 =	vld.idx.msk [tilespmem:v14+s31+$0x0], $0xffff;
	_ =	sdelay $0x3  }
0xf9: {  	v12 =	vadd.s32 v2, v10;
	v14 =	vor.u32 s20, v7;
	_ =	sdelay $0x1  }
0xfa: {  	v9 =	vmul.f32 v11, v9;
	_ =	sdelay $0x1  }
0xfb: {  	[tilespmem:v13+s0+$0x0] =	vst.idx.msk $0xffff, v9  }
0xfc: {  	v9 =	vld.idx.msk [tilespmem:v12+s24+$0x0], $0xffff  }
0xfd: {  	v11 =	vld.idx.msk [tilespmem:v14+s31+$0x0], $0xffff;
	_ =	sdelay $0x3  }
0xfe: {  	v10 =	vadd.s32 v4, v10;
	v13 =	vor.u32 s20, v8;
	_ =	sdelay $0x1  }
0xff: {  	v9 =	vmul.f32 v11, v9;
	_ =	sdelay $0x1  }
0x100: {  	s20 =	sadd.s32 $0xFFFFFFFE, s8;
	[tilespmem:v12+s0+$0x0] =	vst.idx.msk $0xffff, v9  }
0x101: {  	v11 =	vmov s20;
	v9 =	vld.idx.msk [tilespmem:v10+s24+$0x0], $0xffff  }
0x102: {  	v11 =	vmul.u32 $0x18, v11;
	v12 =	vld.idx.msk [tilespmem:v13+s31+$0x0], $0xffff;
	_ =	sdelay $0x1  }
0x103: {  	v11 =	vbroadcast v11, $0x0  }
0x104: {  	s20 =	sadd.s32 $0xFFFFFFFC, s9  }
0x105: {  	v14 =	vor.u32 s20, v1;
	v13 =	vor.u32 v0, v11;
	_ =	sdelay $0x1  }
0x106: {  	v9 =	vmul.f32 v12, v9;
	_ =	sdelay $0x1  }
0x107: {  	[tilespmem:v10+s0+$0x0] =	vst.idx.msk $0xffff, v9  }
0x108: {  	v9 =	vld.idx.msk [tilespmem:v13+s24+$0x0], $0xffff  }
0x109: {  	v10 =	vld.idx.msk [tilespmem:v14+s31+$0x0], $0xffff;
	_ =	sdelay $0x3  }
0x10a: {  	v12 =	vadd.s32 v2, v11;
	v14 =	vor.u32 s20, v3;
	_ =	sdelay $0x1  }
0x10b: {  	v9 =	vmul.f32 v10, v9;
	_ =	sdelay $0x1  }
0x10c: {  	[tilespmem:v13+s0+$0x0] =	vst.idx.msk $0xffff, v9  }
0x10d: {  	v9 =	vld.idx.msk [tilespmem:v12+s24+$0x0], $0xffff  }
0x10e: {  	v10 =	vld.idx.msk [tilespmem:v14+s31+$0x0], $0xffff;
	_ =	sdelay $0x3  }
0x10f: {  	v11 =	vadd.s32 v4, v11;
	v13 =	vor.u32 s20, v6;
	_ =	sdelay $0x1  }
0x110: {  	v9 =	vmul.f32 v10, v9;
	_ =	sdelay $0x1  }
0x111: {  	[tilespmem:v12+s0+$0x0] =	vst.idx.msk $0xffff, v9  }
0x112: {  	v10 =	vmov s8;
	v9 =	vld.idx.msk [tilespmem:v11+s24+$0x0], $0xffff  }
0x113: {  	v10 =	vmul.u32 $0x18, v10;
	v12 =	vld.idx.msk [tilespmem:v13+s31+$0x0], $0xffff;
	_ =	sdelay $0x1  }
0x114: {  	v13 =	vbroadcast v10, $0x0;
	_ =	sdelay $0x1  }
0x115: {  	v10 =	vor.u32 s9, v5;
	v14 =	vor.u32 v0, v13;
	_ =	sdelay $0x1  }
0x116: {  	v9 =	vmul.f32 v12, v9;
	_ =	sdelay $0x1  }
0x117: {  	[tilespmem:v11+s0+$0x0] =	vst.idx.msk $0xffff, v9  }
0x118: {  	v9 =	vld.idx.msk [tilespmem:v14+s24+$0x0], $0xffff  }
0x119: {  	v11 =	vld.idx.msk [tilespmem:v10+s31+$0x0], $0xffff;
	_ =	sdelay $0x3  }
0x11a: {  	v12 =	vor.u32 s9, v7;
	v10 =	vadd.s32 v2, v13;
	_ =	sdelay $0x1  }
0x11b: {  	v9 =	vmul.f32 v11, v9;
	_ =	sdelay $0x1  }
0x11c: {  	[tilespmem:v14+s0+$0x0] =	vst.idx.msk $0xffff, v9  }
0x11d: {  	v14 =	vld.idx.msk [tilespmem:v10+s24+$0x0], $0xffff  }
0x11e: {  	v12 =	vld.idx.msk [tilespmem:v12+s31+$0x0], $0xffff;
	_ =	sdelay $0x1  }
.Ltmp1:
0x11f: {  	(pc) =	sbr.rel @p0 .LBB2_5-.Ltmp1, $3  }
0x120: {  	_ = 	snop  }
0x121: {  	v11 =	vor.u32 s9, v8;
	v9 =	vor.u32 v4, v13;
	_ =	sdelay $0x1  }
0x122: {  	s20 =	simm.s32 $0x0;
	v12 =	vmul.f32 v12, v14  }
0x123: {  	_ =	sdelay $0x3  }
0x124: {  	[tilespmem:v10+s0+$0x0] =	vst.idx.msk $0xffff, v12  }
0x125: {  	v10 =	vld.idx.msk [tilespmem:v9+s24+$0x0], $0xffff  }
0x126: {  	v11 =	vld.idx.msk [tilespmem:v11+s31+$0x0], $0xffff;
	_ =	sdelay $0x1  }
0x127: {  	v12 =	vor.u32 s20, v0  }
0x128: {  	v13 =	vshll.u32 v12, $0x1  }
0x129: {  	v14 =	vor.u32 $0x1, v13  }
0x12a: {  	v10 =	vmul.f32 v11, v10  }
0x12b: {  	v15 =	vmul.u32 $0x18, v12  }
0x12c: {  	[tilespmem:v9+s0+$0x0] =	vst.idx.msk $0xffff, v10  }
0x12d: {  	s8 =	simm.s32 $0x10;
	v12 =	vadd.s32 $0x14, v15;
	v10 =	vld.idx.msk [tilespmem:v13+s31+$0x0], $0xffff  }
0x12e: {  	v11 =	vor.u32 s8, v0;
	s8 =	simm.s32 $0x20;
	v9 =	vld.idx.msk [tilespmem:v14+s31+$0x0], $0xffff;
	v13 =	vadd.s32 $0x15, v15  }
.LBB2_7:
0x12f: {  	p0 =	sne.s32 s8, $0x90;
	v14 =	vshll.u32 v11, $0x1  }
0x130: {  	v15 =	vor.u32 $0x1, v14;
	_ =	sdelay $0x1  }
.Ltmp2:
0x131: {  	[tilespmem:v12+s0+$0x0] =	vst.idx.msk $0xffff, v10;
	(pc) =	sbr.rel @p0 .LBB2_7-.Ltmp2, $4  }
0x132: {  	v16 =	vmul.u32 $0x18, v11;
	[tilespmem:v13+s0+$0x0] =	vst.idx.msk $0xffff, v9  }
0x133: {  	v10 =	vld.idx.msk [tilespmem:v14+s31+$0x0], $0xffff  }
0x134: {  	v12 =	vadd.s32 $0x14, v16;
	v9 =	vld.idx.msk [tilespmem:v15+s31+$0x0], $0xffff  }
0x135: {  	v11 =	vor.u32 s8, v0;
	s8 =	sadd.s32 $0x10, s8;
	v13 =	vadd.s32 $0x15, v16  }
0x136: {  	_ = 	snop  }
0x137: {  	v14 =	vshll.u32 v11, $0x1  }
0x138: {  	v15 =	vor.u32 $0x1, v14;
	_ =	sdelay $0x1  }
0x139: {  	[tilespmem:v12+s0+$0x0] =	vst.idx.msk $0xffff, v10;
	v10 =	vmul.u32 $0x18, v11  }
0x13a: {  	[tilespmem:v13+s0+$0x0] =	vst.idx.msk $0xffff, v9  }
0x13b: {  	v11 =	vadd.s32 $0x14, v10;
	v9 =	vld.idx.msk [tilespmem:v14+s31+$0x0], $0xffff  }
0x13c: {  	v10 =	vadd.s32 $0x15, v10;
	v12 =	vld.idx.msk [tilespmem:v15+s31+$0x0], $0xffff;
	_ =	sdelay $0x3  }
0x13d: {  	[tilespmem:v11+s0+$0x0] =	vst.idx.msk $0xffff, v9  }
0x13e: {  	[tilespmem:v10+s0+$0x0] =	vst.idx.msk $0xffff, v12  }
0x13f: {  	[spmem:s5] =	stream.indirect.scatter.add.f32 [tilespmem:s0], [sflag:$0x5], $0x18, s1, s22, $0xb8;
	[tilespmem:$0x1F360] =	vst v63  }
0x140: {  	s8 =	simm.s32 $0x460  }
0x141: {  	[tilespmem:s23], [sflag:$0x1] =	stream.indirect.gather [spmem:s4], $0x8, s8, s22, $0xb8;
	[tilespmem:$0x1F360] =	vst v63  }
0x142: {  	s9 =	simm.s32 $0x140  }
0x143: {  	[tilespmem:s24], [sflag:$0x3] =	stream.indirect.gather [spmem:s3], $0x18, s9, s22, $0xb8;
	[tilespmem:$0x1F360] =	vst v63  }
0x144: {  	_ =	swait.ge [sflag:s11], $0x500  }
0x145: {  	[sflag:s11] =	ssyncset.done $0x0  }
0x146: {  	[sflag:s11] =	ssyncadd.s32 $0xFFFFFB00  }
0x147: {  	_ =	swait.ge [sflag:s15], $0xF00  }
0x148: {  	[sflag:s15] =	ssyncset.done $0x0  }
0x149: {  	[sflag:s15] =	ssyncadd.s32 $0xFFFFF100  }
0x14a: {  	v9 =	vld [tilespmem:$0x3C0]  }
0x14b: {  	v10 =	vld [tilespmem:$0x3D0]  }
0x14c: {  	v11 =	vld [tilespmem:$0x3E0]  }
0x14d: {  	v12 =	vld [tilespmem:$0x3F0]  }
0x14e: {  	v13 =	vld [tilespmem:$0x400]  }
0x14f: {  	[tilespmem:$0x6E0] =	vst v9;
	v9 =	vld [tilespmem:$0x410]  }
0x150: {  	[tilespmem:$0x6F0] =	vst v10;
	v10 =	vld [tilespmem:$0x420]  }
0x151: {  	s19 =	simm.s32 $0x0;
	[tilespmem:$0x700] =	vst v11;
	v11 =	vld [tilespmem:$0x430]  }
0x152: {  	v14 =	vor.u32 s19, v0;
	[tilespmem:$0x710] =	vst v12;
	v12 =	vld [tilespmem:$0x440]  }
0x153: {  	v15 =	vshll.u32 v14, $0x3;
	[tilespmem:$0x720] =	vst v13;
	v13 =	vld [tilespmem:$0x450]  }
0x154: {  	v16 =	vor.u32 $0x1, v15;
	[tilespmem:$0x730] =	vst v9;
	v9 =	vmul.u32 $0x18, v14  }
0x155: {  	[tilespmem:$0x740] =	vst v10  }
0x156: {  	[tilespmem:$0x750] =	vst v11;
	v10 =	vadd.s32 $0x14, v9  }
0x157: {  	[tilespmem:$0x760] =	vst v12;
	v9 =	vadd.s32 $0x15, v9  }
0x158: {  	[tilespmem:$0x770] =	vst v13  }
0x159: {  	v11 =	vld.idx.msk [tilespmem:v16+s26+$0x0], $0xffff  }
0x15a: {  	v12 =	vld.idx.msk [tilespmem:v15+s26+$0x0], $0xffff  }
0x15b: {  	v10 =	vld.idx.msk [tilespmem:v10+s28+$0x0], $0xffff  }
0x15c: {  	v9 =	vld.idx.msk [tilespmem:v9+s28+$0x0], $0xffff;
	_ =	sdelay $0x3  }
0x15d: {  	v10 =	vadd.f32 v12, v10  }
0x15e: {  	v9 =	vadd.f32 v11, v9  }
0x15f: {  	v11 =	vmul.f32 $2.000000030e-01, v10  }
0x160: {  	v12 =	vmul.f32 $2.000000030e-01, v9  }
0x161: {  	v10 =	vmax.f32 v10, v11  }
0x162: {  	v9 =	vmax.f32 v9, v12;
	v10 =	vmul.f32 $1.442695020e+00, v10  }
0x163: {  	v11 =	vmul.f32 $1.442695020e+00, v9  }
0x164: {  	(erf) = vpow2.f32 v10  }
0x165: {  	(erf) = vpow2.f32 v11;
	_ =	sdelay $0x2  }
0x166: {  	s20 =	simm.s32 $0x10  }
0x167: {  	v9 =	vor.u32 s20, v0;
	v11 =	vshll.u32 v14, $0x1  }
0x168: {  	v10 =	vshll.u32 v9, $0x3;
	v12 =	vor.u32 $0x1, v11  }
0x169: {  	s8 =	simm.s32 $0x20;
	v14 =	vmul.u32 $0x18, v9;
	v13 =	vor.u32 $0x1, v10  }
.LBB2_9:
0x16a: {  	p0 =	sne.s32 s8, $0x90  }
0x16b: {  	v15 =	vadd.s32 $0x14, v14;
	v16 =	vpop (erf)  }
0x16c: {  	v14 =	vadd.s32 $0x15, v14;
	[tilespmem:v11+s31+$0x0] =	vst.idx.msk $0xffff, v16;
	v11 =	vpop (erf)  }
0x16d: {  	[tilespmem:v12+s31+$0x0] =	vst.idx.msk $0xffff, v11  }
0x16e: {  	v11 =	vld.idx.msk [tilespmem:v13+s26+$0x0], $0xffff  }
0x16f: {  	v10 =	vld.idx.msk [tilespmem:v10+s26+$0x0], $0xffff  }
0x170: {  	v12 =	vld.idx.msk [tilespmem:v15+s28+$0x0], $0xffff  }
0x171: {  	v13 =	vld.idx.msk [tilespmem:v14+s28+$0x0], $0xffff;
	_ =	sdelay $0x4  }
0x172: {  	v10 =	vadd.f32 v10, v12  }
0x173: {  	v11 =	vadd.f32 v11, v13  }
0x174: {  	v12 =	vmul.f32 $2.000000030e-01, v10  }
0x175: {  	v13 =	vmul.f32 $2.000000030e-01, v11  }
0x176: {  	v10 =	vmax.f32 v10, v12  }
0x177: {  	v10 =	vmul.f32 $1.442695020e+00, v10;
	v11 =	vmax.f32 v11, v13  }
0x178: {  	v11 =	vmul.f32 $1.442695020e+00, v11  }
0x179: {  	(erf) = vpow2.f32 v10  }
0x17a: {  	(erf) = vpow2.f32 v11;
	_ =	sdelay $0x1  }
.Ltmp3:
0x17b: {  	(pc) =	sbr.rel @p0 .LBB2_9-.Ltmp3, $4  }
0x17c: {  	_ = 	snop  }
0x17d: {  	v11 =	vshll.u32 v9, $0x1;
	v9 =	vor.u32 s8, v0  }
0x17e: {  	v10 =	vshll.u32 v9, $0x3;
	v12 =	vor.u32 $0x1, v11  }
0x17f: {  	s8 =	sadd.s32 $0x10, s8;
	v14 =	vmul.u32 $0x18, v9;
	v13 =	vor.u32 $0x1, v10  }
0x180: {  	_ =	sdelay $0x2  }
0x181: {  	v15 =	vadd.s32 $0x14, v14;
	v16 =	vpop (erf)  }
0x182: {  	v14 =	vadd.s32 $0x15, v14;
	[tilespmem:v11+s31+$0x0] =	vst.idx.msk $0xffff, v16;
	v11 =	vpop (erf)  }
0x183: {  	[tilespmem:v12+s31+$0x0] =	vst.idx.msk $0xffff, v11  }
0x184: {  	v11 =	vld.idx.msk [tilespmem:v13+s26+$0x0], $0xffff  }
0x185: {  	v10 =	vld.idx.msk [tilespmem:v10+s26+$0x0], $0xffff  }
0x186: {  	v12 =	vld.idx.msk [tilespmem:v15+s28+$0x0], $0xffff  }
0x187: {  	v13 =	vld.idx.msk [tilespmem:v14+s28+$0x0], $0xffff;
	_ =	sdelay $0x3  }
0x188: {  	v10 =	vadd.f32 v10, v12  }
0x189: {  	v11 =	vadd.f32 v11, v13  }
0x18a: {  	v12 =	vmul.f32 $2.000000030e-01, v10  }
0x18b: {  	v13 =	vmul.f32 $2.000000030e-01, v11  }
0x18c: {  	v10 =	vmax.f32 v10, v12  }
0x18d: {  	v11 =	vmax.f32 v11, v13;
	v10 =	vmul.f32 $1.442695020e+00, v10  }
0x18e: {  	v11 =	vmul.f32 $1.442695020e+00, v11  }
0x18f: {  	(erf) = vpow2.f32 v10  }
0x190: {  	(erf) = vpow2.f32 v11  }
0x191: {  	s8 =	simm.s32 $0x0  }
0x192: {  	v10 =	vmov s8  }
0x193: {  	v10 =	vmul.u32 $0x18, v10  }
0x194: {  	v9 =	vshll.u32 v9, $0x1  }
0x195: {  	s19 =	simm.s32 $0x0;
	v11 =	vor.u32 $0x1, v9;
	v10 =	vbroadcast v10, $0x0  }
0x196: {  	v12 =	vor.u32 s19, v1  }
0x197: {  	v13 =	vor.u32 v0, v10  }
0x198: {  	v14 =	vpop (erf)  }
0x199: {  	[tilespmem:v9+s31+$0x0] =	vst.idx.msk $0xffff, v14;
	v9 =	vpop (erf)  }
0x19a: {  	[tilespmem:v11+s31+$0x0] =	vst.idx.msk $0xffff, v9  }
0x19b: {  	v9 =	vld.idx.msk [tilespmem:v12+s31+$0x0], $0xffff  }
0x19c: {  	v11 =	vld.idx.msk [tilespmem:v13+s28+$0x0], $0xffff;
	_ =	sdelay $0x2  }
0x19d: {  	v12 =	vadd.s32 v2, v10  }
0x19e: {  	v14 =	vor.u32 s19, v3  }
0x19f: {  	v9 =	vmul.f32 v9, v11;
	_ =	sdelay $0x1  }
0x1a0: {  	[tilespmem:v13+s16+$0x0] =	vst.idx.msk $0xffff, v9  }
0x1a1: {  	v9 =	vld.idx.msk [tilespmem:v12+s28+$0x0], $0xffff  }
0x1a2: {  	v11 =	vld.idx.msk [tilespmem:v14+s31+$0x0], $0xffff;
	_ =	sdelay $0x2  }
0x1a3: {  	v10 =	vadd.s32 v4, v10  }
0x1a4: {  	v13 =	vor.u32 s19, v6  }
0x1a5: {  	v9 =	vmul.f32 v11, v9;
	_ =	sdelay $0x1  }
0x1a6: {  	s20 =	simm.s32 $0x2;
	[tilespmem:v12+s16+$0x0] =	vst.idx.msk $0xffff, v9  }
0x1a7: {  	v9 =	vmov s20;
	v11 =	vld.idx.msk [tilespmem:v10+s28+$0x0], $0xffff  }
0x1a8: {  	v9 =	vmul.u32 $0x18, v9;
	v12 =	vld.idx.msk [tilespmem:v13+s31+$0x0], $0xffff;
	_ =	sdelay $0x1  }
0x1a9: {  	s9 =	simm.s32 $0x4;
	v9 =	vbroadcast v9, $0x0  }
0x1aa: {  	v14 =	vor.u32 s9, v5  }
0x1ab: {  	v13 =	vor.u32 v0, v9  }
0x1ac: {  	v11 =	vmul.f32 v12, v11;
	_ =	sdelay $0x1  }
0x1ad: {  	[tilespmem:v10+s16+$0x0] =	vst.idx.msk $0xffff, v11  }
0x1ae: {  	v11 =	vld.idx.msk [tilespmem:v14+s31+$0x0], $0xffff  }
0x1af: {  	v10 =	vld.idx.msk [tilespmem:v13+s28+$0x0], $0xffff;
	_ =	sdelay $0x2  }
0x1b0: {  	v12 =	vadd.s32 v2, v9  }
0x1b1: {  	v14 =	vor.u32 s9, v7  }
0x1b2: {  	v10 =	vmul.f32 v11, v10;
	_ =	sdelay $0x1  }
0x1b3: {  	[tilespmem:v13+s16+$0x0] =	vst.idx.msk $0xffff, v10  }
0x1b4: {  	v10 =	vld.idx.msk [tilespmem:v12+s28+$0x0], $0xffff  }
0x1b5: {  	v11 =	vld.idx.msk [tilespmem:v14+s31+$0x0], $0xffff;
	_ =	sdelay $0x2  }
0x1b6: {  	v9 =	vadd.s32 v4, v9  }
0x1b7: {  	v13 =	vor.u32 s9, v8  }
0x1b8: {  	v10 =	vmul.f32 v11, v10;
	_ =	sdelay $0x1  }
0x1b9: {  	s19 =	simm.s32 $0x4;
	[tilespmem:v12+s16+$0x0] =	vst.idx.msk $0xffff, v10  }
0x1ba: {  	v10 =	vmov s19;
	v11 =	vld.idx.msk [tilespmem:v9+s28+$0x0], $0xffff  }
0x1bb: {  	v10 =	vmul.u32 $0x18, v10;
	v12 =	vld.idx.msk [tilespmem:v13+s31+$0x0], $0xffff;
	_ =	sdelay $0x1  }
0x1bc: {  	s20 =	simm.s32 $0x8;
	v10 =	vbroadcast v10, $0x0  }
0x1bd: {  	v14 =	vor.u32 s20, v1  }
0x1be: {  	v13 =	vor.u32 v0, v10  }
0x1bf: {  	v11 =	vmul.f32 v12, v11;
	_ =	sdelay $0x1  }
0x1c0: {  	[tilespmem:v9+s16+$0x0] =	vst.idx.msk $0xffff, v11  }
0x1c1: {  	v11 =	vld.idx.msk [tilespmem:v14+s31+$0x0], $0xffff  }
0x1c2: {  	v9 =	vld.idx.msk [tilespmem:v13+s28+$0x0], $0xffff;
	_ =	sdelay $0x2  }
0x1c3: {  	v12 =	vadd.s32 v2, v10  }
0x1c4: {  	v14 =	vor.u32 s20, v3  }
0x1c5: {  	v9 =	vmul.f32 v11, v9;
	_ =	sdelay $0x1  }
0x1c6: {  	[tilespmem:v13+s16+$0x0] =	vst.idx.msk $0xffff, v9  }
0x1c7: {  	v9 =	vld.idx.msk [tilespmem:v12+s28+$0x0], $0xffff  }
0x1c8: {  	v11 =	vld.idx.msk [tilespmem:v14+s31+$0x0], $0xffff;
	_ =	sdelay $0x2  }
0x1c9: {  	v10 =	vadd.s32 v4, v10  }
0x1ca: {  	v13 =	vor.u32 s20, v6  }
0x1cb: {  	v9 =	vmul.f32 v11, v9;
	_ =	sdelay $0x1  }
0x1cc: {  	s8 =	simm.s32 $0x6;
	[tilespmem:v12+s16+$0x0] =	vst.idx.msk $0xffff, v9  }
0x1cd: {  	v9 =	vmov s8;
	v11 =	vld.idx.msk [tilespmem:v10+s28+$0x0], $0xffff  }
0x1ce: {  	v9 =	vmul.u32 $0x18, v9;
	v12 =	vld.idx.msk [tilespmem:v13+s31+$0x0], $0xffff;
	_ =	sdelay $0x1  }
0x1cf: {  	s9 =	simm.s32 $0xC;
	v9 =	vbroadcast v9, $0x0  }
0x1d0: {  	v14 =	vor.u32 s9, v5  }
0x1d1: {  	v13 =	vor.u32 v0, v9  }
0x1d2: {  	v11 =	vmul.f32 v12, v11;
	_ =	sdelay $0x1  }
0x1d3: {  	[tilespmem:v10+s16+$0x0] =	vst.idx.msk $0xffff, v11  }
0x1d4: {  	v12 =	vld.idx.msk [tilespmem:v14+s31+$0x0], $0xffff  }
0x1d5: {  	v11 =	vld.idx.msk [tilespmem:v13+s28+$0x0], $0xffff;
	_ =	sdelay $0x2  }
0x1d6: {  	v10 =	vadd.s32 v2, v9  }
0x1d7: {  	v14 =	vor.u32 s9, v7  }
0x1d8: {  	v11 =	vmul.f32 v12, v11;
	_ =	sdelay $0x1  }
0x1d9: {  	[tilespmem:v13+s16+$0x0] =	vst.idx.msk $0xffff, v11  }
0x1da: {  	v12 =	vld.idx.msk [tilespmem:v10+s28+$0x0], $0xffff  }
0x1db: {  	v13 =	vld.idx.msk [tilespmem:v14+s31+$0x0], $0xffff;
	_ =	sdelay $0x2  }
0x1dc: {  	v9 =	vor.u32 v4, v9  }
0x1dd: {  	v11 =	vor.u32 s9, v8  }
0x1de: {  	s19 =	simm.s32 $0x0;
	v12 =	vmul.f32 v13, v12  }
.LBB2_11:
0x1df: {  	s19 =	sadd.s32 $0x4, s19;
	s9 =	sadd.s32 $0x10, s9;
	s8 =	sadd.s32 $0x8, s8  }
0x1e0: {  	p0 =	slt.u32 s19, $0x4C;
	[tilespmem:v10+s16+$0x0] =	vst.idx.msk $0xffff, v12  }
0x1e1: {  	s20 =	sadd.s32 $0xFFFFFFFA, s8;
	v10 =	vld.idx.msk [tilespmem:v9+s28+$0x0], $0xffff  }
0x1e2: {  	v12 =	vmov s20;
	v11 =	vld.idx.msk [tilespmem:v11+s31+$0x0], $0xffff  }
0x1e3: {  	v12 =	vmul.u32 $0x18, v12;
	_ =	sdelay $0x1  }
0x1e4: {  	s20 =	sadd.s32 $0xFFFFFFF4, s9;
	v12 =	vbroadcast v12, $0x0  }
0x1e5: {  	v13 =	vor.u32 s20, v1  }
0x1e6: {  	v14 =	vor.u32 v0, v12  }
0x1e7: {  	v10 =	vmul.f32 v11, v10;
	_ =	sdelay $0x1  }
0x1e8: {  	[tilespmem:v9+s16+$0x0] =	vst.idx.msk $0xffff, v10  }
0x1e9: {  	v9 =	vld.idx.msk [tilespmem:v13+s31+$0x0], $0xffff  }
0x1ea: {  	v10 =	vld.idx.msk [tilespmem:v14+s28+$0x0], $0xffff;
	_ =	sdelay $0x3  }
0x1eb: {  	v11 =	vadd.s32 v2, v12;
	v13 =	vor.u32 s20, v3;
	_ =	sdelay $0x1  }
0x1ec: {  	v9 =	vmul.f32 v9, v10;
	_ =	sdelay $0x1  }
0x1ed: {  	[tilespmem:v14+s16+$0x0] =	vst.idx.msk $0xffff, v9  }
0x1ee: {  	v9 =	vld.idx.msk [tilespmem:v11+s28+$0x0], $0xffff  }
0x1ef: {  	v10 =	vld.idx.msk [tilespmem:v13+s31+$0x0], $0xffff;
	_ =	sdelay $0x3  }
0x1f0: {  	v12 =	vadd.s32 v4, v12;
	v13 =	vor.u32 s20, v6;
	_ =	sdelay $0x1  }
0x1f1: {  	v9 =	vmul.f32 v10, v9;
	_ =	sdelay $0x1  }
0x1f2: {  	s20 =	sadd.s32 $0xFFFFFFFC, s8;
	[tilespmem:v11+s16+$0x0] =	vst.idx.msk $0xffff, v9  }
0x1f3: {  	v10 =	vmov s20;
	v9 =	vld.idx.msk [tilespmem:v12+s28+$0x0], $0xffff  }
0x1f4: {  	v10 =	vmul.u32 $0x18, v10;
	v11 =	vld.idx.msk [tilespmem:v13+s31+$0x0], $0xffff;
	_ =	sdelay $0x1  }
0x1f5: {  	v10 =	vbroadcast v10, $0x0  }
0x1f6: {  	s20 =	sadd.s32 $0xFFFFFFF8, s9  }
0x1f7: {  	v14 =	vor.u32 s20, v5;
	v13 =	vor.u32 v0, v10;
	_ =	sdelay $0x1  }
0x1f8: {  	v9 =	vmul.f32 v11, v9;
	_ =	sdelay $0x1  }
0x1f9: {  	[tilespmem:v12+s16+$0x0] =	vst.idx.msk $0xffff, v9  }
0x1fa: {  	v9 =	vld.idx.msk [tilespmem:v13+s28+$0x0], $0xffff  }
0x1fb: {  	v11 =	vld.idx.msk [tilespmem:v14+s31+$0x0], $0xffff;
	_ =	sdelay $0x3  }
0x1fc: {  	v12 =	vadd.s32 v2, v10;
	v14 =	vor.u32 s20, v7;
	_ =	sdelay $0x1  }
0x1fd: {  	v9 =	vmul.f32 v11, v9;
	_ =	sdelay $0x1  }
0x1fe: {  	[tilespmem:v13+s16+$0x0] =	vst.idx.msk $0xffff, v9  }
0x1ff: {  	v9 =	vld.idx.msk [tilespmem:v12+s28+$0x0], $0xffff  }
0x200: {  	v11 =	vld.idx.msk [tilespmem:v14+s31+$0x0], $0xffff;
	_ =	sdelay $0x3  }
0x201: {  	v10 =	vadd.s32 v4, v10;
	v13 =	vor.u32 s20, v8;
	_ =	sdelay $0x1  }
0x202: {  	v9 =	vmul.f32 v11, v9;
	_ =	sdelay $0x1  }
0x203: {  	s20 =	sadd.s32 $0xFFFFFFFE, s8;
	[tilespmem:v12+s16+$0x0] =	vst.idx.msk $0xffff, v9  }
0x204: {  	v11 =	vmov s20;
	v9 =	vld.idx.msk [tilespmem:v10+s28+$0x0], $0xffff  }
0x205: {  	v11 =	vmul.u32 $0x18, v11;
	v12 =	vld.idx.msk [tilespmem:v13+s31+$0x0], $0xffff;
	_ =	sdelay $0x1  }
0x206: {  	v11 =	vbroadcast v11, $0x0  }
0x207: {  	s20 =	sadd.s32 $0xFFFFFFFC, s9  }
0x208: {  	v14 =	vor.u32 s20, v1;
	v13 =	vor.u32 v0, v11;
	_ =	sdelay $0x1  }
0x209: {  	v9 =	vmul.f32 v12, v9;
	_ =	sdelay $0x1  }
0x20a: {  	[tilespmem:v10+s16+$0x0] =	vst.idx.msk $0xffff, v9  }
0x20b: {  	v9 =	vld.idx.msk [tilespmem:v13+s28+$0x0], $0xffff  }
0x20c: {  	v10 =	vld.idx.msk [tilespmem:v14+s31+$0x0], $0xffff;
	_ =	sdelay $0x3  }
0x20d: {  	v12 =	vadd.s32 v2, v11;
	v14 =	vor.u32 s20, v3;
	_ =	sdelay $0x1  }
0x20e: {  	v9 =	vmul.f32 v10, v9;
	_ =	sdelay $0x1  }
0x20f: {  	[tilespmem:v13+s16+$0x0] =	vst.idx.msk $0xffff, v9  }
0x210: {  	v9 =	vld.idx.msk [tilespmem:v12+s28+$0x0], $0xffff  }
0x211: {  	v10 =	vld.idx.msk [tilespmem:v14+s31+$0x0], $0xffff;
	_ =	sdelay $0x3  }
0x212: {  	v11 =	vadd.s32 v4, v11;
	v13 =	vor.u32 s20, v6;
	_ =	sdelay $0x1  }
0x213: {  	v9 =	vmul.f32 v10, v9;
	_ =	sdelay $0x1  }
0x214: {  	[tilespmem:v12+s16+$0x0] =	vst.idx.msk $0xffff, v9  }
0x215: {  	v10 =	vmov s8;
	v9 =	vld.idx.msk [tilespmem:v11+s28+$0x0], $0xffff  }
0x216: {  	v10 =	vmul.u32 $0x18, v10;
	v12 =	vld.idx.msk [tilespmem:v13+s31+$0x0], $0xffff;
	_ =	sdelay $0x1  }
0x217: {  	v13 =	vbroadcast v10, $0x0;
	_ =	sdelay $0x1  }
0x218: {  	v10 =	vor.u32 s9, v5;
	v14 =	vor.u32 v0, v13;
	_ =	sdelay $0x1  }
0x219: {  	v9 =	vmul.f32 v12, v9;
	_ =	sdelay $0x1  }
0x21a: {  	[tilespmem:v11+s16+$0x0] =	vst.idx.msk $0xffff, v9  }
0x21b: {  	v9 =	vld.idx.msk [tilespmem:v14+s28+$0x0], $0xffff  }
0x21c: {  	v11 =	vld.idx.msk [tilespmem:v10+s31+$0x0], $0xffff;
	_ =	sdelay $0x3  }
0x21d: {  	v12 =	vor.u32 s9, v7;
	v10 =	vadd.s32 v2, v13;
	_ =	sdelay $0x1  }
0x21e: {  	v9 =	vmul.f32 v11, v9;
	_ =	sdelay $0x1  }
0x21f: {  	[tilespmem:v14+s16+$0x0] =	vst.idx.msk $0xffff, v9  }
0x220: {  	v14 =	vld.idx.msk [tilespmem:v10+s28+$0x0], $0xffff  }
0x221: {  	v12 =	vld.idx.msk [tilespmem:v12+s31+$0x0], $0xffff;
	_ =	sdelay $0x1  }
.Ltmp4:
0x222: {  	(pc) =	sbr.rel @p0 .LBB2_11-.Ltmp4, $3  }
0x223: {  	_ = 	snop  }
0x224: {  	v11 =	vor.u32 s9, v8;
	v9 =	vor.u32 v4, v13;
	_ =	sdelay $0x1  }
0x225: {  	s20 =	simm.s32 $0x0;
	v12 =	vmul.f32 v12, v14  }
0x226: {  	_ =	sdelay $0x3  }
0x227: {  	[tilespmem:v10+s16+$0x0] =	vst.idx.msk $0xffff, v12  }
0x228: {  	v10 =	vld.idx.msk [tilespmem:v9+s28+$0x0], $0xffff  }
0x229: {  	v11 =	vld.idx.msk [tilespmem:v11+s31+$0x0], $0xffff;
	_ =	sdelay $0x1  }
0x22a: {  	v12 =	vor.u32 s20, v0  }
0x22b: {  	v13 =	vshll.u32 v12, $0x1  }
0x22c: {  	v14 =	vor.u32 $0x1, v13  }
0x22d: {  	v10 =	vmul.f32 v11, v10  }
0x22e: {  	v15 =	vmul.u32 $0x18, v12  }
0x22f: {  	[tilespmem:v9+s16+$0x0] =	vst.idx.msk $0xffff, v10  }
0x230: {  	s8 =	simm.s32 $0x10;
	v12 =	vadd.s32 $0x14, v15;
	v10 =	vld.idx.msk [tilespmem:v13+s31+$0x0], $0xffff  }
0x231: {  	v11 =	vor.u32 s8, v0;
	s8 =	simm.s32 $0x20;
	v9 =	vld.idx.msk [tilespmem:v14+s31+$0x0], $0xffff;
	v13 =	vadd.s32 $0x15, v15  }
.LBB2_13:
0x232: {  	p0 =	sne.s32 s8, $0x90;
	v14 =	vshll.u32 v11, $0x1  }
0x233: {  	v15 =	vor.u32 $0x1, v14;
	_ =	sdelay $0x1  }
.Ltmp5:
0x234: {  	[tilespmem:v12+s16+$0x0] =	vst.idx.msk $0xffff, v10;
	(pc) =	sbr.rel @p0 .LBB2_13-.Ltmp5, $4  }
0x235: {  	v16 =	vmul.u32 $0x18, v11;
	[tilespmem:v13+s16+$0x0] =	vst.idx.msk $0xffff, v9  }
0x236: {  	v10 =	vld.idx.msk [tilespmem:v14+s31+$0x0], $0xffff  }
0x237: {  	v12 =	vadd.s32 $0x14, v16;
	v9 =	vld.idx.msk [tilespmem:v15+s31+$0x0], $0xffff  }
0x238: {  	v11 =	vor.u32 s8, v0;
	s8 =	sadd.s32 $0x10, s8;
	v13 =	vadd.s32 $0x15, v16  }
0x239: {  	_ = 	snop  }
0x23a: {  	v14 =	vshll.u32 v11, $0x1  }
0x23b: {  	v15 =	vor.u32 $0x1, v14;
	_ =	sdelay $0x1  }
0x23c: {  	[tilespmem:v12+s16+$0x0] =	vst.idx.msk $0xffff, v10;
	v10 =	vmul.u32 $0x18, v11  }
0x23d: {  	[tilespmem:v13+s16+$0x0] =	vst.idx.msk $0xffff, v9  }
0x23e: {  	v11 =	vadd.s32 $0x14, v10;
	v9 =	vld.idx.msk [tilespmem:v14+s31+$0x0], $0xffff  }
0x23f: {  	v10 =	vadd.s32 $0x15, v10;
	v12 =	vld.idx.msk [tilespmem:v15+s31+$0x0], $0xffff;
	_ =	sdelay $0x3  }
0x240: {  	[tilespmem:v11+s16+$0x0] =	vst.idx.msk $0xffff, v9  }
0x241: {  	[tilespmem:v10+s16+$0x0] =	vst.idx.msk $0xffff, v12  }
0x242: {  	[spmem:s5] =	stream.indirect.scatter.add.f32 [tilespmem:s16], [sflag:$0x6], $0x18, s17, s22, $0xb8;
	[tilespmem:$0x1F360] =	vst v63  }
0x243: {  	s8 =	simm.s32 $0x500  }
0x244: {  	[tilespmem:s26], [sflag:$0x2] =	stream.indirect.gather [spmem:s4], $0x8, s8, s22, $0xb8;
	[tilespmem:$0x1F360] =	vst v63  }
0x245: {  	s9 =	simm.s32 $0x1E0  }
0x246: {  	[tilespmem:s28], [sflag:$0x4] =	stream.indirect.gather [spmem:s3], $0x18, s9, s22, $0xb8;
	[tilespmem:$0x1F360] =	vst v63  }
0x247: {  	_ =	swait.ge [sflag:s29], $0x500  }
0x248: {  	[sflag:s29] =	ssyncset.done $0x0  }
0x249: {  	[sflag:s29] =	ssyncadd.s32 $0xFFFFFB00  }
0x24a: {  	_ =	swait.ge [sflag:s30], $0xF00  }
0x24b: {  	[sflag:s30] =	ssyncset.done $0x0  }
0x24c: {  	[sflag:s30] =	ssyncadd.s32 $0xFFFFF100  }
0x24d: {  	_ =	swait.ge [sflag:s10], $0xF00  }
0x24e: {  	[sflag:s10] =	ssyncset.done $0x0  }
0x24f: {  	[sflag:s10] =	ssyncadd.s32 $0xFFFFF100  }
0x250: {  	v9 =	vld [tilespmem:$0x460]  }
0x251: {  	v10 =	vld [tilespmem:$0x470]  }
0x252: {  	v11 =	vld [tilespmem:$0x480]  }
0x253: {  	v12 =	vld [tilespmem:$0x490]  }
0x254: {  	v13 =	vld [tilespmem:$0x4A0]  }
0x255: {  	[tilespmem:$0x640] =	vst v9;
	v9 =	vld [tilespmem:$0x4B0]  }
0x256: {  	[tilespmem:$0x650] =	vst v10;
	v10 =	vld [tilespmem:$0x4C0]  }
0x257: {  	s19 =	simm.s32 $0x0;
	[tilespmem:$0x660] =	vst v11;
	v11 =	vld [tilespmem:$0x4D0]  }
0x258: {  	v14 =	vor.u32 s19, v0;
	[tilespmem:$0x670] =	vst v12;
	v12 =	vld [tilespmem:$0x4E0]  }
0x259: {  	v15 =	vshll.u32 v14, $0x3;
	[tilespmem:$0x680] =	vst v13;
	v13 =	vld [tilespmem:$0x4F0]  }
0x25a: {  	v16 =	vor.u32 $0x1, v15;
	[tilespmem:$0x690] =	vst v9;
	v9 =	vmul.u32 $0x18, v14  }
0x25b: {  	[tilespmem:$0x6A0] =	vst v10  }
0x25c: {  	[tilespmem:$0x6B0] =	vst v11;
	v10 =	vadd.s32 $0x14, v9  }
0x25d: {  	[tilespmem:$0x6C0] =	vst v12;
	v9 =	vadd.s32 $0x15, v9  }
0x25e: {  	[tilespmem:$0x6D0] =	vst v13  }
0x25f: {  	v11 =	vld.idx.msk [tilespmem:v16+s23+$0x0], $0xffff  }
0x260: {  	v12 =	vld.idx.msk [tilespmem:v15+s23+$0x0], $0xffff  }
0x261: {  	v10 =	vld.idx.msk [tilespmem:v10+s24+$0x0], $0xffff  }
0x262: {  	v9 =	vld.idx.msk [tilespmem:v9+s24+$0x0], $0xffff;
	_ =	sdelay $0x3  }
0x263: {  	v10 =	vadd.f32 v12, v10  }
0x264: {  	v9 =	vadd.f32 v11, v9  }
0x265: {  	v11 =	vmul.f32 $2.000000030e-01, v10  }
0x266: {  	v12 =	vmul.f32 $2.000000030e-01, v9  }
0x267: {  	v10 =	vmax.f32 v10, v11  }
0x268: {  	v9 =	vmax.f32 v9, v12;
	v10 =	vmul.f32 $1.442695020e+00, v10  }
0x269: {  	v11 =	vmul.f32 $1.442695020e+00, v9  }
0x26a: {  	(erf) = vpow2.f32 v10  }
0x26b: {  	(erf) = vpow2.f32 v11;
	_ =	sdelay $0x2  }
0x26c: {  	s20 =	simm.s32 $0x10  }
0x26d: {  	v9 =	vor.u32 s20, v0;
	v11 =	vshll.u32 v14, $0x1  }
0x26e: {  	v10 =	vshll.u32 v9, $0x3;
	v12 =	vor.u32 $0x1, v11  }
0x26f: {  	s8 =	simm.s32 $0x20;
	v14 =	vmul.u32 $0x18, v9;
	v13 =	vor.u32 $0x1, v10  }
.LBB2_15:
0x270: {  	p0 =	sne.s32 s8, $0x90  }
0x271: {  	v15 =	vadd.s32 $0x14, v14;
	v16 =	vpop (erf)  }
0x272: {  	v14 =	vadd.s32 $0x15, v14;
	[tilespmem:v11+s31+$0x0] =	vst.idx.msk $0xffff, v16;
	v11 =	vpop (erf)  }
0x273: {  	[tilespmem:v12+s31+$0x0] =	vst.idx.msk $0xffff, v11  }
0x274: {  	v11 =	vld.idx.msk [tilespmem:v13+s23+$0x0], $0xffff  }
0x275: {  	v10 =	vld.idx.msk [tilespmem:v10+s23+$0x0], $0xffff  }
0x276: {  	v12 =	vld.idx.msk [tilespmem:v15+s24+$0x0], $0xffff  }
0x277: {  	v13 =	vld.idx.msk [tilespmem:v14+s24+$0x0], $0xffff;
	_ =	sdelay $0x4  }
0x278: {  	v10 =	vadd.f32 v10, v12  }
0x279: {  	v11 =	vadd.f32 v11, v13  }
0x27a: {  	v12 =	vmul.f32 $2.000000030e-01, v10  }
0x27b: {  	v13 =	vmul.f32 $2.000000030e-01, v11  }
0x27c: {  	v10 =	vmax.f32 v10, v12  }
0x27d: {  	v10 =	vmul.f32 $1.442695020e+00, v10;
	v11 =	vmax.f32 v11, v13  }
0x27e: {  	v11 =	vmul.f32 $1.442695020e+00, v11  }
0x27f: {  	(erf) = vpow2.f32 v10  }
0x280: {  	(erf) = vpow2.f32 v11;
	_ =	sdelay $0x1  }
.Ltmp6:
0x281: {  	(pc) =	sbr.rel @p0 .LBB2_15-.Ltmp6, $4  }
0x282: {  	_ = 	snop  }
0x283: {  	v11 =	vshll.u32 v9, $0x1;
	v9 =	vor.u32 s8, v0  }
0x284: {  	v10 =	vshll.u32 v9, $0x3;
	v12 =	vor.u32 $0x1, v11  }
0x285: {  	s8 =	sadd.s32 $0x10, s8;
	v14 =	vmul.u32 $0x18, v9;
	v13 =	vor.u32 $0x1, v10  }
0x286: {  	_ =	sdelay $0x2  }
0x287: {  	v15 =	vadd.s32 $0x14, v14;
	v16 =	vpop (erf)  }
0x288: {  	v14 =	vadd.s32 $0x15, v14;
	[tilespmem:v11+s31+$0x0] =	vst.idx.msk $0xffff, v16;
	v11 =	vpop (erf)  }
0x289: {  	[tilespmem:v12+s31+$0x0] =	vst.idx.msk $0xffff, v11  }
0x28a: {  	v11 =	vld.idx.msk [tilespmem:v13+s23+$0x0], $0xffff  }
0x28b: {  	v10 =	vld.idx.msk [tilespmem:v10+s23+$0x0], $0xffff  }
0x28c: {  	v12 =	vld.idx.msk [tilespmem:v15+s24+$0x0], $0xffff  }
0x28d: {  	v13 =	vld.idx.msk [tilespmem:v14+s24+$0x0], $0xffff;
	_ =	sdelay $0x3  }
0x28e: {  	v10 =	vadd.f32 v10, v12  }
0x28f: {  	v11 =	vadd.f32 v11, v13  }
0x290: {  	v12 =	vmul.f32 $2.000000030e-01, v10  }
0x291: {  	v13 =	vmul.f32 $2.000000030e-01, v11  }
0x292: {  	v10 =	vmax.f32 v10, v12  }
0x293: {  	v11 =	vmax.f32 v11, v13;
	v10 =	vmul.f32 $1.442695020e+00, v10  }
0x294: {  	v11 =	vmul.f32 $1.442695020e+00, v11  }
0x295: {  	(erf) = vpow2.f32 v10  }
0x296: {  	(erf) = vpow2.f32 v11  }
0x297: {  	s8 =	simm.s32 $0x0  }
0x298: {  	v10 =	vmov s8  }
0x299: {  	v10 =	vmul.u32 $0x18, v10  }
0x29a: {  	v9 =	vshll.u32 v9, $0x1  }
0x29b: {  	s19 =	simm.s32 $0x0;
	v11 =	vor.u32 $0x1, v9;
	v10 =	vbroadcast v10, $0x0  }
0x29c: {  	v12 =	vor.u32 s19, v1  }
0x29d: {  	v13 =	vor.u32 v0, v10  }
0x29e: {  	v14 =	vpop (erf)  }
0x29f: {  	[tilespmem:v9+s31+$0x0] =	vst.idx.msk $0xffff, v14;
	v9 =	vpop (erf)  }
0x2a0: {  	[tilespmem:v11+s31+$0x0] =	vst.idx.msk $0xffff, v9  }
0x2a1: {  	v9 =	vld.idx.msk [tilespmem:v12+s31+$0x0], $0xffff  }
0x2a2: {  	v11 =	vld.idx.msk [tilespmem:v13+s24+$0x0], $0xffff;
	_ =	sdelay $0x2  }
0x2a3: {  	v12 =	vadd.s32 v2, v10  }
0x2a4: {  	v14 =	vor.u32 s19, v3  }
0x2a5: {  	v9 =	vmul.f32 v9, v11;
	_ =	sdelay $0x1  }
0x2a6: {  	[tilespmem:v13+s0+$0x0] =	vst.idx.msk $0xffff, v9  }
0x2a7: {  	v9 =	vld.idx.msk [tilespmem:v12+s24+$0x0], $0xffff  }
0x2a8: {  	v11 =	vld.idx.msk [tilespmem:v14+s31+$0x0], $0xffff;
	_ =	sdelay $0x2  }
0x2a9: {  	v10 =	vadd.s32 v4, v10  }
0x2aa: {  	v13 =	vor.u32 s19, v6  }
0x2ab: {  	v9 =	vmul.f32 v11, v9;
	_ =	sdelay $0x1  }
0x2ac: {  	s20 =	simm.s32 $0x2;
	[tilespmem:v12+s0+$0x0] =	vst.idx.msk $0xffff, v9  }
0x2ad: {  	v9 =	vmov s20;
	v11 =	vld.idx.msk [tilespmem:v10+s24+$0x0], $0xffff  }
0x2ae: {  	v9 =	vmul.u32 $0x18, v9;
	v12 =	vld.idx.msk [tilespmem:v13+s31+$0x0], $0xffff;
	_ =	sdelay $0x1  }
0x2af: {  	s9 =	simm.s32 $0x4;
	v9 =	vbroadcast v9, $0x0  }
0x2b0: {  	v14 =	vor.u32 s9, v5  }
0x2b1: {  	v13 =	vor.u32 v0, v9  }
0x2b2: {  	v11 =	vmul.f32 v12, v11;
	_ =	sdelay $0x1  }
0x2b3: {  	[tilespmem:v10+s0+$0x0] =	vst.idx.msk $0xffff, v11  }
0x2b4: {  	v11 =	vld.idx.msk [tilespmem:v14+s31+$0x0], $0xffff  }
0x2b5: {  	v10 =	vld.idx.msk [tilespmem:v13+s24+$0x0], $0xffff;
	_ =	sdelay $0x2  }
0x2b6: {  	v12 =	vadd.s32 v2, v9  }
0x2b7: {  	v14 =	vor.u32 s9, v7  }
0x2b8: {  	v10 =	vmul.f32 v11, v10;
	_ =	sdelay $0x1  }
0x2b9: {  	[tilespmem:v13+s0+$0x0] =	vst.idx.msk $0xffff, v10  }
0x2ba: {  	v10 =	vld.idx.msk [tilespmem:v12+s24+$0x0], $0xffff  }
0x2bb: {  	v11 =	vld.idx.msk [tilespmem:v14+s31+$0x0], $0xffff;
	_ =	sdelay $0x2  }
0x2bc: {  	v9 =	vadd.s32 v4, v9  }
0x2bd: {  	v13 =	vor.u32 s9, v8  }
0x2be: {  	v10 =	vmul.f32 v11, v10;
	_ =	sdelay $0x1  }
0x2bf: {  	s19 =	simm.s32 $0x4;
	[tilespmem:v12+s0+$0x0] =	vst.idx.msk $0xffff, v10  }
0x2c0: {  	v10 =	vmov s19;
	v11 =	vld.idx.msk [tilespmem:v9+s24+$0x0], $0xffff  }
0x2c1: {  	v10 =	vmul.u32 $0x18, v10;
	v12 =	vld.idx.msk [tilespmem:v13+s31+$0x0], $0xffff;
	_ =	sdelay $0x1  }
0x2c2: {  	s20 =	simm.s32 $0x8;
	v10 =	vbroadcast v10, $0x0  }
0x2c3: {  	v14 =	vor.u32 s20, v1  }
0x2c4: {  	v13 =	vor.u32 v0, v10  }
0x2c5: {  	v11 =	vmul.f32 v12, v11;
	_ =	sdelay $0x1  }
0x2c6: {  	[tilespmem:v9+s0+$0x0] =	vst.idx.msk $0xffff, v11  }
0x2c7: {  	v11 =	vld.idx.msk [tilespmem:v14+s31+$0x0], $0xffff  }
0x2c8: {  	v9 =	vld.idx.msk [tilespmem:v13+s24+$0x0], $0xffff;
	_ =	sdelay $0x2  }
0x2c9: {  	v12 =	vadd.s32 v2, v10  }
0x2ca: {  	v14 =	vor.u32 s20, v3  }
0x2cb: {  	v9 =	vmul.f32 v11, v9;
	_ =	sdelay $0x1  }
0x2cc: {  	[tilespmem:v13+s0+$0x0] =	vst.idx.msk $0xffff, v9  }
0x2cd: {  	v9 =	vld.idx.msk [tilespmem:v12+s24+$0x0], $0xffff  }
0x2ce: {  	v11 =	vld.idx.msk [tilespmem:v14+s31+$0x0], $0xffff;
	_ =	sdelay $0x2  }
0x2cf: {  	v10 =	vadd.s32 v4, v10  }
0x2d0: {  	v13 =	vor.u32 s20, v6  }
0x2d1: {  	v9 =	vmul.f32 v11, v9;
	_ =	sdelay $0x1  }
0x2d2: {  	s8 =	simm.s32 $0x6;
	[tilespmem:v12+s0+$0x0] =	vst.idx.msk $0xffff, v9  }
0x2d3: {  	v9 =	vmov s8;
	v11 =	vld.idx.msk [tilespmem:v10+s24+$0x0], $0xffff  }
0x2d4: {  	v9 =	vmul.u32 $0x18, v9;
	v12 =	vld.idx.msk [tilespmem:v13+s31+$0x0], $0xffff;
	_ =	sdelay $0x1  }
0x2d5: {  	s9 =	simm.s32 $0xC;
	v9 =	vbroadcast v9, $0x0  }
0x2d6: {  	v14 =	vor.u32 s9, v5  }
0x2d7: {  	v13 =	vor.u32 v0, v9  }
0x2d8: {  	v11 =	vmul.f32 v12, v11;
	_ =	sdelay $0x1  }
0x2d9: {  	[tilespmem:v10+s0+$0x0] =	vst.idx.msk $0xffff, v11  }
0x2da: {  	v12 =	vld.idx.msk [tilespmem:v14+s31+$0x0], $0xffff  }
0x2db: {  	v11 =	vld.idx.msk [tilespmem:v13+s24+$0x0], $0xffff;
	_ =	sdelay $0x2  }
0x2dc: {  	v10 =	vadd.s32 v2, v9  }
0x2dd: {  	v14 =	vor.u32 s9, v7  }
0x2de: {  	v11 =	vmul.f32 v12, v11;
	_ =	sdelay $0x1  }
0x2df: {  	[tilespmem:v13+s0+$0x0] =	vst.idx.msk $0xffff, v11  }
0x2e0: {  	v12 =	vld.idx.msk [tilespmem:v10+s24+$0x0], $0xffff  }
0x2e1: {  	v13 =	vld.idx.msk [tilespmem:v14+s31+$0x0], $0xffff;
	_ =	sdelay $0x2  }
0x2e2: {  	v9 =	vor.u32 v4, v9  }
0x2e3: {  	v11 =	vor.u32 s9, v8  }
0x2e4: {  	s19 =	simm.s32 $0x0;
	v12 =	vmul.f32 v13, v12  }
.LBB2_17:
0x2e5: {  	s19 =	sadd.s32 $0x4, s19;
	s9 =	sadd.s32 $0x10, s9;
	s8 =	sadd.s32 $0x8, s8  }
0x2e6: {  	p0 =	slt.u32 s19, $0x4C;
	[tilespmem:v10+s0+$0x0] =	vst.idx.msk $0xffff, v12  }
0x2e7: {  	s20 =	sadd.s32 $0xFFFFFFFA, s8;
	v10 =	vld.idx.msk [tilespmem:v9+s24+$0x0], $0xffff  }
0x2e8: {  	v12 =	vmov s20;
	v11 =	vld.idx.msk [tilespmem:v11+s31+$0x0], $0xffff  }
0x2e9: {  	v12 =	vmul.u32 $0x18, v12;
	_ =	sdelay $0x1  }
0x2ea: {  	s20 =	sadd.s32 $0xFFFFFFF4, s9;
	v12 =	vbroadcast v12, $0x0  }
0x2eb: {  	v13 =	vor.u32 s20, v1  }
0x2ec: {  	v14 =	vor.u32 v0, v12  }
0x2ed: {  	v10 =	vmul.f32 v11, v10;
	_ =	sdelay $0x1  }
0x2ee: {  	[tilespmem:v9+s0+$0x0] =	vst.idx.msk $0xffff, v10  }
0x2ef: {  	v9 =	vld.idx.msk [tilespmem:v13+s31+$0x0], $0xffff  }
0x2f0: {  	v10 =	vld.idx.msk [tilespmem:v14+s24+$0x0], $0xffff;
	_ =	sdelay $0x3  }
0x2f1: {  	v11 =	vadd.s32 v2, v12;
	v13 =	vor.u32 s20, v3;
	_ =	sdelay $0x1  }
0x2f2: {  	v9 =	vmul.f32 v9, v10;
	_ =	sdelay $0x1  }
0x2f3: {  	[tilespmem:v14+s0+$0x0] =	vst.idx.msk $0xffff, v9  }
0x2f4: {  	v9 =	vld.idx.msk [tilespmem:v11+s24+$0x0], $0xffff  }
0x2f5: {  	v10 =	vld.idx.msk [tilespmem:v13+s31+$0x0], $0xffff;
	_ =	sdelay $0x3  }
0x2f6: {  	v12 =	vadd.s32 v4, v12;
	v13 =	vor.u32 s20, v6;
	_ =	sdelay $0x1  }
0x2f7: {  	v9 =	vmul.f32 v10, v9;
	_ =	sdelay $0x1  }
0x2f8: {  	s20 =	sadd.s32 $0xFFFFFFFC, s8;
	[tilespmem:v11+s0+$0x0] =	vst.idx.msk $0xffff, v9  }
0x2f9: {  	v10 =	vmov s20;
	v9 =	vld.idx.msk [tilespmem:v12+s24+$0x0], $0xffff  }
0x2fa: {  	v10 =	vmul.u32 $0x18, v10;
	v11 =	vld.idx.msk [tilespmem:v13+s31+$0x0], $0xffff;
	_ =	sdelay $0x1  }
0x2fb: {  	v10 =	vbroadcast v10, $0x0  }
0x2fc: {  	s20 =	sadd.s32 $0xFFFFFFF8, s9  }
0x2fd: {  	v14 =	vor.u32 s20, v5;
	v13 =	vor.u32 v0, v10;
	_ =	sdelay $0x1  }
0x2fe: {  	v9 =	vmul.f32 v11, v9;
	_ =	sdelay $0x1  }
0x2ff: {  	[tilespmem:v12+s0+$0x0] =	vst.idx.msk $0xffff, v9  }
0x300: {  	v9 =	vld.idx.msk [tilespmem:v13+s24+$0x0], $0xffff  }
0x301: {  	v11 =	vld.idx.msk [tilespmem:v14+s31+$0x0], $0xffff;
	_ =	sdelay $0x3  }
0x302: {  	v12 =	vadd.s32 v2, v10;
	v14 =	vor.u32 s20, v7;
	_ =	sdelay $0x1  }
0x303: {  	v9 =	vmul.f32 v11, v9;
	_ =	sdelay $0x1  }
0x304: {  	[tilespmem:v13+s0+$0x0] =	vst.idx.msk $0xffff, v9  }
0x305: {  	v9 =	vld.idx.msk [tilespmem:v12+s24+$0x0], $0xffff  }
0x306: {  	v11 =	vld.idx.msk [tilespmem:v14+s31+$0x0], $0xffff;
	_ =	sdelay $0x3  }
0x307: {  	v10 =	vadd.s32 v4, v10;
	v13 =	vor.u32 s20, v8;
	_ =	sdelay $0x1  }
0x308: {  	v9 =	vmul.f32 v11, v9;
	_ =	sdelay $0x1  }
0x309: {  	s20 =	sadd.s32 $0xFFFFFFFE, s8;
	[tilespmem:v12+s0+$0x0] =	vst.idx.msk $0xffff, v9  }
0x30a: {  	v11 =	vmov s20;
	v9 =	vld.idx.msk [tilespmem:v10+s24+$0x0], $0xffff  }
0x30b: {  	v11 =	vmul.u32 $0x18, v11;
	v12 =	vld.idx.msk [tilespmem:v13+s31+$0x0], $0xffff;
	_ =	sdelay $0x1  }
0x30c: {  	v11 =	vbroadcast v11, $0x0  }
0x30d: {  	s20 =	sadd.s32 $0xFFFFFFFC, s9  }
0x30e: {  	v14 =	vor.u32 s20, v1;
	v13 =	vor.u32 v0, v11;
	_ =	sdelay $0x1  }
0x30f: {  	v9 =	vmul.f32 v12, v9;
	_ =	sdelay $0x1  }
0x310: {  	[tilespmem:v10+s0+$0x0] =	vst.idx.msk $0xffff, v9  }
0x311: {  	v9 =	vld.idx.msk [tilespmem:v13+s24+$0x0], $0xffff  }
0x312: {  	v10 =	vld.idx.msk [tilespmem:v14+s31+$0x0], $0xffff;
	_ =	sdelay $0x3  }
0x313: {  	v12 =	vadd.s32 v2, v11;
	v14 =	vor.u32 s20, v3;
	_ =	sdelay $0x1  }
0x314: {  	v9 =	vmul.f32 v10, v9;
	_ =	sdelay $0x1  }
0x315: {  	[tilespmem:v13+s0+$0x0] =	vst.idx.msk $0xffff, v9  }
0x316: {  	v9 =	vld.idx.msk [tilespmem:v12+s24+$0x0], $0xffff  }
0x317: {  	v10 =	vld.idx.msk [tilespmem:v14+s31+$0x0], $0xffff;
	_ =	sdelay $0x3  }
0x318: {  	v11 =	vadd.s32 v4, v11;
	v13 =	vor.u32 s20, v6;
	_ =	sdelay $0x1  }
0x319: {  	v9 =	vmul.f32 v10, v9;
	_ =	sdelay $0x1  }
0x31a: {  	[tilespmem:v12+s0+$0x0] =	vst.idx.msk $0xffff, v9  }
0x31b: {  	v10 =	vmov s8;
	v9 =	vld.idx.msk [tilespmem:v11+s24+$0x0], $0xffff  }
0x31c: {  	v10 =	vmul.u32 $0x18, v10;
	v12 =	vld.idx.msk [tilespmem:v13+s31+$0x0], $0xffff;
	_ =	sdelay $0x1  }
0x31d: {  	v13 =	vbroadcast v10, $0x0;
	_ =	sdelay $0x1  }
0x31e: {  	v10 =	vor.u32 s9, v5;
	v14 =	vor.u32 v0, v13;
	_ =	sdelay $0x1  }
0x31f: {  	v9 =	vmul.f32 v12, v9;
	_ =	sdelay $0x1  }
0x320: {  	[tilespmem:v11+s0+$0x0] =	vst.idx.msk $0xffff, v9  }
0x321: {  	v9 =	vld.idx.msk [tilespmem:v14+s24+$0x0], $0xffff  }
0x322: {  	v11 =	vld.idx.msk [tilespmem:v10+s31+$0x0], $0xffff;
	_ =	sdelay $0x3  }
0x323: {  	v12 =	vor.u32 s9, v7;
	v10 =	vadd.s32 v2, v13;
	_ =	sdelay $0x1  }
0x324: {  	v9 =	vmul.f32 v11, v9;
	_ =	sdelay $0x1  }
0x325: {  	[tilespmem:v14+s0+$0x0] =	vst.idx.msk $0xffff, v9  }
0x326: {  	v14 =	vld.idx.msk [tilespmem:v10+s24+$0x0], $0xffff  }
0x327: {  	v12 =	vld.idx.msk [tilespmem:v12+s31+$0x0], $0xffff;
	_ =	sdelay $0x1  }
.Ltmp7:
0x328: {  	(pc) =	sbr.rel @p0 .LBB2_17-.Ltmp7, $3  }
0x329: {  	_ = 	snop  }
0x32a: {  	v11 =	vor.u32 s9, v8;
	v9 =	vor.u32 v4, v13;
	_ =	sdelay $0x1  }
0x32b: {  	s20 =	simm.s32 $0x0;
	v12 =	vmul.f32 v12, v14  }
0x32c: {  	_ =	sdelay $0x3  }
0x32d: {  	[tilespmem:v10+s0+$0x0] =	vst.idx.msk $0xffff, v12  }
0x32e: {  	v10 =	vld.idx.msk [tilespmem:v9+s24+$0x0], $0xffff  }
0x32f: {  	v11 =	vld.idx.msk [tilespmem:v11+s31+$0x0], $0xffff;
	_ =	sdelay $0x1  }
0x330: {  	v12 =	vor.u32 s20, v0  }
0x331: {  	v13 =	vshll.u32 v12, $0x1  }
0x332: {  	v14 =	vor.u32 $0x1, v13  }
0x333: {  	v10 =	vmul.f32 v11, v10  }
0x334: {  	v15 =	vmul.u32 $0x18, v12  }
0x335: {  	[tilespmem:v9+s0+$0x0] =	vst.idx.msk $0xffff, v10  }
0x336: {  	s8 =	simm.s32 $0x10;
	v12 =	vadd.s32 $0x14, v15;
	v10 =	vld.idx.msk [tilespmem:v13+s31+$0x0], $0xffff  }
0x337: {  	v11 =	vor.u32 s8, v0;
	s8 =	simm.s32 $0x20;
	v9 =	vld.idx.msk [tilespmem:v14+s31+$0x0], $0xffff;
	v13 =	vadd.s32 $0x15, v15  }
.LBB2_19:
0x338: {  	p0 =	sne.s32 s8, $0x90;
	v14 =	vshll.u32 v11, $0x1  }
0x339: {  	v15 =	vor.u32 $0x1, v14;
	_ =	sdelay $0x1  }
.Ltmp8:
0x33a: {  	[tilespmem:v12+s0+$0x0] =	vst.idx.msk $0xffff, v10;
	(pc) =	sbr.rel @p0 .LBB2_19-.Ltmp8, $4  }
0x33b: {  	v16 =	vmul.u32 $0x18, v11;
	[tilespmem:v13+s0+$0x0] =	vst.idx.msk $0xffff, v9  }
0x33c: {  	v10 =	vld.idx.msk [tilespmem:v14+s31+$0x0], $0xffff  }
0x33d: {  	v12 =	vadd.s32 $0x14, v16;
	v9 =	vld.idx.msk [tilespmem:v15+s31+$0x0], $0xffff  }
0x33e: {  	v11 =	vor.u32 s8, v0;
	s8 =	sadd.s32 $0x10, s8;
	v13 =	vadd.s32 $0x15, v16  }
0x33f: {  	_ = 	snop  }
0x340: {  	v14 =	vshll.u32 v11, $0x1  }
0x341: {  	v15 =	vor.u32 $0x1, v14;
	_ =	sdelay $0x1  }
0x342: {  	[tilespmem:v12+s0+$0x0] =	vst.idx.msk $0xffff, v10;
	v10 =	vmul.u32 $0x18, v11  }
0x343: {  	[tilespmem:v13+s0+$0x0] =	vst.idx.msk $0xffff, v9  }
0x344: {  	v11 =	vadd.s32 $0x14, v10;
	v9 =	vld.idx.msk [tilespmem:v14+s31+$0x0], $0xffff  }
0x345: {  	v10 =	vadd.s32 $0x15, v10;
	v12 =	vld.idx.msk [tilespmem:v15+s31+$0x0], $0xffff;
	_ =	sdelay $0x3  }
0x346: {  	[tilespmem:v11+s0+$0x0] =	vst.idx.msk $0xffff, v9  }
0x347: {  	[tilespmem:v10+s0+$0x0] =	vst.idx.msk $0xffff, v12  }
0x348: {  	[spmem:s5] =	stream.indirect.scatter.add.f32 [tilespmem:s0], [sflag:$0x5], $0x18, s1, s22, $0xb8;
	[tilespmem:$0x1F360] =	vst v63  }
0x349: {  	_ = 	snop  }
0x34a: {  	[tilespmem:s23], [sflag:$0x1] =	stream.indirect.gather [spmem:s4], $0x8, s6, s22, $0xb8;
	[tilespmem:$0x1F360] =	vst v63  }
0x34b: {  	_ = 	snop  }
0x34c: {  	[tilespmem:s24], [sflag:$0x3] =	stream.indirect.gather [spmem:s3], $0x18, s2, s22, $0xb8;
	[tilespmem:$0x1F360] =	vst v63  }
0x34d: {  	_ =	swait.ge [sflag:s11], $0x500  }
0x34e: {  	[sflag:s11] =	ssyncset.done $0x0  }
0x34f: {  	[sflag:s11] =	ssyncadd.s32 $0xFFFFFB00  }
0x350: {  	_ =	swait.ge [sflag:s15], $0xF00  }
0x351: {  	[sflag:s15] =	ssyncset.done $0x0  }
0x352: {  	[sflag:s15] =	ssyncadd.s32 $0xFFFFF100  }
0x353: {  	_ =	swait.ge [sflag:s13], $0xF00  }
0x354: {  	[sflag:s13] =	ssyncset.done $0x0  }
0x355: {  	[sflag:s13] =	ssyncadd.s32 $0xFFFFF100  }
0x356: {  	v9 =	vld [tilespmem:$0x500]  }
0x357: {  	v10 =	vld [tilespmem:$0x510]  }
0x358: {  	v11 =	vld [tilespmem:$0x520]  }
0x359: {  	v12 =	vld [tilespmem:$0x530]  }
0x35a: {  	v13 =	vld [tilespmem:$0x540]  }
0x35b: {  	[tilespmem:$0x6E0] =	vst v9;
	v9 =	vld [tilespmem:$0x550]  }
0x35c: {  	[tilespmem:$0x6F0] =	vst v10;
	v10 =	vld [tilespmem:$0x560]  }
0x35d: {  	s8 =	simm.s32 $0x0;
	[tilespmem:$0x700] =	vst v11;
	v11 =	vld [tilespmem:$0x570]  }
0x35e: {  	v14 =	vor.u32 s8, v0;
	[tilespmem:$0x710] =	vst v12;
	v12 =	vld [tilespmem:$0x580]  }
0x35f: {  	v15 =	vshll.u32 v14, $0x3;
	[tilespmem:$0x720] =	vst v13;
	v13 =	vld [tilespmem:$0x590]  }
0x360: {  	v16 =	vor.u32 $0x1, v15;
	[tilespmem:$0x730] =	vst v9;
	v9 =	vmul.u32 $0x18, v14  }
0x361: {  	[tilespmem:$0x740] =	vst v10  }
0x362: {  	[tilespmem:$0x750] =	vst v11;
	v10 =	vadd.s32 $0x14, v9  }
0x363: {  	[tilespmem:$0x760] =	vst v12;
	v9 =	vadd.s32 $0x15, v9  }
0x364: {  	[tilespmem:$0x770] =	vst v13  }
0x365: {  	v11 =	vld.idx.msk [tilespmem:v16+s26+$0x0], $0xffff  }
0x366: {  	v12 =	vld.idx.msk [tilespmem:v15+s26+$0x0], $0xffff  }
0x367: {  	v10 =	vld.idx.msk [tilespmem:v10+s28+$0x0], $0xffff  }
0x368: {  	v9 =	vld.idx.msk [tilespmem:v9+s28+$0x0], $0xffff;
	_ =	sdelay $0x3  }
0x369: {  	v10 =	vadd.f32 v12, v10  }
0x36a: {  	v9 =	vadd.f32 v11, v9  }
0x36b: {  	v11 =	vmul.f32 $2.000000030e-01, v10  }
0x36c: {  	v12 =	vmul.f32 $2.000000030e-01, v9  }
0x36d: {  	v10 =	vmax.f32 v10, v11  }
0x36e: {  	v9 =	vmax.f32 v9, v12;
	v10 =	vmul.f32 $1.442695020e+00, v10  }
0x36f: {  	v11 =	vmul.f32 $1.442695020e+00, v9  }
0x370: {  	(erf) = vpow2.f32 v10  }
0x371: {  	(erf) = vpow2.f32 v11;
	_ =	sdelay $0x2  }
0x372: {  	s20 =	simm.s32 $0x10  }
0x373: {  	v9 =	vor.u32 s20, v0;
	v11 =	vshll.u32 v14, $0x1  }
0x374: {  	v10 =	vshll.u32 v9, $0x3;
	v12 =	vor.u32 $0x1, v11  }
0x375: {  	s8 =	simm.s32 $0x20;
	v14 =	vmul.u32 $0x18, v9;
	v13 =	vor.u32 $0x1, v10  }
.LBB2_21:
0x376: {  	p0 =	sne.s32 s8, $0x90  }
0x377: {  	v15 =	vadd.s32 $0x14, v14;
	v16 =	vpop (erf)  }
0x378: {  	v14 =	vadd.s32 $0x15, v14;
	[tilespmem:v11+s31+$0x0] =	vst.idx.msk $0xffff, v16;
	v11 =	vpop (erf)  }
0x379: {  	[tilespmem:v12+s31+$0x0] =	vst.idx.msk $0xffff, v11  }
0x37a: {  	v11 =	vld.idx.msk [tilespmem:v13+s26+$0x0], $0xffff  }
0x37b: {  	v10 =	vld.idx.msk [tilespmem:v10+s26+$0x0], $0xffff  }
0x37c: {  	v12 =	vld.idx.msk [tilespmem:v15+s28+$0x0], $0xffff  }
0x37d: {  	v13 =	vld.idx.msk [tilespmem:v14+s28+$0x0], $0xffff;
	_ =	sdelay $0x4  }
0x37e: {  	v10 =	vadd.f32 v10, v12  }
0x37f: {  	v11 =	vadd.f32 v11, v13  }
0x380: {  	v12 =	vmul.f32 $2.000000030e-01, v10  }
0x381: {  	v13 =	vmul.f32 $2.000000030e-01, v11  }
0x382: {  	v10 =	vmax.f32 v10, v12  }
0x383: {  	v10 =	vmul.f32 $1.442695020e+00, v10;
	v11 =	vmax.f32 v11, v13  }
0x384: {  	v11 =	vmul.f32 $1.442695020e+00, v11  }
0x385: {  	(erf) = vpow2.f32 v10  }
0x386: {  	(erf) = vpow2.f32 v11;
	_ =	sdelay $0x1  }
.Ltmp9:
0x387: {  	(pc) =	sbr.rel @p0 .LBB2_21-.Ltmp9, $4  }
0x388: {  	_ = 	snop  }
0x389: {  	v11 =	vshll.u32 v9, $0x1;
	v9 =	vor.u32 s8, v0  }
0x38a: {  	v10 =	vshll.u32 v9, $0x3;
	v12 =	vor.u32 $0x1, v11  }
0x38b: {  	s8 =	sadd.s32 $0x10, s8;
	v14 =	vmul.u32 $0x18, v9;
	v13 =	vor.u32 $0x1, v10  }
0x38c: {  	_ =	sdelay $0x2  }
0x38d: {  	v15 =	vadd.s32 $0x14, v14;
	v16 =	vpop (erf)  }
0x38e: {  	v14 =	vadd.s32 $0x15, v14;
	[tilespmem:v11+s31+$0x0] =	vst.idx.msk $0xffff, v16;
	v11 =	vpop (erf)  }
0x38f: {  	[tilespmem:v12+s31+$0x0] =	vst.idx.msk $0xffff, v11  }
0x390: {  	v11 =	vld.idx.msk [tilespmem:v13+s26+$0x0], $0xffff  }
0x391: {  	v10 =	vld.idx.msk [tilespmem:v10+s26+$0x0], $0xffff  }
0x392: {  	v12 =	vld.idx.msk [tilespmem:v15+s28+$0x0], $0xffff  }
0x393: {  	v13 =	vld.idx.msk [tilespmem:v14+s28+$0x0], $0xffff;
	_ =	sdelay $0x3  }
0x394: {  	v10 =	vadd.f32 v10, v12  }
0x395: {  	v11 =	vadd.f32 v11, v13  }
0x396: {  	v12 =	vmul.f32 $2.000000030e-01, v10  }
0x397: {  	v13 =	vmul.f32 $2.000000030e-01, v11  }
0x398: {  	v10 =	vmax.f32 v10, v12  }
0x399: {  	v11 =	vmax.f32 v11, v13;
	v10 =	vmul.f32 $1.442695020e+00, v10  }
0x39a: {  	v11 =	vmul.f32 $1.442695020e+00, v11  }
0x39b: {  	(erf) = vpow2.f32 v10  }
0x39c: {  	(erf) = vpow2.f32 v11  }
0x39d: {  	s8 =	simm.s32 $0x0  }
0x39e: {  	v10 =	vmov s8  }
0x39f: {  	v10 =	vmul.u32 $0x18, v10  }
0x3a0: {  	v9 =	vshll.u32 v9, $0x1  }
0x3a1: {  	s19 =	simm.s32 $0x0;
	v11 =	vor.u32 $0x1, v9;
	v10 =	vbroadcast v10, $0x0  }
0x3a2: {  	v12 =	vor.u32 s19, v1  }
0x3a3: {  	v13 =	vor.u32 v0, v10  }
0x3a4: {  	v14 =	vpop (erf)  }
0x3a5: {  	[tilespmem:v9+s31+$0x0] =	vst.idx.msk $0xffff, v14;
	v9 =	vpop (erf)  }
0x3a6: {  	[tilespmem:v11+s31+$0x0] =	vst.idx.msk $0xffff, v9  }
0x3a7: {  	v9 =	vld.idx.msk [tilespmem:v12+s31+$0x0], $0xffff  }
0x3a8: {  	v11 =	vld.idx.msk [tilespmem:v13+s28+$0x0], $0xffff;
	_ =	sdelay $0x2  }
0x3a9: {  	v12 =	vadd.s32 v2, v10  }
0x3aa: {  	v14 =	vor.u32 s19, v3  }
0x3ab: {  	v9 =	vmul.f32 v9, v11;
	_ =	sdelay $0x1  }
0x3ac: {  	[tilespmem:v13+s16+$0x0] =	vst.idx.msk $0xffff, v9  }
0x3ad: {  	v9 =	vld.idx.msk [tilespmem:v12+s28+$0x0], $0xffff  }
0x3ae: {  	v11 =	vld.idx.msk [tilespmem:v14+s31+$0x0], $0xffff;
	_ =	sdelay $0x2  }
0x3af: {  	v10 =	vadd.s32 v4, v10  }
0x3b0: {  	v13 =	vor.u32 s19, v6  }
0x3b1: {  	v9 =	vmul.f32 v11, v9;
	_ =	sdelay $0x1  }
0x3b2: {  	s20 =	simm.s32 $0x2;
	[tilespmem:v12+s16+$0x0] =	vst.idx.msk $0xffff, v9  }
0x3b3: {  	v9 =	vmov s20;
	v11 =	vld.idx.msk [tilespmem:v10+s28+$0x0], $0xffff  }
0x3b4: {  	v9 =	vmul.u32 $0x18, v9;
	v12 =	vld.idx.msk [tilespmem:v13+s31+$0x0], $0xffff;
	_ =	sdelay $0x1  }
0x3b5: {  	s9 =	simm.s32 $0x4;
	v9 =	vbroadcast v9, $0x0  }
0x3b6: {  	v14 =	vor.u32 s9, v5  }
0x3b7: {  	v13 =	vor.u32 v0, v9  }
0x3b8: {  	v11 =	vmul.f32 v12, v11;
	_ =	sdelay $0x1  }
0x3b9: {  	[tilespmem:v10+s16+$0x0] =	vst.idx.msk $0xffff, v11  }
0x3ba: {  	v11 =	vld.idx.msk [tilespmem:v14+s31+$0x0], $0xffff  }
0x3bb: {  	v10 =	vld.idx.msk [tilespmem:v13+s28+$0x0], $0xffff;
	_ =	sdelay $0x2  }
0x3bc: {  	v12 =	vadd.s32 v2, v9  }
0x3bd: {  	v14 =	vor.u32 s9, v7  }
0x3be: {  	v10 =	vmul.f32 v11, v10;
	_ =	sdelay $0x1  }
0x3bf: {  	[tilespmem:v13+s16+$0x0] =	vst.idx.msk $0xffff, v10  }
0x3c0: {  	v10 =	vld.idx.msk [tilespmem:v12+s28+$0x0], $0xffff  }
0x3c1: {  	v11 =	vld.idx.msk [tilespmem:v14+s31+$0x0], $0xffff;
	_ =	sdelay $0x2  }
0x3c2: {  	v9 =	vadd.s32 v4, v9  }
0x3c3: {  	v13 =	vor.u32 s9, v8  }
0x3c4: {  	v10 =	vmul.f32 v11, v10;
	_ =	sdelay $0x1  }
0x3c5: {  	s19 =	simm.s32 $0x4;
	[tilespmem:v12+s16+$0x0] =	vst.idx.msk $0xffff, v10  }
0x3c6: {  	v10 =	vmov s19;
	v11 =	vld.idx.msk [tilespmem:v9+s28+$0x0], $0xffff  }
0x3c7: {  	v10 =	vmul.u32 $0x18, v10;
	v12 =	vld.idx.msk [tilespmem:v13+s31+$0x0], $0xffff;
	_ =	sdelay $0x1  }
0x3c8: {  	s20 =	simm.s32 $0x8;
	v10 =	vbroadcast v10, $0x0  }
0x3c9: {  	v14 =	vor.u32 s20, v1  }
0x3ca: {  	v13 =	vor.u32 v0, v10  }
0x3cb: {  	v11 =	vmul.f32 v12, v11;
	_ =	sdelay $0x1  }
0x3cc: {  	[tilespmem:v9+s16+$0x0] =	vst.idx.msk $0xffff, v11  }
0x3cd: {  	v11 =	vld.idx.msk [tilespmem:v14+s31+$0x0], $0xffff  }
0x3ce: {  	v9 =	vld.idx.msk [tilespmem:v13+s28+$0x0], $0xffff;
	_ =	sdelay $0x2  }
0x3cf: {  	v12 =	vadd.s32 v2, v10  }
0x3d0: {  	v14 =	vor.u32 s20, v3  }
0x3d1: {  	v9 =	vmul.f32 v11, v9;
	_ =	sdelay $0x1  }
0x3d2: {  	[tilespmem:v13+s16+$0x0] =	vst.idx.msk $0xffff, v9  }
0x3d3: {  	v9 =	vld.idx.msk [tilespmem:v12+s28+$0x0], $0xffff  }
0x3d4: {  	v11 =	vld.idx.msk [tilespmem:v14+s31+$0x0], $0xffff;
	_ =	sdelay $0x2  }
0x3d5: {  	v10 =	vadd.s32 v4, v10  }
0x3d6: {  	v13 =	vor.u32 s20, v6  }
0x3d7: {  	v9 =	vmul.f32 v11, v9;
	_ =	sdelay $0x1  }
0x3d8: {  	s8 =	simm.s32 $0x6;
	[tilespmem:v12+s16+$0x0] =	vst.idx.msk $0xffff, v9  }
0x3d9: {  	v9 =	vmov s8;
	v11 =	vld.idx.msk [tilespmem:v10+s28+$0x0], $0xffff  }
0x3da: {  	v9 =	vmul.u32 $0x18, v9;
	v12 =	vld.idx.msk [tilespmem:v13+s31+$0x0], $0xffff;
	_ =	sdelay $0x1  }
0x3db: {  	s9 =	simm.s32 $0xC;
	v9 =	vbroadcast v9, $0x0  }
0x3dc: {  	v14 =	vor.u32 s9, v5  }
0x3dd: {  	v13 =	vor.u32 v0, v9  }
0x3de: {  	v11 =	vmul.f32 v12, v11;
	_ =	sdelay $0x1  }
0x3df: {  	[tilespmem:v10+s16+$0x0] =	vst.idx.msk $0xffff, v11  }
0x3e0: {  	v12 =	vld.idx.msk [tilespmem:v14+s31+$0x0], $0xffff  }
0x3e1: {  	v11 =	vld.idx.msk [tilespmem:v13+s28+$0x0], $0xffff;
	_ =	sdelay $0x2  }
0x3e2: {  	v10 =	vadd.s32 v2, v9  }
0x3e3: {  	v14 =	vor.u32 s9, v7  }
0x3e4: {  	v11 =	vmul.f32 v12, v11;
	_ =	sdelay $0x1  }
0x3e5: {  	[tilespmem:v13+s16+$0x0] =	vst.idx.msk $0xffff, v11  }
0x3e6: {  	v12 =	vld.idx.msk [tilespmem:v10+s28+$0x0], $0xffff  }
0x3e7: {  	v13 =	vld.idx.msk [tilespmem:v14+s31+$0x0], $0xffff;
	_ =	sdelay $0x2  }
0x3e8: {  	v9 =	vor.u32 v4, v9  }
0x3e9: {  	v11 =	vor.u32 s9, v8  }
0x3ea: {  	s19 =	simm.s32 $0x0;
	v12 =	vmul.f32 v13, v12  }
.LBB2_23:
0x3eb: {  	s19 =	sadd.s32 $0x4, s19;
	s9 =	sadd.s32 $0x10, s9;
	s8 =	sadd.s32 $0x8, s8  }
0x3ec: {  	p0 =	slt.u32 s19, $0x4C;
	[tilespmem:v10+s16+$0x0] =	vst.idx.msk $0xffff, v12  }
0x3ed: {  	s20 =	sadd.s32 $0xFFFFFFFA, s8;
	v10 =	vld.idx.msk [tilespmem:v9+s28+$0x0], $0xffff  }
0x3ee: {  	v12 =	vmov s20;
	v11 =	vld.idx.msk [tilespmem:v11+s31+$0x0], $0xffff  }
0x3ef: {  	v12 =	vmul.u32 $0x18, v12;
	_ =	sdelay $0x1  }
0x3f0: {  	s20 =	sadd.s32 $0xFFFFFFF4, s9;
	v12 =	vbroadcast v12, $0x0  }
0x3f1: {  	v13 =	vor.u32 s20, v1  }
0x3f2: {  	v14 =	vor.u32 v0, v12  }
0x3f3: {  	v10 =	vmul.f32 v11, v10;
	_ =	sdelay $0x1  }
0x3f4: {  	[tilespmem:v9+s16+$0x0] =	vst.idx.msk $0xffff, v10  }
0x3f5: {  	v9 =	vld.idx.msk [tilespmem:v13+s31+$0x0], $0xffff  }
0x3f6: {  	v10 =	vld.idx.msk [tilespmem:v14+s28+$0x0], $0xffff;
	_ =	sdelay $0x3  }
0x3f7: {  	v11 =	vadd.s32 v2, v12;
	v13 =	vor.u32 s20, v3;
	_ =	sdelay $0x1  }
0x3f8: {  	v9 =	vmul.f32 v9, v10;
	_ =	sdelay $0x1  }
0x3f9: {  	[tilespmem:v14+s16+$0x0] =	vst.idx.msk $0xffff, v9  }
0x3fa: {  	v9 =	vld.idx.msk [tilespmem:v11+s28+$0x0], $0xffff  }
0x3fb: {  	v10 =	vld.idx.msk [tilespmem:v13+s31+$0x0], $0xffff;
	_ =	sdelay $0x3  }
0x3fc: {  	v12 =	vadd.s32 v4, v12;
	v13 =	vor.u32 s20, v6;
	_ =	sdelay $0x1  }
0x3fd: {  	v9 =	vmul.f32 v10, v9;
	_ =	sdelay $0x1  }
0x3fe: {  	s20 =	sadd.s32 $0xFFFFFFFC, s8;
	[tilespmem:v11+s16+$0x0] =	vst.idx.msk $0xffff, v9  }
0x3ff: {  	v10 =	vmov s20;
	v9 =	vld.idx.msk [tilespmem:v12+s28+$0x0], $0xffff  }
0x400: {  	v10 =	vmul.u32 $0x18, v10;
	v11 =	vld.idx.msk [tilespmem:v13+s31+$0x0], $0xffff;
	_ =	sdelay $0x1  }
0x401: {  	v10 =	vbroadcast v10, $0x0  }
0x402: {  	s20 =	sadd.s32 $0xFFFFFFF8, s9  }
0x403: {  	v14 =	vor.u32 s20, v5;
	v13 =	vor.u32 v0, v10;
	_ =	sdelay $0x1  }
0x404: {  	v9 =	vmul.f32 v11, v9;
	_ =	sdelay $0x1  }
0x405: {  	[tilespmem:v12+s16+$0x0] =	vst.idx.msk $0xffff, v9  }
0x406: {  	v9 =	vld.idx.msk [tilespmem:v13+s28+$0x0], $0xffff  }
0x407: {  	v11 =	vld.idx.msk [tilespmem:v14+s31+$0x0], $0xffff;
	_ =	sdelay $0x3  }
0x408: {  	v12 =	vadd.s32 v2, v10;
	v14 =	vor.u32 s20, v7;
	_ =	sdelay $0x1  }
0x409: {  	v9 =	vmul.f32 v11, v9;
	_ =	sdelay $0x1  }
0x40a: {  	[tilespmem:v13+s16+$0x0] =	vst.idx.msk $0xffff, v9  }
0x40b: {  	v9 =	vld.idx.msk [tilespmem:v12+s28+$0x0], $0xffff  }
0x40c: {  	v11 =	vld.idx.msk [tilespmem:v14+s31+$0x0], $0xffff;
	_ =	sdelay $0x3  }
0x40d: {  	v10 =	vadd.s32 v4, v10;
	v13 =	vor.u32 s20, v8;
	_ =	sdelay $0x1  }
0x40e: {  	v9 =	vmul.f32 v11, v9;
	_ =	sdelay $0x1  }
0x40f: {  	s20 =	sadd.s32 $0xFFFFFFFE, s8;
	[tilespmem:v12+s16+$0x0] =	vst.idx.msk $0xffff, v9  }
0x410: {  	v11 =	vmov s20;
	v9 =	vld.idx.msk [tilespmem:v10+s28+$0x0], $0xffff  }
0x411: {  	v11 =	vmul.u32 $0x18, v11;
	v12 =	vld.idx.msk [tilespmem:v13+s31+$0x0], $0xffff;
	_ =	sdelay $0x1  }
0x412: {  	v11 =	vbroadcast v11, $0x0  }
0x413: {  	s20 =	sadd.s32 $0xFFFFFFFC, s9  }
0x414: {  	v14 =	vor.u32 s20, v1;
	v13 =	vor.u32 v0, v11;
	_ =	sdelay $0x1  }
0x415: {  	v9 =	vmul.f32 v12, v9;
	_ =	sdelay $0x1  }
0x416: {  	[tilespmem:v10+s16+$0x0] =	vst.idx.msk $0xffff, v9  }
0x417: {  	v9 =	vld.idx.msk [tilespmem:v13+s28+$0x0], $0xffff  }
0x418: {  	v10 =	vld.idx.msk [tilespmem:v14+s31+$0x0], $0xffff;
	_ =	sdelay $0x3  }
0x419: {  	v12 =	vadd.s32 v2, v11;
	v14 =	vor.u32 s20, v3;
	_ =	sdelay $0x1  }
0x41a: {  	v9 =	vmul.f32 v10, v9;
	_ =	sdelay $0x1  }
0x41b: {  	[tilespmem:v13+s16+$0x0] =	vst.idx.msk $0xffff, v9  }
0x41c: {  	v9 =	vld.idx.msk [tilespmem:v12+s28+$0x0], $0xffff  }
0x41d: {  	v10 =	vld.idx.msk [tilespmem:v14+s31+$0x0], $0xffff;
	_ =	sdelay $0x3  }
0x41e: {  	v11 =	vadd.s32 v4, v11;
	v13 =	vor.u32 s20, v6;
	_ =	sdelay $0x1  }
0x41f: {  	v9 =	vmul.f32 v10, v9;
	_ =	sdelay $0x1  }
0x420: {  	[tilespmem:v12+s16+$0x0] =	vst.idx.msk $0xffff, v9  }
0x421: {  	v10 =	vmov s8;
	v9 =	vld.idx.msk [tilespmem:v11+s28+$0x0], $0xffff  }
0x422: {  	v10 =	vmul.u32 $0x18, v10;
	v12 =	vld.idx.msk [tilespmem:v13+s31+$0x0], $0xffff;
	_ =	sdelay $0x1  }
0x423: {  	v13 =	vbroadcast v10, $0x0;
	_ =	sdelay $0x1  }
0x424: {  	v10 =	vor.u32 s9, v5;
	v14 =	vor.u32 v0, v13;
	_ =	sdelay $0x1  }
0x425: {  	v9 =	vmul.f32 v12, v9;
	_ =	sdelay $0x1  }
0x426: {  	[tilespmem:v11+s16+$0x0] =	vst.idx.msk $0xffff, v9  }
0x427: {  	v9 =	vld.idx.msk [tilespmem:v14+s28+$0x0], $0xffff  }
0x428: {  	v11 =	vld.idx.msk [tilespmem:v10+s31+$0x0], $0xffff;
	_ =	sdelay $0x3  }
0x429: {  	v12 =	vor.u32 s9, v7;
	v10 =	vadd.s32 v2, v13;
	_ =	sdelay $0x1  }
0x42a: {  	v9 =	vmul.f32 v11, v9;
	_ =	sdelay $0x1  }
0x42b: {  	[tilespmem:v14+s16+$0x0] =	vst.idx.msk $0xffff, v9  }
0x42c: {  	v14 =	vld.idx.msk [tilespmem:v10+s28+$0x0], $0xffff  }
0x42d: {  	v12 =	vld.idx.msk [tilespmem:v12+s31+$0x0], $0xffff;
	_ =	sdelay $0x1  }
.Ltmp10:
0x42e: {  	(pc) =	sbr.rel @p0 .LBB2_23-.Ltmp10, $3  }
0x42f: {  	_ = 	snop  }
0x430: {  	v11 =	vor.u32 s9, v8;
	v9 =	vor.u32 v4, v13;
	_ =	sdelay $0x1  }
0x431: {  	s20 =	simm.s32 $0x0;
	v12 =	vmul.f32 v12, v14  }
0x432: {  	_ =	sdelay $0x3  }
0x433: {  	[tilespmem:v10+s16+$0x0] =	vst.idx.msk $0xffff, v12  }
0x434: {  	v10 =	vld.idx.msk [tilespmem:v9+s28+$0x0], $0xffff  }
0x435: {  	v11 =	vld.idx.msk [tilespmem:v11+s31+$0x0], $0xffff;
	_ =	sdelay $0x1  }
0x436: {  	v12 =	vor.u32 s20, v0  }
0x437: {  	v13 =	vshll.u32 v12, $0x1  }
0x438: {  	v14 =	vor.u32 $0x1, v13  }
0x439: {  	v10 =	vmul.f32 v11, v10  }
0x43a: {  	v15 =	vmul.u32 $0x18, v12  }
0x43b: {  	[tilespmem:v9+s16+$0x0] =	vst.idx.msk $0xffff, v10  }
0x43c: {  	s8 =	simm.s32 $0x10;
	v12 =	vadd.s32 $0x14, v15;
	v10 =	vld.idx.msk [tilespmem:v13+s31+$0x0], $0xffff  }
0x43d: {  	v11 =	vor.u32 s8, v0;
	s8 =	simm.s32 $0x20;
	v9 =	vld.idx.msk [tilespmem:v14+s31+$0x0], $0xffff;
	v13 =	vadd.s32 $0x15, v15  }
.LBB2_25:
0x43e: {  	p0 =	sne.s32 s8, $0x90;
	v14 =	vshll.u32 v11, $0x1  }
0x43f: {  	v15 =	vor.u32 $0x1, v14;
	_ =	sdelay $0x1  }
.Ltmp11:
0x440: {  	[tilespmem:v12+s16+$0x0] =	vst.idx.msk $0xffff, v10;
	(pc) =	sbr.rel @p0 .LBB2_25-.Ltmp11, $4  }
0x441: {  	v16 =	vmul.u32 $0x18, v11;
	[tilespmem:v13+s16+$0x0] =	vst.idx.msk $0xffff, v9  }
0x442: {  	v10 =	vld.idx.msk [tilespmem:v14+s31+$0x0], $0xffff  }
0x443: {  	v12 =	vadd.s32 $0x14, v16;
	v9 =	vld.idx.msk [tilespmem:v15+s31+$0x0], $0xffff  }
0x444: {  	v11 =	vor.u32 s8, v0;
	s8 =	sadd.s32 $0x10, s8;
	v13 =	vadd.s32 $0x15, v16  }
0x445: {  	_ = 	snop  }
0x446: {  	v14 =	vshll.u32 v11, $0x1  }
0x447: {  	v15 =	vor.u32 $0x1, v14;
	_ =	sdelay $0x1  }
0x448: {  	[tilespmem:v12+s16+$0x0] =	vst.idx.msk $0xffff, v10;
	v10 =	vmul.u32 $0x18, v11  }
0x449: {  	[tilespmem:v13+s16+$0x0] =	vst.idx.msk $0xffff, v9  }
0x44a: {  	v11 =	vadd.s32 $0x14, v10;
	v9 =	vld.idx.msk [tilespmem:v14+s31+$0x0], $0xffff  }
0x44b: {  	v10 =	vadd.s32 $0x15, v10;
	v12 =	vld.idx.msk [tilespmem:v15+s31+$0x0], $0xffff;
	_ =	sdelay $0x3  }
0x44c: {  	[tilespmem:v11+s16+$0x0] =	vst.idx.msk $0xffff, v9  }
0x44d: {  	[tilespmem:v10+s16+$0x0] =	vst.idx.msk $0xffff, v12  }
0x44e: {  	[spmem:s5] =	stream.indirect.scatter.add.f32 [tilespmem:s16], [sflag:$0x6], $0x18, s17, s22, $0xb8;
	[tilespmem:$0x1F360] =	vst v63  }
0x44f: {  	_ =	swait.ge [sflag:s29], $0x500  }
0x450: {  	[sflag:s29] =	ssyncset.done $0x0  }
0x451: {  	[sflag:s29] =	ssyncadd.s32 $0xFFFFFB00  }
0x452: {  	_ =	swait.ge [sflag:s30], $0xF00  }
0x453: {  	[sflag:s30] =	ssyncset.done $0x0  }
0x454: {  	[sflag:s30] =	ssyncadd.s32 $0xFFFFF100  }
0x455: {  	_ =	swait.ge [sflag:s10], $0xF00  }
0x456: {  	[sflag:s10] =	ssyncset.done $0x0  }
0x457: {  	[sflag:s10] =	ssyncadd.s32 $0xFFFFF100  }
0x458: {  	v9 =	vld [tilespmem:$0x5A0]  }
0x459: {  	v10 =	vld [tilespmem:$0x5B0]  }
0x45a: {  	v11 =	vld [tilespmem:$0x5C0]  }
0x45b: {  	v12 =	vld [tilespmem:$0x5D0]  }
0x45c: {  	v13 =	vld [tilespmem:$0x5E0]  }
0x45d: {  	[tilespmem:$0x640] =	vst v9;
	v9 =	vld [tilespmem:$0x5F0]  }
0x45e: {  	[tilespmem:$0x650] =	vst v10;
	v10 =	vld [tilespmem:$0x600]  }
0x45f: {  	s8 =	simm.s32 $0x0;
	[tilespmem:$0x660] =	vst v11;
	v11 =	vld [tilespmem:$0x610]  }
0x460: {  	v14 =	vor.u32 s8, v0;
	[tilespmem:$0x670] =	vst v12;
	v12 =	vld [tilespmem:$0x620]  }
0x461: {  	v15 =	vshll.u32 v14, $0x3;
	[tilespmem:$0x680] =	vst v13;
	v13 =	vld [tilespmem:$0x630]  }
0x462: {  	v16 =	vor.u32 $0x1, v15;
	[tilespmem:$0x690] =	vst v9;
	v9 =	vmul.u32 $0x18, v14  }
0x463: {  	[tilespmem:$0x6A0] =	vst v10  }
0x464: {  	[tilespmem:$0x6B0] =	vst v11;
	v10 =	vadd.s32 $0x14, v9  }
0x465: {  	[tilespmem:$0x6C0] =	vst v12;
	v9 =	vadd.s32 $0x15, v9  }
0x466: {  	[tilespmem:$0x6D0] =	vst v13  }
0x467: {  	v11 =	vld.idx.msk [tilespmem:v16+s23+$0x0], $0xffff  }
0x468: {  	v12 =	vld.idx.msk [tilespmem:v15+s23+$0x0], $0xffff  }
0x469: {  	v10 =	vld.idx.msk [tilespmem:v10+s24+$0x0], $0xffff  }
0x46a: {  	v9 =	vld.idx.msk [tilespmem:v9+s24+$0x0], $0xffff;
	_ =	sdelay $0x3  }
0x46b: {  	v10 =	vadd.f32 v12, v10  }
0x46c: {  	v9 =	vadd.f32 v11, v9  }
0x46d: {  	v11 =	vmul.f32 $2.000000030e-01, v10  }
0x46e: {  	v12 =	vmul.f32 $2.000000030e-01, v9  }
0x46f: {  	v10 =	vmax.f32 v10, v11  }
0x470: {  	v9 =	vmax.f32 v9, v12;
	v10 =	vmul.f32 $1.442695020e+00, v10  }
0x471: {  	v11 =	vmul.f32 $1.442695020e+00, v9  }
0x472: {  	(erf) = vpow2.f32 v10  }
0x473: {  	(erf) = vpow2.f32 v11;
	_ =	sdelay $0x2  }
0x474: {  	s20 =	simm.s32 $0x10  }
0x475: {  	v9 =	vor.u32 s20, v0;
	v11 =	vshll.u32 v14, $0x1  }
0x476: {  	v10 =	vshll.u32 v9, $0x3;
	v12 =	vor.u32 $0x1, v11  }
0x477: {  	s8 =	simm.s32 $0x20;
	v14 =	vmul.u32 $0x18, v9;
	v13 =	vor.u32 $0x1, v10  }
.LBB2_27:
0x478: {  	p0 =	sne.s32 s8, $0x90  }
0x479: {  	v15 =	vadd.s32 $0x14, v14;
	v16 =	vpop (erf)  }
0x47a: {  	v14 =	vadd.s32 $0x15, v14;
	[tilespmem:v11+s31+$0x0] =	vst.idx.msk $0xffff, v16;
	v11 =	vpop (erf)  }
0x47b: {  	[tilespmem:v12+s31+$0x0] =	vst.idx.msk $0xffff, v11  }
0x47c: {  	v11 =	vld.idx.msk [tilespmem:v13+s23+$0x0], $0xffff  }
0x47d: {  	v10 =	vld.idx.msk [tilespmem:v10+s23+$0x0], $0xffff  }
0x47e: {  	v12 =	vld.idx.msk [tilespmem:v15+s24+$0x0], $0xffff  }
0x47f: {  	v13 =	vld.idx.msk [tilespmem:v14+s24+$0x0], $0xffff;
	_ =	sdelay $0x4  }
0x480: {  	v10 =	vadd.f32 v10, v12  }
0x481: {  	v11 =	vadd.f32 v11, v13  }
0x482: {  	v12 =	vmul.f32 $2.000000030e-01, v10  }
0x483: {  	v13 =	vmul.f32 $2.000000030e-01, v11  }
0x484: {  	v10 =	vmax.f32 v10, v12  }
0x485: {  	v10 =	vmul.f32 $1.442695020e+00, v10;
	v11 =	vmax.f32 v11, v13  }
0x486: {  	v11 =	vmul.f32 $1.442695020e+00, v11  }
0x487: {  	(erf) = vpow2.f32 v10  }
0x488: {  	(erf) = vpow2.f32 v11;
	_ =	sdelay $0x1  }
.Ltmp12:
0x489: {  	(pc) =	sbr.rel @p0 .LBB2_27-.Ltmp12, $4  }
0x48a: {  	_ = 	snop  }
0x48b: {  	v11 =	vshll.u32 v9, $0x1;
	v9 =	vor.u32 s8, v0  }
0x48c: {  	v10 =	vshll.u32 v9, $0x3;
	v12 =	vor.u32 $0x1, v11  }
0x48d: {  	s8 =	sadd.s32 $0x10, s8;
	v14 =	vmul.u32 $0x18, v9;
	v13 =	vor.u32 $0x1, v10  }
0x48e: {  	_ =	sdelay $0x2  }
0x48f: {  	v15 =	vadd.s32 $0x14, v14;
	v16 =	vpop (erf)  }
0x490: {  	v14 =	vadd.s32 $0x15, v14;
	[tilespmem:v11+s31+$0x0] =	vst.idx.msk $0xffff, v16;
	v11 =	vpop (erf)  }
0x491: {  	[tilespmem:v12+s31+$0x0] =	vst.idx.msk $0xffff, v11  }
0x492: {  	v11 =	vld.idx.msk [tilespmem:v13+s23+$0x0], $0xffff  }
0x493: {  	v10 =	vld.idx.msk [tilespmem:v10+s23+$0x0], $0xffff  }
0x494: {  	v12 =	vld.idx.msk [tilespmem:v15+s24+$0x0], $0xffff  }
0x495: {  	v13 =	vld.idx.msk [tilespmem:v14+s24+$0x0], $0xffff;
	_ =	sdelay $0x3  }
0x496: {  	v10 =	vadd.f32 v10, v12  }
0x497: {  	v11 =	vadd.f32 v11, v13  }
0x498: {  	v12 =	vmul.f32 $2.000000030e-01, v10  }
0x499: {  	v13 =	vmul.f32 $2.000000030e-01, v11  }
0x49a: {  	v10 =	vmax.f32 v10, v12  }
0x49b: {  	v11 =	vmax.f32 v11, v13;
	v10 =	vmul.f32 $1.442695020e+00, v10  }
0x49c: {  	v11 =	vmul.f32 $1.442695020e+00, v11  }
0x49d: {  	(erf) = vpow2.f32 v10  }
0x49e: {  	(erf) = vpow2.f32 v11  }
0x49f: {  	s8 =	simm.s32 $0x0  }
0x4a0: {  	v10 =	vmov s8  }
0x4a1: {  	v10 =	vmul.u32 $0x18, v10  }
0x4a2: {  	v9 =	vshll.u32 v9, $0x1  }
0x4a3: {  	s19 =	simm.s32 $0x0;
	v11 =	vor.u32 $0x1, v9;
	v10 =	vbroadcast v10, $0x0  }
0x4a4: {  	v12 =	vor.u32 s19, v1  }
0x4a5: {  	v13 =	vor.u32 v0, v10  }
0x4a6: {  	v14 =	vpop (erf)  }
0x4a7: {  	[tilespmem:v9+s31+$0x0] =	vst.idx.msk $0xffff, v14;
	v9 =	vpop (erf)  }
0x4a8: {  	[tilespmem:v11+s31+$0x0] =	vst.idx.msk $0xffff, v9  }
0x4a9: {  	v9 =	vld.idx.msk [tilespmem:v12+s31+$0x0], $0xffff  }
0x4aa: {  	v11 =	vld.idx.msk [tilespmem:v13+s24+$0x0], $0xffff;
	_ =	sdelay $0x2  }
0x4ab: {  	v12 =	vadd.s32 v2, v10  }
0x4ac: {  	v14 =	vor.u32 s19, v3  }
0x4ad: {  	v9 =	vmul.f32 v9, v11;
	_ =	sdelay $0x1  }
0x4ae: {  	[tilespmem:v13+s0+$0x0] =	vst.idx.msk $0xffff, v9  }
0x4af: {  	v9 =	vld.idx.msk [tilespmem:v12+s24+$0x0], $0xffff  }
0x4b0: {  	v11 =	vld.idx.msk [tilespmem:v14+s31+$0x0], $0xffff;
	_ =	sdelay $0x2  }
0x4b1: {  	v10 =	vadd.s32 v4, v10  }
0x4b2: {  	v13 =	vor.u32 s19, v6  }
0x4b3: {  	v9 =	vmul.f32 v11, v9;
	_ =	sdelay $0x1  }
0x4b4: {  	s20 =	simm.s32 $0x2;
	[tilespmem:v12+s0+$0x0] =	vst.idx.msk $0xffff, v9  }
0x4b5: {  	v9 =	vmov s20;
	v11 =	vld.idx.msk [tilespmem:v10+s24+$0x0], $0xffff  }
0x4b6: {  	v9 =	vmul.u32 $0x18, v9;
	v12 =	vld.idx.msk [tilespmem:v13+s31+$0x0], $0xffff;
	_ =	sdelay $0x1  }
0x4b7: {  	s9 =	simm.s32 $0x4;
	v9 =	vbroadcast v9, $0x0  }
0x4b8: {  	v14 =	vor.u32 s9, v5  }
0x4b9: {  	v13 =	vor.u32 v0, v9  }
0x4ba: {  	v11 =	vmul.f32 v12, v11;
	_ =	sdelay $0x1  }
0x4bb: {  	[tilespmem:v10+s0+$0x0] =	vst.idx.msk $0xffff, v11  }
0x4bc: {  	v11 =	vld.idx.msk [tilespmem:v14+s31+$0x0], $0xffff  }
0x4bd: {  	v10 =	vld.idx.msk [tilespmem:v13+s24+$0x0], $0xffff;
	_ =	sdelay $0x2  }
0x4be: {  	v12 =	vadd.s32 v2, v9  }
0x4bf: {  	v14 =	vor.u32 s9, v7  }
0x4c0: {  	v10 =	vmul.f32 v11, v10;
	_ =	sdelay $0x1  }
0x4c1: {  	[tilespmem:v13+s0+$0x0] =	vst.idx.msk $0xffff, v10  }
0x4c2: {  	v10 =	vld.idx.msk [tilespmem:v12+s24+$0x0], $0xffff  }
0x4c3: {  	v11 =	vld.idx.msk [tilespmem:v14+s31+$0x0], $0xffff;
	_ =	sdelay $0x2  }
0x4c4: {  	v9 =	vadd.s32 v4, v9  }
0x4c5: {  	v13 =	vor.u32 s9, v8  }
0x4c6: {  	v10 =	vmul.f32 v11, v10;
	_ =	sdelay $0x1  }
0x4c7: {  	s19 =	simm.s32 $0x4;
	[tilespmem:v12+s0+$0x0] =	vst.idx.msk $0xffff, v10  }
0x4c8: {  	v10 =	vmov s19;
	v11 =	vld.idx.msk [tilespmem:v9+s24+$0x0], $0xffff  }
0x4c9: {  	v10 =	vmul.u32 $0x18, v10;
	v12 =	vld.idx.msk [tilespmem:v13+s31+$0x0], $0xffff;
	_ =	sdelay $0x1  }
0x4ca: {  	s20 =	simm.s32 $0x8;
	v10 =	vbroadcast v10, $0x0  }
0x4cb: {  	v14 =	vor.u32 s20, v1  }
0x4cc: {  	v13 =	vor.u32 v0, v10  }
0x4cd: {  	v11 =	vmul.f32 v12, v11;
	_ =	sdelay $0x1  }
0x4ce: {  	[tilespmem:v9+s0+$0x0] =	vst.idx.msk $0xffff, v11  }
0x4cf: {  	v11 =	vld.idx.msk [tilespmem:v14+s31+$0x0], $0xffff  }
0x4d0: {  	v9 =	vld.idx.msk [tilespmem:v13+s24+$0x0], $0xffff;
	_ =	sdelay $0x2  }
0x4d1: {  	v12 =	vadd.s32 v2, v10  }
0x4d2: {  	v14 =	vor.u32 s20, v3  }
0x4d3: {  	v9 =	vmul.f32 v11, v9;
	_ =	sdelay $0x1  }
0x4d4: {  	[tilespmem:v13+s0+$0x0] =	vst.idx.msk $0xffff, v9  }
0x4d5: {  	v9 =	vld.idx.msk [tilespmem:v12+s24+$0x0], $0xffff  }
0x4d6: {  	v11 =	vld.idx.msk [tilespmem:v14+s31+$0x0], $0xffff;
	_ =	sdelay $0x2  }
0x4d7: {  	v10 =	vadd.s32 v4, v10  }
0x4d8: {  	v13 =	vor.u32 s20, v6  }
0x4d9: {  	v9 =	vmul.f32 v11, v9;
	_ =	sdelay $0x1  }
0x4da: {  	s8 =	simm.s32 $0x6;
	[tilespmem:v12+s0+$0x0] =	vst.idx.msk $0xffff, v9  }
0x4db: {  	v9 =	vmov s8;
	v11 =	vld.idx.msk [tilespmem:v10+s24+$0x0], $0xffff  }
0x4dc: {  	v9 =	vmul.u32 $0x18, v9;
	v12 =	vld.idx.msk [tilespmem:v13+s31+$0x0], $0xffff;
	_ =	sdelay $0x1  }
0x4dd: {  	s9 =	simm.s32 $0xC;
	v9 =	vbroadcast v9, $0x0  }
0x4de: {  	v14 =	vor.u32 s9, v5  }
0x4df: {  	v13 =	vor.u32 v0, v9  }
0x4e0: {  	v11 =	vmul.f32 v12, v11;
	_ =	sdelay $0x1  }
0x4e1: {  	[tilespmem:v10+s0+$0x0] =	vst.idx.msk $0xffff, v11  }
0x4e2: {  	v12 =	vld.idx.msk [tilespmem:v14+s31+$0x0], $0xffff  }
0x4e3: {  	v11 =	vld.idx.msk [tilespmem:v13+s24+$0x0], $0xffff;
	_ =	sdelay $0x2  }
0x4e4: {  	v10 =	vadd.s32 v2, v9  }
0x4e5: {  	v14 =	vor.u32 s9, v7  }
0x4e6: {  	v11 =	vmul.f32 v12, v11;
	_ =	sdelay $0x1  }
0x4e7: {  	[tilespmem:v13+s0+$0x0] =	vst.idx.msk $0xffff, v11  }
0x4e8: {  	v12 =	vld.idx.msk [tilespmem:v10+s24+$0x0], $0xffff  }
0x4e9: {  	v13 =	vld.idx.msk [tilespmem:v14+s31+$0x0], $0xffff;
	_ =	sdelay $0x2  }
0x4ea: {  	v9 =	vor.u32 v4, v9  }
0x4eb: {  	v11 =	vor.u32 s9, v8  }
0x4ec: {  	s19 =	simm.s32 $0x0;
	v12 =	vmul.f32 v13, v12  }
.LBB2_29:
0x4ed: {  	s19 =	sadd.s32 $0x4, s19;
	s9 =	sadd.s32 $0x10, s9;
	s8 =	sadd.s32 $0x8, s8  }
0x4ee: {  	p0 =	slt.u32 s19, $0x4C;
	[tilespmem:v10+s0+$0x0] =	vst.idx.msk $0xffff, v12  }
0x4ef: {  	s20 =	sadd.s32 $0xFFFFFFFA, s8;
	v10 =	vld.idx.msk [tilespmem:v9+s24+$0x0], $0xffff  }
0x4f0: {  	v12 =	vmov s20;
	v11 =	vld.idx.msk [tilespmem:v11+s31+$0x0], $0xffff  }
0x4f1: {  	v12 =	vmul.u32 $0x18, v12;
	_ =	sdelay $0x1  }
0x4f2: {  	s20 =	sadd.s32 $0xFFFFFFF4, s9;
	v12 =	vbroadcast v12, $0x0  }
0x4f3: {  	v13 =	vor.u32 s20, v1  }
0x4f4: {  	v14 =	vor.u32 v0, v12  }
0x4f5: {  	v10 =	vmul.f32 v11, v10;
	_ =	sdelay $0x1  }
0x4f6: {  	[tilespmem:v9+s0+$0x0] =	vst.idx.msk $0xffff, v10  }
0x4f7: {  	v9 =	vld.idx.msk [tilespmem:v13+s31+$0x0], $0xffff  }
0x4f8: {  	v10 =	vld.idx.msk [tilespmem:v14+s24+$0x0], $0xffff;
	_ =	sdelay $0x3  }
0x4f9: {  	v11 =	vadd.s32 v2, v12;
	v13 =	vor.u32 s20, v3;
	_ =	sdelay $0x1  }
0x4fa: {  	v9 =	vmul.f32 v9, v10;
	_ =	sdelay $0x1  }
0x4fb: {  	[tilespmem:v14+s0+$0x0] =	vst.idx.msk $0xffff, v9  }
0x4fc: {  	v9 =	vld.idx.msk [tilespmem:v11+s24+$0x0], $0xffff  }
0x4fd: {  	v10 =	vld.idx.msk [tilespmem:v13+s31+$0x0], $0xffff;
	_ =	sdelay $0x3  }
0x4fe: {  	v12 =	vadd.s32 v4, v12;
	v13 =	vor.u32 s20, v6;
	_ =	sdelay $0x1  }
0x4ff: {  	v9 =	vmul.f32 v10, v9;
	_ =	sdelay $0x1  }
0x500: {  	s20 =	sadd.s32 $0xFFFFFFFC, s8;
	[tilespmem:v11+s0+$0x0] =	vst.idx.msk $0xffff, v9  }
0x501: {  	v10 =	vmov s20;
	v9 =	vld.idx.msk [tilespmem:v12+s24+$0x0], $0xffff  }
0x502: {  	v10 =	vmul.u32 $0x18, v10;
	v11 =	vld.idx.msk [tilespmem:v13+s31+$0x0], $0xffff;
	_ =	sdelay $0x1  }
0x503: {  	v10 =	vbroadcast v10, $0x0  }
0x504: {  	s20 =	sadd.s32 $0xFFFFFFF8, s9  }
0x505: {  	v14 =	vor.u32 s20, v5;
	v13 =	vor.u32 v0, v10;
	_ =	sdelay $0x1  }
0x506: {  	v9 =	vmul.f32 v11, v9;
	_ =	sdelay $0x1  }
0x507: {  	[tilespmem:v12+s0+$0x0] =	vst.idx.msk $0xffff, v9  }
0x508: {  	v9 =	vld.idx.msk [tilespmem:v13+s24+$0x0], $0xffff  }
0x509: {  	v11 =	vld.idx.msk [tilespmem:v14+s31+$0x0], $0xffff;
	_ =	sdelay $0x3  }
0x50a: {  	v12 =	vadd.s32 v2, v10;
	v14 =	vor.u32 s20, v7;
	_ =	sdelay $0x1  }
0x50b: {  	v9 =	vmul.f32 v11, v9;
	_ =	sdelay $0x1  }
0x50c: {  	[tilespmem:v13+s0+$0x0] =	vst.idx.msk $0xffff, v9  }
0x50d: {  	v9 =	vld.idx.msk [tilespmem:v12+s24+$0x0], $0xffff  }
0x50e: {  	v11 =	vld.idx.msk [tilespmem:v14+s31+$0x0], $0xffff;
	_ =	sdelay $0x3  }
0x50f: {  	v10 =	vadd.s32 v4, v10;
	v13 =	vor.u32 s20, v8;
	_ =	sdelay $0x1  }
0x510: {  	v9 =	vmul.f32 v11, v9;
	_ =	sdelay $0x1  }
0x511: {  	s20 =	sadd.s32 $0xFFFFFFFE, s8;
	[tilespmem:v12+s0+$0x0] =	vst.idx.msk $0xffff, v9  }
0x512: {  	v11 =	vmov s20;
	v9 =	vld.idx.msk [tilespmem:v10+s24+$0x0], $0xffff  }
0x513: {  	v11 =	vmul.u32 $0x18, v11;
	v12 =	vld.idx.msk [tilespmem:v13+s31+$0x0], $0xffff;
	_ =	sdelay $0x1  }
0x514: {  	v11 =	vbroadcast v11, $0x0  }
0x515: {  	s20 =	sadd.s32 $0xFFFFFFFC, s9  }
0x516: {  	v14 =	vor.u32 s20, v1;
	v13 =	vor.u32 v0, v11;
	_ =	sdelay $0x1  }
0x517: {  	v9 =	vmul.f32 v12, v9;
	_ =	sdelay $0x1  }
0x518: {  	[tilespmem:v10+s0+$0x0] =	vst.idx.msk $0xffff, v9  }
0x519: {  	v9 =	vld.idx.msk [tilespmem:v13+s24+$0x0], $0xffff  }
0x51a: {  	v10 =	vld.idx.msk [tilespmem:v14+s31+$0x0], $0xffff;
	_ =	sdelay $0x3  }
0x51b: {  	v12 =	vadd.s32 v2, v11;
	v14 =	vor.u32 s20, v3;
	_ =	sdelay $0x1  }
0x51c: {  	v9 =	vmul.f32 v10, v9;
	_ =	sdelay $0x1  }
0x51d: {  	[tilespmem:v13+s0+$0x0] =	vst.idx.msk $0xffff, v9  }
0x51e: {  	v9 =	vld.idx.msk [tilespmem:v12+s24+$0x0], $0xffff  }
0x51f: {  	v10 =	vld.idx.msk [tilespmem:v14+s31+$0x0], $0xffff;
	_ =	sdelay $0x3  }
0x520: {  	v11 =	vadd.s32 v4, v11;
	v13 =	vor.u32 s20, v6;
	_ =	sdelay $0x1  }
0x521: {  	v9 =	vmul.f32 v10, v9;
	_ =	sdelay $0x1  }
0x522: {  	[tilespmem:v12+s0+$0x0] =	vst.idx.msk $0xffff, v9  }
0x523: {  	v10 =	vmov s8;
	v9 =	vld.idx.msk [tilespmem:v11+s24+$0x0], $0xffff  }
0x524: {  	v10 =	vmul.u32 $0x18, v10;
	v12 =	vld.idx.msk [tilespmem:v13+s31+$0x0], $0xffff;
	_ =	sdelay $0x1  }
0x525: {  	v13 =	vbroadcast v10, $0x0;
	_ =	sdelay $0x1  }
0x526: {  	v10 =	vor.u32 s9, v5;
	v14 =	vor.u32 v0, v13;
	_ =	sdelay $0x1  }
0x527: {  	v9 =	vmul.f32 v12, v9;
	_ =	sdelay $0x1  }
0x528: {  	[tilespmem:v11+s0+$0x0] =	vst.idx.msk $0xffff, v9  }
0x529: {  	v9 =	vld.idx.msk [tilespmem:v14+s24+$0x0], $0xffff  }
0x52a: {  	v11 =	vld.idx.msk [tilespmem:v10+s31+$0x0], $0xffff;
	_ =	sdelay $0x3  }
0x52b: {  	v12 =	vor.u32 s9, v7;
	v10 =	vadd.s32 v2, v13;
	_ =	sdelay $0x1  }
0x52c: {  	v9 =	vmul.f32 v11, v9;
	_ =	sdelay $0x1  }
0x52d: {  	[tilespmem:v14+s0+$0x0] =	vst.idx.msk $0xffff, v9  }
0x52e: {  	v14 =	vld.idx.msk [tilespmem:v10+s24+$0x0], $0xffff  }
0x52f: {  	v12 =	vld.idx.msk [tilespmem:v12+s31+$0x0], $0xffff;
	_ =	sdelay $0x1  }
.Ltmp13:
0x530: {  	(pc) =	sbr.rel @p0 .LBB2_29-.Ltmp13, $3  }
0x531: {  	_ = 	snop  }
0x532: {  	v11 =	vor.u32 s9, v8;
	v9 =	vor.u32 v4, v13;
	_ =	sdelay $0x1  }
0x533: {  	s20 =	simm.s32 $0x0;
	v12 =	vmul.f32 v12, v14  }
0x534: {  	_ =	sdelay $0x3  }
0x535: {  	[tilespmem:v10+s0+$0x0] =	vst.idx.msk $0xffff, v12  }
0x536: {  	v10 =	vld.idx.msk [tilespmem:v9+s24+$0x0], $0xffff  }
0x537: {  	v11 =	vld.idx.msk [tilespmem:v11+s31+$0x0], $0xffff;
	_ =	sdelay $0x1  }
0x538: {  	v12 =	vor.u32 s20, v0  }
0x539: {  	v13 =	vshll.u32 v12, $0x1  }
0x53a: {  	v14 =	vor.u32 $0x1, v13  }
0x53b: {  	v10 =	vmul.f32 v11, v10  }
0x53c: {  	v15 =	vmul.u32 $0x18, v12  }
0x53d: {  	[tilespmem:v9+s0+$0x0] =	vst.idx.msk $0xffff, v10  }
0x53e: {  	s8 =	simm.s32 $0x10;
	v12 =	vadd.s32 $0x14, v15;
	v10 =	vld.idx.msk [tilespmem:v13+s31+$0x0], $0xffff  }
0x53f: {  	v11 =	vor.u32 s8, v0;
	s8 =	simm.s32 $0x20;
	v9 =	vld.idx.msk [tilespmem:v14+s31+$0x0], $0xffff;
	v13 =	vadd.s32 $0x15, v15  }
.LBB2_31:
0x540: {  	p0 =	sne.s32 s8, $0x90;
	v14 =	vshll.u32 v11, $0x1  }
0x541: {  	v15 =	vor.u32 $0x1, v14;
	_ =	sdelay $0x1  }
.Ltmp14:
0x542: {  	[tilespmem:v12+s0+$0x0] =	vst.idx.msk $0xffff, v10;
	(pc) =	sbr.rel @p0 .LBB2_31-.Ltmp14, $4  }
0x543: {  	v16 =	vmul.u32 $0x18, v11;
	[tilespmem:v13+s0+$0x0] =	vst.idx.msk $0xffff, v9  }
0x544: {  	v10 =	vld.idx.msk [tilespmem:v14+s31+$0x0], $0xffff  }
0x545: {  	v12 =	vadd.s32 $0x14, v16;
	v9 =	vld.idx.msk [tilespmem:v15+s31+$0x0], $0xffff  }
0x546: {  	v11 =	vor.u32 s8, v0;
	s8 =	sadd.s32 $0x10, s8;
	v13 =	vadd.s32 $0x15, v16  }
0x547: {  	_ = 	snop  }
0x548: {  	v14 =	vshll.u32 v11, $0x1  }
0x549: {  	v15 =	vor.u32 $0x1, v14;
	_ =	sdelay $0x1  }
0x54a: {  	[tilespmem:v12+s0+$0x0] =	vst.idx.msk $0xffff, v10;
	v10 =	vmul.u32 $0x18, v11  }
0x54b: {  	[tilespmem:v13+s0+$0x0] =	vst.idx.msk $0xffff, v9  }
0x54c: {  	v11 =	vadd.s32 $0x14, v10;
	v9 =	vld.idx.msk [tilespmem:v14+s31+$0x0], $0xffff  }
0x54d: {  	v10 =	vadd.s32 $0x15, v10;
	v12 =	vld.idx.msk [tilespmem:v15+s31+$0x0], $0xffff;
	_ =	sdelay $0x3  }
0x54e: {  	[tilespmem:v11+s0+$0x0] =	vst.idx.msk $0xffff, v9  }
0x54f: {  	s25 =	sadd.s32 $0x1, s25;
	[tilespmem:v10+s0+$0x0] =	vst.idx.msk $0xffff, v12  }
0x550: {  	[spmem:s5] =	stream.indirect.scatter.add.f32 [tilespmem:s0], [sflag:$0x5], $0x18, s1, s22, $0xb8;
	[tilespmem:$0x1F360] =	vst v63  }
0x551: {  	p0 =	sne.s32 s25, s12;
	_ =	swait.ge [sflag:s13], $0xF00  }
.Ltmp15:
0x552: {  	[sflag:s13] =	ssyncset.done $0x0;
	(pc) =	sbr.rel @p0 .LBB2_2-.Ltmp15, $4  }
0x553: {  	[sflag:s13] =	ssyncadd.s32 $0xFFFFF100  }
0x554: {  	_ =	swait.ge [sflag:s10], $0xF00  }
0x555: {  	[sflag:s10] =	ssyncset.done $0x0  }
0x556: {  	[sflag:s10] =	ssyncadd.s32 $0xFFFFF100  }
0x557: {  	[bflag:$0x0] =	sbarrier.arrive $0xFFFF  }
0x558: {  	s20 =	rddreg [dreg:$0x9]  }
0x559: {  	s8 =	rddreg [dreg:$0xb]  }
0x55a: {  	s25 =	rddreg [dreg:$0xf]  }
0x55b: {  	[hbm:s8], [sflag:s20] =	dma.local [spmem:s25], $0x24A8  }
0x55c: {  	_ =	swait.ge [sflag:s18], $0x24A8  }
0x55d: {  	s19 =	rddreg [dreg:$0x6]  }
0x55e: {  	s9 =	rddreg [dreg:$0xc];
	s19 =	sadd.s32 $0x1, s19  }
0x55f: {  	p0 =	sne.s32 s19, s9  }
.Ltmp16:
0x560: {  	_ = 	snop;
	(pc) =	sbr.rel @p0 .LBB2_1-.Ltmp16, $3  }
0x561: {  	_ =	sdelay $0x1  }
0x562: {  	[sflag:s18] =	ssyncset.done $0x0  }
0x563: {  	[sflag:s18] =	ssyncadd.s32 $0xFFFFDB58  }
0x564: {  	_ =	sfence.sel $0x180000  }
0x565: {  	[bflag:$0x0] =	sbarrier.arrive $0xFFFF  }
0x566: {  	_ =	strace $0x90000047  }
0x567: {  	s0 =	stileid.u32;
	[bflag:$0x2] =	sbarrier.arrive $0xFFFF  }
0x568: {  	p0 =	sne.s32 s0, $0x0;
	s0 =	rddreg [dreg:$0x5]  }
0x569: {  	s0 =	sadd.s32 @!p0 $0x100000, s0  }
0x56a: {  	[sflag:s0] =	ssyncadd.tile.s32 @!p0 $0x1;
	_ =	shalt  }
.Lfunc_end2:
_tile_overlayer_lowered:
.L_overlay_start_2:
0x56b: {  	(tag) =	ssettag $0x2  }
0x56c: {  	s0 =	rddreg [dreg:$0x0];
	s2 =	stileid.u32  }
0x56d: {  	s1 =	rddreg [dreg:$0x1];
	p0 =	sne.s32 s2, $0x0  }
0x56e: {  	s3 =	rddreg [dreg:$0x2];
	[bflag:$0x3] =	sbarrier.arrive $0xFFFF;
	s2 =	simm.s32 @!p0 $0x1C07  }
0x56f: {  	[timem:s3], [sflag:s2] =	dma.local @!p0 [hbm:s0], s1  }
0x570: {  	s0 =	simm.s32 @!p0 $0x7  }
0x571: {  	_ =	swait.ge @!p0 [sflag:s0], s1  }
0x572: {  	s1 =	ssub.s32 @!p0 $0x0, s1;
	[sflag:s0] =	ssyncset.done @!p0 $0x0  }
0x573: {  	[sflag:s0] =	ssyncadd.s32 @!p0 s1  }
0x574: {  	[bflag:$0x3] =	sbarrier.arrive $0xFFFF  }
0x575: {  	_ =	shalt  }

</sc_bundles>
